<compile_context>
chip_gen: v7x
topology: tpu7x:2x2x1
jax: 0.10.2.dev20260603
libtpu: 0.0.44.dev20260713+nightly
codegen_flags: <defaults>
</compile_context>

<pallas_src>
import functools

import jax
import jax.numpy as jnp
from jax import lax
from jax.experimental import pallas as pl
from jax.experimental.pallas import tpu as pltpu
from jax.experimental.pallas import tpu_sc as plsc

B = 16384
L = 50
D = 64
NBT = B // 128

_LOG1P_COEF = (
    9.97503255195653e-06,
    0.9992354838332754,
    -0.4902307234234105,
    0.285272681090574,
    -0.13158182508876004,
    0.03044900453866886,
)


def _softplus16(v):
    t = jnp.exp(-jnp.abs(v))
    p = jnp.float32(_LOG1P_COEF[-1])
    for c in reversed(_LOG1P_COEF[:-1]):
        p = p * t + jnp.float32(c)
    return jnp.maximum(v, jnp.float32(0.0)) + p


@functools.lru_cache(maxsize=None)
def _make():
    info = plsc.get_sparse_core_info()
    nc, ns = info.num_cores, info.num_subcores
    nw = nc * ns
    assert nw == 32
    LW = L // 2
    BW = NBT // 16
    n_units = LW * BW
    mesh = plsc.VectorSubcoreMesh(core_axis_name="c", subcore_axis_name="s")

    @functools.partial(
        pl.kernel,
        mesh=mesh,
        out_type=jax.ShapeDtypeStruct((L, 8, 128, 8, 128), jnp.float32),
        scratch_types=[
            pltpu.VMEM((LW * BW * 128,), jnp.int32),
            pltpu.VMEM((2, 128, D), jnp.float32),
            pltpu.VMEM((2, D, 129), jnp.float32),
            pltpu.SemaphoreType.DMA,
            pltpu.SemaphoreType.DMA,
            pltpu.SemaphoreType.DMA,
            pltpu.SemaphoreType.DMA,
            pltpu.SemaphoreType.DMA,
        ],
        compiler_params=pltpu.CompilerParams(
            use_tc_tiling_on_sc=False, needs_layout_passes=False
        ),
    )
    def k(wordT_hbm, table_hbm, out_hbm, idx_v, gbuf, obuf, isem, gs0, gs1, os0, os1):
        gsems = (gs0, gs1)
        osems = (os0, os1)
        wid = lax.axis_index("s") * nc + lax.axis_index("c")
        l0 = (wid % 2) * LW
        bt0 = (wid // 2) * BW

        for li in range(LW):
            pltpu.async_copy(
                wordT_hbm.at[l0 + li, pl.ds(bt0 * 128, BW * 128)],
                idx_v.at[pl.ds(li * BW * 128, BW * 128)],
                isem,
            )
        for li in range(LW):
            pltpu.make_async_copy(
                wordT_hbm.at[0, pl.ds(0, BW * 128)],
                idx_v.at[pl.ds(0, BW * 128)],
                isem,
            ).wait()

        def fire_gather(t, b):
            pltpu.async_copy(
                table_hbm.at[idx_v.at[pl.ds(t * 128, 128)]], gbuf.at[b], gsems[b]
            )

        def wait_gather(b):
            pltpu.make_async_copy(
                table_hbm.at[idx_v.at[pl.ds(0, 128)]], gbuf.at[b], gsems[b]
            ).wait()

        def fire_out(t, b):
            li = t // BW
            bj = t % BW
            for dt in range(8):
                pltpu.async_copy(
                    obuf.at[b, pl.ds(dt * 8, 8), pl.ds(0, 128)],
                    out_hbm.at[l0 + li, dt, bt0 + bj],
                    osems[b],
                )

        def wait_out(b):
            for dt in range(8):
                pltpu.make_async_copy(
                    obuf.at[b, pl.ds(0, 8), pl.ds(0, 128)],
                    out_hbm.at[0, 0, 0],
                    osems[b],
                ).wait()

        rows_j = [lax.iota(jnp.int32, 16) + j * 16 for j in range(4)]

        def compute(b):
            @plsc.parallel_loop(0, 128, unroll=4)
            def col(kk):
                colk = jnp.broadcast_to(kk, (16,))
                for j in range(4):
                    v = gbuf[b, kk, pl.ds(j * 16, 16)]
                    plsc.store_scatter(
                        obuf.at[b], [rows_j[j], colk], _softplus16(v)
                    )

        fire_gather(0, 0)
        fire_gather(1, 1)

        @pl.loop(0, n_units, step=2)
        def unit(t0):
            for bb in range(2):
                t = t0 + bb
                wait_gather(bb)

                @pl.when(t >= 2)
                def _():
                    wait_out(bb)

                compute(bb)

                @pl.when(t + 2 < n_units)
                def _():
                    fire_gather(t + 2, bb)

                fire_out(t, bb)

        wait_out(0)
        wait_out(1)

    return k


def kernel(word, emb_weight):
    wordT = word.T.astype(jnp.int32)
    out5 = _make()(wordT, emb_weight)
    return out5.transpose((2, 4, 0, 1, 3)).reshape(B, L, D)

# --- scband reference (transcript-rebuilt; emitter-appended) ---
"""Pipeline reference for scband-prior-sigma-27023934226449 (READ-ONLY COPY).

The authoritative reference and input builder live on the scoring server;
editing this copy changes nothing except your own understanding.
"""

import jax, jax.numpy as jnp
import numpy as np

VOCAB_SIZE = 1000000
EMBED_SIZE = 64

def setup_inputs(seed: int = 0) -> dict:
    key = jax.random.key(seed)
    k1, k2 = jax.random.split(key)
    word = jax.random.randint(k1, (16384, 50), 0, VOCAB_SIZE, dtype=jnp.int64 if jax.config.jax_enable_x64 else jnp.int32)
    emb_weight = jax.random.normal(k2, (VOCAB_SIZE, EMBED_SIZE), dtype=jnp.float32)
    return {"word": word, "emb_weight": emb_weight}

def reference(word, emb_weight):
    # nn.Embedding lookup: gather rows of the table
    gathered = jnp.take(emb_weight, word, axis=0)  # [B, L, D]
    # Softplus(x) = log(1 + exp(x)), numerically stable via jax.nn.softplus
    return jax.nn.softplus(gathered)

if __name__ == "__main__":
    import jax
    _d = setup_inputs()
    print(jax.jit(kernel)(*tuple(_d.values())))

</pallas_src>

<mosaic_0001>
#map = affine_map<(d0, d1) -> (0, 0)>
#map1 = affine_map<(d0, d1) -> (0, 0, 0, 0, 0)>
module attributes {stable_mosaic.version = 14 : i64} {
  func.func @k(%arg0: i32, %arg1: i32, %arg2: memref<50x16384xi32, #tpu.memory_space<hbm>>, %arg3: memref<1000000x64xf32, #tpu.memory_space<hbm>>, %arg4: memref<50x8x128x8x128xf32, #tpu.memory_space<hbm>>, %arg5: memref<25600xi32, #tpu.memory_space<vmem>>, %arg6: memref<2x128x64xf32, #tpu.memory_space<vmem>>, %arg7: memref<2x64x129xf32, #tpu.memory_space<vmem>>, %arg8: memref<!tpu.dma_semaphore, #tpu.memory_space<semaphore_mem>>, %arg9: memref<!tpu.dma_semaphore, #tpu.memory_space<semaphore_mem>>, %arg10: memref<!tpu.dma_semaphore, #tpu.memory_space<semaphore_mem>>, %arg11: memref<!tpu.dma_semaphore, #tpu.memory_space<semaphore_mem>>, %arg12: memref<!tpu.dma_semaphore, #tpu.memory_space<semaphore_mem>>) attributes {dimension_semantics = [#tpu.dimension_semantics<core_parallel>, #tpu.dimension_semantics<subcore_parallel>], iteration_bounds = array<i64: 2, 16>, scalar_prefetch = 0 : i64, scratch_operands = 8 : i64, tpu.core_type = #tpu.core_type<sc_vector_subcore>, window_params = [{transform_indices = #map}, {transform_indices = #map}, {transform_indices = #map1}]} {
    %mul3A = arith.constant 2 : i32
    %mul3A_0 = arith.muli %arg1, %mul3A : i32
    %add3A = arith.addi %mul3A_0, %arg0 : i32
    %jit3A = arith.constant 2 : i32
    %eq3A = arith.constant 0 : i32
    %eq3A_1 = arith.cmpi eq, %jit3A, %eq3A : i32
    %jit3A_2 = arith.constant 1 : i32
    %select_n3A = arith.select %eq3A_1, %jit3A_2, %jit3A : i32
    %rem3A = arith.remsi %add3A, %select_n3A : i32
    %ne3A = arith.constant 0 : i32
    %ne3A_3 = arith.cmpi ne, %rem3A, %ne3A : i32
    %lt3A = arith.constant 0 : i32
    %lt3A_4 = arith.cmpi slt, %rem3A, %lt3A : i32
    %lt3A_5 = arith.constant 0 : i32
    %lt3A_6 = arith.cmpi slt, %select_n3A, %lt3A_5 : i32
    %ne3A_7 = arith.xori %lt3A_4, %lt3A_6 : i1
    %and3A = arith.andi %ne3A_7, %ne3A_3 : i1
    %add3A_8 = arith.addi %rem3A, %select_n3A : i32
    %select_n3A_9 = arith.select %and3A, %add3A_8, %rem3A : i32
    %mul3A_10 = arith.constant 25 : i32
    %mul3A_11 = arith.muli %select_n3A_9, %mul3A_10 : i32
    %jit3A_12 = arith.constant 2 : i32
    %div3A = arith.divsi %add3A, %jit3A_12 : i32
    %sign3A = arith.constant 0 : i32
    %sign3A_13 = arith.cmpi sgt, %add3A, %sign3A : i32
    %sign3A_14 = arith.extui %sign3A_13 : i1 to i32
    %sign3A_15 = arith.constant 0 : i32
    %sign3A_16 = arith.cmpi slt, %add3A, %sign3A_15 : i32
    %sign3A_17 = arith.extui %sign3A_16 : i1 to i32
    %sign3A_18 = arith.subi %sign3A_14, %sign3A_17 : i32
    %sign3A_19 = arith.constant 0 : i32
    %sign3A_20 = arith.cmpi sgt, %jit3A_12, %sign3A_19 : i32
    %sign3A_21 = arith.extui %sign3A_20 : i1 to i32
    %sign3A_22 = arith.constant 0 : i32
    %sign3A_23 = arith.cmpi slt, %jit3A_12, %sign3A_22 : i32
    %sign3A_24 = arith.extui %sign3A_23 : i1 to i32
    %sign3A_25 = arith.subi %sign3A_21, %sign3A_24 : i32
    %ne3A_26 = arith.cmpi ne, %sign3A_18, %sign3A_25 : i32
    %rem3A_27 = arith.remsi %add3A, %jit3A_12 : i32
    %ne3A_28 = arith.constant 0 : i32
    %ne3A_29 = arith.cmpi ne, %rem3A_27, %ne3A_28 : i32
    %and3A_30 = arith.andi %ne3A_26, %ne3A_29 : i1
    %sub3A = arith.constant 1 : i32
    %sub3A_31 = arith.subi %div3A, %sub3A : i32
    %select_n3A_32 = arith.select %and3A_30, %sub3A_31, %div3A : i32
    %mul3A_33 = arith.constant 8 : i32
    %mul3A_34 = arith.muli %select_n3A_32, %mul3A_33 : i32
    %add3A_35 = arith.constant 0 : i32
    %add3A_36 = arith.addi %mul3A_11, %add3A_35 : i32
    %mul3A_37 = arith.constant 128 : i32
    %mul3A_38 = arith.muli %mul3A_34, %mul3A_37 : i32
    %dma_start3A = arith.constant 0 : i32
    %dma_start3A_39 = tpu.memref_slice %arg5[%dma_start3A] : memref<25600xi32, #tpu.memory_space<vmem>> -> memref<1024xi32, #tpu.memory_space<vmem>>
    %dma_start3A_40 = tpu.memref_slice %arg2[%add3A_36, %mul3A_38] : memref<50x16384xi32, #tpu.memory_space<hbm>> -> memref<1x1024xi32, #tpu.memory_space<hbm>>
    %dma_start3A_41 = tpu.memref_squeeze %dma_start3A_40 : memref<1x1024xi32, #tpu.memory_space<hbm>> -> memref<1024xi32, #tpu.memory_space<hbm>>
    %dma_start3A_42 = arith.constant 0 : i32
    %dma_start3A_43 = tpu.memref_slice %arg5[%dma_start3A_42] : memref<25600xi32, #tpu.memory_space<vmem>> -> memref<1024xi32, #tpu.memory_space<vmem>>
    %dma_start3A_44 = tpu.memref_slice %arg2[%add3A_36, %mul3A_38] : memref<50x16384xi32, #tpu.memory_space<hbm>> -> memref<1x1024xi32, #tpu.memory_space<hbm>>
    %dma_start3A_45 = tpu.memref_squeeze %dma_start3A_44 : memref<1x1024xi32, #tpu.memory_space<hbm>> -> memref<1024xi32, #tpu.memory_space<hbm>>
    tpu.enqueue_dma source(%dma_start3A_45 : memref<1024xi32, #tpu.memory_space<hbm>>) target(%dma_start3A_43 : memref<1024xi32, #tpu.memory_space<vmem>>) target_semaphore(%arg8 : memref<!tpu.dma_semaphore, #tpu.memory_space<semaphore_mem>>)
    %add3A_46 = arith.constant 1 : i32
    %add3A_47 = arith.addi %mul3A_11, %add3A_46 : i32
    %mul3A_48 = arith.constant 128 : i32
    %mul3A_49 = arith.muli %mul3A_34, %mul3A_48 : i32
    %dma_start3A_50 = arith.constant 1024 : i32
    %dma_start3A_51 = tpu.memref_slice %arg5[%dma_start3A_50] : memref<25600xi32, #tpu.memory_space<vmem>> -> memref<1024xi32, #tpu.memory_space<vmem>>
    %dma_start3A_52 = tpu.memref_slice %arg2[%add3A_47, %mul3A_49] : memref<50x16384xi32, #tpu.memory_space<hbm>> -> memref<1x1024xi32, #tpu.memory_space<hbm>>
    %dma_start3A_53 = tpu.memref_squeeze %dma_start3A_52 : memref<1x1024xi32, #tpu.memory_space<hbm>> -> memref<1024xi32, #tpu.memory_space<hbm>>
    %dma_start3A_54 = arith.constant 1024 : i32
    %dma_start3A_55 = tpu.memref_slice %arg5[%dma_start3A_54] : memref<25600xi32, #tpu.memory_space<vmem>> -> memref<1024xi32, #tpu.memory_space<vmem>>
    %dma_start3A_56 = tpu.memref_slice %arg2[%add3A_47, %mul3A_49] : memref<50x16384xi32, #tpu.memory_space<hbm>> -> memref<1x1024xi32, #tpu.memory_space<hbm>>
    %dma_start3A_57 = tpu.memref_squeeze %dma_start3A_56 : memref<1x1024xi32, #tpu.memory_space<hbm>> -> memref<1024xi32, #tpu.memory_space<hbm>>
    tpu.enqueue_dma source(%dma_start3A_57 : memref<1024xi32, #tpu.memory_space<hbm>>) target(%dma_start3A_55 : memref<1024xi32, #tpu.memory_space<vmem>>) target_semaphore(%arg8 : memref<!tpu.dma_semaphore, #tpu.memory_space<semaphore_mem>>)
    %add3A_58 = arith.constant 2 : i32
    %add3A_59 = arith.addi %mul3A_11, %add3A_58 : i32
    %mul3A_60 = arith.constant 128 : i32
    %mul3A_61 = arith.muli %mul3A_34, %mul3A_60 : i32
    %dma_start3A_62 = arith.constant 2048 : i32
    %dma_start3A_63 = tpu.memref_slice %arg5[%dma_start3A_62] : memref<25600xi32, #tpu.memory_space<vmem>> -> memref<1024xi32, #tpu.memory_space<vmem>>
    %dma_start3A_64 = tpu.memref_slice %arg2[%add3A_59, %mul3A_61] : memref<50x16384xi32, #tpu.memory_space<hbm>> -> memref<1x1024xi32, #tpu.memory_space<hbm>>
    %dma_start3A_65 = tpu.memref_squeeze %dma_start3A_64 : memref<1x1024xi32, #tpu.memory_space<hbm>> -> memref<1024xi32, #tpu.memory_space<hbm>>
    %dma_start3A_66 = arith.constant 2048 : i32
    %dma_start3A_67 = tpu.memref_slice %arg5[%dma_start3A_66] : memref<25600xi32, #tpu.memory_space<vmem>> -> memref<1024xi32, #tpu.memory_space<vmem>>
    %dma_start3A_68 = tpu.memref_slice %arg2[%add3A_59, %mul3A_61] : memref<50x16384xi32, #tpu.memory_space<hbm>> -> memref<1x1024xi32, #tpu.memory_space<hbm>>
    %dma_start3A_69 = tpu.memref_squeeze %dma_start3A_68 : memref<1x1024xi32, #tpu.memory_space<hbm>> -> memref<1024xi32, #tpu.memory_space<hbm>>
    tpu.enqueue_dma source(%dma_start3A_69 : memref<1024xi32, #tpu.memory_space<hbm>>) target(%dma_start3A_67 : memref<1024xi32, #tpu.memory_space<vmem>>) target_semaphore(%arg8 : memref<!tpu.dma_semaphore, #tpu.memory_space<semaphore_mem>>)
    %add3A_70 = arith.constant 3 : i32
    %add3A_71 = arith.addi %mul3A_11, %add3A_70 : i32
    %mul3A_72 = arith.constant 128 : i32
    %mul3A_73 = arith.muli %mul3A_34, %mul3A_72 : i32
    %dma_start3A_74 = arith.constant 3072 : i32
    %dma_start3A_75 = tpu.memref_slice %arg5[%dma_start3A_74] : memref<25600xi32, #tpu.memory_space<vmem>> -> memref<1024xi32, #tpu.memory_space<vmem>>
    %dma_start3A_76 = tpu.memref_slice %arg2[%add3A_71, %mul3A_73] : memref<50x16384xi32, #tpu.memory_space<hbm>> -> memref<1x1024xi32, #tpu.memory_space<hbm>>
    %dma_start3A_77 = tpu.memref_squeeze %dma_start3A_76 : memref<1x1024xi32, #tpu.memory_space<hbm>> -> memref<1024xi32, #tpu.memory_space<hbm>>
    %dma_start3A_78 = arith.constant 3072 : i32
    %dma_start3A_79 = tpu.memref_slice %arg5[%dma_start3A_78] : memref<25600xi32, #tpu.memory_space<vmem>> -> memref<1024xi32, #tpu.memory_space<vmem>>
    %dma_start3A_80 = tpu.memref_slice %arg2[%add3A_71, %mul3A_73] : memref<50x16384xi32, #tpu.memory_space<hbm>> -> memref<1x1024xi32, #tpu.memory_space<hbm>>
    %dma_start3A_81 = tpu.memref_squeeze %dma_start3A_80 : memref<1x1024xi32, #tpu.memory_space<hbm>> -> memref<1024xi32, #tpu.memory_space<hbm>>
    tpu.enqueue_dma source(%dma_start3A_81 : memref<1024xi32, #tpu.memory_space<hbm>>) target(%dma_start3A_79 : memref<1024xi32, #tpu.memory_space<vmem>>) target_semaphore(%arg8 : memref<!tpu.dma_semaphore, #tpu.memory_space<semaphore_mem>>)
    %add3A_82 = arith.constant 4 : i32
    %add3A_83 = arith.addi %mul3A_11, %add3A_82 : i32
    %mul3A_84 = arith.constant 128 : i32
    %mul3A_85 = arith.muli %mul3A_34, %mul3A_84 : i32
    %dma_start3A_86 = arith.constant 4096 : i32
    %dma_start3A_87 = tpu.memref_slice %arg5[%dma_start3A_86] : memref<25600xi32, #tpu.memory_space<vmem>> -> memref<1024xi32, #tpu.memory_space<vmem>>
    %dma_start3A_88 = tpu.memref_slice %arg2[%add3A_83, %mul3A_85] : memref<50x16384xi32, #tpu.memory_space<hbm>> -> memref<1x1024xi32, #tpu.memory_space<hbm>>
    %dma_start3A_89 = tpu.memref_squeeze %dma_start3A_88 : memref<1x1024xi32, #tpu.memory_space<hbm>> -> memref<1024xi32, #tpu.memory_space<hbm>>
    %dma_start3A_90 = arith.constant 4096 : i32
    %dma_start3A_91 = tpu.memref_slice %arg5[%dma_start3A_90] : memref<25600xi32, #tpu.memory_space<vmem>> -> memref<1024xi32, #tpu.memory_space<vmem>>
    %dma_start3A_92 = tpu.memref_slice %arg2[%add3A_83, %mul3A_85] : memref<50x16384xi32, #tpu.memory_space<hbm>> -> memref<1x1024xi32, #tpu.memory_space<hbm>>
    %dma_start3A_93 = tpu.memref_squeeze %dma_start3A_92 : memref<1x1024xi32, #tpu.memory_space<hbm>> -> memref<1024xi32, #tpu.memory_space<hbm>>
    tpu.enqueue_dma source(%dma_start3A_93 : memref<1024xi32, #tpu.memory_space<hbm>>) target(%dma_start3A_91 : memref<1024xi32, #tpu.memory_space<vmem>>) target_semaphore(%arg8 : memref<!tpu.dma_semaphore, #tpu.memory_space<semaphore_mem>>)
    %add3A_94 = arith.constant 5 : i32
    %add3A_95 = arith.addi %mul3A_11, %add3A_94 : i32
    %mul3A_96 = arith.constant 128 : i32
    %mul3A_97 = arith.muli %mul3A_34, %mul3A_96 : i32
    %dma_start3A_98 = arith.constant 5120 : i32
    %dma_start3A_99 = tpu.memref_slice %arg5[%dma_start3A_98] : memref<25600xi32, #tpu.memory_space<vmem>> -> memref<1024xi32, #tpu.memory_space<vmem>>
    %dma_start3A_100 = tpu.memref_slice %arg2[%add3A_95, %mul3A_97] : memref<50x16384xi32, #tpu.memory_space<hbm>> -> memref<1x1024xi32, #tpu.memory_space<hbm>>
    %dma_start3A_101 = tpu.memref_squeeze %dma_start3A_100 : memref<1x1024xi32, #tpu.memory_space<hbm>> -> memref<1024xi32, #tpu.memory_space<hbm>>
    %dma_start3A_102 = arith.constant 5120 : i32
    %dma_start3A_103 = tpu.memref_slice %arg5[%dma_start3A_102] : memref<25600xi32, #tpu.memory_space<vmem>> -> memref<1024xi32, #tpu.memory_space<vmem>>
    %dma_start3A_104 = tpu.memref_slice %arg2[%add3A_95, %mul3A_97] : memref<50x16384xi32, #tpu.memory_space<hbm>> -> memref<1x1024xi32, #tpu.memory_space<hbm>>
    %dma_start3A_105 = tpu.memref_squeeze %dma_start3A_104 : memref<1x1024xi32, #tpu.memory_space<hbm>> -> memref<1024xi32, #tpu.memory_space<hbm>>
    tpu.enqueue_dma source(%dma_start3A_105 : memref<1024xi32, #tpu.memory_space<hbm>>) target(%dma_start3A_103 : memref<1024xi32, #tpu.memory_space<vmem>>) target_semaphore(%arg8 : memref<!tpu.dma_semaphore, #tpu.memory_space<semaphore_mem>>)
    %add3A_106 = arith.constant 6 : i32
    %add3A_107 = arith.addi %mul3A_11, %add3A_106 : i32
    %mul3A_108 = arith.constant 128 : i32
    %mul3A_109 = arith.muli %mul3A_34, %mul3A_108 : i32
    %dma_start3A_110 = arith.constant 6144 : i32
    %dma_start3A_111 = tpu.memref_slice %arg5[%dma_start3A_110] : memref<25600xi32, #tpu.memory_space<vmem>> -> memref<1024xi32, #tpu.memory_space<vmem>>
    %dma_start3A_112 = tpu.memref_slice %arg2[%add3A_107, %mul3A_109] : memref<50x16384xi32, #tpu.memory_space<hbm>> -> memref<1x1024xi32, #tpu.memory_space<hbm>>
    %dma_start3A_113 = tpu.memref_squeeze %dma_start3A_112 : memref<1x1024xi32, #tpu.memory_space<hbm>> -> memref<1024xi32, #tpu.memory_space<hbm>>
    %dma_start3A_114 = arith.constant 6144 : i32
    %dma_start3A_115 = tpu.memref_slice %arg5[%dma_start3A_114] : memref<25600xi32, #tpu.memory_space<vmem>> -> memref<1024xi32, #tpu.memory_space<vmem>>
    %dma_start3A_116 = tpu.memref_slice %arg2[%add3A_107, %mul3A_109] : memref<50x16384xi32, #tpu.memory_space<hbm>> -> memref<1x1024xi32, #tpu.memory_space<hbm>>
    %dma_start3A_117 = tpu.memref_squeeze %dma_start3A_116 : memref<1x1024xi32, #tpu.memory_space<hbm>> -> memref<1024xi32, #tpu.memory_space<hbm>>
    tpu.enqueue_dma source(%dma_start3A_117 : memref<1024xi32, #tpu.memory_space<hbm>>) target(%dma_start3A_115 : memref<1024xi32, #tpu.memory_space<vmem>>) target_semaphore(%arg8 : memref<!tpu.dma_semaphore, #tpu.memory_space<semaphore_mem>>)
    %add3A_118 = arith.constant 7 : i32
    %add3A_119 = arith.addi %mul3A_11, %add3A_118 : i32
    %mul3A_120 = arith.constant 128 : i32
    %mul3A_121 = arith.muli %mul3A_34, %mul3A_120 : i32
    %dma_start3A_122 = arith.constant 7168 : i32
    %dma_start3A_123 = tpu.memref_slice %arg5[%dma_start3A_122] : memref<25600xi32, #tpu.memory_space<vmem>> -> memref<1024xi32, #tpu.memory_space<vmem>>
    %dma_start3A_124 = tpu.memref_slice %arg2[%add3A_119, %mul3A_121] : memref<50x16384xi32, #tpu.memory_space<hbm>> -> memref<1x1024xi32, #tpu.memory_space<hbm>>
    %dma_start3A_125 = tpu.memref_squeeze %dma_start3A_124 : memref<1x1024xi32, #tpu.memory_space<hbm>> -> memref<1024xi32, #tpu.memory_space<hbm>>
    %dma_start3A_126 = arith.constant 7168 : i32
    %dma_start3A_127 = tpu.memref_slice %arg5[%dma_start3A_126] : memref<25600xi32, #tpu.memory_space<vmem>> -> memref<1024xi32, #tpu.memory_space<vmem>>
    %dma_start3A_128 = tpu.memref_slice %arg2[%add3A_119, %mul3A_121] : memref<50x16384xi32, #tpu.memory_space<hbm>> -> memref<1x1024xi32, #tpu.memory_space<hbm>>
    %dma_start3A_129 = tpu.memref_squeeze %dma_start3A_128 : memref<1x1024xi32, #tpu.memory_space<hbm>> -> memref<1024xi32, #tpu.memory_space<hbm>>
    tpu.enqueue_dma source(%dma_start3A_129 : memref<1024xi32, #tpu.memory_space<hbm>>) target(%dma_start3A_127 : memref<1024xi32, #tpu.memory_space<vmem>>) target_semaphore(%arg8 : memref<!tpu.dma_semaphore, #tpu.memory_space<semaphore_mem>>)
    %add3A_130 = arith.constant 8 : i32
    %add3A_131 = arith.addi %mul3A_11, %add3A_130 : i32
    %mul3A_132 = arith.constant 128 : i32
    %mul3A_133 = arith.muli %mul3A_34, %mul3A_132 : i32
    %dma_start3A_134 = arith.constant 8192 : i32
    %dma_start3A_135 = tpu.memref_slice %arg5[%dma_start3A_134] : memref<25600xi32, #tpu.memory_space<vmem>> -> memref<1024xi32, #tpu.memory_space<vmem>>
    %dma_start3A_136 = tpu.memref_slice %arg2[%add3A_131, %mul3A_133] : memref<50x16384xi32, #tpu.memory_space<hbm>> -> memref<1x1024xi32, #tpu.memory_space<hbm>>
    %dma_start3A_137 = tpu.memref_squeeze %dma_start3A_136 : memref<1x1024xi32, #tpu.memory_space<hbm>> -> memref<1024xi32, #tpu.memory_space<hbm>>
    %dma_start3A_138 = arith.constant 8192 : i32
    %dma_start3A_139 = tpu.memref_slice %arg5[%dma_start3A_138] : memref<25600xi32, #tpu.memory_space<vmem>> -> memref<1024xi32, #tpu.memory_space<vmem>>
    %dma_start3A_140 = tpu.memref_slice %arg2[%add3A_131, %mul3A_133] : memref<50x16384xi32, #tpu.memory_space<hbm>> -> memref<1x1024xi32, #tpu.memory_space<hbm>>
    %dma_start3A_141 = tpu.memref_squeeze %dma_start3A_140 : memref<1x1024xi32, #tpu.memory_space<hbm>> -> memref<1024xi32, #tpu.memory_space<hbm>>
    tpu.enqueue_dma source(%dma_start3A_141 : memref<1024xi32, #tpu.memory_space<hbm>>) target(%dma_start3A_139 : memref<1024xi32, #tpu.memory_space<vmem>>) target_semaphore(%arg8 : memref<!tpu.dma_semaphore, #tpu.memory_space<semaphore_mem>>)
    %add3A_142 = arith.constant 9 : i32
    %add3A_143 = arith.addi %mul3A_11, %add3A_142 : i32
    %mul3A_144 = arith.constant 128 : i32
    %mul3A_145 = arith.muli %mul3A_34, %mul3A_144 : i32
    %dma_start3A_146 = arith.constant 9216 : i32
    %dma_start3A_147 = tpu.memref_slice %arg5[%dma_start3A_146] : memref<25600xi32, #tpu.memory_space<vmem>> -> memref<1024xi32, #tpu.memory_space<vmem>>
    %dma_start3A_148 = tpu.memref_slice %arg2[%add3A_143, %mul3A_145] : memref<50x16384xi32, #tpu.memory_space<hbm>> -> memref<1x1024xi32, #tpu.memory_space<hbm>>
    %dma_start3A_149 = tpu.memref_squeeze %dma_start3A_148 : memref<1x1024xi32, #tpu.memory_space<hbm>> -> memref<1024xi32, #tpu.memory_space<hbm>>
    %dma_start3A_150 = arith.constant 9216 : i32
    %dma_start3A_151 = tpu.memref_slice %arg5[%dma_start3A_150] : memref<25600xi32, #tpu.memory_space<vmem>> -> memref<1024xi32, #tpu.memory_space<vmem>>
    %dma_start3A_152 = tpu.memref_slice %arg2[%add3A_143, %mul3A_145] : memref<50x16384xi32, #tpu.memory_space<hbm>> -> memref<1x1024xi32, #tpu.memory_space<hbm>>
    %dma_start3A_153 = tpu.memref_squeeze %dma_start3A_152 : memref<1x1024xi32, #tpu.memory_space<hbm>> -> memref<1024xi32, #tpu.memory_space<hbm>>
    tpu.enqueue_dma source(%dma_start3A_153 : memref<1024xi32, #tpu.memory_space<hbm>>) target(%dma_start3A_151 : memref<1024xi32, #tpu.memory_space<vmem>>) target_semaphore(%arg8 : memref<!tpu.dma_semaphore, #tpu.memory_space<semaphore_mem>>)
    %add3A_154 = arith.constant 10 : i32
    %add3A_155 = arith.addi %mul3A_11, %add3A_154 : i32
    %mul3A_156 = arith.constant 128 : i32
    %mul3A_157 = arith.muli %mul3A_34, %mul3A_156 : i32
    %dma_start3A_158 = arith.constant 10240 : i32
    %dma_start3A_159 = tpu.memref_slice %arg5[%dma_start3A_158] : memref<25600xi32, #tpu.memory_space<vmem>> -> memref<1024xi32, #tpu.memory_space<vmem>>
    %dma_start3A_160 = tpu.memref_slice %arg2[%add3A_155, %mul3A_157] : memref<50x16384xi32, #tpu.memory_space<hbm>> -> memref<1x1024xi32, #tpu.memory_space<hbm>>
    %dma_start3A_161 = tpu.memref_squeeze %dma_start3A_160 : memref<1x1024xi32, #tpu.memory_space<hbm>> -> memref<1024xi32, #tpu.memory_space<hbm>>
    %dma_start3A_162 = arith.constant 10240 : i32
    %dma_start3A_163 = tpu.memref_slice %arg5[%dma_start3A_162] : memref<25600xi32, #tpu.memory_space<vmem>> -> memref<1024xi32, #tpu.memory_space<vmem>>
    %dma_start3A_164 = tpu.memref_slice %arg2[%add3A_155, %mul3A_157] : memref<50x16384xi32, #tpu.memory_space<hbm>> -> memref<1x1024xi32, #tpu.memory_space<hbm>>
    %dma_start3A_165 = tpu.memref_squeeze %dma_start3A_164 : memref<1x1024xi32, #tpu.memory_space<hbm>> -> memref<1024xi32, #tpu.memory_space<hbm>>
    tpu.enqueue_dma source(%dma_start3A_165 : memref<1024xi32, #tpu.memory_space<hbm>>) target(%dma_start3A_163 : memref<1024xi32, #tpu.memory_space<vmem>>) target_semaphore(%arg8 : memref<!tpu.dma_semaphore, #tpu.memory_space<semaphore_mem>>)
    %add3A_166 = arith.constant 11 : i32
    %add3A_167 = arith.addi %mul3A_11, %add3A_166 : i32
    %mul3A_168 = arith.constant 128 : i32
    %mul3A_169 = arith.muli %mul3A_34, %mul3A_168 : i32
    %dma_start3A_170 = arith.constant 11264 : i32
    %dma_start3A_171 = tpu.memref_slice %arg5[%dma_start3A_170] : memref<25600xi32, #tpu.memory_space<vmem>> -> memref<1024xi32, #tpu.memory_space<vmem>>
    %dma_start3A_172 = tpu.memref_slice %arg2[%add3A_167, %mul3A_169] : memref<50x16384xi32, #tpu.memory_space<hbm>> -> memref<1x1024xi32, #tpu.memory_space<hbm>>
    %dma_start3A_173 = tpu.memref_squeeze %dma_start3A_172 : memref<1x1024xi32, #tpu.memory_space<hbm>> -> memref<1024xi32, #tpu.memory_space<hbm>>
    %dma_start3A_174 = arith.constant 11264 : i32
    %dma_start3A_175 = tpu.memref_slice %arg5[%dma_start3A_174] : memref<25600xi32, #tpu.memory_space<vmem>> -> memref<1024xi32, #tpu.memory_space<vmem>>
    %dma_start3A_176 = tpu.memref_slice %arg2[%add3A_167, %mul3A_169] : memref<50x16384xi32, #tpu.memory_space<hbm>> -> memref<1x1024xi32, #tpu.memory_space<hbm>>
    %dma_start3A_177 = tpu.memref_squeeze %dma_start3A_176 : memref<1x1024xi32, #tpu.memory_space<hbm>> -> memref<1024xi32, #tpu.memory_space<hbm>>
    tpu.enqueue_dma source(%dma_start3A_177 : memref<1024xi32, #tpu.memory_space<hbm>>) target(%dma_start3A_175 : memref<1024xi32, #tpu.memory_space<vmem>>) target_semaphore(%arg8 : memref<!tpu.dma_semaphore, #tpu.memory_space<semaphore_mem>>)
    %add3A_178 = arith.constant 12 : i32
    %add3A_179 = arith.addi %mul3A_11, %add3A_178 : i32
    %mul3A_180 = arith.constant 128 : i32
    %mul3A_181 = arith.muli %mul3A_34, %mul3A_180 : i32
    %dma_start3A_182 = arith.constant 12288 : i32
    %dma_start3A_183 = tpu.memref_slice %arg5[%dma_start3A_182] : memref<25600xi32, #tpu.memory_space<vmem>> -> memref<1024xi32, #tpu.memory_space<vmem>>
    %dma_start3A_184 = tpu.memref_slice %arg2[%add3A_179, %mul3A_181] : memref<50x16384xi32, #tpu.memory_space<hbm>> -> memref<1x1024xi32, #tpu.memory_space<hbm>>
    %dma_start3A_185 = tpu.memref_squeeze %dma_start3A_184 : memref<1x1024xi32, #tpu.memory_space<hbm>> -> memref<1024xi32, #tpu.memory_space<hbm>>
    %dma_start3A_186 = arith.constant 12288 : i32
    %dma_start3A_187 = tpu.memref_slice %arg5[%dma_start3A_186] : memref<25600xi32, #tpu.memory_space<vmem>> -> memref<1024xi32, #tpu.memory_space<vmem>>
    %dma_start3A_188 = tpu.memref_slice %arg2[%add3A_179, %mul3A_181] : memref<50x16384xi32, #tpu.memory_space<hbm>> -> memref<1x1024xi32, #tpu.memory_space<hbm>>
    %dma_start3A_189 = tpu.memref_squeeze %dma_start3A_188 : memref<1x1024xi32, #tpu.memory_space<hbm>> -> memref<1024xi32, #tpu.memory_space<hbm>>
    tpu.enqueue_dma source(%dma_start3A_189 : memref<1024xi32, #tpu.memory_space<hbm>>) target(%dma_start3A_187 : memref<1024xi32, #tpu.memory_space<vmem>>) target_semaphore(%arg8 : memref<!tpu.dma_semaphore, #tpu.memory_space<semaphore_mem>>)
    %add3A_190 = arith.constant 13 : i32
    %add3A_191 = arith.addi %mul3A_11, %add3A_190 : i32
    %mul3A_192 = arith.constant 128 : i32
    %mul3A_193 = arith.muli %mul3A_34, %mul3A_192 : i32
    %dma_start3A_194 = arith.constant 13312 : i32
    %dma_start3A_195 = tpu.memref_slice %arg5[%dma_start3A_194] : memref<25600xi32, #tpu.memory_space<vmem>> -> memref<1024xi32, #tpu.memory_space<vmem>>
    %dma_start3A_196 = tpu.memref_slice %arg2[%add3A_191, %mul3A_193] : memref<50x16384xi32, #tpu.memory_space<hbm>> -> memref<1x1024xi32, #tpu.memory_space<hbm>>
    %dma_start3A_197 = tpu.memref_squeeze %dma_start3A_196 : memref<1x1024xi32, #tpu.memory_space<hbm>> -> memref<1024xi32, #tpu.memory_space<hbm>>
    %dma_start3A_198 = arith.constant 13312 : i32
    %dma_start3A_199 = tpu.memref_slice %arg5[%dma_start3A_198] : memref<25600xi32, #tpu.memory_space<vmem>> -> memref<1024xi32, #tpu.memory_space<vmem>>
    %dma_start3A_200 = tpu.memref_slice %arg2[%add3A_191, %mul3A_193] : memref<50x16384xi32, #tpu.memory_space<hbm>> -> memref<1x1024xi32, #tpu.memory_space<hbm>>
    %dma_start3A_201 = tpu.memref_squeeze %dma_start3A_200 : memref<1x1024xi32, #tpu.memory_space<hbm>> -> memref<1024xi32, #tpu.memory_space<hbm>>
    tpu.enqueue_dma source(%dma_start3A_201 : memref<1024xi32, #tpu.memory_space<hbm>>) target(%dma_start3A_199 : memref<1024xi32, #tpu.memory_space<vmem>>) target_semaphore(%arg8 : memref<!tpu.dma_semaphore, #tpu.memory_space<semaphore_mem>>)
    %add3A_202 = arith.constant 14 : i32
    %add3A_203 = arith.addi %mul3A_11, %add3A_202 : i32
    %mul3A_204 = arith.constant 128 : i32
    %mul3A_205 = arith.muli %mul3A_34, %mul3A_204 : i32
    %dma_start3A_206 = arith.constant 14336 : i32
    %dma_start3A_207 = tpu.memref_slice %arg5[%dma_start3A_206] : memref<25600xi32, #tpu.memory_space<vmem>> -> memref<1024xi32, #tpu.memory_space<vmem>>
    %dma_start3A_208 = tpu.memref_slice %arg2[%add3A_203, %mul3A_205] : memref<50x16384xi32, #tpu.memory_space<hbm>> -> memref<1x1024xi32, #tpu.memory_space<hbm>>
    %dma_start3A_209 = tpu.memref_squeeze %dma_start3A_208 : memref<1x1024xi32, #tpu.memory_space<hbm>> -> memref<1024xi32, #tpu.memory_space<hbm>>
    %dma_start3A_210 = arith.constant 14336 : i32
    %dma_start3A_211 = tpu.memref_slice %arg5[%dma_start3A_210] : memref<25600xi32, #tpu.memory_space<vmem>> -> memref<1024xi32, #tpu.memory_space<vmem>>
    %dma_start3A_212 = tpu.memref_slice %arg2[%add3A_203, %mul3A_205] : memref<50x16384xi32, #tpu.memory_space<hbm>> -> memref<1x1024xi32, #tpu.memory_space<hbm>>
    %dma_start3A_213 = tpu.memref_squeeze %dma_start3A_212 : memref<1x1024xi32, #tpu.memory_space<hbm>> -> memref<1024xi32, #tpu.memory_space<hbm>>
    tpu.enqueue_dma source(%dma_start3A_213 : memref<1024xi32, #tpu.memory_space<hbm>>) target(%dma_start3A_211 : memref<1024xi32, #tpu.memory_space<vmem>>) target_semaphore(%arg8 : memref<!tpu.dma_semaphore, #tpu.memory_space<semaphore_mem>>)
    %add3A_214 = arith.constant 15 : i32
    %add3A_215 = arith.addi %mul3A_11, %add3A_214 : i32
    %mul3A_216 = arith.constant 128 : i32
    %mul3A_217 = arith.muli %mul3A_34, %mul3A_216 : i32
    %dma_start3A_218 = arith.constant 15360 : i32
    %dma_start3A_219 = tpu.memref_slice %arg5[%dma_start3A_218] : memref<25600xi32, #tpu.memory_space<vmem>> -> memref<1024xi32, #tpu.memory_space<vmem>>
    %dma_start3A_220 = tpu.memref_slice %arg2[%add3A_215, %mul3A_217] : memref<50x16384xi32, #tpu.memory_space<hbm>> -> memref<1x1024xi32, #tpu.memory_space<hbm>>
    %dma_start3A_221 = tpu.memref_squeeze %dma_start3A_220 : memref<1x1024xi32, #tpu.memory_space<hbm>> -> memref<1024xi32, #tpu.memory_space<hbm>>
    %dma_start3A_222 = arith.constant 15360 : i32
    %dma_start3A_223 = tpu.memref_slice %arg5[%dma_start3A_222] : memref<25600xi32, #tpu.memory_space<vmem>> -> memref<1024xi32, #tpu.memory_space<vmem>>
    %dma_start3A_224 = tpu.memref_slice %arg2[%add3A_215, %mul3A_217] : memref<50x16384xi32, #tpu.memory_space<hbm>> -> memref<1x1024xi32, #tpu.memory_space<hbm>>
    %dma_start3A_225 = tpu.memref_squeeze %dma_start3A_224 : memref<1x1024xi32, #tpu.memory_space<hbm>> -> memref<1024xi32, #tpu.memory_space<hbm>>
    tpu.enqueue_dma source(%dma_start3A_225 : memref<1024xi32, #tpu.memory_space<hbm>>) target(%dma_start3A_223 : memref<1024xi32, #tpu.memory_space<vmem>>) target_semaphore(%arg8 : memref<!tpu.dma_semaphore, #tpu.memory_space<semaphore_mem>>)
    %add3A_226 = arith.constant 16 : i32
    %add3A_227 = arith.addi %mul3A_11, %add3A_226 : i32
    %mul3A_228 = arith.constant 128 : i32
    %mul3A_229 = arith.muli %mul3A_34, %mul3A_228 : i32
    %dma_start3A_230 = arith.constant 16384 : i32
    %dma_start3A_231 = tpu.memref_slice %arg5[%dma_start3A_230] : memref<25600xi32, #tpu.memory_space<vmem>> -> memref<1024xi32, #tpu.memory_space<vmem>>
    %dma_start3A_232 = tpu.memref_slice %arg2[%add3A_227, %mul3A_229] : memref<50x16384xi32, #tpu.memory_space<hbm>> -> memref<1x1024xi32, #tpu.memory_space<hbm>>
    %dma_start3A_233 = tpu.memref_squeeze %dma_start3A_232 : memref<1x1024xi32, #tpu.memory_space<hbm>> -> memref<1024xi32, #tpu.memory_space<hbm>>
    %dma_start3A_234 = arith.constant 16384 : i32
    %dma_start3A_235 = tpu.memref_slice %arg5[%dma_start3A_234] : memref<25600xi32, #tpu.memory_space<vmem>> -> memref<1024xi32, #tpu.memory_space<vmem>>
    %dma_start3A_236 = tpu.memref_slice %arg2[%add3A_227, %mul3A_229] : memref<50x16384xi32, #tpu.memory_space<hbm>> -> memref<1x1024xi32, #tpu.memory_space<hbm>>
    %dma_start3A_237 = tpu.memref_squeeze %dma_start3A_236 : memref<1x1024xi32, #tpu.memory_space<hbm>> -> memref<1024xi32, #tpu.memory_space<hbm>>
    tpu.enqueue_dma source(%dma_start3A_237 : memref<1024xi32, #tpu.memory_space<hbm>>) target(%dma_start3A_235 : memref<1024xi32, #tpu.memory_space<vmem>>) target_semaphore(%arg8 : memref<!tpu.dma_semaphore, #tpu.memory_space<semaphore_mem>>)
    %add3A_238 = arith.constant 17 : i32
    %add3A_239 = arith.addi %mul3A_11, %add3A_238 : i32
    %mul3A_240 = arith.constant 128 : i32
    %mul3A_241 = arith.muli %mul3A_34, %mul3A_240 : i32
    %dma_start3A_242 = arith.constant 17408 : i32
    %dma_start3A_243 = tpu.memref_slice %arg5[%dma_start3A_242] : memref<25600xi32, #tpu.memory_space<vmem>> -> memref<1024xi32, #tpu.memory_space<vmem>>
    %dma_start3A_244 = tpu.memref_slice %arg2[%add3A_239, %mul3A_241] : memref<50x16384xi32, #tpu.memory_space<hbm>> -> memref<1x1024xi32, #tpu.memory_space<hbm>>
    %dma_start3A_245 = tpu.memref_squeeze %dma_start3A_244 : memref<1x1024xi32, #tpu.memory_space<hbm>> -> memref<1024xi32, #tpu.memory_space<hbm>>
    %dma_start3A_246 = arith.constant 17408 : i32
    %dma_start3A_247 = tpu.memref_slice %arg5[%dma_start3A_246] : memref<25600xi32, #tpu.memory_space<vmem>> -> memref<1024xi32, #tpu.memory_space<vmem>>
    %dma_start3A_248 = tpu.memref_slice %arg2[%add3A_239, %mul3A_241] : memref<50x16384xi32, #tpu.memory_space<hbm>> -> memref<1x1024xi32, #tpu.memory_space<hbm>>
    %dma_start3A_249 = tpu.memref_squeeze %dma_start3A_248 : memref<1x1024xi32, #tpu.memory_space<hbm>> -> memref<1024xi32, #tpu.memory_space<hbm>>
    tpu.enqueue_dma source(%dma_start3A_249 : memref<1024xi32, #tpu.memory_space<hbm>>) target(%dma_start3A_247 : memref<1024xi32, #tpu.memory_space<vmem>>) target_semaphore(%arg8 : memref<!tpu.dma_semaphore, #tpu.memory_space<semaphore_mem>>)
    %add3A_250 = arith.constant 18 : i32
    %add3A_251 = arith.addi %mul3A_11, %add3A_250 : i32
    %mul3A_252 = arith.constant 128 : i32
    %mul3A_253 = arith.muli %mul3A_34, %mul3A_252 : i32
    %dma_start3A_254 = arith.constant 18432 : i32
    %dma_start3A_255 = tpu.memref_slice %arg5[%dma_start3A_254] : memref<25600xi32, #tpu.memory_space<vmem>> -> memref<1024xi32, #tpu.memory_space<vmem>>
    %dma_start3A_256 = tpu.memref_slice %arg2[%add3A_251, %mul3A_253] : memref<50x16384xi32, #tpu.memory_space<hbm>> -> memref<1x1024xi32, #tpu.memory_space<hbm>>
    %dma_start3A_257 = tpu.memref_squeeze %dma_start3A_256 : memref<1x1024xi32, #tpu.memory_space<hbm>> -> memref<1024xi32, #tpu.memory_space<hbm>>
    %dma_start3A_258 = arith.constant 18432 : i32
    %dma_start3A_259 = tpu.memref_slice %arg5[%dma_start3A_258] : memref<25600xi32, #tpu.memory_space<vmem>> -> memref<1024xi32, #tpu.memory_space<vmem>>
    %dma_start3A_260 = tpu.memref_slice %arg2[%add3A_251, %mul3A_253] : memref<50x16384xi32, #tpu.memory_space<hbm>> -> memref<1x1024xi32, #tpu.memory_space<hbm>>
    %dma_start3A_261 = tpu.memref_squeeze %dma_start3A_260 : memref<1x1024xi32, #tpu.memory_space<hbm>> -> memref<1024xi32, #tpu.memory_space<hbm>>
    tpu.enqueue_dma source(%dma_start3A_261 : memref<1024xi32, #tpu.memory_space<hbm>>) target(%dma_start3A_259 : memref<1024xi32, #tpu.memory_space<vmem>>) target_semaphore(%arg8 : memref<!tpu.dma_semaphore, #tpu.memory_space<semaphore_mem>>)
    %add3A_262 = arith.constant 19 : i32
    %add3A_263 = arith.addi %mul3A_11, %add3A_262 : i32
    %mul3A_264 = arith.constant 128 : i32
    %mul3A_265 = arith.muli %mul3A_34, %mul3A_264 : i32
    %dma_start3A_266 = arith.constant 19456 : i32
    %dma_start3A_267 = tpu.memref_slice %arg5[%dma_start3A_266] : memref<25600xi32, #tpu.memory_space<vmem>> -> memref<1024xi32, #tpu.memory_space<vmem>>
    %dma_start3A_268 = tpu.memref_slice %arg2[%add3A_263, %mul3A_265] : memref<50x16384xi32, #tpu.memory_space<hbm>> -> memref<1x1024xi32, #tpu.memory_space<hbm>>
    %dma_start3A_269 = tpu.memref_squeeze %dma_start3A_268 : memref<1x1024xi32, #tpu.memory_space<hbm>> -> memref<1024xi32, #tpu.memory_space<hbm>>
    %dma_start3A_270 = arith.constant 19456 : i32
    %dma_start3A_271 = tpu.memref_slice %arg5[%dma_start3A_270] : memref<25600xi32, #tpu.memory_space<vmem>> -> memref<1024xi32, #tpu.memory_space<vmem>>
    %dma_start3A_272 = tpu.memref_slice %arg2[%add3A_263, %mul3A_265] : memref<50x16384xi32, #tpu.memory_space<hbm>> -> memref<1x1024xi32, #tpu.memory_space<hbm>>
    %dma_start3A_273 = tpu.memref_squeeze %dma_start3A_272 : memref<1x1024xi32, #tpu.memory_space<hbm>> -> memref<1024xi32, #tpu.memory_space<hbm>>
    tpu.enqueue_dma source(%dma_start3A_273 : memref<1024xi32, #tpu.memory_space<hbm>>) target(%dma_start3A_271 : memref<1024xi32, #tpu.memory_space<vmem>>) target_semaphore(%arg8 : memref<!tpu.dma_semaphore, #tpu.memory_space<semaphore_mem>>)
    %add3A_274 = arith.constant 20 : i32
    %add3A_275 = arith.addi %mul3A_11, %add3A_274 : i32
    %mul3A_276 = arith.constant 128 : i32
    %mul3A_277 = arith.muli %mul3A_34, %mul3A_276 : i32
    %dma_start3A_278 = arith.constant 20480 : i32
    %dma_start3A_279 = tpu.memref_slice %arg5[%dma_start3A_278] : memref<25600xi32, #tpu.memory_space<vmem>> -> memref<1024xi32, #tpu.memory_space<vmem>>
    %dma_start3A_280 = tpu.memref_slice %arg2[%add3A_275, %mul3A_277] : memref<50x16384xi32, #tpu.memory_space<hbm>> -> memref<1x1024xi32, #tpu.memory_space<hbm>>
    %dma_start3A_281 = tpu.memref_squeeze %dma_start3A_280 : memref<1x1024xi32, #tpu.memory_space<hbm>> -> memref<1024xi32, #tpu.memory_space<hbm>>
    %dma_start3A_282 = arith.constant 20480 : i32
    %dma_start3A_283 = tpu.memref_slice %arg5[%dma_start3A_282] : memref<25600xi32, #tpu.memory_space<vmem>> -> memref<1024xi32, #tpu.memory_space<vmem>>
    %dma_start3A_284 = tpu.memref_slice %arg2[%add3A_275, %mul3A_277] : memref<50x16384xi32, #tpu.memory_space<hbm>> -> memref<1x1024xi32, #tpu.memory_space<hbm>>
    %dma_start3A_285 = tpu.memref_squeeze %dma_start3A_284 : memref<1x1024xi32, #tpu.memory_space<hbm>> -> memref<1024xi32, #tpu.memory_space<hbm>>
    tpu.enqueue_dma source(%dma_start3A_285 : memref<1024xi32, #tpu.memory_space<hbm>>) target(%dma_start3A_283 : memref<1024xi32, #tpu.memory_space<vmem>>) target_semaphore(%arg8 : memref<!tpu.dma_semaphore, #tpu.memory_space<semaphore_mem>>)
    %add3A_286 = arith.constant 21 : i32
    %add3A_287 = arith.addi %mul3A_11, %add3A_286 : i32
    %mul3A_288 = arith.constant 128 : i32
    %mul3A_289 = arith.muli %mul3A_34, %mul3A_288 : i32
    %dma_start3A_290 = arith.constant 21504 : i32
    %dma_start3A_291 = tpu.memref_slice %arg5[%dma_start3A_290] : memref<25600xi32, #tpu.memory_space<vmem>> -> memref<1024xi32, #tpu.memory_space<vmem>>
    %dma_start3A_292 = tpu.memref_slice %arg2[%add3A_287, %mul3A_289] : memref<50x16384xi32, #tpu.memory_space<hbm>> -> memref<1x1024xi32, #tpu.memory_space<hbm>>
    %dma_start3A_293 = tpu.memref_squeeze %dma_start3A_292 : memref<1x1024xi32, #tpu.memory_space<hbm>> -> memref<1024xi32, #tpu.memory_space<hbm>>
    %dma_start3A_294 = arith.constant 21504 : i32
    %dma_start3A_295 = tpu.memref_slice %arg5[%dma_start3A_294] : memref<25600xi32, #tpu.memory_space<vmem>> -> memref<1024xi32, #tpu.memory_space<vmem>>
    %dma_start3A_296 = tpu.memref_slice %arg2[%add3A_287, %mul3A_289] : memref<50x16384xi32, #tpu.memory_space<hbm>> -> memref<1x1024xi32, #tpu.memory_space<hbm>>
    %dma_start3A_297 = tpu.memref_squeeze %dma_start3A_296 : memref<1x1024xi32, #tpu.memory_space<hbm>> -> memref<1024xi32, #tpu.memory_space<hbm>>
    tpu.enqueue_dma source(%dma_start3A_297 : memref<1024xi32, #tpu.memory_space<hbm>>) target(%dma_start3A_295 : memref<1024xi32, #tpu.memory_space<vmem>>) target_semaphore(%arg8 : memref<!tpu.dma_semaphore, #tpu.memory_space<semaphore_mem>>)
    %add3A_298 = arith.constant 22 : i32
    %add3A_299 = arith.addi %mul3A_11, %add3A_298 : i32
    %mul3A_300 = arith.constant 128 : i32
    %mul3A_301 = arith.muli %mul3A_34, %mul3A_300 : i32
    %dma_start3A_302 = arith.constant 22528 : i32
    %dma_start3A_303 = tpu.memref_slice %arg5[%dma_start3A_302] : memref<25600xi32, #tpu.memory_space<vmem>> -> memref<1024xi32, #tpu.memory_space<vmem>>
    %dma_start3A_304 = tpu.memref_slice %arg2[%add3A_299, %mul3A_301] : memref<50x16384xi32, #tpu.memory_space<hbm>> -> memref<1x1024xi32, #tpu.memory_space<hbm>>
    %dma_start3A_305 = tpu.memref_squeeze %dma_start3A_304 : memref<1x1024xi32, #tpu.memory_space<hbm>> -> memref<1024xi32, #tpu.memory_space<hbm>>
    %dma_start3A_306 = arith.constant 22528 : i32
    %dma_start3A_307 = tpu.memref_slice %arg5[%dma_start3A_306] : memref<25600xi32, #tpu.memory_space<vmem>> -> memref<1024xi32, #tpu.memory_space<vmem>>
    %dma_start3A_308 = tpu.memref_slice %arg2[%add3A_299, %mul3A_301] : memref<50x16384xi32, #tpu.memory_space<hbm>> -> memref<1x1024xi32, #tpu.memory_space<hbm>>
    %dma_start3A_309 = tpu.memref_squeeze %dma_start3A_308 : memref<1x1024xi32, #tpu.memory_space<hbm>> -> memref<1024xi32, #tpu.memory_space<hbm>>
    tpu.enqueue_dma source(%dma_start3A_309 : memref<1024xi32, #tpu.memory_space<hbm>>) target(%dma_start3A_307 : memref<1024xi32, #tpu.memory_space<vmem>>) target_semaphore(%arg8 : memref<!tpu.dma_semaphore, #tpu.memory_space<semaphore_mem>>)
    %add3A_310 = arith.constant 23 : i32
    %add3A_311 = arith.addi %mul3A_11, %add3A_310 : i32
    %mul3A_312 = arith.constant 128 : i32
    %mul3A_313 = arith.muli %mul3A_34, %mul3A_312 : i32
    %dma_start3A_314 = arith.constant 23552 : i32
    %dma_start3A_315 = tpu.memref_slice %arg5[%dma_start3A_314] : memref<25600xi32, #tpu.memory_space<vmem>> -> memref<1024xi32, #tpu.memory_space<vmem>>
    %dma_start3A_316 = tpu.memref_slice %arg2[%add3A_311, %mul3A_313] : memref<50x16384xi32, #tpu.memory_space<hbm>> -> memref<1x1024xi32, #tpu.memory_space<hbm>>
    %dma_start3A_317 = tpu.memref_squeeze %dma_start3A_316 : memref<1x1024xi32, #tpu.memory_space<hbm>> -> memref<1024xi32, #tpu.memory_space<hbm>>
    %dma_start3A_318 = arith.constant 23552 : i32
    %dma_start3A_319 = tpu.memref_slice %arg5[%dma_start3A_318] : memref<25600xi32, #tpu.memory_space<vmem>> -> memref<1024xi32, #tpu.memory_space<vmem>>
    %dma_start3A_320 = tpu.memref_slice %arg2[%add3A_311, %mul3A_313] : memref<50x16384xi32, #tpu.memory_space<hbm>> -> memref<1x1024xi32, #tpu.memory_space<hbm>>
    %dma_start3A_321 = tpu.memref_squeeze %dma_start3A_320 : memref<1x1024xi32, #tpu.memory_space<hbm>> -> memref<1024xi32, #tpu.memory_space<hbm>>
    tpu.enqueue_dma source(%dma_start3A_321 : memref<1024xi32, #tpu.memory_space<hbm>>) target(%dma_start3A_319 : memref<1024xi32, #tpu.memory_space<vmem>>) target_semaphore(%arg8 : memref<!tpu.dma_semaphore, #tpu.memory_space<semaphore_mem>>)
    %add3A_322 = arith.constant 24 : i32
    %add3A_323 = arith.addi %mul3A_11, %add3A_322 : i32
    %mul3A_324 = arith.constant 128 : i32
    %mul3A_325 = arith.muli %mul3A_34, %mul3A_324 : i32
    %dma_start3A_326 = arith.constant 24576 : i32
    %dma_start3A_327 = tpu.memref_slice %arg5[%dma_start3A_326] : memref<25600xi32, #tpu.memory_space<vmem>> -> memref<1024xi32, #tpu.memory_space<vmem>>
    %dma_start3A_328 = tpu.memref_slice %arg2[%add3A_323, %mul3A_325] : memref<50x16384xi32, #tpu.memory_space<hbm>> -> memref<1x1024xi32, #tpu.memory_space<hbm>>
    %dma_start3A_329 = tpu.memref_squeeze %dma_start3A_328 : memref<1x1024xi32, #tpu.memory_space<hbm>> -> memref<1024xi32, #tpu.memory_space<hbm>>
    %dma_start3A_330 = arith.constant 24576 : i32
    %dma_start3A_331 = tpu.memref_slice %arg5[%dma_start3A_330] : memref<25600xi32, #tpu.memory_space<vmem>> -> memref<1024xi32, #tpu.memory_space<vmem>>
    %dma_start3A_332 = tpu.memref_slice %arg2[%add3A_323, %mul3A_325] : memref<50x16384xi32, #tpu.memory_space<hbm>> -> memref<1x1024xi32, #tpu.memory_space<hbm>>
    %dma_start3A_333 = tpu.memref_squeeze %dma_start3A_332 : memref<1x1024xi32, #tpu.memory_space<hbm>> -> memref<1024xi32, #tpu.memory_space<hbm>>
    tpu.enqueue_dma source(%dma_start3A_333 : memref<1024xi32, #tpu.memory_space<hbm>>) target(%dma_start3A_331 : memref<1024xi32, #tpu.memory_space<vmem>>) target_semaphore(%arg8 : memref<!tpu.dma_semaphore, #tpu.memory_space<semaphore_mem>>)
    %dma_wait3A = arith.constant 0 : i32
    %dma_wait3A_334 = arith.constant 0 : i32
    %dma_wait3A_335 = tpu.memref_slice %arg5[%dma_wait3A_334] : memref<25600xi32, #tpu.memory_space<vmem>> -> memref<1024xi32, #tpu.memory_space<vmem>>
    %dma_wait3A_336 = arith.constant 0 : i32
    %dma_wait3A_337 = tpu.memref_slice %arg2[%dma_wait3A, %dma_wait3A_336] : memref<50x16384xi32, #tpu.memory_space<hbm>> -> memref<1x1024xi32, #tpu.memory_space<hbm>>
    %dma_wait3A_338 = tpu.memref_squeeze %dma_wait3A_337 : memref<1x1024xi32, #tpu.memory_space<hbm>> -> memref<1024xi32, #tpu.memory_space<hbm>>
    %dma_wait3A_339 = arith.constant 0 : i32
    %dma_wait3A_340 = tpu.memref_slice %arg5[%dma_wait3A_339] : memref<25600xi32, #tpu.memory_space<vmem>> -> memref<1024xi32, #tpu.memory_space<vmem>>
    %dma_wait3A_341 = arith.constant 0 : i32
    %dma_wait3A_342 = tpu.memref_slice %arg2[%dma_wait3A, %dma_wait3A_341] : memref<50x16384xi32, #tpu.memory_space<hbm>> -> memref<1x1024xi32, #tpu.memory_space<hbm>>
    %dma_wait3A_343 = tpu.memref_squeeze %dma_wait3A_342 : memref<1x1024xi32, #tpu.memory_space<hbm>> -> memref<1024xi32, #tpu.memory_space<hbm>>
    tpu.wait_dma2 semaphore(%arg8 : memref<!tpu.dma_semaphore, #tpu.memory_space<semaphore_mem>>) src(%dma_wait3A_343 : memref<1024xi32, #tpu.memory_space<hbm>>) dst(%dma_wait3A_340 : memref<1024xi32, #tpu.memory_space<vmem>>)
    %dma_wait3A_344 = arith.constant 0 : i32
    %dma_wait3A_345 = arith.constant 0 : i32
    %dma_wait3A_346 = tpu.memref_slice %arg5[%dma_wait3A_345] : memref<25600xi32, #tpu.memory_space<vmem>> -> memref<1024xi32, #tpu.memory_space<vmem>>
    %dma_wait3A_347 = arith.constant 0 : i32
    %dma_wait3A_348 = tpu.memref_slice %arg2[%dma_wait3A_344, %dma_wait3A_347] : memref<50x16384xi32, #tpu.memory_space<hbm>> -> memref<1x1024xi32, #tpu.memory_space<hbm>>
    %dma_wait3A_349 = tpu.memref_squeeze %dma_wait3A_348 : memref<1x1024xi32, #tpu.memory_space<hbm>> -> memref<1024xi32, #tpu.memory_space<hbm>>
    %dma_wait3A_350 = arith.constant 0 : i32
    %dma_wait3A_351 = tpu.memref_slice %arg5[%dma_wait3A_350] : memref<25600xi32, #tpu.memory_space<vmem>> -> memref<1024xi32, #tpu.memory_space<vmem>>
    %dma_wait3A_352 = arith.constant 0 : i32
    %dma_wait3A_353 = tpu.memref_slice %arg2[%dma_wait3A_344, %dma_wait3A_352] : memref<50x16384xi32, #tpu.memory_space<hbm>> -> memref<1x1024xi32, #tpu.memory_space<hbm>>
    %dma_wait3A_354 = tpu.memref_squeeze %dma_wait3A_353 : memref<1x1024xi32, #tpu.memory_space<hbm>> -> memref<1024xi32, #tpu.memory_space<hbm>>
    tpu.wait_dma2 semaphore(%arg8 : memref<!tpu.dma_semaphore, #tpu.memory_space<semaphore_mem>>) src(%dma_wait3A_354 : memref<1024xi32, #tpu.memory_space<hbm>>) dst(%dma_wait3A_351 : memref<1024xi32, #tpu.memory_space<vmem>>)
    %dma_wait3A_355 = arith.constant 0 : i32
    %dma_wait3A_356 = arith.constant 0 : i32
    %dma_wait3A_357 = tpu.memref_slice %arg5[%dma_wait3A_356] : memref<25600xi32, #tpu.memory_space<vmem>> -> memref<1024xi32, #tpu.memory_space<vmem>>
    %dma_wait3A_358 = arith.constant 0 : i32
    %dma_wait3A_359 = tpu.memref_slice %arg2[%dma_wait3A_355, %dma_wait3A_358] : memref<50x16384xi32, #tpu.memory_space<hbm>> -> memref<1x1024xi32, #tpu.memory_space<hbm>>
    %dma_wait3A_360 = tpu.memref_squeeze %dma_wait3A_359 : memref<1x1024xi32, #tpu.memory_space<hbm>> -> memref<1024xi32, #tpu.memory_space<hbm>>
    %dma_wait3A_361 = arith.constant 0 : i32
    %dma_wait3A_362 = tpu.memref_slice %arg5[%dma_wait3A_361] : memref<25600xi32, #tpu.memory_space<vmem>> -> memref<1024xi32, #tpu.memory_space<vmem>>
    %dma_wait3A_363 = arith.constant 0 : i32
    %dma_wait3A_364 = tpu.memref_slice %arg2[%dma_wait3A_355, %dma_wait3A_363] : memref<50x16384xi32, #tpu.memory_space<hbm>> -> memref<1x1024xi32, #tpu.memory_space<hbm>>
    %dma_wait3A_365 = tpu.memref_squeeze %dma_wait3A_364 : memref<1x1024xi32, #tpu.memory_space<hbm>> -> memref<1024xi32, #tpu.memory_space<hbm>>
    tpu.wait_dma2 semaphore(%arg8 : memref<!tpu.dma_semaphore, #tpu.memory_space<semaphore_mem>>) src(%dma_wait3A_365 : memref<1024xi32, #tpu.memory_space<hbm>>) dst(%dma_wait3A_362 : memref<1024xi32, #tpu.memory_space<vmem>>)
    %dma_wait3A_366 = arith.constant 0 : i32
    %dma_wait3A_367 = arith.constant 0 : i32
    %dma_wait3A_368 = tpu.memref_slice %arg5[%dma_wait3A_367] : memref<25600xi32, #tpu.memory_space<vmem>> -> memref<1024xi32, #tpu.memory_space<vmem>>
    %dma_wait3A_369 = arith.constant 0 : i32
    %dma_wait3A_370 = tpu.memref_slice %arg2[%dma_wait3A_366, %dma_wait3A_369] : memref<50x16384xi32, #tpu.memory_space<hbm>> -> memref<1x1024xi32, #tpu.memory_space<hbm>>
    %dma_wait3A_371 = tpu.memref_squeeze %dma_wait3A_370 : memref<1x1024xi32, #tpu.memory_space<hbm>> -> memref<1024xi32, #tpu.memory_space<hbm>>
    %dma_wait3A_372 = arith.constant 0 : i32
    %dma_wait3A_373 = tpu.memref_slice %arg5[%dma_wait3A_372] : memref<25600xi32, #tpu.memory_space<vmem>> -> memref<1024xi32, #tpu.memory_space<vmem>>
    %dma_wait3A_374 = arith.constant 0 : i32
    %dma_wait3A_375 = tpu.memref_slice %arg2[%dma_wait3A_366, %dma_wait3A_374] : memref<50x16384xi32, #tpu.memory_space<hbm>> -> memref<1x1024xi32, #tpu.memory_space<hbm>>
    %dma_wait3A_376 = tpu.memref_squeeze %dma_wait3A_375 : memref<1x1024xi32, #tpu.memory_space<hbm>> -> memref<1024xi32, #tpu.memory_space<hbm>>
    tpu.wait_dma2 semaphore(%arg8 : memref<!tpu.dma_semaphore, #tpu.memory_space<semaphore_mem>>) src(%dma_wait3A_376 : memref<1024xi32, #tpu.memory_space<hbm>>) dst(%dma_wait3A_373 : memref<1024xi32, #tpu.memory_space<vmem>>)
    %dma_wait3A_377 = arith.constant 0 : i32
    %dma_wait3A_378 = arith.constant 0 : i32
    %dma_wait3A_379 = tpu.memref_slice %arg5[%dma_wait3A_378] : memref<25600xi32, #tpu.memory_space<vmem>> -> memref<1024xi32, #tpu.memory_space<vmem>>
    %dma_wait3A_380 = arith.constant 0 : i32
    %dma_wait3A_381 = tpu.memref_slice %arg2[%dma_wait3A_377, %dma_wait3A_380] : memref<50x16384xi32, #tpu.memory_space<hbm>> -> memref<1x1024xi32, #tpu.memory_space<hbm>>
    %dma_wait3A_382 = tpu.memref_squeeze %dma_wait3A_381 : memref<1x1024xi32, #tpu.memory_space<hbm>> -> memref<1024xi32, #tpu.memory_space<hbm>>
    %dma_wait3A_383 = arith.constant 0 : i32
    %dma_wait3A_384 = tpu.memref_slice %arg5[%dma_wait3A_383] : memref<25600xi32, #tpu.memory_space<vmem>> -> memref<1024xi32, #tpu.memory_space<vmem>>
    %dma_wait3A_385 = arith.constant 0 : i32
    %dma_wait3A_386 = tpu.memref_slice %arg2[%dma_wait3A_377, %dma_wait3A_385] : memref<50x16384xi32, #tpu.memory_space<hbm>> -> memref<1x1024xi32, #tpu.memory_space<hbm>>
    %dma_wait3A_387 = tpu.memref_squeeze %dma_wait3A_386 : memref<1x1024xi32, #tpu.memory_space<hbm>> -> memref<1024xi32, #tpu.memory_space<hbm>>
    tpu.wait_dma2 semaphore(%arg8 : memref<!tpu.dma_semaphore, #tpu.memory_space<semaphore_mem>>) src(%dma_wait3A_387 : memref<1024xi32, #tpu.memory_space<hbm>>) dst(%dma_wait3A_384 : memref<1024xi32, #tpu.memory_space<vmem>>)
    %dma_wait3A_388 = arith.constant 0 : i32
    %dma_wait3A_389 = arith.constant 0 : i32
    %dma_wait3A_390 = tpu.memref_slice %arg5[%dma_wait3A_389] : memref<25600xi32, #tpu.memory_space<vmem>> -> memref<1024xi32, #tpu.memory_space<vmem>>
    %dma_wait3A_391 = arith.constant 0 : i32
    %dma_wait3A_392 = tpu.memref_slice %arg2[%dma_wait3A_388, %dma_wait3A_391] : memref<50x16384xi32, #tpu.memory_space<hbm>> -> memref<1x1024xi32, #tpu.memory_space<hbm>>
    %dma_wait3A_393 = tpu.memref_squeeze %dma_wait3A_392 : memref<1x1024xi32, #tpu.memory_space<hbm>> -> memref<1024xi32, #tpu.memory_space<hbm>>
    %dma_wait3A_394 = arith.constant 0 : i32
    %dma_wait3A_395 = tpu.memref_slice %arg5[%dma_wait3A_394] : memref<25600xi32, #tpu.memory_space<vmem>> -> memref<1024xi32, #tpu.memory_space<vmem>>
    %dma_wait3A_396 = arith.constant 0 : i32
    %dma_wait3A_397 = tpu.memref_slice %arg2[%dma_wait3A_388, %dma_wait3A_396] : memref<50x16384xi32, #tpu.memory_space<hbm>> -> memref<1x1024xi32, #tpu.memory_space<hbm>>
    %dma_wait3A_398 = tpu.memref_squeeze %dma_wait3A_397 : memref<1x1024xi32, #tpu.memory_space<hbm>> -> memref<1024xi32, #tpu.memory_space<hbm>>
    tpu.wait_dma2 semaphore(%arg8 : memref<!tpu.dma_semaphore, #tpu.memory_space<semaphore_mem>>) src(%dma_wait3A_398 : memref<1024xi32, #tpu.memory_space<hbm>>) dst(%dma_wait3A_395 : memref<1024xi32, #tpu.memory_space<vmem>>)
    %dma_wait3A_399 = arith.constant 0 : i32
    %dma_wait3A_400 = arith.constant 0 : i32
    %dma_wait3A_401 = tpu.memref_slice %arg5[%dma_wait3A_400] : memref<25600xi32, #tpu.memory_space<vmem>> -> memref<1024xi32, #tpu.memory_space<vmem>>
    %dma_wait3A_402 = arith.constant 0 : i32
    %dma_wait3A_403 = tpu.memref_slice %arg2[%dma_wait3A_399, %dma_wait3A_402] : memref<50x16384xi32, #tpu.memory_space<hbm>> -> memref<1x1024xi32, #tpu.memory_space<hbm>>
    %dma_wait3A_404 = tpu.memref_squeeze %dma_wait3A_403 : memref<1x1024xi32, #tpu.memory_space<hbm>> -> memref<1024xi32, #tpu.memory_space<hbm>>
    %dma_wait3A_405 = arith.constant 0 : i32
    %dma_wait3A_406 = tpu.memref_slice %arg5[%dma_wait3A_405] : memref<25600xi32, #tpu.memory_space<vmem>> -> memref<1024xi32, #tpu.memory_space<vmem>>
    %dma_wait3A_407 = arith.constant 0 : i32
    %dma_wait3A_408 = tpu.memref_slice %arg2[%dma_wait3A_399, %dma_wait3A_407] : memref<50x16384xi32, #tpu.memory_space<hbm>> -> memref<1x1024xi32, #tpu.memory_space<hbm>>
    %dma_wait3A_409 = tpu.memref_squeeze %dma_wait3A_408 : memref<1x1024xi32, #tpu.memory_space<hbm>> -> memref<1024xi32, #tpu.memory_space<hbm>>
    tpu.wait_dma2 semaphore(%arg8 : memref<!tpu.dma_semaphore, #tpu.memory_space<semaphore_mem>>) src(%dma_wait3A_409 : memref<1024xi32, #tpu.memory_space<hbm>>) dst(%dma_wait3A_406 : memref<1024xi32, #tpu.memory_space<vmem>>)
    %dma_wait3A_410 = arith.constant 0 : i32
    %dma_wait3A_411 = arith.constant 0 : i32
    %dma_wait3A_412 = tpu.memref_slice %arg5[%dma_wait3A_411] : memref<25600xi32, #tpu.memory_space<vmem>> -> memref<1024xi32, #tpu.memory_space<vmem>>
    %dma_wait3A_413 = arith.constant 0 : i32
    %dma_wait3A_414 = tpu.memref_slice %arg2[%dma_wait3A_410, %dma_wait3A_413] : memref<50x16384xi32, #tpu.memory_space<hbm>> -> memref<1x1024xi32, #tpu.memory_space<hbm>>
    %dma_wait3A_415 = tpu.memref_squeeze %dma_wait3A_414 : memref<1x1024xi32, #tpu.memory_space<hbm>> -> memref<1024xi32, #tpu.memory_space<hbm>>
    %dma_wait3A_416 = arith.constant 0 : i32
    %dma_wait3A_417 = tpu.memref_slice %arg5[%dma_wait3A_416] : memref<25600xi32, #tpu.memory_space<vmem>> -> memref<1024xi32, #tpu.memory_space<vmem>>
    %dma_wait3A_418 = arith.constant 0 : i32
    %dma_wait3A_419 = tpu.memref_slice %arg2[%dma_wait3A_410, %dma_wait3A_418] : memref<50x16384xi32, #tpu.memory_space<hbm>> -> memref<1x1024xi32, #tpu.memory_space<hbm>>
    %dma_wait3A_420 = tpu.memref_squeeze %dma_wait3A_419 : memref<1x1024xi32, #tpu.memory_space<hbm>> -> memref<1024xi32, #tpu.memory_space<hbm>>
    tpu.wait_dma2 semaphore(%arg8 : memref<!tpu.dma_semaphore, #tpu.memory_space<semaphore_mem>>) src(%dma_wait3A_420 : memref<1024xi32, #tpu.memory_space<hbm>>) dst(%dma_wait3A_417 : memref<1024xi32, #tpu.memory_space<vmem>>)
    %dma_wait3A_421 = arith.constant 0 : i32
    %dma_wait3A_422 = arith.constant 0 : i32
    %dma_wait3A_423 = tpu.memref_slice %arg5[%dma_wait3A_422] : memref<25600xi32, #tpu.memory_space<vmem>> -> memref<1024xi32, #tpu.memory_space<vmem>>
    %dma_wait3A_424 = arith.constant 0 : i32
    %dma_wait3A_425 = tpu.memref_slice %arg2[%dma_wait3A_421, %dma_wait3A_424] : memref<50x16384xi32, #tpu.memory_space<hbm>> -> memref<1x1024xi32, #tpu.memory_space<hbm>>
    %dma_wait3A_426 = tpu.memref_squeeze %dma_wait3A_425 : memref<1x1024xi32, #tpu.memory_space<hbm>> -> memref<1024xi32, #tpu.memory_space<hbm>>
    %dma_wait3A_427 = arith.constant 0 : i32
    %dma_wait3A_428 = tpu.memref_slice %arg5[%dma_wait3A_427] : memref<25600xi32, #tpu.memory_space<vmem>> -> memref<1024xi32, #tpu.memory_space<vmem>>
    %dma_wait3A_429 = arith.constant 0 : i32
    %dma_wait3A_430 = tpu.memref_slice %arg2[%dma_wait3A_421, %dma_wait3A_429] : memref<50x16384xi32, #tpu.memory_space<hbm>> -> memref<1x1024xi32, #tpu.memory_space<hbm>>
    %dma_wait3A_431 = tpu.memref_squeeze %dma_wait3A_430 : memref<1x1024xi32, #tpu.memory_space<hbm>> -> memref<1024xi32, #tpu.memory_space<hbm>>
    tpu.wait_dma2 semaphore(%arg8 : memref<!tpu.dma_semaphore, #tpu.memory_space<semaphore_mem>>) src(%dma_wait3A_431 : memref<1024xi32, #tpu.memory_space<hbm>>) dst(%dma_wait3A_428 : memref<1024xi32, #tpu.memory_space<vmem>>)
    %dma_wait3A_432 = arith.constant 0 : i32
    %dma_wait3A_433 = arith.constant 0 : i32
    %dma_wait3A_434 = tpu.memref_slice %arg5[%dma_wait3A_433] : memref<25600xi32, #tpu.memory_space<vmem>> -> memref<1024xi32, #tpu.memory_space<vmem>>
    %dma_wait3A_435 = arith.constant 0 : i32
    %dma_wait3A_436 = tpu.memref_slice %arg2[%dma_wait3A_432, %dma_wait3A_435] : memref<50x16384xi32, #tpu.memory_space<hbm>> -> memref<1x1024xi32, #tpu.memory_space<hbm>>
    %dma_wait3A_437 = tpu.memref_squeeze %dma_wait3A_436 : memref<1x1024xi32, #tpu.memory_space<hbm>> -> memref<1024xi32, #tpu.memory_space<hbm>>
    %dma_wait3A_438 = arith.constant 0 : i32
    %dma_wait3A_439 = tpu.memref_slice %arg5[%dma_wait3A_438] : memref<25600xi32, #tpu.memory_space<vmem>> -> memref<1024xi32, #tpu.memory_space<vmem>>
    %dma_wait3A_440 = arith.constant 0 : i32
    %dma_wait3A_441 = tpu.memref_slice %arg2[%dma_wait3A_432, %dma_wait3A_440] : memref<50x16384xi32, #tpu.memory_space<hbm>> -> memref<1x1024xi32, #tpu.memory_space<hbm>>
    %dma_wait3A_442 = tpu.memref_squeeze %dma_wait3A_441 : memref<1x1024xi32, #tpu.memory_space<hbm>> -> memref<1024xi32, #tpu.memory_space<hbm>>
    tpu.wait_dma2 semaphore(%arg8 : memref<!tpu.dma_semaphore, #tpu.memory_space<semaphore_mem>>) src(%dma_wait3A_442 : memref<1024xi32, #tpu.memory_space<hbm>>) dst(%dma_wait3A_439 : memref<1024xi32, #tpu.memory_space<vmem>>)
    %dma_wait3A_443 = arith.constant 0 : i32
    %dma_wait3A_444 = arith.constant 0 : i32
    %dma_wait3A_445 = tpu.memref_slice %arg5[%dma_wait3A_444] : memref<25600xi32, #tpu.memory_space<vmem>> -> memref<1024xi32, #tpu.memory_space<vmem>>
    %dma_wait3A_446 = arith.constant 0 : i32
    %dma_wait3A_447 = tpu.memref_slice %arg2[%dma_wait3A_443, %dma_wait3A_446] : memref<50x16384xi32, #tpu.memory_space<hbm>> -> memref<1x1024xi32, #tpu.memory_space<hbm>>
    %dma_wait3A_448 = tpu.memref_squeeze %dma_wait3A_447 : memref<1x1024xi32, #tpu.memory_space<hbm>> -> memref<1024xi32, #tpu.memory_space<hbm>>
    %dma_wait3A_449 = arith.constant 0 : i32
    %dma_wait3A_450 = tpu.memref_slice %arg5[%dma_wait3A_449] : memref<25600xi32, #tpu.memory_space<vmem>> -> memref<1024xi32, #tpu.memory_space<vmem>>
    %dma_wait3A_451 = arith.constant 0 : i32
    %dma_wait3A_452 = tpu.memref_slice %arg2[%dma_wait3A_443, %dma_wait3A_451] : memref<50x16384xi32, #tpu.memory_space<hbm>> -> memref<1x1024xi32, #tpu.memory_space<hbm>>
    %dma_wait3A_453 = tpu.memref_squeeze %dma_wait3A_452 : memref<1x1024xi32, #tpu.memory_space<hbm>> -> memref<1024xi32, #tpu.memory_space<hbm>>
    tpu.wait_dma2 semaphore(%arg8 : memref<!tpu.dma_semaphore, #tpu.memory_space<semaphore_mem>>) src(%dma_wait3A_453 : memref<1024xi32, #tpu.memory_space<hbm>>) dst(%dma_wait3A_450 : memref<1024xi32, #tpu.memory_space<vmem>>)
    %dma_wait3A_454 = arith.constant 0 : i32
    %dma_wait3A_455 = arith.constant 0 : i32
    %dma_wait3A_456 = tpu.memref_slice %arg5[%dma_wait3A_455] : memref<25600xi32, #tpu.memory_space<vmem>> -> memref<1024xi32, #tpu.memory_space<vmem>>
    %dma_wait3A_457 = arith.constant 0 : i32
    %dma_wait3A_458 = tpu.memref_slice %arg2[%dma_wait3A_454, %dma_wait3A_457] : memref<50x16384xi32, #tpu.memory_space<hbm>> -> memref<1x1024xi32, #tpu.memory_space<hbm>>
    %dma_wait3A_459 = tpu.memref_squeeze %dma_wait3A_458 : memref<1x1024xi32, #tpu.memory_space<hbm>> -> memref<1024xi32, #tpu.memory_space<hbm>>
    %dma_wait3A_460 = arith.constant 0 : i32
    %dma_wait3A_461 = tpu.memref_slice %arg5[%dma_wait3A_460] : memref<25600xi32, #tpu.memory_space<vmem>> -> memref<1024xi32, #tpu.memory_space<vmem>>
    %dma_wait3A_462 = arith.constant 0 : i32
    %dma_wait3A_463 = tpu.memref_slice %arg2[%dma_wait3A_454, %dma_wait3A_462] : memref<50x16384xi32, #tpu.memory_space<hbm>> -> memref<1x1024xi32, #tpu.memory_space<hbm>>
    %dma_wait3A_464 = tpu.memref_squeeze %dma_wait3A_463 : memref<1x1024xi32, #tpu.memory_space<hbm>> -> memref<1024xi32, #tpu.memory_space<hbm>>
    tpu.wait_dma2 semaphore(%arg8 : memref<!tpu.dma_semaphore, #tpu.memory_space<semaphore_mem>>) src(%dma_wait3A_464 : memref<1024xi32, #tpu.memory_space<hbm>>) dst(%dma_wait3A_461 : memref<1024xi32, #tpu.memory_space<vmem>>)
    %dma_wait3A_465 = arith.constant 0 : i32
    %dma_wait3A_466 = arith.constant 0 : i32
    %dma_wait3A_467 = tpu.memref_slice %arg5[%dma_wait3A_466] : memref<25600xi32, #tpu.memory_space<vmem>> -> memref<1024xi32, #tpu.memory_space<vmem>>
    %dma_wait3A_468 = arith.constant 0 : i32
    %dma_wait3A_469 = tpu.memref_slice %arg2[%dma_wait3A_465, %dma_wait3A_468] : memref<50x16384xi32, #tpu.memory_space<hbm>> -> memref<1x1024xi32, #tpu.memory_space<hbm>>
    %dma_wait3A_470 = tpu.memref_squeeze %dma_wait3A_469 : memref<1x1024xi32, #tpu.memory_space<hbm>> -> memref<1024xi32, #tpu.memory_space<hbm>>
    %dma_wait3A_471 = arith.constant 0 : i32
    %dma_wait3A_472 = tpu.memref_slice %arg5[%dma_wait3A_471] : memref<25600xi32, #tpu.memory_space<vmem>> -> memref<1024xi32, #tpu.memory_space<vmem>>
    %dma_wait3A_473 = arith.constant 0 : i32
    %dma_wait3A_474 = tpu.memref_slice %arg2[%dma_wait3A_465, %dma_wait3A_473] : memref<50x16384xi32, #tpu.memory_space<hbm>> -> memref<1x1024xi32, #tpu.memory_space<hbm>>
    %dma_wait3A_475 = tpu.memref_squeeze %dma_wait3A_474 : memref<1x1024xi32, #tpu.memory_space<hbm>> -> memref<1024xi32, #tpu.memory_space<hbm>>
    tpu.wait_dma2 semaphore(%arg8 : memref<!tpu.dma_semaphore, #tpu.memory_space<semaphore_mem>>) src(%dma_wait3A_475 : memref<1024xi32, #tpu.memory_space<hbm>>) dst(%dma_wait3A_472 : memref<1024xi32, #tpu.memory_space<vmem>>)
    %dma_wait3A_476 = arith.constant 0 : i32
    %dma_wait3A_477 = arith.constant 0 : i32
    %dma_wait3A_478 = tpu.memref_slice %arg5[%dma_wait3A_477] : memref<25600xi32, #tpu.memory_space<vmem>> -> memref<1024xi32, #tpu.memory_space<vmem>>
    %dma_wait3A_479 = arith.constant 0 : i32
    %dma_wait3A_480 = tpu.memref_slice %arg2[%dma_wait3A_476, %dma_wait3A_479] : memref<50x16384xi32, #tpu.memory_space<hbm>> -> memref<1x1024xi32, #tpu.memory_space<hbm>>
    %dma_wait3A_481 = tpu.memref_squeeze %dma_wait3A_480 : memref<1x1024xi32, #tpu.memory_space<hbm>> -> memref<1024xi32, #tpu.memory_space<hbm>>
    %dma_wait3A_482 = arith.constant 0 : i32
    %dma_wait3A_483 = tpu.memref_slice %arg5[%dma_wait3A_482] : memref<25600xi32, #tpu.memory_space<vmem>> -> memref<1024xi32, #tpu.memory_space<vmem>>
    %dma_wait3A_484 = arith.constant 0 : i32
    %dma_wait3A_485 = tpu.memref_slice %arg2[%dma_wait3A_476, %dma_wait3A_484] : memref<50x16384xi32, #tpu.memory_space<hbm>> -> memref<1x1024xi32, #tpu.memory_space<hbm>>
    %dma_wait3A_486 = tpu.memref_squeeze %dma_wait3A_485 : memref<1x1024xi32, #tpu.memory_space<hbm>> -> memref<1024xi32, #tpu.memory_space<hbm>>
    tpu.wait_dma2 semaphore(%arg8 : memref<!tpu.dma_semaphore, #tpu.memory_space<semaphore_mem>>) src(%dma_wait3A_486 : memref<1024xi32, #tpu.memory_space<hbm>>) dst(%dma_wait3A_483 : memref<1024xi32, #tpu.memory_space<vmem>>)
    %dma_wait3A_487 = arith.constant 0 : i32
    %dma_wait3A_488 = arith.constant 0 : i32
    %dma_wait3A_489 = tpu.memref_slice %arg5[%dma_wait3A_488] : memref<25600xi32, #tpu.memory_space<vmem>> -> memref<1024xi32, #tpu.memory_space<vmem>>
    %dma_wait3A_490 = arith.constant 0 : i32
    %dma_wait3A_491 = tpu.memref_slice %arg2[%dma_wait3A_487, %dma_wait3A_490] : memref<50x16384xi32, #tpu.memory_space<hbm>> -> memref<1x1024xi32, #tpu.memory_space<hbm>>
    %dma_wait3A_492 = tpu.memref_squeeze %dma_wait3A_491 : memref<1x1024xi32, #tpu.memory_space<hbm>> -> memref<1024xi32, #tpu.memory_space<hbm>>
    %dma_wait3A_493 = arith.constant 0 : i32
    %dma_wait3A_494 = tpu.memref_slice %arg5[%dma_wait3A_493] : memref<25600xi32, #tpu.memory_space<vmem>> -> memref<1024xi32, #tpu.memory_space<vmem>>
    %dma_wait3A_495 = arith.constant 0 : i32
    %dma_wait3A_496 = tpu.memref_slice %arg2[%dma_wait3A_487, %dma_wait3A_495] : memref<50x16384xi32, #tpu.memory_space<hbm>> -> memref<1x1024xi32, #tpu.memory_space<hbm>>
    %dma_wait3A_497 = tpu.memref_squeeze %dma_wait3A_496 : memref<1x1024xi32, #tpu.memory_space<hbm>> -> memref<1024xi32, #tpu.memory_space<hbm>>
    tpu.wait_dma2 semaphore(%arg8 : memref<!tpu.dma_semaphore, #tpu.memory_space<semaphore_mem>>) src(%dma_wait3A_497 : memref<1024xi32, #tpu.memory_space<hbm>>) dst(%dma_wait3A_494 : memref<1024xi32, #tpu.memory_space<vmem>>)
    %dma_wait3A_498 = arith.constant 0 : i32
    %dma_wait3A_499 = arith.constant 0 : i32
    %dma_wait3A_500 = tpu.memref_slice %arg5[%dma_wait3A_499] : memref<25600xi32, #tpu.memory_space<vmem>> -> memref<1024xi32, #tpu.memory_space<vmem>>
    %dma_wait3A_501 = arith.constant 0 : i32
    %dma_wait3A_502 = tpu.memref_slice %arg2[%dma_wait3A_498, %dma_wait3A_501] : memref<50x16384xi32, #tpu.memory_space<hbm>> -> memref<1x1024xi32, #tpu.memory_space<hbm>>
    %dma_wait3A_503 = tpu.memref_squeeze %dma_wait3A_502 : memref<1x1024xi32, #tpu.memory_space<hbm>> -> memref<1024xi32, #tpu.memory_space<hbm>>
    %dma_wait3A_504 = arith.constant 0 : i32
    %dma_wait3A_505 = tpu.memref_slice %arg5[%dma_wait3A_504] : memref<25600xi32, #tpu.memory_space<vmem>> -> memref<1024xi32, #tpu.memory_space<vmem>>
    %dma_wait3A_506 = arith.constant 0 : i32
    %dma_wait3A_507 = tpu.memref_slice %arg2[%dma_wait3A_498, %dma_wait3A_506] : memref<50x16384xi32, #tpu.memory_space<hbm>> -> memref<1x1024xi32, #tpu.memory_space<hbm>>
    %dma_wait3A_508 = tpu.memref_squeeze %dma_wait3A_507 : memref<1x1024xi32, #tpu.memory_space<hbm>> -> memref<1024xi32, #tpu.memory_space<hbm>>
    tpu.wait_dma2 semaphore(%arg8 : memref<!tpu.dma_semaphore, #tpu.memory_space<semaphore_mem>>) src(%dma_wait3A_508 : memref<1024xi32, #tpu.memory_space<hbm>>) dst(%dma_wait3A_505 : memref<1024xi32, #tpu.memory_space<vmem>>)
    %dma_wait3A_509 = arith.constant 0 : i32
    %dma_wait3A_510 = arith.constant 0 : i32
    %dma_wait3A_511 = tpu.memref_slice %arg5[%dma_wait3A_510] : memref<25600xi32, #tpu.memory_space<vmem>> -> memref<1024xi32, #tpu.memory_space<vmem>>
    %dma_wait3A_512 = arith.constant 0 : i32
    %dma_wait3A_513 = tpu.memref_slice %arg2[%dma_wait3A_509, %dma_wait3A_512] : memref<50x16384xi32, #tpu.memory_space<hbm>> -> memref<1x1024xi32, #tpu.memory_space<hbm>>
    %dma_wait3A_514 = tpu.memref_squeeze %dma_wait3A_513 : memref<1x1024xi32, #tpu.memory_space<hbm>> -> memref<1024xi32, #tpu.memory_space<hbm>>
    %dma_wait3A_515 = arith.constant 0 : i32
    %dma_wait3A_516 = tpu.memref_slice %arg5[%dma_wait3A_515] : memref<25600xi32, #tpu.memory_space<vmem>> -> memref<1024xi32, #tpu.memory_space<vmem>>
    %dma_wait3A_517 = arith.constant 0 : i32
    %dma_wait3A_518 = tpu.memref_slice %arg2[%dma_wait3A_509, %dma_wait3A_517] : memref<50x16384xi32, #tpu.memory_space<hbm>> -> memref<1x1024xi32, #tpu.memory_space<hbm>>
    %dma_wait3A_519 = tpu.memref_squeeze %dma_wait3A_518 : memref<1x1024xi32, #tpu.memory_space<hbm>> -> memref<1024xi32, #tpu.memory_space<hbm>>
    tpu.wait_dma2 semaphore(%arg8 : memref<!tpu.dma_semaphore, #tpu.memory_space<semaphore_mem>>) src(%dma_wait3A_519 : memref<1024xi32, #tpu.memory_space<hbm>>) dst(%dma_wait3A_516 : memref<1024xi32, #tpu.memory_space<vmem>>)
    %dma_wait3A_520 = arith.constant 0 : i32
    %dma_wait3A_521 = arith.constant 0 : i32
    %dma_wait3A_522 = tpu.memref_slice %arg5[%dma_wait3A_521] : memref<25600xi32, #tpu.memory_space<vmem>> -> memref<1024xi32, #tpu.memory_space<vmem>>
    %dma_wait3A_523 = arith.constant 0 : i32
    %dma_wait3A_524 = tpu.memref_slice %arg2[%dma_wait3A_520, %dma_wait3A_523] : memref<50x16384xi32, #tpu.memory_space<hbm>> -> memref<1x1024xi32, #tpu.memory_space<hbm>>
    %dma_wait3A_525 = tpu.memref_squeeze %dma_wait3A_524 : memref<1x1024xi32, #tpu.memory_space<hbm>> -> memref<1024xi32, #tpu.memory_space<hbm>>
    %dma_wait3A_526 = arith.constant 0 : i32
    %dma_wait3A_527 = tpu.memref_slice %arg5[%dma_wait3A_526] : memref<25600xi32, #tpu.memory_space<vmem>> -> memref<1024xi32, #tpu.memory_space<vmem>>
    %dma_wait3A_528 = arith.constant 0 : i32
    %dma_wait3A_529 = tpu.memref_slice %arg2[%dma_wait3A_520, %dma_wait3A_528] : memref<50x16384xi32, #tpu.memory_space<hbm>> -> memref<1x1024xi32, #tpu.memory_space<hbm>>
    %dma_wait3A_530 = tpu.memref_squeeze %dma_wait3A_529 : memref<1x1024xi32, #tpu.memory_space<hbm>> -> memref<1024xi32, #tpu.memory_space<hbm>>
    tpu.wait_dma2 semaphore(%arg8 : memref<!tpu.dma_semaphore, #tpu.memory_space<semaphore_mem>>) src(%dma_wait3A_530 : memref<1024xi32, #tpu.memory_space<hbm>>) dst(%dma_wait3A_527 : memref<1024xi32, #tpu.memory_space<vmem>>)
    %dma_wait3A_531 = arith.constant 0 : i32
    %dma_wait3A_532 = arith.constant 0 : i32
    %dma_wait3A_533 = tpu.memref_slice %arg5[%dma_wait3A_532] : memref<25600xi32, #tpu.memory_space<vmem>> -> memref<1024xi32, #tpu.memory_space<vmem>>
    %dma_wait3A_534 = arith.constant 0 : i32
    %dma_wait3A_535 = tpu.memref_slice %arg2[%dma_wait3A_531, %dma_wait3A_534] : memref<50x16384xi32, #tpu.memory_space<hbm>> -> memref<1x1024xi32, #tpu.memory_space<hbm>>
    %dma_wait3A_536 = tpu.memref_squeeze %dma_wait3A_535 : memref<1x1024xi32, #tpu.memory_space<hbm>> -> memref<1024xi32, #tpu.memory_space<hbm>>
    %dma_wait3A_537 = arith.constant 0 : i32
    %dma_wait3A_538 = tpu.memref_slice %arg5[%dma_wait3A_537] : memref<25600xi32, #tpu.memory_space<vmem>> -> memref<1024xi32, #tpu.memory_space<vmem>>
    %dma_wait3A_539 = arith.constant 0 : i32
    %dma_wait3A_540 = tpu.memref_slice %arg2[%dma_wait3A_531, %dma_wait3A_539] : memref<50x16384xi32, #tpu.memory_space<hbm>> -> memref<1x1024xi32, #tpu.memory_space<hbm>>
    %dma_wait3A_541 = tpu.memref_squeeze %dma_wait3A_540 : memref<1x1024xi32, #tpu.memory_space<hbm>> -> memref<1024xi32, #tpu.memory_space<hbm>>
    tpu.wait_dma2 semaphore(%arg8 : memref<!tpu.dma_semaphore, #tpu.memory_space<semaphore_mem>>) src(%dma_wait3A_541 : memref<1024xi32, #tpu.memory_space<hbm>>) dst(%dma_wait3A_538 : memref<1024xi32, #tpu.memory_space<vmem>>)
    %dma_wait3A_542 = arith.constant 0 : i32
    %dma_wait3A_543 = arith.constant 0 : i32
    %dma_wait3A_544 = tpu.memref_slice %arg5[%dma_wait3A_543] : memref<25600xi32, #tpu.memory_space<vmem>> -> memref<1024xi32, #tpu.memory_space<vmem>>
    %dma_wait3A_545 = arith.constant 0 : i32
    %dma_wait3A_546 = tpu.memref_slice %arg2[%dma_wait3A_542, %dma_wait3A_545] : memref<50x16384xi32, #tpu.memory_space<hbm>> -> memref<1x1024xi32, #tpu.memory_space<hbm>>
    %dma_wait3A_547 = tpu.memref_squeeze %dma_wait3A_546 : memref<1x1024xi32, #tpu.memory_space<hbm>> -> memref<1024xi32, #tpu.memory_space<hbm>>
    %dma_wait3A_548 = arith.constant 0 : i32
    %dma_wait3A_549 = tpu.memref_slice %arg5[%dma_wait3A_548] : memref<25600xi32, #tpu.memory_space<vmem>> -> memref<1024xi32, #tpu.memory_space<vmem>>
    %dma_wait3A_550 = arith.constant 0 : i32
    %dma_wait3A_551 = tpu.memref_slice %arg2[%dma_wait3A_542, %dma_wait3A_550] : memref<50x16384xi32, #tpu.memory_space<hbm>> -> memref<1x1024xi32, #tpu.memory_space<hbm>>
    %dma_wait3A_552 = tpu.memref_squeeze %dma_wait3A_551 : memref<1x1024xi32, #tpu.memory_space<hbm>> -> memref<1024xi32, #tpu.memory_space<hbm>>
    tpu.wait_dma2 semaphore(%arg8 : memref<!tpu.dma_semaphore, #tpu.memory_space<semaphore_mem>>) src(%dma_wait3A_552 : memref<1024xi32, #tpu.memory_space<hbm>>) dst(%dma_wait3A_549 : memref<1024xi32, #tpu.memory_space<vmem>>)
    %dma_wait3A_553 = arith.constant 0 : i32
    %dma_wait3A_554 = arith.constant 0 : i32
    %dma_wait3A_555 = tpu.memref_slice %arg5[%dma_wait3A_554] : memref<25600xi32, #tpu.memory_space<vmem>> -> memref<1024xi32, #tpu.memory_space<vmem>>
    %dma_wait3A_556 = arith.constant 0 : i32
    %dma_wait3A_557 = tpu.memref_slice %arg2[%dma_wait3A_553, %dma_wait3A_556] : memref<50x16384xi32, #tpu.memory_space<hbm>> -> memref<1x1024xi32, #tpu.memory_space<hbm>>
    %dma_wait3A_558 = tpu.memref_squeeze %dma_wait3A_557 : memref<1x1024xi32, #tpu.memory_space<hbm>> -> memref<1024xi32, #tpu.memory_space<hbm>>
    %dma_wait3A_559 = arith.constant 0 : i32
    %dma_wait3A_560 = tpu.memref_slice %arg5[%dma_wait3A_559] : memref<25600xi32, #tpu.memory_space<vmem>> -> memref<1024xi32, #tpu.memory_space<vmem>>
    %dma_wait3A_561 = arith.constant 0 : i32
    %dma_wait3A_562 = tpu.memref_slice %arg2[%dma_wait3A_553, %dma_wait3A_561] : memref<50x16384xi32, #tpu.memory_space<hbm>> -> memref<1x1024xi32, #tpu.memory_space<hbm>>
    %dma_wait3A_563 = tpu.memref_squeeze %dma_wait3A_562 : memref<1x1024xi32, #tpu.memory_space<hbm>> -> memref<1024xi32, #tpu.memory_space<hbm>>
    tpu.wait_dma2 semaphore(%arg8 : memref<!tpu.dma_semaphore, #tpu.memory_space<semaphore_mem>>) src(%dma_wait3A_563 : memref<1024xi32, #tpu.memory_space<hbm>>) dst(%dma_wait3A_560 : memref<1024xi32, #tpu.memory_space<vmem>>)
    %dma_wait3A_564 = arith.constant 0 : i32
    %dma_wait3A_565 = arith.constant 0 : i32
    %dma_wait3A_566 = tpu.memref_slice %arg5[%dma_wait3A_565] : memref<25600xi32, #tpu.memory_space<vmem>> -> memref<1024xi32, #tpu.memory_space<vmem>>
    %dma_wait3A_567 = arith.constant 0 : i32
    %dma_wait3A_568 = tpu.memref_slice %arg2[%dma_wait3A_564, %dma_wait3A_567] : memref<50x16384xi32, #tpu.memory_space<hbm>> -> memref<1x1024xi32, #tpu.memory_space<hbm>>
    %dma_wait3A_569 = tpu.memref_squeeze %dma_wait3A_568 : memref<1x1024xi32, #tpu.memory_space<hbm>> -> memref<1024xi32, #tpu.memory_space<hbm>>
    %dma_wait3A_570 = arith.constant 0 : i32
    %dma_wait3A_571 = tpu.memref_slice %arg5[%dma_wait3A_570] : memref<25600xi32, #tpu.memory_space<vmem>> -> memref<1024xi32, #tpu.memory_space<vmem>>
    %dma_wait3A_572 = arith.constant 0 : i32
    %dma_wait3A_573 = tpu.memref_slice %arg2[%dma_wait3A_564, %dma_wait3A_572] : memref<50x16384xi32, #tpu.memory_space<hbm>> -> memref<1x1024xi32, #tpu.memory_space<hbm>>
    %dma_wait3A_574 = tpu.memref_squeeze %dma_wait3A_573 : memref<1x1024xi32, #tpu.memory_space<hbm>> -> memref<1024xi32, #tpu.memory_space<hbm>>
    tpu.wait_dma2 semaphore(%arg8 : memref<!tpu.dma_semaphore, #tpu.memory_space<semaphore_mem>>) src(%dma_wait3A_574 : memref<1024xi32, #tpu.memory_space<hbm>>) dst(%dma_wait3A_571 : memref<1024xi32, #tpu.memory_space<vmem>>)
    %dma_wait3A_575 = arith.constant 0 : i32
    %dma_wait3A_576 = arith.constant 0 : i32
    %dma_wait3A_577 = tpu.memref_slice %arg5[%dma_wait3A_576] : memref<25600xi32, #tpu.memory_space<vmem>> -> memref<1024xi32, #tpu.memory_space<vmem>>
    %dma_wait3A_578 = arith.constant 0 : i32
    %dma_wait3A_579 = tpu.memref_slice %arg2[%dma_wait3A_575, %dma_wait3A_578] : memref<50x16384xi32, #tpu.memory_space<hbm>> -> memref<1x1024xi32, #tpu.memory_space<hbm>>
    %dma_wait3A_580 = tpu.memref_squeeze %dma_wait3A_579 : memref<1x1024xi32, #tpu.memory_space<hbm>> -> memref<1024xi32, #tpu.memory_space<hbm>>
    %dma_wait3A_581 = arith.constant 0 : i32
    %dma_wait3A_582 = tpu.memref_slice %arg5[%dma_wait3A_581] : memref<25600xi32, #tpu.memory_space<vmem>> -> memref<1024xi32, #tpu.memory_space<vmem>>
    %dma_wait3A_583 = arith.constant 0 : i32
    %dma_wait3A_584 = tpu.memref_slice %arg2[%dma_wait3A_575, %dma_wait3A_583] : memref<50x16384xi32, #tpu.memory_space<hbm>> -> memref<1x1024xi32, #tpu.memory_space<hbm>>
    %dma_wait3A_585 = tpu.memref_squeeze %dma_wait3A_584 : memref<1x1024xi32, #tpu.memory_space<hbm>> -> memref<1024xi32, #tpu.memory_space<hbm>>
    tpu.wait_dma2 semaphore(%arg8 : memref<!tpu.dma_semaphore, #tpu.memory_space<semaphore_mem>>) src(%dma_wait3A_585 : memref<1024xi32, #tpu.memory_space<hbm>>) dst(%dma_wait3A_582 : memref<1024xi32, #tpu.memory_space<vmem>>)
    %dma_wait3A_586 = arith.constant 0 : i32
    %dma_wait3A_587 = arith.constant 0 : i32
    %dma_wait3A_588 = tpu.memref_slice %arg5[%dma_wait3A_587] : memref<25600xi32, #tpu.memory_space<vmem>> -> memref<1024xi32, #tpu.memory_space<vmem>>
    %dma_wait3A_589 = arith.constant 0 : i32
    %dma_wait3A_590 = tpu.memref_slice %arg2[%dma_wait3A_586, %dma_wait3A_589] : memref<50x16384xi32, #tpu.memory_space<hbm>> -> memref<1x1024xi32, #tpu.memory_space<hbm>>
    %dma_wait3A_591 = tpu.memref_squeeze %dma_wait3A_590 : memref<1x1024xi32, #tpu.memory_space<hbm>> -> memref<1024xi32, #tpu.memory_space<hbm>>
    %dma_wait3A_592 = arith.constant 0 : i32
    %dma_wait3A_593 = tpu.memref_slice %arg5[%dma_wait3A_592] : memref<25600xi32, #tpu.memory_space<vmem>> -> memref<1024xi32, #tpu.memory_space<vmem>>
    %dma_wait3A_594 = arith.constant 0 : i32
    %dma_wait3A_595 = tpu.memref_slice %arg2[%dma_wait3A_586, %dma_wait3A_594] : memref<50x16384xi32, #tpu.memory_space<hbm>> -> memref<1x1024xi32, #tpu.memory_space<hbm>>
    %dma_wait3A_596 = tpu.memref_squeeze %dma_wait3A_595 : memref<1x1024xi32, #tpu.memory_space<hbm>> -> memref<1024xi32, #tpu.memory_space<hbm>>
    tpu.wait_dma2 semaphore(%arg8 : memref<!tpu.dma_semaphore, #tpu.memory_space<semaphore_mem>>) src(%dma_wait3A_596 : memref<1024xi32, #tpu.memory_space<hbm>>) dst(%dma_wait3A_593 : memref<1024xi32, #tpu.memory_space<vmem>>)
    %dma_wait3A_597 = arith.constant 0 : i32
    %dma_wait3A_598 = arith.constant 0 : i32
    %dma_wait3A_599 = tpu.memref_slice %arg5[%dma_wait3A_598] : memref<25600xi32, #tpu.memory_space<vmem>> -> memref<1024xi32, #tpu.memory_space<vmem>>
    %dma_wait3A_600 = arith.constant 0 : i32
    %dma_wait3A_601 = tpu.memref_slice %arg2[%dma_wait3A_597, %dma_wait3A_600] : memref<50x16384xi32, #tpu.memory_space<hbm>> -> memref<1x1024xi32, #tpu.memory_space<hbm>>
    %dma_wait3A_602 = tpu.memref_squeeze %dma_wait3A_601 : memref<1x1024xi32, #tpu.memory_space<hbm>> -> memref<1024xi32, #tpu.memory_space<hbm>>
    %dma_wait3A_603 = arith.constant 0 : i32
    %dma_wait3A_604 = tpu.memref_slice %arg5[%dma_wait3A_603] : memref<25600xi32, #tpu.memory_space<vmem>> -> memref<1024xi32, #tpu.memory_space<vmem>>
    %dma_wait3A_605 = arith.constant 0 : i32
    %dma_wait3A_606 = tpu.memref_slice %arg2[%dma_wait3A_597, %dma_wait3A_605] : memref<50x16384xi32, #tpu.memory_space<hbm>> -> memref<1x1024xi32, #tpu.memory_space<hbm>>
    %dma_wait3A_607 = tpu.memref_squeeze %dma_wait3A_606 : memref<1x1024xi32, #tpu.memory_space<hbm>> -> memref<1024xi32, #tpu.memory_space<hbm>>
    tpu.wait_dma2 semaphore(%arg8 : memref<!tpu.dma_semaphore, #tpu.memory_space<semaphore_mem>>) src(%dma_wait3A_607 : memref<1024xi32, #tpu.memory_space<hbm>>) dst(%dma_wait3A_604 : memref<1024xi32, #tpu.memory_space<vmem>>)
    %iota3A = tpu.iota {dimensions = array<i32: 0>} : vector<16xi32>
    %add3A_608 = arith.constant 0 : i32
    %add3A_609 = vector.broadcast %add3A_608 : i32 to vector<16xi32>
    %add3A_610 = arith.addi %iota3A, %add3A_609 : vector<16xi32>
    %iota3A_611 = tpu.iota {dimensions = array<i32: 0>} : vector<16xi32>
    %add3A_612 = arith.constant 16 : i32
    %add3A_613 = vector.broadcast %add3A_612 : i32 to vector<16xi32>
    %add3A_614 = arith.addi %iota3A_611, %add3A_613 : vector<16xi32>
    %iota3A_615 = tpu.iota {dimensions = array<i32: 0>} : vector<16xi32>
    %add3A_616 = arith.constant 32 : i32
    %add3A_617 = vector.broadcast %add3A_616 : i32 to vector<16xi32>
    %add3A_618 = arith.addi %iota3A_615, %add3A_617 : vector<16xi32>
    %iota3A_619 = tpu.iota {dimensions = array<i32: 0>} : vector<16xi32>
    %add3A_620 = arith.constant 48 : i32
    %add3A_621 = vector.broadcast %add3A_620 : i32 to vector<16xi32>
    %add3A_622 = arith.addi %iota3A_619, %add3A_621 : vector<16xi32>
    %dma_start3A_623 = arith.constant 0 : i32
    %dma_start3A_624 = arith.constant 0 : i32
    %dma_start3A_625 = arith.constant 0 : i32
    %dma_start3A_626 = tpu.memref_slice %arg6[%dma_start3A_623, %dma_start3A_624, %dma_start3A_625] : memref<2x128x64xf32, #tpu.memory_space<vmem>> -> memref<1x128x64xf32, #tpu.memory_space<vmem>>
    %dma_start3A_627 = tpu.memref_squeeze %dma_start3A_626 : memref<1x128x64xf32, #tpu.memory_space<vmem>> -> memref<128x64xf32, #tpu.memory_space<vmem>>
    %dma_start3A_628 = arith.constant 0 : i32
    %dma_start3A_629 = tpu.memref_slice %arg5[%dma_start3A_628] : memref<25600xi32, #tpu.memory_space<vmem>> -> memref<128xi32, #tpu.memory_space<vmem>>
    %dma_start3A_630 = arith.constant 0 : i32
    %dma_start3A_631 = arith.constant 0 : i32
    %dma_start3A_632 = tpu.memref_slice %arg3[%dma_start3A_630, %dma_start3A_631] : memref<1000000x64xf32, #tpu.memory_space<hbm>> -> memref<1000000x64xf32, #tpu.memory_space<hbm>>
    tpu.enqueue_indirect_dma source(%dma_start3A_632 : memref<1000000x64xf32, #tpu.memory_space<hbm>>) target(%dma_start3A_627 : memref<128x64xf32, #tpu.memory_space<vmem>>) offsets(%dma_start3A_629 : memref<128xi32, #tpu.memory_space<vmem>>) semaphore(%arg9 : memref<!tpu.dma_semaphore, #tpu.memory_space<semaphore_mem>>)
    %dma_start3A_633 = arith.constant 1 : i32
    %dma_start3A_634 = arith.constant 0 : i32
    %dma_start3A_635 = arith.constant 0 : i32
    %dma_start3A_636 = tpu.memref_slice %arg6[%dma_start3A_633, %dma_start3A_634, %dma_start3A_635] : memref<2x128x64xf32, #tpu.memory_space<vmem>> -> memref<1x128x64xf32, #tpu.memory_space<vmem>>
    %dma_start3A_637 = tpu.memref_squeeze %dma_start3A_636 : memref<1x128x64xf32, #tpu.memory_space<vmem>> -> memref<128x64xf32, #tpu.memory_space<vmem>>
    %dma_start3A_638 = arith.constant 128 : i32
    %dma_start3A_639 = tpu.memref_slice %arg5[%dma_start3A_638] : memref<25600xi32, #tpu.memory_space<vmem>> -> memref<128xi32, #tpu.memory_space<vmem>>
    %dma_start3A_640 = arith.constant 0 : i32
    %dma_start3A_641 = arith.constant 0 : i32
    %dma_start3A_642 = tpu.memref_slice %arg3[%dma_start3A_640, %dma_start3A_641] : memref<1000000x64xf32, #tpu.memory_space<hbm>> -> memref<1000000x64xf32, #tpu.memory_space<hbm>>
    tpu.enqueue_indirect_dma source(%dma_start3A_642 : memref<1000000x64xf32, #tpu.memory_space<hbm>>) target(%dma_start3A_637 : memref<128x64xf32, #tpu.memory_space<vmem>>) offsets(%dma_start3A_639 : memref<128xi32, #tpu.memory_space<vmem>>) semaphore(%arg10 : memref<!tpu.dma_semaphore, #tpu.memory_space<semaphore_mem>>)
    %scan3A = arith.constant 0 : i32
    %scan3A_643 = arith.constant 100 : i32
    %scan3A_644 = arith.addi %scan3A, %scan3A_643 : i32
    %scan3A_645 = arith.constant 1 : i32
    scf.for %scan3A_967 = %scan3A to %scan3A_644 step %scan3A_645  : i32 {
      %mul3A_968 = arith.constant 2 : i32
      %mul3A_969 = arith.muli %scan3A_967, %mul3A_968 : i32
      %add3A_970 = arith.constant 0 : i32
      %add3A_971 = arith.addi %add3A_970, %mul3A_969 : i32
      %add3A_972 = arith.constant 0 : i32
      %add3A_973 = arith.addi %add3A_971, %add3A_972 : i32
      %dma_wait3A_974 = arith.constant 0 : i32
      %dma_wait3A_975 = arith.constant 0 : i32
      %dma_wait3A_976 = arith.constant 0 : i32
      %dma_wait3A_977 = tpu.memref_slice %arg6[%dma_wait3A_974, %dma_wait3A_975, %dma_wait3A_976] : memref<2x128x64xf32, #tpu.memory_space<vmem>> -> memref<1x128x64xf32, #tpu.memory_space<vmem>>
      %dma_wait3A_978 = tpu.memref_squeeze %dma_wait3A_977 : memref<1x128x64xf32, #tpu.memory_space<vmem>> -> memref<128x64xf32, #tpu.memory_space<vmem>>
      %dma_wait3A_979 = arith.constant 0 : i32
      %dma_wait3A_980 = tpu.memref_slice %arg5[%dma_wait3A_979] : memref<25600xi32, #tpu.memory_space<vmem>> -> memref<128xi32, #tpu.memory_space<vmem>>
      %dma_wait3A_981 = arith.constant 0 : i32
      %dma_wait3A_982 = arith.constant 0 : i32
      %dma_wait3A_983 = tpu.memref_slice %arg3[%dma_wait3A_981, %dma_wait3A_982] : memref<1000000x64xf32, #tpu.memory_space<hbm>> -> memref<1000000x64xf32, #tpu.memory_space<hbm>>
      tpu.wait_indirect_dma semaphore(%arg9 : memref<!tpu.dma_semaphore, #tpu.memory_space<semaphore_mem>>) src(%dma_wait3A_983 : memref<1000000x64xf32, #tpu.memory_space<hbm>>) dst(%dma_wait3A_978 : memref<128x64xf32, #tpu.memory_space<vmem>>)
      %ge3A = arith.constant 2 : i32
      %ge3A_984 = arith.cmpi sge, %add3A_973, %ge3A : i32
      %convert_element_type3A = arith.extui %ge3A_984 : i1 to i32
      %cond3A = arith.constant 0 : i32
      %cond3A_985 = arith.cmpi ne, %convert_element_type3A, %cond3A : i32
      scf.if %cond3A_985 {
        %dma_wait3A_1422 = arith.constant 0 : i32
        %dma_wait3A_1423 = arith.constant 0 : i32
        %dma_wait3A_1424 = arith.constant 0 : i32
        %dma_wait3A_1425 = arith.constant 0 : i32
        %dma_wait3A_1426 = arith.constant 0 : i32
        %dma_wait3A_1427 = arith.constant 0 : i32
        %dma_wait3A_1428 = tpu.memref_slice %arg7[%dma_wait3A_1422, %dma_wait3A_1426, %dma_wait3A_1427] : memref<2x64x129xf32, #tpu.memory_space<vmem>> -> memref<1x8x128xf32, #tpu.memory_space<vmem>>
        %dma_wait3A_1429 = tpu.memref_squeeze %dma_wait3A_1428 : memref<1x8x128xf32, #tpu.memory_space<vmem>> -> memref<8x128xf32, #tpu.memory_space<vmem>>
        %dma_wait3A_1430 = arith.constant 0 : i32
        %dma_wait3A_1431 = arith.constant 0 : i32
        %dma_wait3A_1432 = tpu.memref_slice %arg4[%dma_wait3A_1423, %dma_wait3A_1424, %dma_wait3A_1425, %dma_wait3A_1430, %dma_wait3A_1431] : memref<50x8x128x8x128xf32, #tpu.memory_space<hbm>> -> memref<1x1x1x8x128xf32, #tpu.memory_space<hbm>>
        %dma_wait3A_1433 = tpu.memref_squeeze %dma_wait3A_1432 : memref<1x1x1x8x128xf32, #tpu.memory_space<hbm>> -> memref<8x128xf32, #tpu.memory_space<hbm>>
        %dma_wait3A_1434 = arith.constant 0 : i32
        %dma_wait3A_1435 = arith.constant 0 : i32
        %dma_wait3A_1436 = tpu.memref_slice %arg4[%dma_wait3A_1423, %dma_wait3A_1424, %dma_wait3A_1425, %dma_wait3A_1434, %dma_wait3A_1435] : memref<50x8x128x8x128xf32, #tpu.memory_space<hbm>> -> memref<1x1x1x8x128xf32, #tpu.memory_space<hbm>>
        %dma_wait3A_1437 = tpu.memref_squeeze %dma_wait3A_1436 : memref<1x1x1x8x128xf32, #tpu.memory_space<hbm>> -> memref<8x128xf32, #tpu.memory_space<hbm>>
        %dma_wait3A_1438 = arith.constant 0 : i32
        %dma_wait3A_1439 = arith.constant 0 : i32
        %dma_wait3A_1440 = tpu.memref_slice %arg7[%dma_wait3A_1422, %dma_wait3A_1438, %dma_wait3A_1439] : memref<2x64x129xf32, #tpu.memory_space<vmem>> -> memref<1x8x128xf32, #tpu.memory_space<vmem>>
        %dma_wait3A_1441 = tpu.memref_squeeze %dma_wait3A_1440 : memref<1x8x128xf32, #tpu.memory_space<vmem>> -> memref<8x128xf32, #tpu.memory_space<vmem>>
        tpu.wait_dma2 semaphore(%arg11 : memref<!tpu.dma_semaphore, #tpu.memory_space<semaphore_mem>>) src(%dma_wait3A_1441 : memref<8x128xf32, #tpu.memory_space<vmem>>) dst(%dma_wait3A_1437 : memref<8x128xf32, #tpu.memory_space<hbm>>)
        %dma_wait3A_1442 = arith.constant 0 : i32
        %dma_wait3A_1443 = arith.constant 0 : i32
        %dma_wait3A_1444 = arith.constant 0 : i32
        %dma_wait3A_1445 = arith.constant 0 : i32
        %dma_wait3A_1446 = arith.constant 0 : i32
        %dma_wait3A_1447 = arith.constant 0 : i32
        %dma_wait3A_1448 = tpu.memref_slice %arg7[%dma_wait3A_1442, %dma_wait3A_1446, %dma_wait3A_1447] : memref<2x64x129xf32, #tpu.memory_space<vmem>> -> memref<1x8x128xf32, #tpu.memory_space<vmem>>
        %dma_wait3A_1449 = tpu.memref_squeeze %dma_wait3A_1448 : memref<1x8x128xf32, #tpu.memory_space<vmem>> -> memref<8x128xf32, #tpu.memory_space<vmem>>
        %dma_wait3A_1450 = arith.constant 0 : i32
        %dma_wait3A_1451 = arith.constant 0 : i32
        %dma_wait3A_1452 = tpu.memref_slice %arg4[%dma_wait3A_1443, %dma_wait3A_1444, %dma_wait3A_1445, %dma_wait3A_1450, %dma_wait3A_1451] : memref<50x8x128x8x128xf32, #tpu.memory_space<hbm>> -> memref<1x1x1x8x128xf32, #tpu.memory_space<hbm>>
        %dma_wait3A_1453 = tpu.memref_squeeze %dma_wait3A_1452 : memref<1x1x1x8x128xf32, #tpu.memory_space<hbm>> -> memref<8x128xf32, #tpu.memory_space<hbm>>
        %dma_wait3A_1454 = arith.constant 0 : i32
        %dma_wait3A_1455 = arith.constant 0 : i32
        %dma_wait3A_1456 = tpu.memref_slice %arg4[%dma_wait3A_1443, %dma_wait3A_1444, %dma_wait3A_1445, %dma_wait3A_1454, %dma_wait3A_1455] : memref<50x8x128x8x128xf32, #tpu.memory_space<hbm>> -> memref<1x1x1x8x128xf32, #tpu.memory_space<hbm>>
        %dma_wait3A_1457 = tpu.memref_squeeze %dma_wait3A_1456 : memref<1x1x1x8x128xf32, #tpu.memory_space<hbm>> -> memref<8x128xf32, #tpu.memory_space<hbm>>
        %dma_wait3A_1458 = arith.constant 0 : i32
        %dma_wait3A_1459 = arith.constant 0 : i32
        %dma_wait3A_1460 = tpu.memref_slice %arg7[%dma_wait3A_1442, %dma_wait3A_1458, %dma_wait3A_1459] : memref<2x64x129xf32, #tpu.memory_space<vmem>> -> memref<1x8x128xf32, #tpu.memory_space<vmem>>
        %dma_wait3A_1461 = tpu.memref_squeeze %dma_wait3A_1460 : memref<1x8x128xf32, #tpu.memory_space<vmem>> -> memref<8x128xf32, #tpu.memory_space<vmem>>
        tpu.wait_dma2 semaphore(%arg11 : memref<!tpu.dma_semaphore, #tpu.memory_space<semaphore_mem>>) src(%dma_wait3A_1461 : memref<8x128xf32, #tpu.memory_space<vmem>>) dst(%dma_wait3A_1457 : memref<8x128xf32, #tpu.memory_space<hbm>>)
        %dma_wait3A_1462 = arith.constant 0 : i32
        %dma_wait3A_1463 = arith.constant 0 : i32
        %dma_wait3A_1464 = arith.constant 0 : i32
        %dma_wait3A_1465 = arith.constant 0 : i32
        %dma_wait3A_1466 = arith.constant 0 : i32
        %dma_wait3A_1467 = arith.constant 0 : i32
        %dma_wait3A_1468 = tpu.memref_slice %arg7[%dma_wait3A_1462, %dma_wait3A_1466, %dma_wait3A_1467] : memref<2x64x129xf32, #tpu.memory_space<vmem>> -> memref<1x8x128xf32, #tpu.memory_space<vmem>>
        %dma_wait3A_1469 = tpu.memref_squeeze %dma_wait3A_1468 : memref<1x8x128xf32, #tpu.memory_space<vmem>> -> memref<8x128xf32, #tpu.memory_space<vmem>>
        %dma_wait3A_1470 = arith.constant 0 : i32
        %dma_wait3A_1471 = arith.constant 0 : i32
        %dma_wait3A_1472 = tpu.memref_slice %arg4[%dma_wait3A_1463, %dma_wait3A_1464, %dma_wait3A_1465, %dma_wait3A_1470, %dma_wait3A_1471] : memref<50x8x128x8x128xf32, #tpu.memory_space<hbm>> -> memref<1x1x1x8x128xf32, #tpu.memory_space<hbm>>
        %dma_wait3A_1473 = tpu.memref_squeeze %dma_wait3A_1472 : memref<1x1x1x8x128xf32, #tpu.memory_space<hbm>> -> memref<8x128xf32, #tpu.memory_space<hbm>>
        %dma_wait3A_1474 = arith.constant 0 : i32
        %dma_wait3A_1475 = arith.constant 0 : i32
        %dma_wait3A_1476 = tpu.memref_slice %arg4[%dma_wait3A_1463, %dma_wait3A_1464, %dma_wait3A_1465, %dma_wait3A_1474, %dma_wait3A_1475] : memref<50x8x128x8x128xf32, #tpu.memory_space<hbm>> -> memref<1x1x1x8x128xf32, #tpu.memory_space<hbm>>
        %dma_wait3A_1477 = tpu.memref_squeeze %dma_wait3A_1476 : memref<1x1x1x8x128xf32, #tpu.memory_space<hbm>> -> memref<8x128xf32, #tpu.memory_space<hbm>>
        %dma_wait3A_1478 = arith.constant 0 : i32
        %dma_wait3A_1479 = arith.constant 0 : i32
        %dma_wait3A_1480 = tpu.memref_slice %arg7[%dma_wait3A_1462, %dma_wait3A_1478, %dma_wait3A_1479] : memref<2x64x129xf32, #tpu.memory_space<vmem>> -> memref<1x8x128xf32, #tpu.memory_space<vmem>>
        %dma_wait3A_1481 = tpu.memref_squeeze %dma_wait3A_1480 : memref<1x8x128xf32, #tpu.memory_space<vmem>> -> memref<8x128xf32, #tpu.memory_space<vmem>>
        tpu.wait_dma2 semaphore(%arg11 : memref<!tpu.dma_semaphore, #tpu.memory_space<semaphore_mem>>) src(%dma_wait3A_1481 : memref<8x128xf32, #tpu.memory_space<vmem>>) dst(%dma_wait3A_1477 : memref<8x128xf32, #tpu.memory_space<hbm>>)
        %dma_wait3A_1482 = arith.constant 0 : i32
        %dma_wait3A_1483 = arith.constant 0 : i32
        %dma_wait3A_1484 = arith.constant 0 : i32
        %dma_wait3A_1485 = arith.constant 0 : i32
        %dma_wait3A_1486 = arith.constant 0 : i32
        %dma_wait3A_1487 = arith.constant 0 : i32
        %dma_wait3A_1488 = tpu.memref_slice %arg7[%dma_wait3A_1482, %dma_wait3A_1486, %dma_wait3A_1487] : memref<2x64x129xf32, #tpu.memory_space<vmem>> -> memref<1x8x128xf32, #tpu.memory_space<vmem>>
        %dma_wait3A_1489 = tpu.memref_squeeze %dma_wait3A_1488 : memref<1x8x128xf32, #tpu.memory_space<vmem>> -> memref<8x128xf32, #tpu.memory_space<vmem>>
        %dma_wait3A_1490 = arith.constant 0 : i32
        %dma_wait3A_1491 = arith.constant 0 : i32
        %dma_wait3A_1492 = tpu.memref_slice %arg4[%dma_wait3A_1483, %dma_wait3A_1484, %dma_wait3A_1485, %dma_wait3A_1490, %dma_wait3A_1491] : memref<50x8x128x8x128xf32, #tpu.memory_space<hbm>> -> memref<1x1x1x8x128xf32, #tpu.memory_space<hbm>>
        %dma_wait3A_1493 = tpu.memref_squeeze %dma_wait3A_1492 : memref<1x1x1x8x128xf32, #tpu.memory_space<hbm>> -> memref<8x128xf32, #tpu.memory_space<hbm>>
        %dma_wait3A_1494 = arith.constant 0 : i32
        %dma_wait3A_1495 = arith.constant 0 : i32
        %dma_wait3A_1496 = tpu.memref_slice %arg4[%dma_wait3A_1483, %dma_wait3A_1484, %dma_wait3A_1485, %dma_wait3A_1494, %dma_wait3A_1495] : memref<50x8x128x8x128xf32, #tpu.memory_space<hbm>> -> memref<1x1x1x8x128xf32, #tpu.memory_space<hbm>>
        %dma_wait3A_1497 = tpu.memref_squeeze %dma_wait3A_1496 : memref<1x1x1x8x128xf32, #tpu.memory_space<hbm>> -> memref<8x128xf32, #tpu.memory_space<hbm>>
        %dma_wait3A_1498 = arith.constant 0 : i32
        %dma_wait3A_1499 = arith.constant 0 : i32
        %dma_wait3A_1500 = tpu.memref_slice %arg7[%dma_wait3A_1482, %dma_wait3A_1498, %dma_wait3A_1499] : memref<2x64x129xf32, #tpu.memory_space<vmem>> -> memref<1x8x128xf32, #tpu.memory_space<vmem>>
        %dma_wait3A_1501 = tpu.memref_squeeze %dma_wait3A_1500 : memref<1x8x128xf32, #tpu.memory_space<vmem>> -> memref<8x128xf32, #tpu.memory_space<vmem>>
        tpu.wait_dma2 semaphore(%arg11 : memref<!tpu.dma_semaphore, #tpu.memory_space<semaphore_mem>>) src(%dma_wait3A_1501 : memref<8x128xf32, #tpu.memory_space<vmem>>) dst(%dma_wait3A_1497 : memref<8x128xf32, #tpu.memory_space<hbm>>)
        %dma_wait3A_1502 = arith.constant 0 : i32
        %dma_wait3A_1503 = arith.constant 0 : i32
        %dma_wait3A_1504 = arith.constant 0 : i32
        %dma_wait3A_1505 = arith.constant 0 : i32
        %dma_wait3A_1506 = arith.constant 0 : i32
        %dma_wait3A_1507 = arith.constant 0 : i32
        %dma_wait3A_1508 = tpu.memref_slice %arg7[%dma_wait3A_1502, %dma_wait3A_1506, %dma_wait3A_1507] : memref<2x64x129xf32, #tpu.memory_space<vmem>> -> memref<1x8x128xf32, #tpu.memory_space<vmem>>
        %dma_wait3A_1509 = tpu.memref_squeeze %dma_wait3A_1508 : memref<1x8x128xf32, #tpu.memory_space<vmem>> -> memref<8x128xf32, #tpu.memory_space<vmem>>
        %dma_wait3A_1510 = arith.constant 0 : i32
        %dma_wait3A_1511 = arith.constant 0 : i32
        %dma_wait3A_1512 = tpu.memref_slice %arg4[%dma_wait3A_1503, %dma_wait3A_1504, %dma_wait3A_1505, %dma_wait3A_1510, %dma_wait3A_1511] : memref<50x8x128x8x128xf32, #tpu.memory_space<hbm>> -> memref<1x1x1x8x128xf32, #tpu.memory_space<hbm>>
        %dma_wait3A_1513 = tpu.memref_squeeze %dma_wait3A_1512 : memref<1x1x1x8x128xf32, #tpu.memory_space<hbm>> -> memref<8x128xf32, #tpu.memory_space<hbm>>
        %dma_wait3A_1514 = arith.constant 0 : i32
        %dma_wait3A_1515 = arith.constant 0 : i32
        %dma_wait3A_1516 = tpu.memref_slice %arg4[%dma_wait3A_1503, %dma_wait3A_1504, %dma_wait3A_1505, %dma_wait3A_1514, %dma_wait3A_1515] : memref<50x8x128x8x128xf32, #tpu.memory_space<hbm>> -> memref<1x1x1x8x128xf32, #tpu.memory_space<hbm>>
        %dma_wait3A_1517 = tpu.memref_squeeze %dma_wait3A_1516 : memref<1x1x1x8x128xf32, #tpu.memory_space<hbm>> -> memref<8x128xf32, #tpu.memory_space<hbm>>
        %dma_wait3A_1518 = arith.constant 0 : i32
        %dma_wait3A_1519 = arith.constant 0 : i32
        %dma_wait3A_1520 = tpu.memref_slice %arg7[%dma_wait3A_1502, %dma_wait3A_1518, %dma_wait3A_1519] : memref<2x64x129xf32, #tpu.memory_space<vmem>> -> memref<1x8x128xf32, #tpu.memory_space<vmem>>
        %dma_wait3A_1521 = tpu.memref_squeeze %dma_wait3A_1520 : memref<1x8x128xf32, #tpu.memory_space<vmem>> -> memref<8x128xf32, #tpu.memory_space<vmem>>
        tpu.wait_dma2 semaphore(%arg11 : memref<!tpu.dma_semaphore, #tpu.memory_space<semaphore_mem>>) src(%dma_wait3A_1521 : memref<8x128xf32, #tpu.memory_space<vmem>>) dst(%dma_wait3A_1517 : memref<8x128xf32, #tpu.memory_space<hbm>>)
        %dma_wait3A_1522 = arith.constant 0 : i32
        %dma_wait3A_1523 = arith.constant 0 : i32
        %dma_wait3A_1524 = arith.constant 0 : i32
        %dma_wait3A_1525 = arith.constant 0 : i32
        %dma_wait3A_1526 = arith.constant 0 : i32
        %dma_wait3A_1527 = arith.constant 0 : i32
        %dma_wait3A_1528 = tpu.memref_slice %arg7[%dma_wait3A_1522, %dma_wait3A_1526, %dma_wait3A_1527] : memref<2x64x129xf32, #tpu.memory_space<vmem>> -> memref<1x8x128xf32, #tpu.memory_space<vmem>>
        %dma_wait3A_1529 = tpu.memref_squeeze %dma_wait3A_1528 : memref<1x8x128xf32, #tpu.memory_space<vmem>> -> memref<8x128xf32, #tpu.memory_space<vmem>>
        %dma_wait3A_1530 = arith.constant 0 : i32
        %dma_wait3A_1531 = arith.constant 0 : i32
        %dma_wait3A_1532 = tpu.memref_slice %arg4[%dma_wait3A_1523, %dma_wait3A_1524, %dma_wait3A_1525, %dma_wait3A_1530, %dma_wait3A_1531] : memref<50x8x128x8x128xf32, #tpu.memory_space<hbm>> -> memref<1x1x1x8x128xf32, #tpu.memory_space<hbm>>
        %dma_wait3A_1533 = tpu.memref_squeeze %dma_wait3A_1532 : memref<1x1x1x8x128xf32, #tpu.memory_space<hbm>> -> memref<8x128xf32, #tpu.memory_space<hbm>>
        %dma_wait3A_1534 = arith.constant 0 : i32
        %dma_wait3A_1535 = arith.constant 0 : i32
        %dma_wait3A_1536 = tpu.memref_slice %arg4[%dma_wait3A_1523, %dma_wait3A_1524, %dma_wait3A_1525, %dma_wait3A_1534, %dma_wait3A_1535] : memref<50x8x128x8x128xf32, #tpu.memory_space<hbm>> -> memref<1x1x1x8x128xf32, #tpu.memory_space<hbm>>
        %dma_wait3A_1537 = tpu.memref_squeeze %dma_wait3A_1536 : memref<1x1x1x8x128xf32, #tpu.memory_space<hbm>> -> memref<8x128xf32, #tpu.memory_space<hbm>>
        %dma_wait3A_1538 = arith.constant 0 : i32
        %dma_wait3A_1539 = arith.constant 0 : i32
        %dma_wait3A_1540 = tpu.memref_slice %arg7[%dma_wait3A_1522, %dma_wait3A_1538, %dma_wait3A_1539] : memref<2x64x129xf32, #tpu.memory_space<vmem>> -> memref<1x8x128xf32, #tpu.memory_space<vmem>>
        %dma_wait3A_1541 = tpu.memref_squeeze %dma_wait3A_1540 : memref<1x8x128xf32, #tpu.memory_space<vmem>> -> memref<8x128xf32, #tpu.memory_space<vmem>>
        tpu.wait_dma2 semaphore(%arg11 : memref<!tpu.dma_semaphore, #tpu.memory_space<semaphore_mem>>) src(%dma_wait3A_1541 : memref<8x128xf32, #tpu.memory_space<vmem>>) dst(%dma_wait3A_1537 : memref<8x128xf32, #tpu.memory_space<hbm>>)
        %dma_wait3A_1542 = arith.constant 0 : i32
        %dma_wait3A_1543 = arith.constant 0 : i32
        %dma_wait3A_1544 = arith.constant 0 : i32
        %dma_wait3A_1545 = arith.constant 0 : i32
        %dma_wait3A_1546 = arith.constant 0 : i32
        %dma_wait3A_1547 = arith.constant 0 : i32
        %dma_wait3A_1548 = tpu.memref_slice %arg7[%dma_wait3A_1542, %dma_wait3A_1546, %dma_wait3A_1547] : memref<2x64x129xf32, #tpu.memory_space<vmem>> -> memref<1x8x128xf32, #tpu.memory_space<vmem>>
        %dma_wait3A_1549 = tpu.memref_squeeze %dma_wait3A_1548 : memref<1x8x128xf32, #tpu.memory_space<vmem>> -> memref<8x128xf32, #tpu.memory_space<vmem>>
        %dma_wait3A_1550 = arith.constant 0 : i32
        %dma_wait3A_1551 = arith.constant 0 : i32
        %dma_wait3A_1552 = tpu.memref_slice %arg4[%dma_wait3A_1543, %dma_wait3A_1544, %dma_wait3A_1545, %dma_wait3A_1550, %dma_wait3A_1551] : memref<50x8x128x8x128xf32, #tpu.memory_space<hbm>> -> memref<1x1x1x8x128xf32, #tpu.memory_space<hbm>>
        %dma_wait3A_1553 = tpu.memref_squeeze %dma_wait3A_1552 : memref<1x1x1x8x128xf32, #tpu.memory_space<hbm>> -> memref<8x128xf32, #tpu.memory_space<hbm>>
        %dma_wait3A_1554 = arith.constant 0 : i32
        %dma_wait3A_1555 = arith.constant 0 : i32
        %dma_wait3A_1556 = tpu.memref_slice %arg4[%dma_wait3A_1543, %dma_wait3A_1544, %dma_wait3A_1545, %dma_wait3A_1554, %dma_wait3A_1555] : memref<50x8x128x8x128xf32, #tpu.memory_space<hbm>> -> memref<1x1x1x8x128xf32, #tpu.memory_space<hbm>>
        %dma_wait3A_1557 = tpu.memref_squeeze %dma_wait3A_1556 : memref<1x1x1x8x128xf32, #tpu.memory_space<hbm>> -> memref<8x128xf32, #tpu.memory_space<hbm>>
        %dma_wait3A_1558 = arith.constant 0 : i32
        %dma_wait3A_1559 = arith.constant 0 : i32
        %dma_wait3A_1560 = tpu.memref_slice %arg7[%dma_wait3A_1542, %dma_wait3A_1558, %dma_wait3A_1559] : memref<2x64x129xf32, #tpu.memory_space<vmem>> -> memref<1x8x128xf32, #tpu.memory_space<vmem>>
        %dma_wait3A_1561 = tpu.memref_squeeze %dma_wait3A_1560 : memref<1x8x128xf32, #tpu.memory_space<vmem>> -> memref<8x128xf32, #tpu.memory_space<vmem>>
        tpu.wait_dma2 semaphore(%arg11 : memref<!tpu.dma_semaphore, #tpu.memory_space<semaphore_mem>>) src(%dma_wait3A_1561 : memref<8x128xf32, #tpu.memory_space<vmem>>) dst(%dma_wait3A_1557 : memref<8x128xf32, #tpu.memory_space<hbm>>)
        %dma_wait3A_1562 = arith.constant 0 : i32
        %dma_wait3A_1563 = arith.constant 0 : i32
        %dma_wait3A_1564 = arith.constant 0 : i32
        %dma_wait3A_1565 = arith.constant 0 : i32
        %dma_wait3A_1566 = arith.constant 0 : i32
        %dma_wait3A_1567 = arith.constant 0 : i32
        %dma_wait3A_1568 = tpu.memref_slice %arg7[%dma_wait3A_1562, %dma_wait3A_1566, %dma_wait3A_1567] : memref<2x64x129xf32, #tpu.memory_space<vmem>> -> memref<1x8x128xf32, #tpu.memory_space<vmem>>
        %dma_wait3A_1569 = tpu.memref_squeeze %dma_wait3A_1568 : memref<1x8x128xf32, #tpu.memory_space<vmem>> -> memref<8x128xf32, #tpu.memory_space<vmem>>
        %dma_wait3A_1570 = arith.constant 0 : i32
        %dma_wait3A_1571 = arith.constant 0 : i32
        %dma_wait3A_1572 = tpu.memref_slice %arg4[%dma_wait3A_1563, %dma_wait3A_1564, %dma_wait3A_1565, %dma_wait3A_1570, %dma_wait3A_1571] : memref<50x8x128x8x128xf32, #tpu.memory_space<hbm>> -> memref<1x1x1x8x128xf32, #tpu.memory_space<hbm>>
        %dma_wait3A_1573 = tpu.memref_squeeze %dma_wait3A_1572 : memref<1x1x1x8x128xf32, #tpu.memory_space<hbm>> -> memref<8x128xf32, #tpu.memory_space<hbm>>
        %dma_wait3A_1574 = arith.constant 0 : i32
        %dma_wait3A_1575 = arith.constant 0 : i32
        %dma_wait3A_1576 = tpu.memref_slice %arg4[%dma_wait3A_1563, %dma_wait3A_1564, %dma_wait3A_1565, %dma_wait3A_1574, %dma_wait3A_1575] : memref<50x8x128x8x128xf32, #tpu.memory_space<hbm>> -> memref<1x1x1x8x128xf32, #tpu.memory_space<hbm>>
        %dma_wait3A_1577 = tpu.memref_squeeze %dma_wait3A_1576 : memref<1x1x1x8x128xf32, #tpu.memory_space<hbm>> -> memref<8x128xf32, #tpu.memory_space<hbm>>
        %dma_wait3A_1578 = arith.constant 0 : i32
        %dma_wait3A_1579 = arith.constant 0 : i32
        %dma_wait3A_1580 = tpu.memref_slice %arg7[%dma_wait3A_1562, %dma_wait3A_1578, %dma_wait3A_1579] : memref<2x64x129xf32, #tpu.memory_space<vmem>> -> memref<1x8x128xf32, #tpu.memory_space<vmem>>
        %dma_wait3A_1581 = tpu.memref_squeeze %dma_wait3A_1580 : memref<1x8x128xf32, #tpu.memory_space<vmem>> -> memref<8x128xf32, #tpu.memory_space<vmem>>
        tpu.wait_dma2 semaphore(%arg11 : memref<!tpu.dma_semaphore, #tpu.memory_space<semaphore_mem>>) src(%dma_wait3A_1581 : memref<8x128xf32, #tpu.memory_space<vmem>>) dst(%dma_wait3A_1577 : memref<8x128xf32, #tpu.memory_space<hbm>>)
      } else {
      }
      %parallel_loop3A = arith.constant 0 : i32
      %parallel_loop3A_986 = arith.constant 128 : i32
      %parallel_loop3A_987 = arith.constant 1 : i32
      scf.for %parallel_loop3A_1422 = %parallel_loop3A to %parallel_loop3A_986 step %parallel_loop3A_987  : i32 {
        %parallel_loop3A_1423 = vector.broadcast %parallel_loop3A_1422 : i32 to vector<16xi32>
        %parallel_loop3A_1424 = arith.constant 0 : i32
        %parallel_loop3A_1425 = arith.index_cast %parallel_loop3A_1424 : i32 to index
        %parallel_loop3A_1426 = arith.index_cast %parallel_loop3A_1422 : i32 to index
        %parallel_loop3A_1427 = arith.constant 0 : index
        %parallel_loop3A_1428 = tpu.vector_load %arg6[%parallel_loop3A_1425, %parallel_loop3A_1426, %parallel_loop3A_1427] {strides = array<i32>} : memref<2x128x64xf32, #tpu.memory_space<vmem>>, vector<16xf32>,
        %parallel_loop3A_1429 = math.absf %parallel_loop3A_1428 : vector<16xf32>
        %parallel_loop3A_1430 = arith.constant 0.000000e+00 : f32
        %parallel_loop3A_1431 = vector.broadcast %parallel_loop3A_1430 : f32 to vector<16xf32>
        %parallel_loop3A_1432 = arith.subf %parallel_loop3A_1431, %parallel_loop3A_1429 : vector<16xf32>
        %parallel_loop3A_1433 = math.exp %parallel_loop3A_1432 : vector<16xf32>
        %parallel_loop3A_1434 = arith.constant 0.0304490048 : f32
        %parallel_loop3A_1435 = vector.broadcast %parallel_loop3A_1434 : f32 to vector<16xf32>
        %parallel_loop3A_1436 = arith.mulf %parallel_loop3A_1435, %parallel_loop3A_1433 : vector<16xf32>
        %parallel_loop3A_1437 = arith.constant -0.131581828 : f32
        %parallel_loop3A_1438 = vector.broadcast %parallel_loop3A_1437 : f32 to vector<16xf32>
        %parallel_loop3A_1439 = arith.addf %parallel_loop3A_1436, %parallel_loop3A_1438 : vector<16xf32>
        %parallel_loop3A_1440 = arith.mulf %parallel_loop3A_1439, %parallel_loop3A_1433 : vector<16xf32>
        %parallel_loop3A_1441 = arith.constant 0.285272688 : f32
        %parallel_loop3A_1442 = vector.broadcast %parallel_loop3A_1441 : f32 to vector<16xf32>
        %parallel_loop3A_1443 = arith.addf %parallel_loop3A_1440, %parallel_loop3A_1442 : vector<16xf32>
        %parallel_loop3A_1444 = arith.mulf %parallel_loop3A_1443, %parallel_loop3A_1433 : vector<16xf32>
        %parallel_loop3A_1445 = arith.constant -0.490230709 : f32
        %parallel_loop3A_1446 = vector.broadcast %parallel_loop3A_1445 : f32 to vector<16xf32>
        %parallel_loop3A_1447 = arith.addf %parallel_loop3A_1444, %parallel_loop3A_1446 : vector<16xf32>
        %parallel_loop3A_1448 = arith.mulf %parallel_loop3A_1447, %parallel_loop3A_1433 : vector<16xf32>
        %parallel_loop3A_1449 = arith.constant 0.99923551 : f32
        %parallel_loop3A_1450 = vector.broadcast %parallel_loop3A_1449 : f32 to vector<16xf32>
        %parallel_loop3A_1451 = arith.addf %parallel_loop3A_1448, %parallel_loop3A_1450 : vector<16xf32>
        %parallel_loop3A_1452 = arith.mulf %parallel_loop3A_1451, %parallel_loop3A_1433 : vector<16xf32>
        %parallel_loop3A_1453 = arith.constant 9.9750323E-6 : f32
        %parallel_loop3A_1454 = vector.broadcast %parallel_loop3A_1453 : f32 to vector<16xf32>
        %parallel_loop3A_1455 = arith.addf %parallel_loop3A_1452, %parallel_loop3A_1454 : vector<16xf32>
        %parallel_loop3A_1456 = arith.constant 0.000000e+00 : f32
        %parallel_loop3A_1457 = vector.broadcast %parallel_loop3A_1456 : f32 to vector<16xf32>
        %parallel_loop3A_1458 = arith.maximumf %parallel_loop3A_1428, %parallel_loop3A_1457 : vector<16xf32>
        %parallel_loop3A_1459 = arith.addf %parallel_loop3A_1458, %parallel_loop3A_1455 : vector<16xf32>
        %parallel_loop3A_1460 = arith.constant 0 : i32
        %parallel_loop3A_1461 = arith.constant 0 : i32
        %parallel_loop3A_1462 = arith.constant 0 : i32
        %parallel_loop3A_1463 = tpu.memref_slice %arg7[%parallel_loop3A_1460, %parallel_loop3A_1461, %parallel_loop3A_1462] : memref<2x64x129xf32, #tpu.memory_space<vmem>> -> memref<1x64x129xf32, #tpu.memory_space<vmem>>
        %parallel_loop3A_1464 = tpu.memref_squeeze %parallel_loop3A_1463 : memref<1x64x129xf32, #tpu.memory_space<vmem>> -> memref<64x129xf32, #tpu.memory_space<vmem>>
        tpu.vector_store_idx %parallel_loop3A_1464[%add3A_610, %parallel_loop3A_1423], %parallel_loop3A_1459 : memref<64x129xf32, #tpu.memory_space<vmem>>[vector<16xi32>, vector<16xi32>], vector<16xf32>,
        %parallel_loop3A_1465 = arith.constant 0 : i32
        %parallel_loop3A_1466 = arith.index_cast %parallel_loop3A_1465 : i32 to index
        %parallel_loop3A_1467 = arith.index_cast %parallel_loop3A_1422 : i32 to index
        %parallel_loop3A_1468 = arith.constant 16 : index
        %parallel_loop3A_1469 = tpu.vector_load %arg6[%parallel_loop3A_1466, %parallel_loop3A_1467, %parallel_loop3A_1468] {strides = array<i32>} : memref<2x128x64xf32, #tpu.memory_space<vmem>>, vector<16xf32>,
        %parallel_loop3A_1470 = math.absf %parallel_loop3A_1469 : vector<16xf32>
        %parallel_loop3A_1471 = arith.constant 0.000000e+00 : f32
        %parallel_loop3A_1472 = vector.broadcast %parallel_loop3A_1471 : f32 to vector<16xf32>
        %parallel_loop3A_1473 = arith.subf %parallel_loop3A_1472, %parallel_loop3A_1470 : vector<16xf32>
        %parallel_loop3A_1474 = math.exp %parallel_loop3A_1473 : vector<16xf32>
        %parallel_loop3A_1475 = arith.constant 0.0304490048 : f32
        %parallel_loop3A_1476 = vector.broadcast %parallel_loop3A_1475 : f32 to vector<16xf32>
        %parallel_loop3A_1477 = arith.mulf %parallel_loop3A_1476, %parallel_loop3A_1474 : vector<16xf32>
        %parallel_loop3A_1478 = arith.constant -0.131581828 : f32
        %parallel_loop3A_1479 = vector.broadcast %parallel_loop3A_1478 : f32 to vector<16xf32>
        %parallel_loop3A_1480 = arith.addf %parallel_loop3A_1477, %parallel_loop3A_1479 : vector<16xf32>
        %parallel_loop3A_1481 = arith.mulf %parallel_loop3A_1480, %parallel_loop3A_1474 : vector<16xf32>
        %parallel_loop3A_1482 = arith.constant 0.285272688 : f32
        %parallel_loop3A_1483 = vector.broadcast %parallel_loop3A_1482 : f32 to vector<16xf32>
        %parallel_loop3A_1484 = arith.addf %parallel_loop3A_1481, %parallel_loop3A_1483 : vector<16xf32>
        %parallel_loop3A_1485 = arith.mulf %parallel_loop3A_1484, %parallel_loop3A_1474 : vector<16xf32>
        %parallel_loop3A_1486 = arith.constant -0.490230709 : f32
        %parallel_loop3A_1487 = vector.broadcast %parallel_loop3A_1486 : f32 to vector<16xf32>
        %parallel_loop3A_1488 = arith.addf %parallel_loop3A_1485, %parallel_loop3A_1487 : vector<16xf32>
        %parallel_loop3A_1489 = arith.mulf %parallel_loop3A_1488, %parallel_loop3A_1474 : vector<16xf32>
        %parallel_loop3A_1490 = arith.constant 0.99923551 : f32
        %parallel_loop3A_1491 = vector.broadcast %parallel_loop3A_1490 : f32 to vector<16xf32>
        %parallel_loop3A_1492 = arith.addf %parallel_loop3A_1489, %parallel_loop3A_1491 : vector<16xf32>
        %parallel_loop3A_1493 = arith.mulf %parallel_loop3A_1492, %parallel_loop3A_1474 : vector<16xf32>
        %parallel_loop3A_1494 = arith.constant 9.9750323E-6 : f32
        %parallel_loop3A_1495 = vector.broadcast %parallel_loop3A_1494 : f32 to vector<16xf32>
        %parallel_loop3A_1496 = arith.addf %parallel_loop3A_1493, %parallel_loop3A_1495 : vector<16xf32>
        %parallel_loop3A_1497 = arith.constant 0.000000e+00 : f32
        %parallel_loop3A_1498 = vector.broadcast %parallel_loop3A_1497 : f32 to vector<16xf32>
        %parallel_loop3A_1499 = arith.maximumf %parallel_loop3A_1469, %parallel_loop3A_1498 : vector<16xf32>
        %parallel_loop3A_1500 = arith.addf %parallel_loop3A_1499, %parallel_loop3A_1496 : vector<16xf32>
        %parallel_loop3A_1501 = arith.constant 0 : i32
        %parallel_loop3A_1502 = arith.constant 0 : i32
        %parallel_loop3A_1503 = arith.constant 0 : i32
        %parallel_loop3A_1504 = tpu.memref_slice %arg7[%parallel_loop3A_1501, %parallel_loop3A_1502, %parallel_loop3A_1503] : memref<2x64x129xf32, #tpu.memory_space<vmem>> -> memref<1x64x129xf32, #tpu.memory_space<vmem>>
        %parallel_loop3A_1505 = tpu.memref_squeeze %parallel_loop3A_1504 : memref<1x64x129xf32, #tpu.memory_space<vmem>> -> memref<64x129xf32, #tpu.memory_space<vmem>>
        tpu.vector_store_idx %parallel_loop3A_1505[%add3A_614, %parallel_loop3A_1423], %parallel_loop3A_1500 : memref<64x129xf32, #tpu.memory_space<vmem>>[vector<16xi32>, vector<16xi32>], vector<16xf32>,
        %parallel_loop3A_1506 = arith.constant 0 : i32
        %parallel_loop3A_1507 = arith.index_cast %parallel_loop3A_1506 : i32 to index
        %parallel_loop3A_1508 = arith.index_cast %parallel_loop3A_1422 : i32 to index
        %parallel_loop3A_1509 = arith.constant 32 : index
        %parallel_loop3A_1510 = tpu.vector_load %arg6[%parallel_loop3A_1507, %parallel_loop3A_1508, %parallel_loop3A_1509] {strides = array<i32>} : memref<2x128x64xf32, #tpu.memory_space<vmem>>, vector<16xf32>,
        %parallel_loop3A_1511 = math.absf %parallel_loop3A_1510 : vector<16xf32>
        %parallel_loop3A_1512 = arith.constant 0.000000e+00 : f32
        %parallel_loop3A_1513 = vector.broadcast %parallel_loop3A_1512 : f32 to vector<16xf32>
        %parallel_loop3A_1514 = arith.subf %parallel_loop3A_1513, %parallel_loop3A_1511 : vector<16xf32>
        %parallel_loop3A_1515 = math.exp %parallel_loop3A_1514 : vector<16xf32>
        %parallel_loop3A_1516 = arith.constant 0.0304490048 : f32
        %parallel_loop3A_1517 = vector.broadcast %parallel_loop3A_1516 : f32 to vector<16xf32>
        %parallel_loop3A_1518 = arith.mulf %parallel_loop3A_1517, %parallel_loop3A_1515 : vector<16xf32>
        %parallel_loop3A_1519 = arith.constant -0.131581828 : f32
        %parallel_loop3A_1520 = vector.broadcast %parallel_loop3A_1519 : f32 to vector<16xf32>
        %parallel_loop3A_1521 = arith.addf %parallel_loop3A_1518, %parallel_loop3A_1520 : vector<16xf32>
        %parallel_loop3A_1522 = arith.mulf %parallel_loop3A_1521, %parallel_loop3A_1515 : vector<16xf32>
        %parallel_loop3A_1523 = arith.constant 0.285272688 : f32
        %parallel_loop3A_1524 = vector.broadcast %parallel_loop3A_1523 : f32 to vector<16xf32>
        %parallel_loop3A_1525 = arith.addf %parallel_loop3A_1522, %parallel_loop3A_1524 : vector<16xf32>
        %parallel_loop3A_1526 = arith.mulf %parallel_loop3A_1525, %parallel_loop3A_1515 : vector<16xf32>
        %parallel_loop3A_1527 = arith.constant -0.490230709 : f32
        %parallel_loop3A_1528 = vector.broadcast %parallel_loop3A_1527 : f32 to vector<16xf32>
        %parallel_loop3A_1529 = arith.addf %parallel_loop3A_1526, %parallel_loop3A_1528 : vector<16xf32>
        %parallel_loop3A_1530 = arith.mulf %parallel_loop3A_1529, %parallel_loop3A_1515 : vector<16xf32>
        %parallel_loop3A_1531 = arith.constant 0.99923551 : f32
        %parallel_loop3A_1532 = vector.broadcast %parallel_loop3A_1531 : f32 to vector<16xf32>
        %parallel_loop3A_1533 = arith.addf %parallel_loop3A_1530, %parallel_loop3A_1532 : vector<16xf32>
        %parallel_loop3A_1534 = arith.mulf %parallel_loop3A_1533, %parallel_loop3A_1515 : vector<16xf32>
        %parallel_loop3A_1535 = arith.constant 9.9750323E-6 : f32
        %parallel_loop3A_1536 = vector.broadcast %parallel_loop3A_1535 : f32 to vector<16xf32>
        %parallel_loop3A_1537 = arith.addf %parallel_loop3A_1534, %parallel_loop3A_1536 : vector<16xf32>
        %parallel_loop3A_1538 = arith.constant 0.000000e+00 : f32
        %parallel_loop3A_1539 = vector.broadcast %parallel_loop3A_1538 : f32 to vector<16xf32>
        %parallel_loop3A_1540 = arith.maximumf %parallel_loop3A_1510, %parallel_loop3A_1539 : vector<16xf32>
        %parallel_loop3A_1541 = arith.addf %parallel_loop3A_1540, %parallel_loop3A_1537 : vector<16xf32>
        %parallel_loop3A_1542 = arith.constant 0 : i32
        %parallel_loop3A_1543 = arith.constant 0 : i32
        %parallel_loop3A_1544 = arith.constant 0 : i32
        %parallel_loop3A_1545 = tpu.memref_slice %arg7[%parallel_loop3A_1542, %parallel_loop3A_1543, %parallel_loop3A_1544] : memref<2x64x129xf32, #tpu.memory_space<vmem>> -> memref<1x64x129xf32, #tpu.memory_space<vmem>>
        %parallel_loop3A_1546 = tpu.memref_squeeze %parallel_loop3A_1545 : memref<1x64x129xf32, #tpu.memory_space<vmem>> -> memref<64x129xf32, #tpu.memory_space<vmem>>
        tpu.vector_store_idx %parallel_loop3A_1546[%add3A_618, %parallel_loop3A_1423], %parallel_loop3A_1541 : memref<64x129xf32, #tpu.memory_space<vmem>>[vector<16xi32>, vector<16xi32>], vector<16xf32>,
        %parallel_loop3A_1547 = arith.constant 0 : i32
        %parallel_loop3A_1548 = arith.index_cast %parallel_loop3A_1547 : i32 to index
        %parallel_loop3A_1549 = arith.index_cast %parallel_loop3A_1422 : i32 to index
        %parallel_loop3A_1550 = arith.constant 48 : index
        %parallel_loop3A_1551 = tpu.vector_load %arg6[%parallel_loop3A_1548, %parallel_loop3A_1549, %parallel_loop3A_1550] {strides = array<i32>} : memref<2x128x64xf32, #tpu.memory_space<vmem>>, vector<16xf32>,
        %parallel_loop3A_1552 = math.absf %parallel_loop3A_1551 : vector<16xf32>
        %parallel_loop3A_1553 = arith.constant 0.000000e+00 : f32
        %parallel_loop3A_1554 = vector.broadcast %parallel_loop3A_1553 : f32 to vector<16xf32>
        %parallel_loop3A_1555 = arith.subf %parallel_loop3A_1554, %parallel_loop3A_1552 : vector<16xf32>
        %parallel_loop3A_1556 = math.exp %parallel_loop3A_1555 : vector<16xf32>
        %parallel_loop3A_1557 = arith.constant 0.0304490048 : f32
        %parallel_loop3A_1558 = vector.broadcast %parallel_loop3A_1557 : f32 to vector<16xf32>
        %parallel_loop3A_1559 = arith.mulf %parallel_loop3A_1558, %parallel_loop3A_1556 : vector<16xf32>
        %parallel_loop3A_1560 = arith.constant -0.131581828 : f32
        %parallel_loop3A_1561 = vector.broadcast %parallel_loop3A_1560 : f32 to vector<16xf32>
        %parallel_loop3A_1562 = arith.addf %parallel_loop3A_1559, %parallel_loop3A_1561 : vector<16xf32>
        %parallel_loop3A_1563 = arith.mulf %parallel_loop3A_1562, %parallel_loop3A_1556 : vector<16xf32>
        %parallel_loop3A_1564 = arith.constant 0.285272688 : f32
        %parallel_loop3A_1565 = vector.broadcast %parallel_loop3A_1564 : f32 to vector<16xf32>
        %parallel_loop3A_1566 = arith.addf %parallel_loop3A_1563, %parallel_loop3A_1565 : vector<16xf32>
        %parallel_loop3A_1567 = arith.mulf %parallel_loop3A_1566, %parallel_loop3A_1556 : vector<16xf32>
        %parallel_loop3A_1568 = arith.constant -0.490230709 : f32
        %parallel_loop3A_1569 = vector.broadcast %parallel_loop3A_1568 : f32 to vector<16xf32>
        %parallel_loop3A_1570 = arith.addf %parallel_loop3A_1567, %parallel_loop3A_1569 : vector<16xf32>
        %parallel_loop3A_1571 = arith.mulf %parallel_loop3A_1570, %parallel_loop3A_1556 : vector<16xf32>
        %parallel_loop3A_1572 = arith.constant 0.99923551 : f32
        %parallel_loop3A_1573 = vector.broadcast %parallel_loop3A_1572 : f32 to vector<16xf32>
        %parallel_loop3A_1574 = arith.addf %parallel_loop3A_1571, %parallel_loop3A_1573 : vector<16xf32>
        %parallel_loop3A_1575 = arith.mulf %parallel_loop3A_1574, %parallel_loop3A_1556 : vector<16xf32>
        %parallel_loop3A_1576 = arith.constant 9.9750323E-6 : f32
        %parallel_loop3A_1577 = vector.broadcast %parallel_loop3A_1576 : f32 to vector<16xf32>
        %parallel_loop3A_1578 = arith.addf %parallel_loop3A_1575, %parallel_loop3A_1577 : vector<16xf32>
        %parallel_loop3A_1579 = arith.constant 0.000000e+00 : f32
        %parallel_loop3A_1580 = vector.broadcast %parallel_loop3A_1579 : f32 to vector<16xf32>
        %parallel_loop3A_1581 = arith.maximumf %parallel_loop3A_1551, %parallel_loop3A_1580 : vector<16xf32>
        %parallel_loop3A_1582 = arith.addf %parallel_loop3A_1581, %parallel_loop3A_1578 : vector<16xf32>
        %parallel_loop3A_1583 = arith.constant 0 : i32
        %parallel_loop3A_1584 = arith.constant 0 : i32
        %parallel_loop3A_1585 = arith.constant 0 : i32
        %parallel_loop3A_1586 = tpu.memref_slice %arg7[%parallel_loop3A_1583, %parallel_loop3A_1584, %parallel_loop3A_1585] : memref<2x64x129xf32, #tpu.memory_space<vmem>> -> memref<1x64x129xf32, #tpu.memory_space<vmem>>
        %parallel_loop3A_1587 = tpu.memref_squeeze %parallel_loop3A_1586 : memref<1x64x129xf32, #tpu.memory_space<vmem>> -> memref<64x129xf32, #tpu.memory_space<vmem>>
        tpu.vector_store_idx %parallel_loop3A_1587[%add3A_622, %parallel_loop3A_1423], %parallel_loop3A_1582 : memref<64x129xf32, #tpu.memory_space<vmem>>[vector<16xi32>, vector<16xi32>], vector<16xf32>,
      } {sc.loop_unroll_factor = 4 : i64, sc.parallel_access}
      %add3A_988 = arith.constant 2 : i32
      %add3A_989 = arith.addi %add3A_973, %add3A_988 : i32
      %lt3A_990 = arith.constant 200 : i32
      %lt3A_991 = arith.cmpi slt, %add3A_989, %lt3A_990 : i32
      %convert_element_type3A_992 = arith.extui %lt3A_991 : i1 to i32
      %cond3A_993 = arith.constant 0 : i32
      %cond3A_994 = arith.cmpi ne, %convert_element_type3A_992, %cond3A_993 : i32
      scf.if %cond3A_994 {
        %add3A_1422 = arith.constant 2 : i32
        %add3A_1423 = arith.addi %add3A_973, %add3A_1422 : i32
        %mul3A_1424 = arith.constant 128 : i32
        %mul3A_1425 = arith.muli %add3A_1423, %mul3A_1424 : i32
        %dma_start3A_1426 = arith.constant 0 : i32
        %dma_start3A_1427 = arith.constant 0 : i32
        %dma_start3A_1428 = arith.constant 0 : i32
        %dma_start3A_1429 = tpu.memref_slice %arg6[%dma_start3A_1426, %dma_start3A_1427, %dma_start3A_1428] : memref<2x128x64xf32, #tpu.memory_space<vmem>> -> memref<1x128x64xf32, #tpu.memory_space<vmem>>
        %dma_start3A_1430 = tpu.memref_squeeze %dma_start3A_1429 : memref<1x128x64xf32, #tpu.memory_space<vmem>> -> memref<128x64xf32, #tpu.memory_space<vmem>>
        %dma_start3A_1431 = tpu.memref_slice %arg5[%mul3A_1425] : memref<25600xi32, #tpu.memory_space<vmem>> -> memref<128xi32, #tpu.memory_space<vmem>>
        %dma_start3A_1432 = arith.constant 0 : i32
        %dma_start3A_1433 = arith.constant 0 : i32
        %dma_start3A_1434 = tpu.memref_slice %arg3[%dma_start3A_1432, %dma_start3A_1433] : memref<1000000x64xf32, #tpu.memory_space<hbm>> -> memref<1000000x64xf32, #tpu.memory_space<hbm>>
        tpu.enqueue_indirect_dma source(%dma_start3A_1434 : memref<1000000x64xf32, #tpu.memory_space<hbm>>) target(%dma_start3A_1430 : memref<128x64xf32, #tpu.memory_space<vmem>>) offsets(%dma_start3A_1431 : memref<128xi32, #tpu.memory_space<vmem>>) semaphore(%arg9 : memref<!tpu.dma_semaphore, #tpu.memory_space<semaphore_mem>>)
      } else {
      }
      %jit3A_995 = arith.constant 8 : i32
      %div3A_996 = arith.divsi %add3A_973, %jit3A_995 : i32
      %sign3A_997 = arith.constant 0 : i32
      %sign3A_998 = arith.cmpi sgt, %add3A_973, %sign3A_997 : i32
      %sign3A_999 = arith.extui %sign3A_998 : i1 to i32
      %sign3A_1000 = arith.constant 0 : i32
      %sign3A_1001 = arith.cmpi slt, %add3A_973, %sign3A_1000 : i32
      %sign3A_1002 = arith.extui %sign3A_1001 : i1 to i32
      %sign3A_1003 = arith.subi %sign3A_999, %sign3A_1002 : i32
      %sign3A_1004 = arith.constant 0 : i32
      %sign3A_1005 = arith.cmpi sgt, %jit3A_995, %sign3A_1004 : i32
      %sign3A_1006 = arith.extui %sign3A_1005 : i1 to i32
      %sign3A_1007 = arith.constant 0 : i32
      %sign3A_1008 = arith.cmpi slt, %jit3A_995, %sign3A_1007 : i32
      %sign3A_1009 = arith.extui %sign3A_1008 : i1 to i32
      %sign3A_1010 = arith.subi %sign3A_1006, %sign3A_1009 : i32
      %ne3A_1011 = arith.cmpi ne, %sign3A_1003, %sign3A_1010 : i32
      %rem3A_1012 = arith.remsi %add3A_973, %jit3A_995 : i32
      %ne3A_1013 = arith.constant 0 : i32
      %ne3A_1014 = arith.cmpi ne, %rem3A_1012, %ne3A_1013 : i32
      %and3A_1015 = arith.andi %ne3A_1011, %ne3A_1014 : i1
      %sub3A_1016 = arith.constant 1 : i32
      %sub3A_1017 = arith.subi %div3A_996, %sub3A_1016 : i32
      %select_n3A_1018 = arith.select %and3A_1015, %sub3A_1017, %div3A_996 : i32
      %jit3A_1019 = arith.constant 8 : i32
      %eq3A_1020 = arith.constant 0 : i32
      %eq3A_1021 = arith.cmpi eq, %jit3A_1019, %eq3A_1020 : i32
      %jit3A_1022 = arith.constant 1 : i32
      %select_n3A_1023 = arith.select %eq3A_1021, %jit3A_1022, %jit3A_1019 : i32
      %rem3A_1024 = arith.remsi %add3A_973, %select_n3A_1023 : i32
      %ne3A_1025 = arith.constant 0 : i32
      %ne3A_1026 = arith.cmpi ne, %rem3A_1024, %ne3A_1025 : i32
      %lt3A_1027 = arith.constant 0 : i32
      %lt3A_1028 = arith.cmpi slt, %rem3A_1024, %lt3A_1027 : i32
      %lt3A_1029 = arith.constant 0 : i32
      %lt3A_1030 = arith.cmpi slt, %select_n3A_1023, %lt3A_1029 : i32
      %ne3A_1031 = arith.xori %lt3A_1028, %lt3A_1030 : i1
      %and3A_1032 = arith.andi %ne3A_1031, %ne3A_1026 : i1
      %add3A_1033 = arith.addi %rem3A_1024, %select_n3A_1023 : i32
      %select_n3A_1034 = arith.select %and3A_1032, %add3A_1033, %rem3A_1024 : i32
      %add3A_1035 = arith.addi %mul3A_11, %select_n3A_1018 : i32
      %add3A_1036 = arith.addi %mul3A_34, %select_n3A_1034 : i32
      %dma_start3A_1037 = arith.constant 0 : i32
      %dma_start3A_1038 = arith.constant 0 : i32
      %dma_start3A_1039 = arith.constant 0 : i32
      %dma_start3A_1040 = arith.constant 0 : i32
      %dma_start3A_1041 = tpu.memref_slice %arg7[%dma_start3A_1037, %dma_start3A_1039, %dma_start3A_1040] : memref<2x64x129xf32, #tpu.memory_space<vmem>> -> memref<1x8x128xf32, #tpu.memory_space<vmem>>
      %dma_start3A_1042 = tpu.memref_squeeze %dma_start3A_1041 : memref<1x8x128xf32, #tpu.memory_space<vmem>> -> memref<8x128xf32, #tpu.memory_space<vmem>>
      %dma_start3A_1043 = arith.constant 0 : i32
      %dma_start3A_1044 = arith.constant 0 : i32
      %dma_start3A_1045 = tpu.memref_slice %arg4[%add3A_1035, %dma_start3A_1038, %add3A_1036, %dma_start3A_1043, %dma_start3A_1044] : memref<50x8x128x8x128xf32, #tpu.memory_space<hbm>> -> memref<1x1x1x8x128xf32, #tpu.memory_space<hbm>>
      %dma_start3A_1046 = tpu.memref_squeeze %dma_start3A_1045 : memref<1x1x1x8x128xf32, #tpu.memory_space<hbm>> -> memref<8x128xf32, #tpu.memory_space<hbm>>
      %dma_start3A_1047 = arith.constant 0 : i32
      %dma_start3A_1048 = arith.constant 0 : i32
      %dma_start3A_1049 = tpu.memref_slice %arg4[%add3A_1035, %dma_start3A_1038, %add3A_1036, %dma_start3A_1047, %dma_start3A_1048] : memref<50x8x128x8x128xf32, #tpu.memory_space<hbm>> -> memref<1x1x1x8x128xf32, #tpu.memory_space<hbm>>
      %dma_start3A_1050 = tpu.memref_squeeze %dma_start3A_1049 : memref<1x1x1x8x128xf32, #tpu.memory_space<hbm>> -> memref<8x128xf32, #tpu.memory_space<hbm>>
      %dma_start3A_1051 = arith.constant 0 : i32
      %dma_start3A_1052 = arith.constant 0 : i32
      %dma_start3A_1053 = tpu.memref_slice %arg7[%dma_start3A_1037, %dma_start3A_1051, %dma_start3A_1052] : memref<2x64x129xf32, #tpu.memory_space<vmem>> -> memref<1x8x128xf32, #tpu.memory_space<vmem>>
      %dma_start3A_1054 = tpu.memref_squeeze %dma_start3A_1053 : memref<1x8x128xf32, #tpu.memory_space<vmem>> -> memref<8x128xf32, #tpu.memory_space<vmem>>
      tpu.enqueue_dma source(%dma_start3A_1054 : memref<8x128xf32, #tpu.memory_space<vmem>>) target(%dma_start3A_1050 : memref<8x128xf32, #tpu.memory_space<hbm>>) target_semaphore(%arg11 : memref<!tpu.dma_semaphore, #tpu.memory_space<semaphore_mem>>)
      %add3A_1055 = arith.addi %mul3A_11, %select_n3A_1018 : i32
      %add3A_1056 = arith.addi %mul3A_34, %select_n3A_1034 : i32
      %dma_start3A_1057 = arith.constant 0 : i32
      %dma_start3A_1058 = arith.constant 1 : i32
      %dma_start3A_1059 = arith.constant 8 : i32
      %dma_start3A_1060 = arith.constant 0 : i32
      %dma_start3A_1061 = tpu.memref_slice %arg7[%dma_start3A_1057, %dma_start3A_1059, %dma_start3A_1060] : memref<2x64x129xf32, #tpu.memory_space<vmem>> -> memref<1x8x128xf32, #tpu.memory_space<vmem>>
      %dma_start3A_1062 = tpu.memref_squeeze %dma_start3A_1061 : memref<1x8x128xf32, #tpu.memory_space<vmem>> -> memref<8x128xf32, #tpu.memory_space<vmem>>
      %dma_start3A_1063 = arith.constant 0 : i32
      %dma_start3A_1064 = arith.constant 0 : i32
      %dma_start3A_1065 = tpu.memref_slice %arg4[%add3A_1055, %dma_start3A_1058, %add3A_1056, %dma_start3A_1063, %dma_start3A_1064] : memref<50x8x128x8x128xf32, #tpu.memory_space<hbm>> -> memref<1x1x1x8x128xf32, #tpu.memory_space<hbm>>
      %dma_start3A_1066 = tpu.memref_squeeze %dma_start3A_1065 : memref<1x1x1x8x128xf32, #tpu.memory_space<hbm>> -> memref<8x128xf32, #tpu.memory_space<hbm>>
      %dma_start3A_1067 = arith.constant 0 : i32
      %dma_start3A_1068 = arith.constant 0 : i32
      %dma_start3A_1069 = tpu.memref_slice %arg4[%add3A_1055, %dma_start3A_1058, %add3A_1056, %dma_start3A_1067, %dma_start3A_1068] : memref<50x8x128x8x128xf32, #tpu.memory_space<hbm>> -> memref<1x1x1x8x128xf32, #tpu.memory_space<hbm>>
      %dma_start3A_1070 = tpu.memref_squeeze %dma_start3A_1069 : memref<1x1x1x8x128xf32, #tpu.memory_space<hbm>> -> memref<8x128xf32, #tpu.memory_space<hbm>>
      %dma_start3A_1071 = arith.constant 8 : i32
      %dma_start3A_1072 = arith.constant 0 : i32
      %dma_start3A_1073 = tpu.memref_slice %arg7[%dma_start3A_1057, %dma_start3A_1071, %dma_start3A_1072] : memref<2x64x129xf32, #tpu.memory_space<vmem>> -> memref<1x8x128xf32, #tpu.memory_space<vmem>>
      %dma_start3A_1074 = tpu.memref_squeeze %dma_start3A_1073 : memref<1x8x128xf32, #tpu.memory_space<vmem>> -> memref<8x128xf32, #tpu.memory_space<vmem>>
      tpu.enqueue_dma source(%dma_start3A_1074 : memref<8x128xf32, #tpu.memory_space<vmem>>) target(%dma_start3A_1070 : memref<8x128xf32, #tpu.memory_space<hbm>>) target_semaphore(%arg11 : memref<!tpu.dma_semaphore, #tpu.memory_space<semaphore_mem>>)
      %add3A_1075 = arith.addi %mul3A_11, %select_n3A_1018 : i32
      %add3A_1076 = arith.addi %mul3A_34, %select_n3A_1034 : i32
      %dma_start3A_1077 = arith.constant 0 : i32
      %dma_start3A_1078 = arith.constant 2 : i32
      %dma_start3A_1079 = arith.constant 16 : i32
      %dma_start3A_1080 = arith.constant 0 : i32
      %dma_start3A_1081 = tpu.memref_slice %arg7[%dma_start3A_1077, %dma_start3A_1079, %dma_start3A_1080] : memref<2x64x129xf32, #tpu.memory_space<vmem>> -> memref<1x8x128xf32, #tpu.memory_space<vmem>>
      %dma_start3A_1082 = tpu.memref_squeeze %dma_start3A_1081 : memref<1x8x128xf32, #tpu.memory_space<vmem>> -> memref<8x128xf32, #tpu.memory_space<vmem>>
      %dma_start3A_1083 = arith.constant 0 : i32
      %dma_start3A_1084 = arith.constant 0 : i32
      %dma_start3A_1085 = tpu.memref_slice %arg4[%add3A_1075, %dma_start3A_1078, %add3A_1076, %dma_start3A_1083, %dma_start3A_1084] : memref<50x8x128x8x128xf32, #tpu.memory_space<hbm>> -> memref<1x1x1x8x128xf32, #tpu.memory_space<hbm>>
      %dma_start3A_1086 = tpu.memref_squeeze %dma_start3A_1085 : memref<1x1x1x8x128xf32, #tpu.memory_space<hbm>> -> memref<8x128xf32, #tpu.memory_space<hbm>>
      %dma_start3A_1087 = arith.constant 0 : i32
      %dma_start3A_1088 = arith.constant 0 : i32
      %dma_start3A_1089 = tpu.memref_slice %arg4[%add3A_1075, %dma_start3A_1078, %add3A_1076, %dma_start3A_1087, %dma_start3A_1088] : memref<50x8x128x8x128xf32, #tpu.memory_space<hbm>> -> memref<1x1x1x8x128xf32, #tpu.memory_space<hbm>>
      %dma_start3A_1090 = tpu.memref_squeeze %dma_start3A_1089 : memref<1x1x1x8x128xf32, #tpu.memory_space<hbm>> -> memref<8x128xf32, #tpu.memory_space<hbm>>
      %dma_start3A_1091 = arith.constant 16 : i32
      %dma_start3A_1092 = arith.constant 0 : i32
      %dma_start3A_1093 = tpu.memref_slice %arg7[%dma_start3A_1077, %dma_start3A_1091, %dma_start3A_1092] : memref<2x64x129xf32, #tpu.memory_space<vmem>> -> memref<1x8x128xf32, #tpu.memory_space<vmem>>
      %dma_start3A_1094 = tpu.memref_squeeze %dma_start3A_1093 : memref<1x8x128xf32, #tpu.memory_space<vmem>> -> memref<8x128xf32, #tpu.memory_space<vmem>>
      tpu.enqueue_dma source(%dma_start3A_1094 : memref<8x128xf32, #tpu.memory_space<vmem>>) target(%dma_start3A_1090 : memref<8x128xf32, #tpu.memory_space<hbm>>) target_semaphore(%arg11 : memref<!tpu.dma_semaphore, #tpu.memory_space<semaphore_mem>>)
      %add3A_1095 = arith.addi %mul3A_11, %select_n3A_1018 : i32
      %add3A_1096 = arith.addi %mul3A_34, %select_n3A_1034 : i32
      %dma_start3A_1097 = arith.constant 0 : i32
      %dma_start3A_1098 = arith.constant 3 : i32
      %dma_start3A_1099 = arith.constant 24 : i32
      %dma_start3A_1100 = arith.constant 0 : i32
      %dma_start3A_1101 = tpu.memref_slice %arg7[%dma_start3A_1097, %dma_start3A_1099, %dma_start3A_1100] : memref<2x64x129xf32, #tpu.memory_space<vmem>> -> memref<1x8x128xf32, #tpu.memory_space<vmem>>
      %dma_start3A_1102 = tpu.memref_squeeze %dma_start3A_1101 : memref<1x8x128xf32, #tpu.memory_space<vmem>> -> memref<8x128xf32, #tpu.memory_space<vmem>>
      %dma_start3A_1103 = arith.constant 0 : i32
      %dma_start3A_1104 = arith.constant 0 : i32
      %dma_start3A_1105 = tpu.memref_slice %arg4[%add3A_1095, %dma_start3A_1098, %add3A_1096, %dma_start3A_1103, %dma_start3A_1104] : memref<50x8x128x8x128xf32, #tpu.memory_space<hbm>> -> memref<1x1x1x8x128xf32, #tpu.memory_space<hbm>>
      %dma_start3A_1106 = tpu.memref_squeeze %dma_start3A_1105 : memref<1x1x1x8x128xf32, #tpu.memory_space<hbm>> -> memref<8x128xf32, #tpu.memory_space<hbm>>
      %dma_start3A_1107 = arith.constant 0 : i32
      %dma_start3A_1108 = arith.constant 0 : i32
      %dma_start3A_1109 = tpu.memref_slice %arg4[%add3A_1095, %dma_start3A_1098, %add3A_1096, %dma_start3A_1107, %dma_start3A_1108] : memref<50x8x128x8x128xf32, #tpu.memory_space<hbm>> -> memref<1x1x1x8x128xf32, #tpu.memory_space<hbm>>
      %dma_start3A_1110 = tpu.memref_squeeze %dma_start3A_1109 : memref<1x1x1x8x128xf32, #tpu.memory_space<hbm>> -> memref<8x128xf32, #tpu.memory_space<hbm>>
      %dma_start3A_1111 = arith.constant 24 : i32
      %dma_start3A_1112 = arith.constant 0 : i32
      %dma_start3A_1113 = tpu.memref_slice %arg7[%dma_start3A_1097, %dma_start3A_1111, %dma_start3A_1112] : memref<2x64x129xf32, #tpu.memory_space<vmem>> -> memref<1x8x128xf32, #tpu.memory_space<vmem>>
      %dma_start3A_1114 = tpu.memref_squeeze %dma_start3A_1113 : memref<1x8x128xf32, #tpu.memory_space<vmem>> -> memref<8x128xf32, #tpu.memory_space<vmem>>
      tpu.enqueue_dma source(%dma_start3A_1114 : memref<8x128xf32, #tpu.memory_space<vmem>>) target(%dma_start3A_1110 : memref<8x128xf32, #tpu.memory_space<hbm>>) target_semaphore(%arg11 : memref<!tpu.dma_semaphore, #tpu.memory_space<semaphore_mem>>)
      %add3A_1115 = arith.addi %mul3A_11, %select_n3A_1018 : i32
      %add3A_1116 = arith.addi %mul3A_34, %select_n3A_1034 : i32
      %dma_start3A_1117 = arith.constant 0 : i32
      %dma_start3A_1118 = arith.constant 4 : i32
      %dma_start3A_1119 = arith.constant 32 : i32
      %dma_start3A_1120 = arith.constant 0 : i32
      %dma_start3A_1121 = tpu.memref_slice %arg7[%dma_start3A_1117, %dma_start3A_1119, %dma_start3A_1120] : memref<2x64x129xf32, #tpu.memory_space<vmem>> -> memref<1x8x128xf32, #tpu.memory_space<vmem>>
      %dma_start3A_1122 = tpu.memref_squeeze %dma_start3A_1121 : memref<1x8x128xf32, #tpu.memory_space<vmem>> -> memref<8x128xf32, #tpu.memory_space<vmem>>
      %dma_start3A_1123 = arith.constant 0 : i32
      %dma_start3A_1124 = arith.constant 0 : i32
      %dma_start3A_1125 = tpu.memref_slice %arg4[%add3A_1115, %dma_start3A_1118, %add3A_1116, %dma_start3A_1123, %dma_start3A_1124] : memref<50x8x128x8x128xf32, #tpu.memory_space<hbm>> -> memref<1x1x1x8x128xf32, #tpu.memory_space<hbm>>
      %dma_start3A_1126 = tpu.memref_squeeze %dma_start3A_1125 : memref<1x1x1x8x128xf32, #tpu.memory_space<hbm>> -> memref<8x128xf32, #tpu.memory_space<hbm>>
      %dma_start3A_1127 = arith.constant 0 : i32
      %dma_start3A_1128 = arith.constant 0 : i32
      %dma_start3A_1129 = tpu.memref_slice %arg4[%add3A_1115, %dma_start3A_1118, %add3A_1116, %dma_start3A_1127, %dma_start3A_1128] : memref<50x8x128x8x128xf32, #tpu.memory_space<hbm>> -> memref<1x1x1x8x128xf32, #tpu.memory_space<hbm>>
      %dma_start3A_1130 = tpu.memref_squeeze %dma_start3A_1129 : memref<1x1x1x8x128xf32, #tpu.memory_space<hbm>> -> memref<8x128xf32, #tpu.memory_space<hbm>>
      %dma_start3A_1131 = arith.constant 32 : i32
      %dma_start3A_1132 = arith.constant 0 : i32
      %dma_start3A_1133 = tpu.memref_slice %arg7[%dma_start3A_1117, %dma_start3A_1131, %dma_start3A_1132] : memref<2x64x129xf32, #tpu.memory_space<vmem>> -> memref<1x8x128xf32, #tpu.memory_space<vmem>>
      %dma_start3A_1134 = tpu.memref_squeeze %dma_start3A_1133 : memref<1x8x128xf32, #tpu.memory_space<vmem>> -> memref<8x128xf32, #tpu.memory_space<vmem>>
      tpu.enqueue_dma source(%dma_start3A_1134 : memref<8x128xf32, #tpu.memory_space<vmem>>) target(%dma_start3A_1130 : memref<8x128xf32, #tpu.memory_space<hbm>>) target_semaphore(%arg11 : memref<!tpu.dma_semaphore, #tpu.memory_space<semaphore_mem>>)
      %add3A_1135 = arith.addi %mul3A_11, %select_n3A_1018 : i32
      %add3A_1136 = arith.addi %mul3A_34, %select_n3A_1034 : i32
      %dma_start3A_1137 = arith.constant 0 : i32
      %dma_start3A_1138 = arith.constant 5 : i32
      %dma_start3A_1139 = arith.constant 40 : i32
      %dma_start3A_1140 = arith.constant 0 : i32
      %dma_start3A_1141 = tpu.memref_slice %arg7[%dma_start3A_1137, %dma_start3A_1139, %dma_start3A_1140] : memref<2x64x129xf32, #tpu.memory_space<vmem>> -> memref<1x8x128xf32, #tpu.memory_space<vmem>>
      %dma_start3A_1142 = tpu.memref_squeeze %dma_start3A_1141 : memref<1x8x128xf32, #tpu.memory_space<vmem>> -> memref<8x128xf32, #tpu.memory_space<vmem>>
      %dma_start3A_1143 = arith.constant 0 : i32
      %dma_start3A_1144 = arith.constant 0 : i32
      %dma_start3A_1145 = tpu.memref_slice %arg4[%add3A_1135, %dma_start3A_1138, %add3A_1136, %dma_start3A_1143, %dma_start3A_1144] : memref<50x8x128x8x128xf32, #tpu.memory_space<hbm>> -> memref<1x1x1x8x128xf32, #tpu.memory_space<hbm>>
      %dma_start3A_1146 = tpu.memref_squeeze %dma_start3A_1145 : memref<1x1x1x8x128xf32, #tpu.memory_space<hbm>> -> memref<8x128xf32, #tpu.memory_space<hbm>>
      %dma_start3A_1147 = arith.constant 0 : i32
      %dma_start3A_1148 = arith.constant 0 : i32
      %dma_start3A_1149 = tpu.memref_slice %arg4[%add3A_1135, %dma_start3A_1138, %add3A_1136, %dma_start3A_1147, %dma_start3A_1148] : memref<50x8x128x8x128xf32, #tpu.memory_space<hbm>> -> memref<1x1x1x8x128xf32, #tpu.memory_space<hbm>>
      %dma_start3A_1150 = tpu.memref_squeeze %dma_start3A_1149 : memref<1x1x1x8x128xf32, #tpu.memory_space<hbm>> -> memref<8x128xf32, #tpu.memory_space<hbm>>
      %dma_start3A_1151 = arith.constant 40 : i32
      %dma_start3A_1152 = arith.constant 0 : i32
      %dma_start3A_1153 = tpu.memref_slice %arg7[%dma_start3A_1137, %dma_start3A_1151, %dma_start3A_1152] : memref<2x64x129xf32, #tpu.memory_space<vmem>> -> memref<1x8x128xf32, #tpu.memory_space<vmem>>
      %dma_start3A_1154 = tpu.memref_squeeze %dma_start3A_1153 : memref<1x8x128xf32, #tpu.memory_space<vmem>> -> memref<8x128xf32, #tpu.memory_space<vmem>>
      tpu.enqueue_dma source(%dma_start3A_1154 : memref<8x128xf32, #tpu.memory_space<vmem>>) target(%dma_start3A_1150 : memref<8x128xf32, #tpu.memory_space<hbm>>) target_semaphore(%arg11 : memref<!tpu.dma_semaphore, #tpu.memory_space<semaphore_mem>>)
      %add3A_1155 = arith.addi %mul3A_11, %select_n3A_1018 : i32
      %add3A_1156 = arith.addi %mul3A_34, %select_n3A_1034 : i32
      %dma_start3A_1157 = arith.constant 0 : i32
      %dma_start3A_1158 = arith.constant 6 : i32
      %dma_start3A_1159 = arith.constant 48 : i32
      %dma_start3A_1160 = arith.constant 0 : i32
      %dma_start3A_1161 = tpu.memref_slice %arg7[%dma_start3A_1157, %dma_start3A_1159, %dma_start3A_1160] : memref<2x64x129xf32, #tpu.memory_space<vmem>> -> memref<1x8x128xf32, #tpu.memory_space<vmem>>
      %dma_start3A_1162 = tpu.memref_squeeze %dma_start3A_1161 : memref<1x8x128xf32, #tpu.memory_space<vmem>> -> memref<8x128xf32, #tpu.memory_space<vmem>>
      %dma_start3A_1163 = arith.constant 0 : i32
      %dma_start3A_1164 = arith.constant 0 : i32
      %dma_start3A_1165 = tpu.memref_slice %arg4[%add3A_1155, %dma_start3A_1158, %add3A_1156, %dma_start3A_1163, %dma_start3A_1164] : memref<50x8x128x8x128xf32, #tpu.memory_space<hbm>> -> memref<1x1x1x8x128xf32, #tpu.memory_space<hbm>>
      %dma_start3A_1166 = tpu.memref_squeeze %dma_start3A_1165 : memref<1x1x1x8x128xf32, #tpu.memory_space<hbm>> -> memref<8x128xf32, #tpu.memory_space<hbm>>
      %dma_start3A_1167 = arith.constant 0 : i32
      %dma_start3A_1168 = arith.constant 0 : i32
      %dma_start3A_1169 = tpu.memref_slice %arg4[%add3A_1155, %dma_start3A_1158, %add3A_1156, %dma_start3A_1167, %dma_start3A_1168] : memref<50x8x128x8x128xf32, #tpu.memory_space<hbm>> -> memref<1x1x1x8x128xf32, #tpu.memory_space<hbm>>
      %dma_start3A_1170 = tpu.memref_squeeze %dma_start3A_1169 : memref<1x1x1x8x128xf32, #tpu.memory_space<hbm>> -> memref<8x128xf32, #tpu.memory_space<hbm>>
      %dma_start3A_1171 = arith.constant 48 : i32
      %dma_start3A_1172 = arith.constant 0 : i32
      %dma_start3A_1173 = tpu.memref_slice %arg7[%dma_start3A_1157, %dma_start3A_1171, %dma_start3A_1172] : memref<2x64x129xf32, #tpu.memory_space<vmem>> -> memref<1x8x128xf32, #tpu.memory_space<vmem>>
      %dma_start3A_1174 = tpu.memref_squeeze %dma_start3A_1173 : memref<1x8x128xf32, #tpu.memory_space<vmem>> -> memref<8x128xf32, #tpu.memory_space<vmem>>
      tpu.enqueue_dma source(%dma_start3A_1174 : memref<8x128xf32, #tpu.memory_space<vmem>>) target(%dma_start3A_1170 : memref<8x128xf32, #tpu.memory_space<hbm>>) target_semaphore(%arg11 : memref<!tpu.dma_semaphore, #tpu.memory_space<semaphore_mem>>)
      %add3A_1175 = arith.addi %mul3A_11, %select_n3A_1018 : i32
      %add3A_1176 = arith.addi %mul3A_34, %select_n3A_1034 : i32
      %dma_start3A_1177 = arith.constant 0 : i32
      %dma_start3A_1178 = arith.constant 7 : i32
      %dma_start3A_1179 = arith.constant 56 : i32
      %dma_start3A_1180 = arith.constant 0 : i32
      %dma_start3A_1181 = tpu.memref_slice %arg7[%dma_start3A_1177, %dma_start3A_1179, %dma_start3A_1180] : memref<2x64x129xf32, #tpu.memory_space<vmem>> -> memref<1x8x128xf32, #tpu.memory_space<vmem>>
      %dma_start3A_1182 = tpu.memref_squeeze %dma_start3A_1181 : memref<1x8x128xf32, #tpu.memory_space<vmem>> -> memref<8x128xf32, #tpu.memory_space<vmem>>
      %dma_start3A_1183 = arith.constant 0 : i32
      %dma_start3A_1184 = arith.constant 0 : i32
      %dma_start3A_1185 = tpu.memref_slice %arg4[%add3A_1175, %dma_start3A_1178, %add3A_1176, %dma_start3A_1183, %dma_start3A_1184] : memref<50x8x128x8x128xf32, #tpu.memory_space<hbm>> -> memref<1x1x1x8x128xf32, #tpu.memory_space<hbm>>
      %dma_start3A_1186 = tpu.memref_squeeze %dma_start3A_1185 : memref<1x1x1x8x128xf32, #tpu.memory_space<hbm>> -> memref<8x128xf32, #tpu.memory_space<hbm>>
      %dma_start3A_1187 = arith.constant 0 : i32
      %dma_start3A_1188 = arith.constant 0 : i32
      %dma_start3A_1189 = tpu.memref_slice %arg4[%add3A_1175, %dma_start3A_1178, %add3A_1176, %dma_start3A_1187, %dma_start3A_1188] : memref<50x8x128x8x128xf32, #tpu.memory_space<hbm>> -> memref<1x1x1x8x128xf32, #tpu.memory_space<hbm>>
      %dma_start3A_1190 = tpu.memref_squeeze %dma_start3A_1189 : memref<1x1x1x8x128xf32, #tpu.memory_space<hbm>> -> memref<8x128xf32, #tpu.memory_space<hbm>>
      %dma_start3A_1191 = arith.constant 56 : i32
      %dma_start3A_1192 = arith.constant 0 : i32
      %dma_start3A_1193 = tpu.memref_slice %arg7[%dma_start3A_1177, %dma_start3A_1191, %dma_start3A_1192] : memref<2x64x129xf32, #tpu.memory_space<vmem>> -> memref<1x8x128xf32, #tpu.memory_space<vmem>>
      %dma_start3A_1194 = tpu.memref_squeeze %dma_start3A_1193 : memref<1x8x128xf32, #tpu.memory_space<vmem>> -> memref<8x128xf32, #tpu.memory_space<vmem>>
      tpu.enqueue_dma source(%dma_start3A_1194 : memref<8x128xf32, #tpu.memory_space<vmem>>) target(%dma_start3A_1190 : memref<8x128xf32, #tpu.memory_space<hbm>>) target_semaphore(%arg11 : memref<!tpu.dma_semaphore, #tpu.memory_space<semaphore_mem>>)
      %add3A_1195 = arith.constant 1 : i32
      %add3A_1196 = arith.addi %add3A_971, %add3A_1195 : i32
      %dma_wait3A_1197 = arith.constant 1 : i32
      %dma_wait3A_1198 = arith.constant 0 : i32
      %dma_wait3A_1199 = arith.constant 0 : i32
      %dma_wait3A_1200 = tpu.memref_slice %arg6[%dma_wait3A_1197, %dma_wait3A_1198, %dma_wait3A_1199] : memref<2x128x64xf32, #tpu.memory_space<vmem>> -> memref<1x128x64xf32, #tpu.memory_space<vmem>>
      %dma_wait3A_1201 = tpu.memref_squeeze %dma_wait3A_1200 : memref<1x128x64xf32, #tpu.memory_space<vmem>> -> memref<128x64xf32, #tpu.memory_space<vmem>>
      %dma_wait3A_1202 = arith.constant 0 : i32
      %dma_wait3A_1203 = tpu.memref_slice %arg5[%dma_wait3A_1202] : memref<25600xi32, #tpu.memory_space<vmem>> -> memref<128xi32, #tpu.memory_space<vmem>>
      %dma_wait3A_1204 = arith.constant 0 : i32
      %dma_wait3A_1205 = arith.constant 0 : i32
      %dma_wait3A_1206 = tpu.memref_slice %arg3[%dma_wait3A_1204, %dma_wait3A_1205] : memref<1000000x64xf32, #tpu.memory_space<hbm>> -> memref<1000000x64xf32, #tpu.memory_space<hbm>>
      tpu.wait_indirect_dma semaphore(%arg10 : memref<!tpu.dma_semaphore, #tpu.memory_space<semaphore_mem>>) src(%dma_wait3A_1206 : memref<1000000x64xf32, #tpu.memory_space<hbm>>) dst(%dma_wait3A_1201 : memref<128x64xf32, #tpu.memory_space<vmem>>)
      %ge3A_1207 = arith.constant 2 : i32
      %ge3A_1208 = arith.cmpi sge, %add3A_1196, %ge3A_1207 : i32
      %convert_element_type3A_1209 = arith.extui %ge3A_1208 : i1 to i32
      %cond3A_1210 = arith.constant 0 : i32
      %cond3A_1211 = arith.cmpi ne, %convert_element_type3A_1209, %cond3A_1210 : i32
      scf.if %cond3A_1211 {
        %dma_wait3A_1422 = arith.constant 1 : i32
        %dma_wait3A_1423 = arith.constant 0 : i32
        %dma_wait3A_1424 = arith.constant 0 : i32
        %dma_wait3A_1425 = arith.constant 0 : i32
        %dma_wait3A_1426 = arith.constant 0 : i32
        %dma_wait3A_1427 = arith.constant 0 : i32
        %dma_wait3A_1428 = tpu.memref_slice %arg7[%dma_wait3A_1422, %dma_wait3A_1426, %dma_wait3A_1427] : memref<2x64x129xf32, #tpu.memory_space<vmem>> -> memref<1x8x128xf32, #tpu.memory_space<vmem>>
        %dma_wait3A_1429 = tpu.memref_squeeze %dma_wait3A_1428 : memref<1x8x128xf32, #tpu.memory_space<vmem>> -> memref<8x128xf32, #tpu.memory_space<vmem>>
        %dma_wait3A_1430 = arith.constant 0 : i32
        %dma_wait3A_1431 = arith.constant 0 : i32
        %dma_wait3A_1432 = tpu.memref_slice %arg4[%dma_wait3A_1423, %dma_wait3A_1424, %dma_wait3A_1425, %dma_wait3A_1430, %dma_wait3A_1431] : memref<50x8x128x8x128xf32, #tpu.memory_space<hbm>> -> memref<1x1x1x8x128xf32, #tpu.memory_space<hbm>>
        %dma_wait3A_1433 = tpu.memref_squeeze %dma_wait3A_1432 : memref<1x1x1x8x128xf32, #tpu.memory_space<hbm>> -> memref<8x128xf32, #tpu.memory_space<hbm>>
        %dma_wait3A_1434 = arith.constant 0 : i32
        %dma_wait3A_1435 = arith.constant 0 : i32
        %dma_wait3A_1436 = tpu.memref_slice %arg4[%dma_wait3A_1423, %dma_wait3A_1424, %dma_wait3A_1425, %dma_wait3A_1434, %dma_wait3A_1435] : memref<50x8x128x8x128xf32, #tpu.memory_space<hbm>> -> memref<1x1x1x8x128xf32, #tpu.memory_space<hbm>>
        %dma_wait3A_1437 = tpu.memref_squeeze %dma_wait3A_1436 : memref<1x1x1x8x128xf32, #tpu.memory_space<hbm>> -> memref<8x128xf32, #tpu.memory_space<hbm>>
        %dma_wait3A_1438 = arith.constant 0 : i32
        %dma_wait3A_1439 = arith.constant 0 : i32
        %dma_wait3A_1440 = tpu.memref_slice %arg7[%dma_wait3A_1422, %dma_wait3A_1438, %dma_wait3A_1439] : memref<2x64x129xf32, #tpu.memory_space<vmem>> -> memref<1x8x128xf32, #tpu.memory_space<vmem>>
        %dma_wait3A_1441 = tpu.memref_squeeze %dma_wait3A_1440 : memref<1x8x128xf32, #tpu.memory_space<vmem>> -> memref<8x128xf32, #tpu.memory_space<vmem>>
        tpu.wait_dma2 semaphore(%arg12 : memref<!tpu.dma_semaphore, #tpu.memory_space<semaphore_mem>>) src(%dma_wait3A_1441 : memref<8x128xf32, #tpu.memory_space<vmem>>) dst(%dma_wait3A_1437 : memref<8x128xf32, #tpu.memory_space<hbm>>)
        %dma_wait3A_1442 = arith.constant 1 : i32
        %dma_wait3A_1443 = arith.constant 0 : i32
        %dma_wait3A_1444 = arith.constant 0 : i32
        %dma_wait3A_1445 = arith.constant 0 : i32
        %dma_wait3A_1446 = arith.constant 0 : i32
        %dma_wait3A_1447 = arith.constant 0 : i32
        %dma_wait3A_1448 = tpu.memref_slice %arg7[%dma_wait3A_1442, %dma_wait3A_1446, %dma_wait3A_1447] : memref<2x64x129xf32, #tpu.memory_space<vmem>> -> memref<1x8x128xf32, #tpu.memory_space<vmem>>
        %dma_wait3A_1449 = tpu.memref_squeeze %dma_wait3A_1448 : memref<1x8x128xf32, #tpu.memory_space<vmem>> -> memref<8x128xf32, #tpu.memory_space<vmem>>
        %dma_wait3A_1450 = arith.constant 0 : i32
        %dma_wait3A_1451 = arith.constant 0 : i32
        %dma_wait3A_1452 = tpu.memref_slice %arg4[%dma_wait3A_1443, %dma_wait3A_1444, %dma_wait3A_1445, %dma_wait3A_1450, %dma_wait3A_1451] : memref<50x8x128x8x128xf32, #tpu.memory_space<hbm>> -> memref<1x1x1x8x128xf32, #tpu.memory_space<hbm>>
        %dma_wait3A_1453 = tpu.memref_squeeze %dma_wait3A_1452 : memref<1x1x1x8x128xf32, #tpu.memory_space<hbm>> -> memref<8x128xf32, #tpu.memory_space<hbm>>
        %dma_wait3A_1454 = arith.constant 0 : i32
        %dma_wait3A_1455 = arith.constant 0 : i32
        %dma_wait3A_1456 = tpu.memref_slice %arg4[%dma_wait3A_1443, %dma_wait3A_1444, %dma_wait3A_1445, %dma_wait3A_1454, %dma_wait3A_1455] : memref<50x8x128x8x128xf32, #tpu.memory_space<hbm>> -> memref<1x1x1x8x128xf32, #tpu.memory_space<hbm>>
        %dma_wait3A_1457 = tpu.memref_squeeze %dma_wait3A_1456 : memref<1x1x1x8x128xf32, #tpu.memory_space<hbm>> -> memref<8x128xf32, #tpu.memory_space<hbm>>
        %dma_wait3A_1458 = arith.constant 0 : i32
        %dma_wait3A_1459 = arith.constant 0 : i32
        %dma_wait3A_1460 = tpu.memref_slice %arg7[%dma_wait3A_1442, %dma_wait3A_1458, %dma_wait3A_1459] : memref<2x64x129xf32, #tpu.memory_space<vmem>> -> memref<1x8x128xf32, #tpu.memory_space<vmem>>
        %dma_wait3A_1461 = tpu.memref_squeeze %dma_wait3A_1460 : memref<1x8x128xf32, #tpu.memory_space<vmem>> -> memref<8x128xf32, #tpu.memory_space<vmem>>
        tpu.wait_dma2 semaphore(%arg12 : memref<!tpu.dma_semaphore, #tpu.memory_space<semaphore_mem>>) src(%dma_wait3A_1461 : memref<8x128xf32, #tpu.memory_space<vmem>>) dst(%dma_wait3A_1457 : memref<8x128xf32, #tpu.memory_space<hbm>>)
        %dma_wait3A_1462 = arith.constant 1 : i32
        %dma_wait3A_1463 = arith.constant 0 : i32
        %dma_wait3A_1464 = arith.constant 0 : i32
        %dma_wait3A_1465 = arith.constant 0 : i32
        %dma_wait3A_1466 = arith.constant 0 : i32
        %dma_wait3A_1467 = arith.constant 0 : i32
        %dma_wait3A_1468 = tpu.memref_slice %arg7[%dma_wait3A_1462, %dma_wait3A_1466, %dma_wait3A_1467] : memref<2x64x129xf32, #tpu.memory_space<vmem>> -> memref<1x8x128xf32, #tpu.memory_space<vmem>>
        %dma_wait3A_1469 = tpu.memref_squeeze %dma_wait3A_1468 : memref<1x8x128xf32, #tpu.memory_space<vmem>> -> memref<8x128xf32, #tpu.memory_space<vmem>>
        %dma_wait3A_1470 = arith.constant 0 : i32
        %dma_wait3A_1471 = arith.constant 0 : i32
        %dma_wait3A_1472 = tpu.memref_slice %arg4[%dma_wait3A_1463, %dma_wait3A_1464, %dma_wait3A_1465, %dma_wait3A_1470, %dma_wait3A_1471] : memref<50x8x128x8x128xf32, #tpu.memory_space<hbm>> -> memref<1x1x1x8x128xf32, #tpu.memory_space<hbm>>
        %dma_wait3A_1473 = tpu.memref_squeeze %dma_wait3A_1472 : memref<1x1x1x8x128xf32, #tpu.memory_space<hbm>> -> memref<8x128xf32, #tpu.memory_space<hbm>>
        %dma_wait3A_1474 = arith.constant 0 : i32
        %dma_wait3A_1475 = arith.constant 0 : i32
        %dma_wait3A_1476 = tpu.memref_slice %arg4[%dma_wait3A_1463, %dma_wait3A_1464, %dma_wait3A_1465, %dma_wait3A_1474, %dma_wait3A_1475] : memref<50x8x128x8x128xf32, #tpu.memory_space<hbm>> -> memref<1x1x1x8x128xf32, #tpu.memory_space<hbm>>
        %dma_wait3A_1477 = tpu.memref_squeeze %dma_wait3A_1476 : memref<1x1x1x8x128xf32, #tpu.memory_space<hbm>> -> memref<8x128xf32, #tpu.memory_space<hbm>>
        %dma_wait3A_1478 = arith.constant 0 : i32
        %dma_wait3A_1479 = arith.constant 0 : i32
        %dma_wait3A_1480 = tpu.memref_slice %arg7[%dma_wait3A_1462, %dma_wait3A_1478, %dma_wait3A_1479] : memref<2x64x129xf32, #tpu.memory_space<vmem>> -> memref<1x8x128xf32, #tpu.memory_space<vmem>>
        %dma_wait3A_1481 = tpu.memref_squeeze %dma_wait3A_1480 : memref<1x8x128xf32, #tpu.memory_space<vmem>> -> memref<8x128xf32, #tpu.memory_space<vmem>>
        tpu.wait_dma2 semaphore(%arg12 : memref<!tpu.dma_semaphore, #tpu.memory_space<semaphore_mem>>) src(%dma_wait3A_1481 : memref<8x128xf32, #tpu.memory_space<vmem>>) dst(%dma_wait3A_1477 : memref<8x128xf32, #tpu.memory_space<hbm>>)
        %dma_wait3A_1482 = arith.constant 1 : i32
        %dma_wait3A_1483 = arith.constant 0 : i32
        %dma_wait3A_1484 = arith.constant 0 : i32
        %dma_wait3A_1485 = arith.constant 0 : i32
        %dma_wait3A_1486 = arith.constant 0 : i32
        %dma_wait3A_1487 = arith.constant 0 : i32
        %dma_wait3A_1488 = tpu.memref_slice %arg7[%dma_wait3A_1482, %dma_wait3A_1486, %dma_wait3A_1487] : memref<2x64x129xf32, #tpu.memory_space<vmem>> -> memref<1x8x128xf32, #tpu.memory_space<vmem>>
        %dma_wait3A_1489 = tpu.memref_squeeze %dma_wait3A_1488 : memref<1x8x128xf32, #tpu.memory_space<vmem>> -> memref<8x128xf32, #tpu.memory_space<vmem>>
        %dma_wait3A_1490 = arith.constant 0 : i32
        %dma_wait3A_1491 = arith.constant 0 : i32
        %dma_wait3A_1492 = tpu.memref_slice %arg4[%dma_wait3A_1483, %dma_wait3A_1484, %dma_wait3A_1485, %dma_wait3A_1490, %dma_wait3A_1491] : memref<50x8x128x8x128xf32, #tpu.memory_space<hbm>> -> memref<1x1x1x8x128xf32, #tpu.memory_space<hbm>>
        %dma_wait3A_1493 = tpu.memref_squeeze %dma_wait3A_1492 : memref<1x1x1x8x128xf32, #tpu.memory_space<hbm>> -> memref<8x128xf32, #tpu.memory_space<hbm>>
        %dma_wait3A_1494 = arith.constant 0 : i32
        %dma_wait3A_1495 = arith.constant 0 : i32
        %dma_wait3A_1496 = tpu.memref_slice %arg4[%dma_wait3A_1483, %dma_wait3A_1484, %dma_wait3A_1485, %dma_wait3A_1494, %dma_wait3A_1495] : memref<50x8x128x8x128xf32, #tpu.memory_space<hbm>> -> memref<1x1x1x8x128xf32, #tpu.memory_space<hbm>>
        %dma_wait3A_1497 = tpu.memref_squeeze %dma_wait3A_1496 : memref<1x1x1x8x128xf32, #tpu.memory_space<hbm>> -> memref<8x128xf32, #tpu.memory_space<hbm>>
        %dma_wait3A_1498 = arith.constant 0 : i32
        %dma_wait3A_1499 = arith.constant 0 : i32
        %dma_wait3A_1500 = tpu.memref_slice %arg7[%dma_wait3A_1482, %dma_wait3A_1498, %dma_wait3A_1499] : memref<2x64x129xf32, #tpu.memory_space<vmem>> -> memref<1x8x128xf32, #tpu.memory_space<vmem>>
        %dma_wait3A_1501 = tpu.memref_squeeze %dma_wait3A_1500 : memref<1x8x128xf32, #tpu.memory_space<vmem>> -> memref<8x128xf32, #tpu.memory_space<vmem>>
        tpu.wait_dma2 semaphore(%arg12 : memref<!tpu.dma_semaphore, #tpu.memory_space<semaphore_mem>>) src(%dma_wait3A_1501 : memref<8x128xf32, #tpu.memory_space<vmem>>) dst(%dma_wait3A_1497 : memref<8x128xf32, #tpu.memory_space<hbm>>)
        %dma_wait3A_1502 = arith.constant 1 : i32
        %dma_wait3A_1503 = arith.constant 0 : i32
        %dma_wait3A_1504 = arith.constant 0 : i32
        %dma_wait3A_1505 = arith.constant 0 : i32
        %dma_wait3A_1506 = arith.constant 0 : i32
        %dma_wait3A_1507 = arith.constant 0 : i32
        %dma_wait3A_1508 = tpu.memref_slice %arg7[%dma_wait3A_1502, %dma_wait3A_1506, %dma_wait3A_1507] : memref<2x64x129xf32, #tpu.memory_space<vmem>> -> memref<1x8x128xf32, #tpu.memory_space<vmem>>
        %dma_wait3A_1509 = tpu.memref_squeeze %dma_wait3A_1508 : memref<1x8x128xf32, #tpu.memory_space<vmem>> -> memref<8x128xf32, #tpu.memory_space<vmem>>
        %dma_wait3A_1510 = arith.constant 0 : i32
        %dma_wait3A_1511 = arith.constant 0 : i32
        %dma_wait3A_1512 = tpu.memref_slice %arg4[%dma_wait3A_1503, %dma_wait3A_1504, %dma_wait3A_1505, %dma_wait3A_1510, %dma_wait3A_1511] : memref<50x8x128x8x128xf32, #tpu.memory_space<hbm>> -> memref<1x1x1x8x128xf32, #tpu.memory_space<hbm>>
        %dma_wait3A_1513 = tpu.memref_squeeze %dma_wait3A_1512 : memref<1x1x1x8x128xf32, #tpu.memory_space<hbm>> -> memref<8x128xf32, #tpu.memory_space<hbm>>
        %dma_wait3A_1514 = arith.constant 0 : i32
        %dma_wait3A_1515 = arith.constant 0 : i32
        %dma_wait3A_1516 = tpu.memref_slice %arg4[%dma_wait3A_1503, %dma_wait3A_1504, %dma_wait3A_1505, %dma_wait3A_1514, %dma_wait3A_1515] : memref<50x8x128x8x128xf32, #tpu.memory_space<hbm>> -> memref<1x1x1x8x128xf32, #tpu.memory_space<hbm>>
        %dma_wait3A_1517 = tpu.memref_squeeze %dma_wait3A_1516 : memref<1x1x1x8x128xf32, #tpu.memory_space<hbm>> -> memref<8x128xf32, #tpu.memory_space<hbm>>
        %dma_wait3A_1518 = arith.constant 0 : i32
        %dma_wait3A_1519 = arith.constant 0 : i32
        %dma_wait3A_1520 = tpu.memref_slice %arg7[%dma_wait3A_1502, %dma_wait3A_1518, %dma_wait3A_1519] : memref<2x64x129xf32, #tpu.memory_space<vmem>> -> memref<1x8x128xf32, #tpu.memory_space<vmem>>
        %dma_wait3A_1521 = tpu.memref_squeeze %dma_wait3A_1520 : memref<1x8x128xf32, #tpu.memory_space<vmem>> -> memref<8x128xf32, #tpu.memory_space<vmem>>
        tpu.wait_dma2 semaphore(%arg12 : memref<!tpu.dma_semaphore, #tpu.memory_space<semaphore_mem>>) src(%dma_wait3A_1521 : memref<8x128xf32, #tpu.memory_space<vmem>>) dst(%dma_wait3A_1517 : memref<8x128xf32, #tpu.memory_space<hbm>>)
        %dma_wait3A_1522 = arith.constant 1 : i32
        %dma_wait3A_1523 = arith.constant 0 : i32
        %dma_wait3A_1524 = arith.constant 0 : i32
        %dma_wait3A_1525 = arith.constant 0 : i32
        %dma_wait3A_1526 = arith.constant 0 : i32
        %dma_wait3A_1527 = arith.constant 0 : i32
        %dma_wait3A_1528 = tpu.memref_slice %arg7[%dma_wait3A_1522, %dma_wait3A_1526, %dma_wait3A_1527] : memref<2x64x129xf32, #tpu.memory_space<vmem>> -> memref<1x8x128xf32, #tpu.memory_space<vmem>>
        %dma_wait3A_1529 = tpu.memref_squeeze %dma_wait3A_1528 : memref<1x8x128xf32, #tpu.memory_space<vmem>> -> memref<8x128xf32, #tpu.memory_space<vmem>>
        %dma_wait3A_1530 = arith.constant 0 : i32
        %dma_wait3A_1531 = arith.constant 0 : i32
        %dma_wait3A_1532 = tpu.memref_slice %arg4[%dma_wait3A_1523, %dma_wait3A_1524, %dma_wait3A_1525, %dma_wait3A_1530, %dma_wait3A_1531] : memref<50x8x128x8x128xf32, #tpu.memory_space<hbm>> -> memref<1x1x1x8x128xf32, #tpu.memory_space<hbm>>
        %dma_wait3A_1533 = tpu.memref_squeeze %dma_wait3A_1532 : memref<1x1x1x8x128xf32, #tpu.memory_space<hbm>> -> memref<8x128xf32, #tpu.memory_space<hbm>>
        %dma_wait3A_1534 = arith.constant 0 : i32
        %dma_wait3A_1535 = arith.constant 0 : i32
        %dma_wait3A_1536 = tpu.memref_slice %arg4[%dma_wait3A_1523, %dma_wait3A_1524, %dma_wait3A_1525, %dma_wait3A_1534, %dma_wait3A_1535] : memref<50x8x128x8x128xf32, #tpu.memory_space<hbm>> -> memref<1x1x1x8x128xf32, #tpu.memory_space<hbm>>
        %dma_wait3A_1537 = tpu.memref_squeeze %dma_wait3A_1536 : memref<1x1x1x8x128xf32, #tpu.memory_space<hbm>> -> memref<8x128xf32, #tpu.memory_space<hbm>>
        %dma_wait3A_1538 = arith.constant 0 : i32
        %dma_wait3A_1539 = arith.constant 0 : i32
        %dma_wait3A_1540 = tpu.memref_slice %arg7[%dma_wait3A_1522, %dma_wait3A_1538, %dma_wait3A_1539] : memref<2x64x129xf32, #tpu.memory_space<vmem>> -> memref<1x8x128xf32, #tpu.memory_space<vmem>>
        %dma_wait3A_1541 = tpu.memref_squeeze %dma_wait3A_1540 : memref<1x8x128xf32, #tpu.memory_space<vmem>> -> memref<8x128xf32, #tpu.memory_space<vmem>>
        tpu.wait_dma2 semaphore(%arg12 : memref<!tpu.dma_semaphore, #tpu.memory_space<semaphore_mem>>) src(%dma_wait3A_1541 : memref<8x128xf32, #tpu.memory_space<vmem>>) dst(%dma_wait3A_1537 : memref<8x128xf32, #tpu.memory_space<hbm>>)
        %dma_wait3A_1542 = arith.constant 1 : i32
        %dma_wait3A_1543 = arith.constant 0 : i32
        %dma_wait3A_1544 = arith.constant 0 : i32
        %dma_wait3A_1545 = arith.constant 0 : i32
        %dma_wait3A_1546 = arith.constant 0 : i32
        %dma_wait3A_1547 = arith.constant 0 : i32
        %dma_wait3A_1548 = tpu.memref_slice %arg7[%dma_wait3A_1542, %dma_wait3A_1546, %dma_wait3A_1547] : memref<2x64x129xf32, #tpu.memory_space<vmem>> -> memref<1x8x128xf32, #tpu.memory_space<vmem>>
        %dma_wait3A_1549 = tpu.memref_squeeze %dma_wait3A_1548 : memref<1x8x128xf32, #tpu.memory_space<vmem>> -> memref<8x128xf32, #tpu.memory_space<vmem>>
        %dma_wait3A_1550 = arith.constant 0 : i32
        %dma_wait3A_1551 = arith.constant 0 : i32
        %dma_wait3A_1552 = tpu.memref_slice %arg4[%dma_wait3A_1543, %dma_wait3A_1544, %dma_wait3A_1545, %dma_wait3A_1550, %dma_wait3A_1551] : memref<50x8x128x8x128xf32, #tpu.memory_space<hbm>> -> memref<1x1x1x8x128xf32, #tpu.memory_space<hbm>>
        %dma_wait3A_1553 = tpu.memref_squeeze %dma_wait3A_1552 : memref<1x1x1x8x128xf32, #tpu.memory_space<hbm>> -> memref<8x128xf32, #tpu.memory_space<hbm>>
        %dma_wait3A_1554 = arith.constant 0 : i32
        %dma_wait3A_1555 = arith.constant 0 : i32
        %dma_wait3A_1556 = tpu.memref_slice %arg4[%dma_wait3A_1543, %dma_wait3A_1544, %dma_wait3A_1545, %dma_wait3A_1554, %dma_wait3A_1555] : memref<50x8x128x8x128xf32, #tpu.memory_space<hbm>> -> memref<1x1x1x8x128xf32, #tpu.memory_space<hbm>>
        %dma_wait3A_1557 = tpu.memref_squeeze %dma_wait3A_1556 : memref<1x1x1x8x128xf32, #tpu.memory_space<hbm>> -> memref<8x128xf32, #tpu.memory_space<hbm>>
        %dma_wait3A_1558 = arith.constant 0 : i32
        %dma_wait3A_1559 = arith.constant 0 : i32
        %dma_wait3A_1560 = tpu.memref_slice %arg7[%dma_wait3A_1542, %dma_wait3A_1558, %dma_wait3A_1559] : memref<2x64x129xf32, #tpu.memory_space<vmem>> -> memref<1x8x128xf32, #tpu.memory_space<vmem>>
        %dma_wait3A_1561 = tpu.memref_squeeze %dma_wait3A_1560 : memref<1x8x128xf32, #tpu.memory_space<vmem>> -> memref<8x128xf32, #tpu.memory_space<vmem>>
        tpu.wait_dma2 semaphore(%arg12 : memref<!tpu.dma_semaphore, #tpu.memory_space<semaphore_mem>>) src(%dma_wait3A_1561 : memref<8x128xf32, #tpu.memory_space<vmem>>) dst(%dma_wait3A_1557 : memref<8x128xf32, #tpu.memory_space<hbm>>)
        %dma_wait3A_1562 = arith.constant 1 : i32
        %dma_wait3A_1563 = arith.constant 0 : i32
        %dma_wait3A_1564 = arith.constant 0 : i32
        %dma_wait3A_1565 = arith.constant 0 : i32
        %dma_wait3A_1566 = arith.constant 0 : i32
        %dma_wait3A_1567 = arith.constant 0 : i32
        %dma_wait3A_1568 = tpu.memref_slice %arg7[%dma_wait3A_1562, %dma_wait3A_1566, %dma_wait3A_1567] : memref<2x64x129xf32, #tpu.memory_space<vmem>> -> memref<1x8x128xf32, #tpu.memory_space<vmem>>
        %dma_wait3A_1569 = tpu.memref_squeeze %dma_wait3A_1568 : memref<1x8x128xf32, #tpu.memory_space<vmem>> -> memref<8x128xf32, #tpu.memory_space<vmem>>
        %dma_wait3A_1570 = arith.constant 0 : i32
        %dma_wait3A_1571 = arith.constant 0 : i32
        %dma_wait3A_1572 = tpu.memref_slice %arg4[%dma_wait3A_1563, %dma_wait3A_1564, %dma_wait3A_1565, %dma_wait3A_1570, %dma_wait3A_1571] : memref<50x8x128x8x128xf32, #tpu.memory_space<hbm>> -> memref<1x1x1x8x128xf32, #tpu.memory_space<hbm>>
        %dma_wait3A_1573 = tpu.memref_squeeze %dma_wait3A_1572 : memref<1x1x1x8x128xf32, #tpu.memory_space<hbm>> -> memref<8x128xf32, #tpu.memory_space<hbm>>
        %dma_wait3A_1574 = arith.constant 0 : i32
        %dma_wait3A_1575 = arith.constant 0 : i32
        %dma_wait3A_1576 = tpu.memref_slice %arg4[%dma_wait3A_1563, %dma_wait3A_1564, %dma_wait3A_1565, %dma_wait3A_1574, %dma_wait3A_1575] : memref<50x8x128x8x128xf32, #tpu.memory_space<hbm>> -> memref<1x1x1x8x128xf32, #tpu.memory_space<hbm>>
        %dma_wait3A_1577 = tpu.memref_squeeze %dma_wait3A_1576 : memref<1x1x1x8x128xf32, #tpu.memory_space<hbm>> -> memref<8x128xf32, #tpu.memory_space<hbm>>
        %dma_wait3A_1578 = arith.constant 0 : i32
        %dma_wait3A_1579 = arith.constant 0 : i32
        %dma_wait3A_1580 = tpu.memref_slice %arg7[%dma_wait3A_1562, %dma_wait3A_1578, %dma_wait3A_1579] : memref<2x64x129xf32, #tpu.memory_space<vmem>> -> memref<1x8x128xf32, #tpu.memory_space<vmem>>
        %dma_wait3A_1581 = tpu.memref_squeeze %dma_wait3A_1580 : memref<1x8x128xf32, #tpu.memory_space<vmem>> -> memref<8x128xf32, #tpu.memory_space<vmem>>
        tpu.wait_dma2 semaphore(%arg12 : memref<!tpu.dma_semaphore, #tpu.memory_space<semaphore_mem>>) src(%dma_wait3A_1581 : memref<8x128xf32, #tpu.memory_space<vmem>>) dst(%dma_wait3A_1577 : memref<8x128xf32, #tpu.memory_space<hbm>>)
      } else {
      }
      %parallel_loop3A_1212 = arith.constant 0 : i32
      %parallel_loop3A_1213 = arith.constant 128 : i32
      %parallel_loop3A_1214 = arith.constant 1 : i32
      scf.for %parallel_loop3A_1422 = %parallel_loop3A_1212 to %parallel_loop3A_1213 step %parallel_loop3A_1214  : i32 {
        %parallel_loop3A_1423 = vector.broadcast %parallel_loop3A_1422 : i32 to vector<16xi32>
        %parallel_loop3A_1424 = arith.constant 1 : i32
        %parallel_loop3A_1425 = arith.index_cast %parallel_loop3A_1424 : i32 to index
        %parallel_loop3A_1426 = arith.index_cast %parallel_loop3A_1422 : i32 to index
        %parallel_loop3A_1427 = arith.constant 0 : index
        %parallel_loop3A_1428 = tpu.vector_load %arg6[%parallel_loop3A_1425, %parallel_loop3A_1426, %parallel_loop3A_1427] {strides = array<i32>} : memref<2x128x64xf32, #tpu.memory_space<vmem>>, vector<16xf32>,
        %parallel_loop3A_1429 = math.absf %parallel_loop3A_1428 : vector<16xf32>
        %parallel_loop3A_1430 = arith.constant 0.000000e+00 : f32
        %parallel_loop3A_1431 = vector.broadcast %parallel_loop3A_1430 : f32 to vector<16xf32>
        %parallel_loop3A_1432 = arith.subf %parallel_loop3A_1431, %parallel_loop3A_1429 : vector<16xf32>
        %parallel_loop3A_1433 = math.exp %parallel_loop3A_1432 : vector<16xf32>
        %parallel_loop3A_1434 = arith.constant 0.0304490048 : f32
        %parallel_loop3A_1435 = vector.broadcast %parallel_loop3A_1434 : f32 to vector<16xf32>
        %parallel_loop3A_1436 = arith.mulf %parallel_loop3A_1435, %parallel_loop3A_1433 : vector<16xf32>
        %parallel_loop3A_1437 = arith.constant -0.131581828 : f32
        %parallel_loop3A_1438 = vector.broadcast %parallel_loop3A_1437 : f32 to vector<16xf32>
        %parallel_loop3A_1439 = arith.addf %parallel_loop3A_1436, %parallel_loop3A_1438 : vector<16xf32>
        %parallel_loop3A_1440 = arith.mulf %parallel_loop3A_1439, %parallel_loop3A_1433 : vector<16xf32>
        %parallel_loop3A_1441 = arith.constant 0.285272688 : f32
        %parallel_loop3A_1442 = vector.broadcast %parallel_loop3A_1441 : f32 to vector<16xf32>
        %parallel_loop3A_1443 = arith.addf %parallel_loop3A_1440, %parallel_loop3A_1442 : vector<16xf32>
        %parallel_loop3A_1444 = arith.mulf %parallel_loop3A_1443, %parallel_loop3A_1433 : vector<16xf32>
        %parallel_loop3A_1445 = arith.constant -0.490230709 : f32
        %parallel_loop3A_1446 = vector.broadcast %parallel_loop3A_1445 : f32 to vector<16xf32>
        %parallel_loop3A_1447 = arith.addf %parallel_loop3A_1444, %parallel_loop3A_1446 : vector<16xf32>
        %parallel_loop3A_1448 = arith.mulf %parallel_loop3A_1447, %parallel_loop3A_1433 : vector<16xf32>
        %parallel_loop3A_1449 = arith.constant 0.99923551 : f32
        %parallel_loop3A_1450 = vector.broadcast %parallel_loop3A_1449 : f32 to vector<16xf32>
        %parallel_loop3A_1451 = arith.addf %parallel_loop3A_1448, %parallel_loop3A_1450 : vector<16xf32>
        %parallel_loop3A_1452 = arith.mulf %parallel_loop3A_1451, %parallel_loop3A_1433 : vector<16xf32>
        %parallel_loop3A_1453 = arith.constant 9.9750323E-6 : f32
        %parallel_loop3A_1454 = vector.broadcast %parallel_loop3A_1453 : f32 to vector<16xf32>
        %parallel_loop3A_1455 = arith.addf %parallel_loop3A_1452, %parallel_loop3A_1454 : vector<16xf32>
        %parallel_loop3A_1456 = arith.constant 0.000000e+00 : f32
        %parallel_loop3A_1457 = vector.broadcast %parallel_loop3A_1456 : f32 to vector<16xf32>
        %parallel_loop3A_1458 = arith.maximumf %parallel_loop3A_1428, %parallel_loop3A_1457 : vector<16xf32>
        %parallel_loop3A_1459 = arith.addf %parallel_loop3A_1458, %parallel_loop3A_1455 : vector<16xf32>
        %parallel_loop3A_1460 = arith.constant 1 : i32
        %parallel_loop3A_1461 = arith.constant 0 : i32
        %parallel_loop3A_1462 = arith.constant 0 : i32
        %parallel_loop3A_1463 = tpu.memref_slice %arg7[%parallel_loop3A_1460, %parallel_loop3A_1461, %parallel_loop3A_1462] : memref<2x64x129xf32, #tpu.memory_space<vmem>> -> memref<1x64x129xf32, #tpu.memory_space<vmem>>
        %parallel_loop3A_1464 = tpu.memref_squeeze %parallel_loop3A_1463 : memref<1x64x129xf32, #tpu.memory_space<vmem>> -> memref<64x129xf32, #tpu.memory_space<vmem>>
        tpu.vector_store_idx %parallel_loop3A_1464[%add3A_610, %parallel_loop3A_1423], %parallel_loop3A_1459 : memref<64x129xf32, #tpu.memory_space<vmem>>[vector<16xi32>, vector<16xi32>], vector<16xf32>,
        %parallel_loop3A_1465 = arith.constant 1 : i32
        %parallel_loop3A_1466 = arith.index_cast %parallel_loop3A_1465 : i32 to index
        %parallel_loop3A_1467 = arith.index_cast %parallel_loop3A_1422 : i32 to index
        %parallel_loop3A_1468 = arith.constant 16 : index
        %parallel_loop3A_1469 = tpu.vector_load %arg6[%parallel_loop3A_1466, %parallel_loop3A_1467, %parallel_loop3A_1468] {strides = array<i32>} : memref<2x128x64xf32, #tpu.memory_space<vmem>>, vector<16xf32>,
        %parallel_loop3A_1470 = math.absf %parallel_loop3A_1469 : vector<16xf32>
        %parallel_loop3A_1471 = arith.constant 0.000000e+00 : f32
        %parallel_loop3A_1472 = vector.broadcast %parallel_loop3A_1471 : f32 to vector<16xf32>
        %parallel_loop3A_1473 = arith.subf %parallel_loop3A_1472, %parallel_loop3A_1470 : vector<16xf32>
        %parallel_loop3A_1474 = math.exp %parallel_loop3A_1473 : vector<16xf32>
        %parallel_loop3A_1475 = arith.constant 0.0304490048 : f32
        %parallel_loop3A_1476 = vector.broadcast %parallel_loop3A_1475 : f32 to vector<16xf32>
        %parallel_loop3A_1477 = arith.mulf %parallel_loop3A_1476, %parallel_loop3A_1474 : vector<16xf32>
        %parallel_loop3A_1478 = arith.constant -0.131581828 : f32
        %parallel_loop3A_1479 = vector.broadcast %parallel_loop3A_1478 : f32 to vector<16xf32>
        %parallel_loop3A_1480 = arith.addf %parallel_loop3A_1477, %parallel_loop3A_1479 : vector<16xf32>
        %parallel_loop3A_1481 = arith.mulf %parallel_loop3A_1480, %parallel_loop3A_1474 : vector<16xf32>
        %parallel_loop3A_1482 = arith.constant 0.285272688 : f32
        %parallel_loop3A_1483 = vector.broadcast %parallel_loop3A_1482 : f32 to vector<16xf32>
        %parallel_loop3A_1484 = arith.addf %parallel_loop3A_1481, %parallel_loop3A_1483 : vector<16xf32>
        %parallel_loop3A_1485 = arith.mulf %parallel_loop3A_1484, %parallel_loop3A_1474 : vector<16xf32>
        %parallel_loop3A_1486 = arith.constant -0.490230709 : f32
        %parallel_loop3A_1487 = vector.broadcast %parallel_loop3A_1486 : f32 to vector<16xf32>
        %parallel_loop3A_1488 = arith.addf %parallel_loop3A_1485, %parallel_loop3A_1487 : vector<16xf32>
        %parallel_loop3A_1489 = arith.mulf %parallel_loop3A_1488, %parallel_loop3A_1474 : vector<16xf32>
        %parallel_loop3A_1490 = arith.constant 0.99923551 : f32
        %parallel_loop3A_1491 = vector.broadcast %parallel_loop3A_1490 : f32 to vector<16xf32>
        %parallel_loop3A_1492 = arith.addf %parallel_loop3A_1489, %parallel_loop3A_1491 : vector<16xf32>
        %parallel_loop3A_1493 = arith.mulf %parallel_loop3A_1492, %parallel_loop3A_1474 : vector<16xf32>
        %parallel_loop3A_1494 = arith.constant 9.9750323E-6 : f32
        %parallel_loop3A_1495 = vector.broadcast %parallel_loop3A_1494 : f32 to vector<16xf32>
        %parallel_loop3A_1496 = arith.addf %parallel_loop3A_1493, %parallel_loop3A_1495 : vector<16xf32>
        %parallel_loop3A_1497 = arith.constant 0.000000e+00 : f32
        %parallel_loop3A_1498 = vector.broadcast %parallel_loop3A_1497 : f32 to vector<16xf32>
        %parallel_loop3A_1499 = arith.maximumf %parallel_loop3A_1469, %parallel_loop3A_1498 : vector<16xf32>
        %parallel_loop3A_1500 = arith.addf %parallel_loop3A_1499, %parallel_loop3A_1496 : vector<16xf32>
        %parallel_loop3A_1501 = arith.constant 1 : i32
        %parallel_loop3A_1502 = arith.constant 0 : i32
        %parallel_loop3A_1503 = arith.constant 0 : i32
        %parallel_loop3A_1504 = tpu.memref_slice %arg7[%parallel_loop3A_1501, %parallel_loop3A_1502, %parallel_loop3A_1503] : memref<2x64x129xf32, #tpu.memory_space<vmem>> -> memref<1x64x129xf32, #tpu.memory_space<vmem>>
        %parallel_loop3A_1505 = tpu.memref_squeeze %parallel_loop3A_1504 : memref<1x64x129xf32, #tpu.memory_space<vmem>> -> memref<64x129xf32, #tpu.memory_space<vmem>>
        tpu.vector_store_idx %parallel_loop3A_1505[%add3A_614, %parallel_loop3A_1423], %parallel_loop3A_1500 : memref<64x129xf32, #tpu.memory_space<vmem>>[vector<16xi32>, vector<16xi32>], vector<16xf32>,
        %parallel_loop3A_1506 = arith.constant 1 : i32
        %parallel_loop3A_1507 = arith.index_cast %parallel_loop3A_1506 : i32 to index
        %parallel_loop3A_1508 = arith.index_cast %parallel_loop3A_1422 : i32 to index
        %parallel_loop3A_1509 = arith.constant 32 : index
        %parallel_loop3A_1510 = tpu.vector_load %arg6[%parallel_loop3A_1507, %parallel_loop3A_1508, %parallel_loop3A_1509] {strides = array<i32>} : memref<2x128x64xf32, #tpu.memory_space<vmem>>, vector<16xf32>,
        %parallel_loop3A_1511 = math.absf %parallel_loop3A_1510 : vector<16xf32>
        %parallel_loop3A_1512 = arith.constant 0.000000e+00 : f32
        %parallel_loop3A_1513 = vector.broadcast %parallel_loop3A_1512 : f32 to vector<16xf32>
        %parallel_loop3A_1514 = arith.subf %parallel_loop3A_1513, %parallel_loop3A_1511 : vector<16xf32>
        %parallel_loop3A_1515 = math.exp %parallel_loop3A_1514 : vector<16xf32>
        %parallel_loop3A_1516 = arith.constant 0.0304490048 : f32
        %parallel_loop3A_1517 = vector.broadcast %parallel_loop3A_1516 : f32 to vector<16xf32>
        %parallel_loop3A_1518 = arith.mulf %parallel_loop3A_1517, %parallel_loop3A_1515 : vector<16xf32>
        %parallel_loop3A_1519 = arith.constant -0.131581828 : f32
        %parallel_loop3A_1520 = vector.broadcast %parallel_loop3A_1519 : f32 to vector<16xf32>
        %parallel_loop3A_1521 = arith.addf %parallel_loop3A_1518, %parallel_loop3A_1520 : vector<16xf32>
        %parallel_loop3A_1522 = arith.mulf %parallel_loop3A_1521, %parallel_loop3A_1515 : vector<16xf32>
        %parallel_loop3A_1523 = arith.constant 0.285272688 : f32
        %parallel_loop3A_1524 = vector.broadcast %parallel_loop3A_1523 : f32 to vector<16xf32>
        %parallel_loop3A_1525 = arith.addf %parallel_loop3A_1522, %parallel_loop3A_1524 : vector<16xf32>
        %parallel_loop3A_1526 = arith.mulf %parallel_loop3A_1525, %parallel_loop3A_1515 : vector<16xf32>
        %parallel_loop3A_1527 = arith.constant -0.490230709 : f32
        %parallel_loop3A_1528 = vector.broadcast %parallel_loop3A_1527 : f32 to vector<16xf32>
        %parallel_loop3A_1529 = arith.addf %parallel_loop3A_1526, %parallel_loop3A_1528 : vector<16xf32>
        %parallel_loop3A_1530 = arith.mulf %parallel_loop3A_1529, %parallel_loop3A_1515 : vector<16xf32>
        %parallel_loop3A_1531 = arith.constant 0.99923551 : f32
        %parallel_loop3A_1532 = vector.broadcast %parallel_loop3A_1531 : f32 to vector<16xf32>
        %parallel_loop3A_1533 = arith.addf %parallel_loop3A_1530, %parallel_loop3A_1532 : vector<16xf32>
        %parallel_loop3A_1534 = arith.mulf %parallel_loop3A_1533, %parallel_loop3A_1515 : vector<16xf32>
        %parallel_loop3A_1535 = arith.constant 9.9750323E-6 : f32
        %parallel_loop3A_1536 = vector.broadcast %parallel_loop3A_1535 : f32 to vector<16xf32>
        %parallel_loop3A_1537 = arith.addf %parallel_loop3A_1534, %parallel_loop3A_1536 : vector<16xf32>
        %parallel_loop3A_1538 = arith.constant 0.000000e+00 : f32
        %parallel_loop3A_1539 = vector.broadcast %parallel_loop3A_1538 : f32 to vector<16xf32>
        %parallel_loop3A_1540 = arith.maximumf %parallel_loop3A_1510, %parallel_loop3A_1539 : vector<16xf32>
        %parallel_loop3A_1541 = arith.addf %parallel_loop3A_1540, %parallel_loop3A_1537 : vector<16xf32>
        %parallel_loop3A_1542 = arith.constant 1 : i32
        %parallel_loop3A_1543 = arith.constant 0 : i32
        %parallel_loop3A_1544 = arith.constant 0 : i32
        %parallel_loop3A_1545 = tpu.memref_slice %arg7[%parallel_loop3A_1542, %parallel_loop3A_1543, %parallel_loop3A_1544] : memref<2x64x129xf32, #tpu.memory_space<vmem>> -> memref<1x64x129xf32, #tpu.memory_space<vmem>>
        %parallel_loop3A_1546 = tpu.memref_squeeze %parallel_loop3A_1545 : memref<1x64x129xf32, #tpu.memory_space<vmem>> -> memref<64x129xf32, #tpu.memory_space<vmem>>
        tpu.vector_store_idx %parallel_loop3A_1546[%add3A_618, %parallel_loop3A_1423], %parallel_loop3A_1541 : memref<64x129xf32, #tpu.memory_space<vmem>>[vector<16xi32>, vector<16xi32>], vector<16xf32>,
        %parallel_loop3A_1547 = arith.constant 1 : i32
        %parallel_loop3A_1548 = arith.index_cast %parallel_loop3A_1547 : i32 to index
        %parallel_loop3A_1549 = arith.index_cast %parallel_loop3A_1422 : i32 to index
        %parallel_loop3A_1550 = arith.constant 48 : index
        %parallel_loop3A_1551 = tpu.vector_load %arg6[%parallel_loop3A_1548, %parallel_loop3A_1549, %parallel_loop3A_1550] {strides = array<i32>} : memref<2x128x64xf32, #tpu.memory_space<vmem>>, vector<16xf32>,
        %parallel_loop3A_1552 = math.absf %parallel_loop3A_1551 : vector<16xf32>
        %parallel_loop3A_1553 = arith.constant 0.000000e+00 : f32
        %parallel_loop3A_1554 = vector.broadcast %parallel_loop3A_1553 : f32 to vector<16xf32>
        %parallel_loop3A_1555 = arith.subf %parallel_loop3A_1554, %parallel_loop3A_1552 : vector<16xf32>
        %parallel_loop3A_1556 = math.exp %parallel_loop3A_1555 : vector<16xf32>
        %parallel_loop3A_1557 = arith.constant 0.0304490048 : f32
        %parallel_loop3A_1558 = vector.broadcast %parallel_loop3A_1557 : f32 to vector<16xf32>
        %parallel_loop3A_1559 = arith.mulf %parallel_loop3A_1558, %parallel_loop3A_1556 : vector<16xf32>
        %parallel_loop3A_1560 = arith.constant -0.131581828 : f32
        %parallel_loop3A_1561 = vector.broadcast %parallel_loop3A_1560 : f32 to vector<16xf32>
        %parallel_loop3A_1562 = arith.addf %parallel_loop3A_1559, %parallel_loop3A_1561 : vector<16xf32>
        %parallel_loop3A_1563 = arith.mulf %parallel_loop3A_1562, %parallel_loop3A_1556 : vector<16xf32>
        %parallel_loop3A_1564 = arith.constant 0.285272688 : f32
        %parallel_loop3A_1565 = vector.broadcast %parallel_loop3A_1564 : f32 to vector<16xf32>
        %parallel_loop3A_1566 = arith.addf %parallel_loop3A_1563, %parallel_loop3A_1565 : vector<16xf32>
        %parallel_loop3A_1567 = arith.mulf %parallel_loop3A_1566, %parallel_loop3A_1556 : vector<16xf32>
        %parallel_loop3A_1568 = arith.constant -0.490230709 : f32
        %parallel_loop3A_1569 = vector.broadcast %parallel_loop3A_1568 : f32 to vector<16xf32>
        %parallel_loop3A_1570 = arith.addf %parallel_loop3A_1567, %parallel_loop3A_1569 : vector<16xf32>
        %parallel_loop3A_1571 = arith.mulf %parallel_loop3A_1570, %parallel_loop3A_1556 : vector<16xf32>
        %parallel_loop3A_1572 = arith.constant 0.99923551 : f32
        %parallel_loop3A_1573 = vector.broadcast %parallel_loop3A_1572 : f32 to vector<16xf32>
        %parallel_loop3A_1574 = arith.addf %parallel_loop3A_1571, %parallel_loop3A_1573 : vector<16xf32>
        %parallel_loop3A_1575 = arith.mulf %parallel_loop3A_1574, %parallel_loop3A_1556 : vector<16xf32>
        %parallel_loop3A_1576 = arith.constant 9.9750323E-6 : f32
        %parallel_loop3A_1577 = vector.broadcast %parallel_loop3A_1576 : f32 to vector<16xf32>
        %parallel_loop3A_1578 = arith.addf %parallel_loop3A_1575, %parallel_loop3A_1577 : vector<16xf32>
        %parallel_loop3A_1579 = arith.constant 0.000000e+00 : f32
        %parallel_loop3A_1580 = vector.broadcast %parallel_loop3A_1579 : f32 to vector<16xf32>
        %parallel_loop3A_1581 = arith.maximumf %parallel_loop3A_1551, %parallel_loop3A_1580 : vector<16xf32>
        %parallel_loop3A_1582 = arith.addf %parallel_loop3A_1581, %parallel_loop3A_1578 : vector<16xf32>
        %parallel_loop3A_1583 = arith.constant 1 : i32
        %parallel_loop3A_1584 = arith.constant 0 : i32
        %parallel_loop3A_1585 = arith.constant 0 : i32
        %parallel_loop3A_1586 = tpu.memref_slice %arg7[%parallel_loop3A_1583, %parallel_loop3A_1584, %parallel_loop3A_1585] : memref<2x64x129xf32, #tpu.memory_space<vmem>> -> memref<1x64x129xf32, #tpu.memory_space<vmem>>
        %parallel_loop3A_1587 = tpu.memref_squeeze %parallel_loop3A_1586 : memref<1x64x129xf32, #tpu.memory_space<vmem>> -> memref<64x129xf32, #tpu.memory_space<vmem>>
        tpu.vector_store_idx %parallel_loop3A_1587[%add3A_622, %parallel_loop3A_1423], %parallel_loop3A_1582 : memref<64x129xf32, #tpu.memory_space<vmem>>[vector<16xi32>, vector<16xi32>], vector<16xf32>,
      } {sc.loop_unroll_factor = 4 : i64, sc.parallel_access}
      %add3A_1215 = arith.constant 2 : i32
      %add3A_1216 = arith.addi %add3A_1196, %add3A_1215 : i32
      %lt3A_1217 = arith.constant 200 : i32
      %lt3A_1218 = arith.cmpi slt, %add3A_1216, %lt3A_1217 : i32
      %convert_element_type3A_1219 = arith.extui %lt3A_1218 : i1 to i32
      %cond3A_1220 = arith.constant 0 : i32
      %cond3A_1221 = arith.cmpi ne, %convert_element_type3A_1219, %cond3A_1220 : i32
      scf.if %cond3A_1221 {
        %add3A_1422 = arith.constant 2 : i32
        %add3A_1423 = arith.addi %add3A_1196, %add3A_1422 : i32
        %mul3A_1424 = arith.constant 128 : i32
        %mul3A_1425 = arith.muli %add3A_1423, %mul3A_1424 : i32
        %dma_start3A_1426 = arith.constant 1 : i32
        %dma_start3A_1427 = arith.constant 0 : i32
        %dma_start3A_1428 = arith.constant 0 : i32
        %dma_start3A_1429 = tpu.memref_slice %arg6[%dma_start3A_1426, %dma_start3A_1427, %dma_start3A_1428] : memref<2x128x64xf32, #tpu.memory_space<vmem>> -> memref<1x128x64xf32, #tpu.memory_space<vmem>>
        %dma_start3A_1430 = tpu.memref_squeeze %dma_start3A_1429 : memref<1x128x64xf32, #tpu.memory_space<vmem>> -> memref<128x64xf32, #tpu.memory_space<vmem>>
        %dma_start3A_1431 = tpu.memref_slice %arg5[%mul3A_1425] : memref<25600xi32, #tpu.memory_space<vmem>> -> memref<128xi32, #tpu.memory_space<vmem>>
        %dma_start3A_1432 = arith.constant 0 : i32
        %dma_start3A_1433 = arith.constant 0 : i32
        %dma_start3A_1434 = tpu.memref_slice %arg3[%dma_start3A_1432, %dma_start3A_1433] : memref<1000000x64xf32, #tpu.memory_space<hbm>> -> memref<1000000x64xf32, #tpu.memory_space<hbm>>
        tpu.enqueue_indirect_dma source(%dma_start3A_1434 : memref<1000000x64xf32, #tpu.memory_space<hbm>>) target(%dma_start3A_1430 : memref<128x64xf32, #tpu.memory_space<vmem>>) offsets(%dma_start3A_1431 : memref<128xi32, #tpu.memory_space<vmem>>) semaphore(%arg10 : memref<!tpu.dma_semaphore, #tpu.memory_space<semaphore_mem>>)
      } else {
      }
      %jit3A_1222 = arith.constant 8 : i32
      %div3A_1223 = arith.divsi %add3A_1196, %jit3A_1222 : i32
      %sign3A_1224 = arith.constant 0 : i32
      %sign3A_1225 = arith.cmpi sgt, %add3A_1196, %sign3A_1224 : i32
      %sign3A_1226 = arith.extui %sign3A_1225 : i1 to i32
      %sign3A_1227 = arith.constant 0 : i32
      %sign3A_1228 = arith.cmpi slt, %add3A_1196, %sign3A_1227 : i32
      %sign3A_1229 = arith.extui %sign3A_1228 : i1 to i32
      %sign3A_1230 = arith.subi %sign3A_1226, %sign3A_1229 : i32
      %sign3A_1231 = arith.constant 0 : i32
      %sign3A_1232 = arith.cmpi sgt, %jit3A_1222, %sign3A_1231 : i32
      %sign3A_1233 = arith.extui %sign3A_1232 : i1 to i32
      %sign3A_1234 = arith.constant 0 : i32
      %sign3A_1235 = arith.cmpi slt, %jit3A_1222, %sign3A_1234 : i32
      %sign3A_1236 = arith.extui %sign3A_1235 : i1 to i32
      %sign3A_1237 = arith.subi %sign3A_1233, %sign3A_1236 : i32
      %ne3A_1238 = arith.cmpi ne, %sign3A_1230, %sign3A_1237 : i32
      %rem3A_1239 = arith.remsi %add3A_1196, %jit3A_1222 : i32
      %ne3A_1240 = arith.constant 0 : i32
      %ne3A_1241 = arith.cmpi ne, %rem3A_1239, %ne3A_1240 : i32
      %and3A_1242 = arith.andi %ne3A_1238, %ne3A_1241 : i1
      %sub3A_1243 = arith.constant 1 : i32
      %sub3A_1244 = arith.subi %div3A_1223, %sub3A_1243 : i32
      %select_n3A_1245 = arith.select %and3A_1242, %sub3A_1244, %div3A_1223 : i32
      %jit3A_1246 = arith.constant 8 : i32
      %eq3A_1247 = arith.constant 0 : i32
      %eq3A_1248 = arith.cmpi eq, %jit3A_1246, %eq3A_1247 : i32
      %jit3A_1249 = arith.constant 1 : i32
      %select_n3A_1250 = arith.select %eq3A_1248, %jit3A_1249, %jit3A_1246 : i32
      %rem3A_1251 = arith.remsi %add3A_1196, %select_n3A_1250 : i32
      %ne3A_1252 = arith.constant 0 : i32
      %ne3A_1253 = arith.cmpi ne, %rem3A_1251, %ne3A_1252 : i32
      %lt3A_1254 = arith.constant 0 : i32
      %lt3A_1255 = arith.cmpi slt, %rem3A_1251, %lt3A_1254 : i32
      %lt3A_1256 = arith.constant 0 : i32
      %lt3A_1257 = arith.cmpi slt, %select_n3A_1250, %lt3A_1256 : i32
      %ne3A_1258 = arith.xori %lt3A_1255, %lt3A_1257 : i1
      %and3A_1259 = arith.andi %ne3A_1258, %ne3A_1253 : i1
      %add3A_1260 = arith.addi %rem3A_1251, %select_n3A_1250 : i32
      %select_n3A_1261 = arith.select %and3A_1259, %add3A_1260, %rem3A_1251 : i32
      %add3A_1262 = arith.addi %mul3A_11, %select_n3A_1245 : i32
      %add3A_1263 = arith.addi %mul3A_34, %select_n3A_1261 : i32
      %dma_start3A_1264 = arith.constant 1 : i32
      %dma_start3A_1265 = arith.constant 0 : i32
      %dma_start3A_1266 = arith.constant 0 : i32
      %dma_start3A_1267 = arith.constant 0 : i32
      %dma_start3A_1268 = tpu.memref_slice %arg7[%dma_start3A_1264, %dma_start3A_1266, %dma_start3A_1267] : memref<2x64x129xf32, #tpu.memory_space<vmem>> -> memref<1x8x128xf32, #tpu.memory_space<vmem>>
      %dma_start3A_1269 = tpu.memref_squeeze %dma_start3A_1268 : memref<1x8x128xf32, #tpu.memory_space<vmem>> -> memref<8x128xf32, #tpu.memory_space<vmem>>
      %dma_start3A_1270 = arith.constant 0 : i32
      %dma_start3A_1271 = arith.constant 0 : i32
      %dma_start3A_1272 = tpu.memref_slice %arg4[%add3A_1262, %dma_start3A_1265, %add3A_1263, %dma_start3A_1270, %dma_start3A_1271] : memref<50x8x128x8x128xf32, #tpu.memory_space<hbm>> -> memref<1x1x1x8x128xf32, #tpu.memory_space<hbm>>
      %dma_start3A_1273 = tpu.memref_squeeze %dma_start3A_1272 : memref<1x1x1x8x128xf32, #tpu.memory_space<hbm>> -> memref<8x128xf32, #tpu.memory_space<hbm>>
      %dma_start3A_1274 = arith.constant 0 : i32
      %dma_start3A_1275 = arith.constant 0 : i32
      %dma_start3A_1276 = tpu.memref_slice %arg4[%add3A_1262, %dma_start3A_1265, %add3A_1263, %dma_start3A_1274, %dma_start3A_1275] : memref<50x8x128x8x128xf32, #tpu.memory_space<hbm>> -> memref<1x1x1x8x128xf32, #tpu.memory_space<hbm>>
      %dma_start3A_1277 = tpu.memref_squeeze %dma_start3A_1276 : memref<1x1x1x8x128xf32, #tpu.memory_space<hbm>> -> memref<8x128xf32, #tpu.memory_space<hbm>>
      %dma_start3A_1278 = arith.constant 0 : i32
      %dma_start3A_1279 = arith.constant 0 : i32
      %dma_start3A_1280 = tpu.memref_slice %arg7[%dma_start3A_1264, %dma_start3A_1278, %dma_start3A_1279] : memref<2x64x129xf32, #tpu.memory_space<vmem>> -> memref<1x8x128xf32, #tpu.memory_space<vmem>>
      %dma_start3A_1281 = tpu.memref_squeeze %dma_start3A_1280 : memref<1x8x128xf32, #tpu.memory_space<vmem>> -> memref<8x128xf32, #tpu.memory_space<vmem>>
      tpu.enqueue_dma source(%dma_start3A_1281 : memref<8x128xf32, #tpu.memory_space<vmem>>) target(%dma_start3A_1277 : memref<8x128xf32, #tpu.memory_space<hbm>>) target_semaphore(%arg12 : memref<!tpu.dma_semaphore, #tpu.memory_space<semaphore_mem>>)
      %add3A_1282 = arith.addi %mul3A_11, %select_n3A_1245 : i32
      %add3A_1283 = arith.addi %mul3A_34, %select_n3A_1261 : i32
      %dma_start3A_1284 = arith.constant 1 : i32
      %dma_start3A_1285 = arith.constant 1 : i32
      %dma_start3A_1286 = arith.constant 8 : i32
      %dma_start3A_1287 = arith.constant 0 : i32
      %dma_start3A_1288 = tpu.memref_slice %arg7[%dma_start3A_1284, %dma_start3A_1286, %dma_start3A_1287] : memref<2x64x129xf32, #tpu.memory_space<vmem>> -> memref<1x8x128xf32, #tpu.memory_space<vmem>>
      %dma_start3A_1289 = tpu.memref_squeeze %dma_start3A_1288 : memref<1x8x128xf32, #tpu.memory_space<vmem>> -> memref<8x128xf32, #tpu.memory_space<vmem>>
      %dma_start3A_1290 = arith.constant 0 : i32
      %dma_start3A_1291 = arith.constant 0 : i32
      %dma_start3A_1292 = tpu.memref_slice %arg4[%add3A_1282, %dma_start3A_1285, %add3A_1283, %dma_start3A_1290, %dma_start3A_1291] : memref<50x8x128x8x128xf32, #tpu.memory_space<hbm>> -> memref<1x1x1x8x128xf32, #tpu.memory_space<hbm>>
      %dma_start3A_1293 = tpu.memref_squeeze %dma_start3A_1292 : memref<1x1x1x8x128xf32, #tpu.memory_space<hbm>> -> memref<8x128xf32, #tpu.memory_space<hbm>>
      %dma_start3A_1294 = arith.constant 0 : i32
      %dma_start3A_1295 = arith.constant 0 : i32
      %dma_start3A_1296 = tpu.memref_slice %arg4[%add3A_1282, %dma_start3A_1285, %add3A_1283, %dma_start3A_1294, %dma_start3A_1295] : memref<50x8x128x8x128xf32, #tpu.memory_space<hbm>> -> memref<1x1x1x8x128xf32, #tpu.memory_space<hbm>>
      %dma_start3A_1297 = tpu.memref_squeeze %dma_start3A_1296 : memref<1x1x1x8x128xf32, #tpu.memory_space<hbm>> -> memref<8x128xf32, #tpu.memory_space<hbm>>
      %dma_start3A_1298 = arith.constant 8 : i32
      %dma_start3A_1299 = arith.constant 0 : i32
      %dma_start3A_1300 = tpu.memref_slice %arg7[%dma_start3A_1284, %dma_start3A_1298, %dma_start3A_1299] : memref<2x64x129xf32, #tpu.memory_space<vmem>> -> memref<1x8x128xf32, #tpu.memory_space<vmem>>
      %dma_start3A_1301 = tpu.memref_squeeze %dma_start3A_1300 : memref<1x8x128xf32, #tpu.memory_space<vmem>> -> memref<8x128xf32, #tpu.memory_space<vmem>>
      tpu.enqueue_dma source(%dma_start3A_1301 : memref<8x128xf32, #tpu.memory_space<vmem>>) target(%dma_start3A_1297 : memref<8x128xf32, #tpu.memory_space<hbm>>) target_semaphore(%arg12 : memref<!tpu.dma_semaphore, #tpu.memory_space<semaphore_mem>>)
      %add3A_1302 = arith.addi %mul3A_11, %select_n3A_1245 : i32
      %add3A_1303 = arith.addi %mul3A_34, %select_n3A_1261 : i32
      %dma_start3A_1304 = arith.constant 1 : i32
      %dma_start3A_1305 = arith.constant 2 : i32
      %dma_start3A_1306 = arith.constant 16 : i32
      %dma_start3A_1307 = arith.constant 0 : i32
      %dma_start3A_1308 = tpu.memref_slice %arg7[%dma_start3A_1304, %dma_start3A_1306, %dma_start3A_1307] : memref<2x64x129xf32, #tpu.memory_space<vmem>> -> memref<1x8x128xf32, #tpu.memory_space<vmem>>
      %dma_start3A_1309 = tpu.memref_squeeze %dma_start3A_1308 : memref<1x8x128xf32, #tpu.memory_space<vmem>> -> memref<8x128xf32, #tpu.memory_space<vmem>>
      %dma_start3A_1310 = arith.constant 0 : i32
      %dma_start3A_1311 = arith.constant 0 : i32
      %dma_start3A_1312 = tpu.memref_slice %arg4[%add3A_1302, %dma_start3A_1305, %add3A_1303, %dma_start3A_1310, %dma_start3A_1311] : memref<50x8x128x8x128xf32, #tpu.memory_space<hbm>> -> memref<1x1x1x8x128xf32, #tpu.memory_space<hbm>>
      %dma_start3A_1313 = tpu.memref_squeeze %dma_start3A_1312 : memref<1x1x1x8x128xf32, #tpu.memory_space<hbm>> -> memref<8x128xf32, #tpu.memory_space<hbm>>
      %dma_start3A_1314 = arith.constant 0 : i32
      %dma_start3A_1315 = arith.constant 0 : i32
      %dma_start3A_1316 = tpu.memref_slice %arg4[%add3A_1302, %dma_start3A_1305, %add3A_1303, %dma_start3A_1314, %dma_start3A_1315] : memref<50x8x128x8x128xf32, #tpu.memory_space<hbm>> -> memref<1x1x1x8x128xf32, #tpu.memory_space<hbm>>
      %dma_start3A_1317 = tpu.memref_squeeze %dma_start3A_1316 : memref<1x1x1x8x128xf32, #tpu.memory_space<hbm>> -> memref<8x128xf32, #tpu.memory_space<hbm>>
      %dma_start3A_1318 = arith.constant 16 : i32
      %dma_start3A_1319 = arith.constant 0 : i32
      %dma_start3A_1320 = tpu.memref_slice %arg7[%dma_start3A_1304, %dma_start3A_1318, %dma_start3A_1319] : memref<2x64x129xf32, #tpu.memory_space<vmem>> -> memref<1x8x128xf32, #tpu.memory_space<vmem>>
      %dma_start3A_1321 = tpu.memref_squeeze %dma_start3A_1320 : memref<1x8x128xf32, #tpu.memory_space<vmem>> -> memref<8x128xf32, #tpu.memory_space<vmem>>
      tpu.enqueue_dma source(%dma_start3A_1321 : memref<8x128xf32, #tpu.memory_space<vmem>>) target(%dma_start3A_1317 : memref<8x128xf32, #tpu.memory_space<hbm>>) target_semaphore(%arg12 : memref<!tpu.dma_semaphore, #tpu.memory_space<semaphore_mem>>)
      %add3A_1322 = arith.addi %mul3A_11, %select_n3A_1245 : i32
      %add3A_1323 = arith.addi %mul3A_34, %select_n3A_1261 : i32
      %dma_start3A_1324 = arith.constant 1 : i32
      %dma_start3A_1325 = arith.constant 3 : i32
      %dma_start3A_1326 = arith.constant 24 : i32
      %dma_start3A_1327 = arith.constant 0 : i32
      %dma_start3A_1328 = tpu.memref_slice %arg7[%dma_start3A_1324, %dma_start3A_1326, %dma_start3A_1327] : memref<2x64x129xf32, #tpu.memory_space<vmem>> -> memref<1x8x128xf32, #tpu.memory_space<vmem>>
      %dma_start3A_1329 = tpu.memref_squeeze %dma_start3A_1328 : memref<1x8x128xf32, #tpu.memory_space<vmem>> -> memref<8x128xf32, #tpu.memory_space<vmem>>
      %dma_start3A_1330 = arith.constant 0 : i32
      %dma_start3A_1331 = arith.constant 0 : i32
      %dma_start3A_1332 = tpu.memref_slice %arg4[%add3A_1322, %dma_start3A_1325, %add3A_1323, %dma_start3A_1330, %dma_start3A_1331] : memref<50x8x128x8x128xf32, #tpu.memory_space<hbm>> -> memref<1x1x1x8x128xf32, #tpu.memory_space<hbm>>
      %dma_start3A_1333 = tpu.memref_squeeze %dma_start3A_1332 : memref<1x1x1x8x128xf32, #tpu.memory_space<hbm>> -> memref<8x128xf32, #tpu.memory_space<hbm>>
      %dma_start3A_1334 = arith.constant 0 : i32
      %dma_start3A_1335 = arith.constant 0 : i32
      %dma_start3A_1336 = tpu.memref_slice %arg4[%add3A_1322, %dma_start3A_1325, %add3A_1323, %dma_start3A_1334, %dma_start3A_1335] : memref<50x8x128x8x128xf32, #tpu.memory_space<hbm>> -> memref<1x1x1x8x128xf32, #tpu.memory_space<hbm>>
      %dma_start3A_1337 = tpu.memref_squeeze %dma_start3A_1336 : memref<1x1x1x8x128xf32, #tpu.memory_space<hbm>> -> memref<8x128xf32, #tpu.memory_space<hbm>>
      %dma_start3A_1338 = arith.constant 24 : i32
      %dma_start3A_1339 = arith.constant 0 : i32
      %dma_start3A_1340 = tpu.memref_slice %arg7[%dma_start3A_1324, %dma_start3A_1338, %dma_start3A_1339] : memref<2x64x129xf32, #tpu.memory_space<vmem>> -> memref<1x8x128xf32, #tpu.memory_space<vmem>>
      %dma_start3A_1341 = tpu.memref_squeeze %dma_start3A_1340 : memref<1x8x128xf32, #tpu.memory_space<vmem>> -> memref<8x128xf32, #tpu.memory_space<vmem>>
      tpu.enqueue_dma source(%dma_start3A_1341 : memref<8x128xf32, #tpu.memory_space<vmem>>) target(%dma_start3A_1337 : memref<8x128xf32, #tpu.memory_space<hbm>>) target_semaphore(%arg12 : memref<!tpu.dma_semaphore, #tpu.memory_space<semaphore_mem>>)
      %add3A_1342 = arith.addi %mul3A_11, %select_n3A_1245 : i32
      %add3A_1343 = arith.addi %mul3A_34, %select_n3A_1261 : i32
      %dma_start3A_1344 = arith.constant 1 : i32
      %dma_start3A_1345 = arith.constant 4 : i32
      %dma_start3A_1346 = arith.constant 32 : i32
      %dma_start3A_1347 = arith.constant 0 : i32
      %dma_start3A_1348 = tpu.memref_slice %arg7[%dma_start3A_1344, %dma_start3A_1346, %dma_start3A_1347] : memref<2x64x129xf32, #tpu.memory_space<vmem>> -> memref<1x8x128xf32, #tpu.memory_space<vmem>>
      %dma_start3A_1349 = tpu.memref_squeeze %dma_start3A_1348 : memref<1x8x128xf32, #tpu.memory_space<vmem>> -> memref<8x128xf32, #tpu.memory_space<vmem>>
      %dma_start3A_1350 = arith.constant 0 : i32
      %dma_start3A_1351 = arith.constant 0 : i32
      %dma_start3A_1352 = tpu.memref_slice %arg4[%add3A_1342, %dma_start3A_1345, %add3A_1343, %dma_start3A_1350, %dma_start3A_1351] : memref<50x8x128x8x128xf32, #tpu.memory_space<hbm>> -> memref<1x1x1x8x128xf32, #tpu.memory_space<hbm>>
      %dma_start3A_1353 = tpu.memref_squeeze %dma_start3A_1352 : memref<1x1x1x8x128xf32, #tpu.memory_space<hbm>> -> memref<8x128xf32, #tpu.memory_space<hbm>>
      %dma_start3A_1354 = arith.constant 0 : i32
      %dma_start3A_1355 = arith.constant 0 : i32
      %dma_start3A_1356 = tpu.memref_slice %arg4[%add3A_1342, %dma_start3A_1345, %add3A_1343, %dma_start3A_1354, %dma_start3A_1355] : memref<50x8x128x8x128xf32, #tpu.memory_space<hbm>> -> memref<1x1x1x8x128xf32, #tpu.memory_space<hbm>>
      %dma_start3A_1357 = tpu.memref_squeeze %dma_start3A_1356 : memref<1x1x1x8x128xf32, #tpu.memory_space<hbm>> -> memref<8x128xf32, #tpu.memory_space<hbm>>
      %dma_start3A_1358 = arith.constant 32 : i32
      %dma_start3A_1359 = arith.constant 0 : i32
      %dma_start3A_1360 = tpu.memref_slice %arg7[%dma_start3A_1344, %dma_start3A_1358, %dma_start3A_1359] : memref<2x64x129xf32, #tpu.memory_space<vmem>> -> memref<1x8x128xf32, #tpu.memory_space<vmem>>
      %dma_start3A_1361 = tpu.memref_squeeze %dma_start3A_1360 : memref<1x8x128xf32, #tpu.memory_space<vmem>> -> memref<8x128xf32, #tpu.memory_space<vmem>>
      tpu.enqueue_dma source(%dma_start3A_1361 : memref<8x128xf32, #tpu.memory_space<vmem>>) target(%dma_start3A_1357 : memref<8x128xf32, #tpu.memory_space<hbm>>) target_semaphore(%arg12 : memref<!tpu.dma_semaphore, #tpu.memory_space<semaphore_mem>>)
      %add3A_1362 = arith.addi %mul3A_11, %select_n3A_1245 : i32
      %add3A_1363 = arith.addi %mul3A_34, %select_n3A_1261 : i32
      %dma_start3A_1364 = arith.constant 1 : i32
      %dma_start3A_1365 = arith.constant 5 : i32
      %dma_start3A_1366 = arith.constant 40 : i32
      %dma_start3A_1367 = arith.constant 0 : i32
      %dma_start3A_1368 = tpu.memref_slice %arg7[%dma_start3A_1364, %dma_start3A_1366, %dma_start3A_1367] : memref<2x64x129xf32, #tpu.memory_space<vmem>> -> memref<1x8x128xf32, #tpu.memory_space<vmem>>
      %dma_start3A_1369 = tpu.memref_squeeze %dma_start3A_1368 : memref<1x8x128xf32, #tpu.memory_space<vmem>> -> memref<8x128xf32, #tpu.memory_space<vmem>>
      %dma_start3A_1370 = arith.constant 0 : i32
      %dma_start3A_1371 = arith.constant 0 : i32
      %dma_start3A_1372 = tpu.memref_slice %arg4[%add3A_1362, %dma_start3A_1365, %add3A_1363, %dma_start3A_1370, %dma_start3A_1371] : memref<50x8x128x8x128xf32, #tpu.memory_space<hbm>> -> memref<1x1x1x8x128xf32, #tpu.memory_space<hbm>>
      %dma_start3A_1373 = tpu.memref_squeeze %dma_start3A_1372 : memref<1x1x1x8x128xf32, #tpu.memory_space<hbm>> -> memref<8x128xf32, #tpu.memory_space<hbm>>
      %dma_start3A_1374 = arith.constant 0 : i32
      %dma_start3A_1375 = arith.constant 0 : i32
      %dma_start3A_1376 = tpu.memref_slice %arg4[%add3A_1362, %dma_start3A_1365, %add3A_1363, %dma_start3A_1374, %dma_start3A_1375] : memref<50x8x128x8x128xf32, #tpu.memory_space<hbm>> -> memref<1x1x1x8x128xf32, #tpu.memory_space<hbm>>
      %dma_start3A_1377 = tpu.memref_squeeze %dma_start3A_1376 : memref<1x1x1x8x128xf32, #tpu.memory_space<hbm>> -> memref<8x128xf32, #tpu.memory_space<hbm>>
      %dma_start3A_1378 = arith.constant 40 : i32
      %dma_start3A_1379 = arith.constant 0 : i32
      %dma_start3A_1380 = tpu.memref_slice %arg7[%dma_start3A_1364, %dma_start3A_1378, %dma_start3A_1379] : memref<2x64x129xf32, #tpu.memory_space<vmem>> -> memref<1x8x128xf32, #tpu.memory_space<vmem>>
      %dma_start3A_1381 = tpu.memref_squeeze %dma_start3A_1380 : memref<1x8x128xf32, #tpu.memory_space<vmem>> -> memref<8x128xf32, #tpu.memory_space<vmem>>
      tpu.enqueue_dma source(%dma_start3A_1381 : memref<8x128xf32, #tpu.memory_space<vmem>>) target(%dma_start3A_1377 : memref<8x128xf32, #tpu.memory_space<hbm>>) target_semaphore(%arg12 : memref<!tpu.dma_semaphore, #tpu.memory_space<semaphore_mem>>)
      %add3A_1382 = arith.addi %mul3A_11, %select_n3A_1245 : i32
      %add3A_1383 = arith.addi %mul3A_34, %select_n3A_1261 : i32
      %dma_start3A_1384 = arith.constant 1 : i32
      %dma_start3A_1385 = arith.constant 6 : i32
      %dma_start3A_1386 = arith.constant 48 : i32
      %dma_start3A_1387 = arith.constant 0 : i32
      %dma_start3A_1388 = tpu.memref_slice %arg7[%dma_start3A_1384, %dma_start3A_1386, %dma_start3A_1387] : memref<2x64x129xf32, #tpu.memory_space<vmem>> -> memref<1x8x128xf32, #tpu.memory_space<vmem>>
      %dma_start3A_1389 = tpu.memref_squeeze %dma_start3A_1388 : memref<1x8x128xf32, #tpu.memory_space<vmem>> -> memref<8x128xf32, #tpu.memory_space<vmem>>
      %dma_start3A_1390 = arith.constant 0 : i32
      %dma_start3A_1391 = arith.constant 0 : i32
      %dma_start3A_1392 = tpu.memref_slice %arg4[%add3A_1382, %dma_start3A_1385, %add3A_1383, %dma_start3A_1390, %dma_start3A_1391] : memref<50x8x128x8x128xf32, #tpu.memory_space<hbm>> -> memref<1x1x1x8x128xf32, #tpu.memory_space<hbm>>
      %dma_start3A_1393 = tpu.memref_squeeze %dma_start3A_1392 : memref<1x1x1x8x128xf32, #tpu.memory_space<hbm>> -> memref<8x128xf32, #tpu.memory_space<hbm>>
      %dma_start3A_1394 = arith.constant 0 : i32
      %dma_start3A_1395 = arith.constant 0 : i32
      %dma_start3A_1396 = tpu.memref_slice %arg4[%add3A_1382, %dma_start3A_1385, %add3A_1383, %dma_start3A_1394, %dma_start3A_1395] : memref<50x8x128x8x128xf32, #tpu.memory_space<hbm>> -> memref<1x1x1x8x128xf32, #tpu.memory_space<hbm>>
      %dma_start3A_1397 = tpu.memref_squeeze %dma_start3A_1396 : memref<1x1x1x8x128xf32, #tpu.memory_space<hbm>> -> memref<8x128xf32, #tpu.memory_space<hbm>>
      %dma_start3A_1398 = arith.constant 48 : i32
      %dma_start3A_1399 = arith.constant 0 : i32
      %dma_start3A_1400 = tpu.memref_slice %arg7[%dma_start3A_1384, %dma_start3A_1398, %dma_start3A_1399] : memref<2x64x129xf32, #tpu.memory_space<vmem>> -> memref<1x8x128xf32, #tpu.memory_space<vmem>>
      %dma_start3A_1401 = tpu.memref_squeeze %dma_start3A_1400 : memref<1x8x128xf32, #tpu.memory_space<vmem>> -> memref<8x128xf32, #tpu.memory_space<vmem>>
      tpu.enqueue_dma source(%dma_start3A_1401 : memref<8x128xf32, #tpu.memory_space<vmem>>) target(%dma_start3A_1397 : memref<8x128xf32, #tpu.memory_space<hbm>>) target_semaphore(%arg12 : memref<!tpu.dma_semaphore, #tpu.memory_space<semaphore_mem>>)
      %add3A_1402 = arith.addi %mul3A_11, %select_n3A_1245 : i32
      %add3A_1403 = arith.addi %mul3A_34, %select_n3A_1261 : i32
      %dma_start3A_1404 = arith.constant 1 : i32
      %dma_start3A_1405 = arith.constant 7 : i32
      %dma_start3A_1406 = arith.constant 56 : i32
      %dma_start3A_1407 = arith.constant 0 : i32
      %dma_start3A_1408 = tpu.memref_slice %arg7[%dma_start3A_1404, %dma_start3A_1406, %dma_start3A_1407] : memref<2x64x129xf32, #tpu.memory_space<vmem>> -> memref<1x8x128xf32, #tpu.memory_space<vmem>>
      %dma_start3A_1409 = tpu.memref_squeeze %dma_start3A_1408 : memref<1x8x128xf32, #tpu.memory_space<vmem>> -> memref<8x128xf32, #tpu.memory_space<vmem>>
      %dma_start3A_1410 = arith.constant 0 : i32
      %dma_start3A_1411 = arith.constant 0 : i32
      %dma_start3A_1412 = tpu.memref_slice %arg4[%add3A_1402, %dma_start3A_1405, %add3A_1403, %dma_start3A_1410, %dma_start3A_1411] : memref<50x8x128x8x128xf32, #tpu.memory_space<hbm>> -> memref<1x1x1x8x128xf32, #tpu.memory_space<hbm>>
      %dma_start3A_1413 = tpu.memref_squeeze %dma_start3A_1412 : memref<1x1x1x8x128xf32, #tpu.memory_space<hbm>> -> memref<8x128xf32, #tpu.memory_space<hbm>>
      %dma_start3A_1414 = arith.constant 0 : i32
      %dma_start3A_1415 = arith.constant 0 : i32
      %dma_start3A_1416 = tpu.memref_slice %arg4[%add3A_1402, %dma_start3A_1405, %add3A_1403, %dma_start3A_1414, %dma_start3A_1415] : memref<50x8x128x8x128xf32, #tpu.memory_space<hbm>> -> memref<1x1x1x8x128xf32, #tpu.memory_space<hbm>>
      %dma_start3A_1417 = tpu.memref_squeeze %dma_start3A_1416 : memref<1x1x1x8x128xf32, #tpu.memory_space<hbm>> -> memref<8x128xf32, #tpu.memory_space<hbm>>
      %dma_start3A_1418 = arith.constant 56 : i32
      %dma_start3A_1419 = arith.constant 0 : i32
      %dma_start3A_1420 = tpu.memref_slice %arg7[%dma_start3A_1404, %dma_start3A_1418, %dma_start3A_1419] : memref<2x64x129xf32, #tpu.memory_space<vmem>> -> memref<1x8x128xf32, #tpu.memory_space<vmem>>
      %dma_start3A_1421 = tpu.memref_squeeze %dma_start3A_1420 : memref<1x8x128xf32, #tpu.memory_space<vmem>> -> memref<8x128xf32, #tpu.memory_space<vmem>>
      tpu.enqueue_dma source(%dma_start3A_1421 : memref<8x128xf32, #tpu.memory_space<vmem>>) target(%dma_start3A_1417 : memref<8x128xf32, #tpu.memory_space<hbm>>) target_semaphore(%arg12 : memref<!tpu.dma_semaphore, #tpu.memory_space<semaphore_mem>>)
    }
    %scan3A_646 = arith.constant 100 : i32
    %dma_wait3A_647 = arith.constant 0 : i32
    %dma_wait3A_648 = arith.constant 0 : i32
    %dma_wait3A_649 = arith.constant 0 : i32
    %dma_wait3A_650 = arith.constant 0 : i32
    %dma_wait3A_651 = arith.constant 0 : i32
    %dma_wait3A_652 = arith.constant 0 : i32
    %dma_wait3A_653 = tpu.memref_slice %arg7[%dma_wait3A_647, %dma_wait3A_651, %dma_wait3A_652] : memref<2x64x129xf32, #tpu.memory_space<vmem>> -> memref<1x8x128xf32, #tpu.memory_space<vmem>>
    %dma_wait3A_654 = tpu.memref_squeeze %dma_wait3A_653 : memref<1x8x128xf32, #tpu.memory_space<vmem>> -> memref<8x128xf32, #tpu.memory_space<vmem>>
    %dma_wait3A_655 = arith.constant 0 : i32
    %dma_wait3A_656 = arith.constant 0 : i32
    %dma_wait3A_657 = tpu.memref_slice %arg4[%dma_wait3A_648, %dma_wait3A_649, %dma_wait3A_650, %dma_wait3A_655, %dma_wait3A_656] : memref<50x8x128x8x128xf32, #tpu.memory_space<hbm>> -> memref<1x1x1x8x128xf32, #tpu.memory_space<hbm>>
    %dma_wait3A_658 = tpu.memref_squeeze %dma_wait3A_657 : memref<1x1x1x8x128xf32, #tpu.memory_space<hbm>> -> memref<8x128xf32, #tpu.memory_space<hbm>>
    %dma_wait3A_659 = arith.constant 0 : i32
    %dma_wait3A_660 = arith.constant 0 : i32
    %dma_wait3A_661 = tpu.memref_slice %arg4[%dma_wait3A_648, %dma_wait3A_649, %dma_wait3A_650, %dma_wait3A_659, %dma_wait3A_660] : memref<50x8x128x8x128xf32, #tpu.memory_space<hbm>> -> memref<1x1x1x8x128xf32, #tpu.memory_space<hbm>>
    %dma_wait3A_662 = tpu.memref_squeeze %dma_wait3A_661 : memref<1x1x1x8x128xf32, #tpu.memory_space<hbm>> -> memref<8x128xf32, #tpu.memory_space<hbm>>
    %dma_wait3A_663 = arith.constant 0 : i32
    %dma_wait3A_664 = arith.constant 0 : i32
    %dma_wait3A_665 = tpu.memref_slice %arg7[%dma_wait3A_647, %dma_wait3A_663, %dma_wait3A_664] : memref<2x64x129xf32, #tpu.memory_space<vmem>> -> memref<1x8x128xf32, #tpu.memory_space<vmem>>
    %dma_wait3A_666 = tpu.memref_squeeze %dma_wait3A_665 : memref<1x8x128xf32, #tpu.memory_space<vmem>> -> memref<8x128xf32, #tpu.memory_space<vmem>>
    tpu.wait_dma2 semaphore(%arg11 : memref<!tpu.dma_semaphore, #tpu.memory_space<semaphore_mem>>) src(%dma_wait3A_666 : memref<8x128xf32, #tpu.memory_space<vmem>>) dst(%dma_wait3A_662 : memref<8x128xf32, #tpu.memory_space<hbm>>)
    %dma_wait3A_667 = arith.constant 0 : i32
    %dma_wait3A_668 = arith.constant 0 : i32
    %dma_wait3A_669 = arith.constant 0 : i32
    %dma_wait3A_670 = arith.constant 0 : i32
    %dma_wait3A_671 = arith.constant 0 : i32
    %dma_wait3A_672 = arith.constant 0 : i32
    %dma_wait3A_673 = tpu.memref_slice %arg7[%dma_wait3A_667, %dma_wait3A_671, %dma_wait3A_672] : memref<2x64x129xf32, #tpu.memory_space<vmem>> -> memref<1x8x128xf32, #tpu.memory_space<vmem>>
    %dma_wait3A_674 = tpu.memref_squeeze %dma_wait3A_673 : memref<1x8x128xf32, #tpu.memory_space<vmem>> -> memref<8x128xf32, #tpu.memory_space<vmem>>
    %dma_wait3A_675 = arith.constant 0 : i32
    %dma_wait3A_676 = arith.constant 0 : i32
    %dma_wait3A_677 = tpu.memref_slice %arg4[%dma_wait3A_668, %dma_wait3A_669, %dma_wait3A_670, %dma_wait3A_675, %dma_wait3A_676] : memref<50x8x128x8x128xf32, #tpu.memory_space<hbm>> -> memref<1x1x1x8x128xf32, #tpu.memory_space<hbm>>
    %dma_wait3A_678 = tpu.memref_squeeze %dma_wait3A_677 : memref<1x1x1x8x128xf32, #tpu.memory_space<hbm>> -> memref<8x128xf32, #tpu.memory_space<hbm>>
    %dma_wait3A_679 = arith.constant 0 : i32
    %dma_wait3A_680 = arith.constant 0 : i32
    %dma_wait3A_681 = tpu.memref_slice %arg4[%dma_wait3A_668, %dma_wait3A_669, %dma_wait3A_670, %dma_wait3A_679, %dma_wait3A_680] : memref<50x8x128x8x128xf32, #tpu.memory_space<hbm>> -> memref<1x1x1x8x128xf32, #tpu.memory_space<hbm>>
    %dma_wait3A_682 = tpu.memref_squeeze %dma_wait3A_681 : memref<1x1x1x8x128xf32, #tpu.memory_space<hbm>> -> memref<8x128xf32, #tpu.memory_space<hbm>>
    %dma_wait3A_683 = arith.constant 0 : i32
    %dma_wait3A_684 = arith.constant 0 : i32
    %dma_wait3A_685 = tpu.memref_slice %arg7[%dma_wait3A_667, %dma_wait3A_683, %dma_wait3A_684] : memref<2x64x129xf32, #tpu.memory_space<vmem>> -> memref<1x8x128xf32, #tpu.memory_space<vmem>>
    %dma_wait3A_686 = tpu.memref_squeeze %dma_wait3A_685 : memref<1x8x128xf32, #tpu.memory_space<vmem>> -> memref<8x128xf32, #tpu.memory_space<vmem>>
    tpu.wait_dma2 semaphore(%arg11 : memref<!tpu.dma_semaphore, #tpu.memory_space<semaphore_mem>>) src(%dma_wait3A_686 : memref<8x128xf32, #tpu.memory_space<vmem>>) dst(%dma_wait3A_682 : memref<8x128xf32, #tpu.memory_space<hbm>>)
    %dma_wait3A_687 = arith.constant 0 : i32
    %dma_wait3A_688 = arith.constant 0 : i32
    %dma_wait3A_689 = arith.constant 0 : i32
    %dma_wait3A_690 = arith.constant 0 : i32
    %dma_wait3A_691 = arith.constant 0 : i32
    %dma_wait3A_692 = arith.constant 0 : i32
    %dma_wait3A_693 = tpu.memref_slice %arg7[%dma_wait3A_687, %dma_wait3A_691, %dma_wait3A_692] : memref<2x64x129xf32, #tpu.memory_space<vmem>> -> memref<1x8x128xf32, #tpu.memory_space<vmem>>
    %dma_wait3A_694 = tpu.memref_squeeze %dma_wait3A_693 : memref<1x8x128xf32, #tpu.memory_space<vmem>> -> memref<8x128xf32, #tpu.memory_space<vmem>>
    %dma_wait3A_695 = arith.constant 0 : i32
    %dma_wait3A_696 = arith.constant 0 : i32
    %dma_wait3A_697 = tpu.memref_slice %arg4[%dma_wait3A_688, %dma_wait3A_689, %dma_wait3A_690, %dma_wait3A_695, %dma_wait3A_696] : memref<50x8x128x8x128xf32, #tpu.memory_space<hbm>> -> memref<1x1x1x8x128xf32, #tpu.memory_space<hbm>>
    %dma_wait3A_698 = tpu.memref_squeeze %dma_wait3A_697 : memref<1x1x1x8x128xf32, #tpu.memory_space<hbm>> -> memref<8x128xf32, #tpu.memory_space<hbm>>
    %dma_wait3A_699 = arith.constant 0 : i32
    %dma_wait3A_700 = arith.constant 0 : i32
    %dma_wait3A_701 = tpu.memref_slice %arg4[%dma_wait3A_688, %dma_wait3A_689, %dma_wait3A_690, %dma_wait3A_699, %dma_wait3A_700] : memref<50x8x128x8x128xf32, #tpu.memory_space<hbm>> -> memref<1x1x1x8x128xf32, #tpu.memory_space<hbm>>
    %dma_wait3A_702 = tpu.memref_squeeze %dma_wait3A_701 : memref<1x1x1x8x128xf32, #tpu.memory_space<hbm>> -> memref<8x128xf32, #tpu.memory_space<hbm>>
    %dma_wait3A_703 = arith.constant 0 : i32
    %dma_wait3A_704 = arith.constant 0 : i32
    %dma_wait3A_705 = tpu.memref_slice %arg7[%dma_wait3A_687, %dma_wait3A_703, %dma_wait3A_704] : memref<2x64x129xf32, #tpu.memory_space<vmem>> -> memref<1x8x128xf32, #tpu.memory_space<vmem>>
    %dma_wait3A_706 = tpu.memref_squeeze %dma_wait3A_705 : memref<1x8x128xf32, #tpu.memory_space<vmem>> -> memref<8x128xf32, #tpu.memory_space<vmem>>
    tpu.wait_dma2 semaphore(%arg11 : memref<!tpu.dma_semaphore, #tpu.memory_space<semaphore_mem>>) src(%dma_wait3A_706 : memref<8x128xf32, #tpu.memory_space<vmem>>) dst(%dma_wait3A_702 : memref<8x128xf32, #tpu.memory_space<hbm>>)
    %dma_wait3A_707 = arith.constant 0 : i32
    %dma_wait3A_708 = arith.constant 0 : i32
    %dma_wait3A_709 = arith.constant 0 : i32
    %dma_wait3A_710 = arith.constant 0 : i32
    %dma_wait3A_711 = arith.constant 0 : i32
    %dma_wait3A_712 = arith.constant 0 : i32
    %dma_wait3A_713 = tpu.memref_slice %arg7[%dma_wait3A_707, %dma_wait3A_711, %dma_wait3A_712] : memref<2x64x129xf32, #tpu.memory_space<vmem>> -> memref<1x8x128xf32, #tpu.memory_space<vmem>>
    %dma_wait3A_714 = tpu.memref_squeeze %dma_wait3A_713 : memref<1x8x128xf32, #tpu.memory_space<vmem>> -> memref<8x128xf32, #tpu.memory_space<vmem>>
    %dma_wait3A_715 = arith.constant 0 : i32
    %dma_wait3A_716 = arith.constant 0 : i32
    %dma_wait3A_717 = tpu.memref_slice %arg4[%dma_wait3A_708, %dma_wait3A_709, %dma_wait3A_710, %dma_wait3A_715, %dma_wait3A_716] : memref<50x8x128x8x128xf32, #tpu.memory_space<hbm>> -> memref<1x1x1x8x128xf32, #tpu.memory_space<hbm>>
    %dma_wait3A_718 = tpu.memref_squeeze %dma_wait3A_717 : memref<1x1x1x8x128xf32, #tpu.memory_space<hbm>> -> memref<8x128xf32, #tpu.memory_space<hbm>>
    %dma_wait3A_719 = arith.constant 0 : i32
    %dma_wait3A_720 = arith.constant 0 : i32
    %dma_wait3A_721 = tpu.memref_slice %arg4[%dma_wait3A_708, %dma_wait3A_709, %dma_wait3A_710, %dma_wait3A_719, %dma_wait3A_720] : memref<50x8x128x8x128xf32, #tpu.memory_space<hbm>> -> memref<1x1x1x8x128xf32, #tpu.memory_space<hbm>>
    %dma_wait3A_722 = tpu.memref_squeeze %dma_wait3A_721 : memref<1x1x1x8x128xf32, #tpu.memory_space<hbm>> -> memref<8x128xf32, #tpu.memory_space<hbm>>
    %dma_wait3A_723 = arith.constant 0 : i32
    %dma_wait3A_724 = arith.constant 0 : i32
    %dma_wait3A_725 = tpu.memref_slice %arg7[%dma_wait3A_707, %dma_wait3A_723, %dma_wait3A_724] : memref<2x64x129xf32, #tpu.memory_space<vmem>> -> memref<1x8x128xf32, #tpu.memory_space<vmem>>
    %dma_wait3A_726 = tpu.memref_squeeze %dma_wait3A_725 : memref<1x8x128xf32, #tpu.memory_space<vmem>> -> memref<8x128xf32, #tpu.memory_space<vmem>>
    tpu.wait_dma2 semaphore(%arg11 : memref<!tpu.dma_semaphore, #tpu.memory_space<semaphore_mem>>) src(%dma_wait3A_726 : memref<8x128xf32, #tpu.memory_space<vmem>>) dst(%dma_wait3A_722 : memref<8x128xf32, #tpu.memory_space<hbm>>)
    %dma_wait3A_727 = arith.constant 0 : i32
    %dma_wait3A_728 = arith.constant 0 : i32
    %dma_wait3A_729 = arith.constant 0 : i32
    %dma_wait3A_730 = arith.constant 0 : i32
    %dma_wait3A_731 = arith.constant 0 : i32
    %dma_wait3A_732 = arith.constant 0 : i32
    %dma_wait3A_733 = tpu.memref_slice %arg7[%dma_wait3A_727, %dma_wait3A_731, %dma_wait3A_732] : memref<2x64x129xf32, #tpu.memory_space<vmem>> -> memref<1x8x128xf32, #tpu.memory_space<vmem>>
    %dma_wait3A_734 = tpu.memref_squeeze %dma_wait3A_733 : memref<1x8x128xf32, #tpu.memory_space<vmem>> -> memref<8x128xf32, #tpu.memory_space<vmem>>
    %dma_wait3A_735 = arith.constant 0 : i32
    %dma_wait3A_736 = arith.constant 0 : i32
    %dma_wait3A_737 = tpu.memref_slice %arg4[%dma_wait3A_728, %dma_wait3A_729, %dma_wait3A_730, %dma_wait3A_735, %dma_wait3A_736] : memref<50x8x128x8x128xf32, #tpu.memory_space<hbm>> -> memref<1x1x1x8x128xf32, #tpu.memory_space<hbm>>
    %dma_wait3A_738 = tpu.memref_squeeze %dma_wait3A_737 : memref<1x1x1x8x128xf32, #tpu.memory_space<hbm>> -> memref<8x128xf32, #tpu.memory_space<hbm>>
    %dma_wait3A_739 = arith.constant 0 : i32
    %dma_wait3A_740 = arith.constant 0 : i32
    %dma_wait3A_741 = tpu.memref_slice %arg4[%dma_wait3A_728, %dma_wait3A_729, %dma_wait3A_730, %dma_wait3A_739, %dma_wait3A_740] : memref<50x8x128x8x128xf32, #tpu.memory_space<hbm>> -> memref<1x1x1x8x128xf32, #tpu.memory_space<hbm>>
    %dma_wait3A_742 = tpu.memref_squeeze %dma_wait3A_741 : memref<1x1x1x8x128xf32, #tpu.memory_space<hbm>> -> memref<8x128xf32, #tpu.memory_space<hbm>>
    %dma_wait3A_743 = arith.constant 0 : i32
    %dma_wait3A_744 = arith.constant 0 : i32
    %dma_wait3A_745 = tpu.memref_slice %arg7[%dma_wait3A_727, %dma_wait3A_743, %dma_wait3A_744] : memref<2x64x129xf32, #tpu.memory_space<vmem>> -> memref<1x8x128xf32, #tpu.memory_space<vmem>>
    %dma_wait3A_746 = tpu.memref_squeeze %dma_wait3A_745 : memref<1x8x128xf32, #tpu.memory_space<vmem>> -> memref<8x128xf32, #tpu.memory_space<vmem>>
    tpu.wait_dma2 semaphore(%arg11 : memref<!tpu.dma_semaphore, #tpu.memory_space<semaphore_mem>>) src(%dma_wait3A_746 : memref<8x128xf32, #tpu.memory_space<vmem>>) dst(%dma_wait3A_742 : memref<8x128xf32, #tpu.memory_space<hbm>>)
    %dma_wait3A_747 = arith.constant 0 : i32
    %dma_wait3A_748 = arith.constant 0 : i32
    %dma_wait3A_749 = arith.constant 0 : i32
    %dma_wait3A_750 = arith.constant 0 : i32
    %dma_wait3A_751 = arith.constant 0 : i32
    %dma_wait3A_752 = arith.constant 0 : i32
    %dma_wait3A_753 = tpu.memref_slice %arg7[%dma_wait3A_747, %dma_wait3A_751, %dma_wait3A_752] : memref<2x64x129xf32, #tpu.memory_space<vmem>> -> memref<1x8x128xf32, #tpu.memory_space<vmem>>
    %dma_wait3A_754 = tpu.memref_squeeze %dma_wait3A_753 : memref<1x8x128xf32, #tpu.memory_space<vmem>> -> memref<8x128xf32, #tpu.memory_space<vmem>>
    %dma_wait3A_755 = arith.constant 0 : i32
    %dma_wait3A_756 = arith.constant 0 : i32
    %dma_wait3A_757 = tpu.memref_slice %arg4[%dma_wait3A_748, %dma_wait3A_749, %dma_wait3A_750, %dma_wait3A_755, %dma_wait3A_756] : memref<50x8x128x8x128xf32, #tpu.memory_space<hbm>> -> memref<1x1x1x8x128xf32, #tpu.memory_space<hbm>>
    %dma_wait3A_758 = tpu.memref_squeeze %dma_wait3A_757 : memref<1x1x1x8x128xf32, #tpu.memory_space<hbm>> -> memref<8x128xf32, #tpu.memory_space<hbm>>
    %dma_wait3A_759 = arith.constant 0 : i32
    %dma_wait3A_760 = arith.constant 0 : i32
    %dma_wait3A_761 = tpu.memref_slice %arg4[%dma_wait3A_748, %dma_wait3A_749, %dma_wait3A_750, %dma_wait3A_759, %dma_wait3A_760] : memref<50x8x128x8x128xf32, #tpu.memory_space<hbm>> -> memref<1x1x1x8x128xf32, #tpu.memory_space<hbm>>
    %dma_wait3A_762 = tpu.memref_squeeze %dma_wait3A_761 : memref<1x1x1x8x128xf32, #tpu.memory_space<hbm>> -> memref<8x128xf32, #tpu.memory_space<hbm>>
    %dma_wait3A_763 = arith.constant 0 : i32
    %dma_wait3A_764 = arith.constant 0 : i32
    %dma_wait3A_765 = tpu.memref_slice %arg7[%dma_wait3A_747, %dma_wait3A_763, %dma_wait3A_764] : memref<2x64x129xf32, #tpu.memory_space<vmem>> -> memref<1x8x128xf32, #tpu.memory_space<vmem>>
    %dma_wait3A_766 = tpu.memref_squeeze %dma_wait3A_765 : memref<1x8x128xf32, #tpu.memory_space<vmem>> -> memref<8x128xf32, #tpu.memory_space<vmem>>
    tpu.wait_dma2 semaphore(%arg11 : memref<!tpu.dma_semaphore, #tpu.memory_space<semaphore_mem>>) src(%dma_wait3A_766 : memref<8x128xf32, #tpu.memory_space<vmem>>) dst(%dma_wait3A_762 : memref<8x128xf32, #tpu.memory_space<hbm>>)
    %dma_wait3A_767 = arith.constant 0 : i32
    %dma_wait3A_768 = arith.constant 0 : i32
    %dma_wait3A_769 = arith.constant 0 : i32
    %dma_wait3A_770 = arith.constant 0 : i32
    %dma_wait3A_771 = arith.constant 0 : i32
    %dma_wait3A_772 = arith.constant 0 : i32
    %dma_wait3A_773 = tpu.memref_slice %arg7[%dma_wait3A_767, %dma_wait3A_771, %dma_wait3A_772] : memref<2x64x129xf32, #tpu.memory_space<vmem>> -> memref<1x8x128xf32, #tpu.memory_space<vmem>>
    %dma_wait3A_774 = tpu.memref_squeeze %dma_wait3A_773 : memref<1x8x128xf32, #tpu.memory_space<vmem>> -> memref<8x128xf32, #tpu.memory_space<vmem>>
    %dma_wait3A_775 = arith.constant 0 : i32
    %dma_wait3A_776 = arith.constant 0 : i32
    %dma_wait3A_777 = tpu.memref_slice %arg4[%dma_wait3A_768, %dma_wait3A_769, %dma_wait3A_770, %dma_wait3A_775, %dma_wait3A_776] : memref<50x8x128x8x128xf32, #tpu.memory_space<hbm>> -> memref<1x1x1x8x128xf32, #tpu.memory_space<hbm>>
    %dma_wait3A_778 = tpu.memref_squeeze %dma_wait3A_777 : memref<1x1x1x8x128xf32, #tpu.memory_space<hbm>> -> memref<8x128xf32, #tpu.memory_space<hbm>>
    %dma_wait3A_779 = arith.constant 0 : i32
    %dma_wait3A_780 = arith.constant 0 : i32
    %dma_wait3A_781 = tpu.memref_slice %arg4[%dma_wait3A_768, %dma_wait3A_769, %dma_wait3A_770, %dma_wait3A_779, %dma_wait3A_780] : memref<50x8x128x8x128xf32, #tpu.memory_space<hbm>> -> memref<1x1x1x8x128xf32, #tpu.memory_space<hbm>>
    %dma_wait3A_782 = tpu.memref_squeeze %dma_wait3A_781 : memref<1x1x1x8x128xf32, #tpu.memory_space<hbm>> -> memref<8x128xf32, #tpu.memory_space<hbm>>
    %dma_wait3A_783 = arith.constant 0 : i32
    %dma_wait3A_784 = arith.constant 0 : i32
    %dma_wait3A_785 = tpu.memref_slice %arg7[%dma_wait3A_767, %dma_wait3A_783, %dma_wait3A_784] : memref<2x64x129xf32, #tpu.memory_space<vmem>> -> memref<1x8x128xf32, #tpu.memory_space<vmem>>
    %dma_wait3A_786 = tpu.memref_squeeze %dma_wait3A_785 : memref<1x8x128xf32, #tpu.memory_space<vmem>> -> memref<8x128xf32, #tpu.memory_space<vmem>>
    tpu.wait_dma2 semaphore(%arg11 : memref<!tpu.dma_semaphore, #tpu.memory_space<semaphore_mem>>) src(%dma_wait3A_786 : memref<8x128xf32, #tpu.memory_space<vmem>>) dst(%dma_wait3A_782 : memref<8x128xf32, #tpu.memory_space<hbm>>)
    %dma_wait3A_787 = arith.constant 0 : i32
    %dma_wait3A_788 = arith.constant 0 : i32
    %dma_wait3A_789 = arith.constant 0 : i32
    %dma_wait3A_790 = arith.constant 0 : i32
    %dma_wait3A_791 = arith.constant 0 : i32
    %dma_wait3A_792 = arith.constant 0 : i32
    %dma_wait3A_793 = tpu.memref_slice %arg7[%dma_wait3A_787, %dma_wait3A_791, %dma_wait3A_792] : memref<2x64x129xf32, #tpu.memory_space<vmem>> -> memref<1x8x128xf32, #tpu.memory_space<vmem>>
    %dma_wait3A_794 = tpu.memref_squeeze %dma_wait3A_793 : memref<1x8x128xf32, #tpu.memory_space<vmem>> -> memref<8x128xf32, #tpu.memory_space<vmem>>
    %dma_wait3A_795 = arith.constant 0 : i32
    %dma_wait3A_796 = arith.constant 0 : i32
    %dma_wait3A_797 = tpu.memref_slice %arg4[%dma_wait3A_788, %dma_wait3A_789, %dma_wait3A_790, %dma_wait3A_795, %dma_wait3A_796] : memref<50x8x128x8x128xf32, #tpu.memory_space<hbm>> -> memref<1x1x1x8x128xf32, #tpu.memory_space<hbm>>
    %dma_wait3A_798 = tpu.memref_squeeze %dma_wait3A_797 : memref<1x1x1x8x128xf32, #tpu.memory_space<hbm>> -> memref<8x128xf32, #tpu.memory_space<hbm>>
    %dma_wait3A_799 = arith.constant 0 : i32
    %dma_wait3A_800 = arith.constant 0 : i32
    %dma_wait3A_801 = tpu.memref_slice %arg4[%dma_wait3A_788, %dma_wait3A_789, %dma_wait3A_790, %dma_wait3A_799, %dma_wait3A_800] : memref<50x8x128x8x128xf32, #tpu.memory_space<hbm>> -> memref<1x1x1x8x128xf32, #tpu.memory_space<hbm>>
    %dma_wait3A_802 = tpu.memref_squeeze %dma_wait3A_801 : memref<1x1x1x8x128xf32, #tpu.memory_space<hbm>> -> memref<8x128xf32, #tpu.memory_space<hbm>>
    %dma_wait3A_803 = arith.constant 0 : i32
    %dma_wait3A_804 = arith.constant 0 : i32
    %dma_wait3A_805 = tpu.memref_slice %arg7[%dma_wait3A_787, %dma_wait3A_803, %dma_wait3A_804] : memref<2x64x129xf32, #tpu.memory_space<vmem>> -> memref<1x8x128xf32, #tpu.memory_space<vmem>>
    %dma_wait3A_806 = tpu.memref_squeeze %dma_wait3A_805 : memref<1x8x128xf32, #tpu.memory_space<vmem>> -> memref<8x128xf32, #tpu.memory_space<vmem>>
    tpu.wait_dma2 semaphore(%arg11 : memref<!tpu.dma_semaphore, #tpu.memory_space<semaphore_mem>>) src(%dma_wait3A_806 : memref<8x128xf32, #tpu.memory_space<vmem>>) dst(%dma_wait3A_802 : memref<8x128xf32, #tpu.memory_space<hbm>>)
    %dma_wait3A_807 = arith.constant 1 : i32
    %dma_wait3A_808 = arith.constant 0 : i32
    %dma_wait3A_809 = arith.constant 0 : i32
    %dma_wait3A_810 = arith.constant 0 : i32
    %dma_wait3A_811 = arith.constant 0 : i32
    %dma_wait3A_812 = arith.constant 0 : i32
    %dma_wait3A_813 = tpu.memref_slice %arg7[%dma_wait3A_807, %dma_wait3A_811, %dma_wait3A_812] : memref<2x64x129xf32, #tpu.memory_space<vmem>> -> memref<1x8x128xf32, #tpu.memory_space<vmem>>
    %dma_wait3A_814 = tpu.memref_squeeze %dma_wait3A_813 : memref<1x8x128xf32, #tpu.memory_space<vmem>> -> memref<8x128xf32, #tpu.memory_space<vmem>>
    %dma_wait3A_815 = arith.constant 0 : i32
    %dma_wait3A_816 = arith.constant 0 : i32
    %dma_wait3A_817 = tpu.memref_slice %arg4[%dma_wait3A_808, %dma_wait3A_809, %dma_wait3A_810, %dma_wait3A_815, %dma_wait3A_816] : memref<50x8x128x8x128xf32, #tpu.memory_space<hbm>> -> memref<1x1x1x8x128xf32, #tpu.memory_space<hbm>>
    %dma_wait3A_818 = tpu.memref_squeeze %dma_wait3A_817 : memref<1x1x1x8x128xf32, #tpu.memory_space<hbm>> -> memref<8x128xf32, #tpu.memory_space<hbm>>
    %dma_wait3A_819 = arith.constant 0 : i32
    %dma_wait3A_820 = arith.constant 0 : i32
    %dma_wait3A_821 = tpu.memref_slice %arg4[%dma_wait3A_808, %dma_wait3A_809, %dma_wait3A_810, %dma_wait3A_819, %dma_wait3A_820] : memref<50x8x128x8x128xf32, #tpu.memory_space<hbm>> -> memref<1x1x1x8x128xf32, #tpu.memory_space<hbm>>
    %dma_wait3A_822 = tpu.memref_squeeze %dma_wait3A_821 : memref<1x1x1x8x128xf32, #tpu.memory_space<hbm>> -> memref<8x128xf32, #tpu.memory_space<hbm>>
    %dma_wait3A_823 = arith.constant 0 : i32
    %dma_wait3A_824 = arith.constant 0 : i32
    %dma_wait3A_825 = tpu.memref_slice %arg7[%dma_wait3A_807, %dma_wait3A_823, %dma_wait3A_824] : memref<2x64x129xf32, #tpu.memory_space<vmem>> -> memref<1x8x128xf32, #tpu.memory_space<vmem>>
    %dma_wait3A_826 = tpu.memref_squeeze %dma_wait3A_825 : memref<1x8x128xf32, #tpu.memory_space<vmem>> -> memref<8x128xf32, #tpu.memory_space<vmem>>
    tpu.wait_dma2 semaphore(%arg12 : memref<!tpu.dma_semaphore, #tpu.memory_space<semaphore_mem>>) src(%dma_wait3A_826 : memref<8x128xf32, #tpu.memory_space<vmem>>) dst(%dma_wait3A_822 : memref<8x128xf32, #tpu.memory_space<hbm>>)
    %dma_wait3A_827 = arith.constant 1 : i32
    %dma_wait3A_828 = arith.constant 0 : i32
    %dma_wait3A_829 = arith.constant 0 : i32
    %dma_wait3A_830 = arith.constant 0 : i32
    %dma_wait3A_831 = arith.constant 0 : i32
    %dma_wait3A_832 = arith.constant 0 : i32
    %dma_wait3A_833 = tpu.memref_slice %arg7[%dma_wait3A_827, %dma_wait3A_831, %dma_wait3A_832] : memref<2x64x129xf32, #tpu.memory_space<vmem>> -> memref<1x8x128xf32, #tpu.memory_space<vmem>>
    %dma_wait3A_834 = tpu.memref_squeeze %dma_wait3A_833 : memref<1x8x128xf32, #tpu.memory_space<vmem>> -> memref<8x128xf32, #tpu.memory_space<vmem>>
    %dma_wait3A_835 = arith.constant 0 : i32
    %dma_wait3A_836 = arith.constant 0 : i32
    %dma_wait3A_837 = tpu.memref_slice %arg4[%dma_wait3A_828, %dma_wait3A_829, %dma_wait3A_830, %dma_wait3A_835, %dma_wait3A_836] : memref<50x8x128x8x128xf32, #tpu.memory_space<hbm>> -> memref<1x1x1x8x128xf32, #tpu.memory_space<hbm>>
    %dma_wait3A_838 = tpu.memref_squeeze %dma_wait3A_837 : memref<1x1x1x8x128xf32, #tpu.memory_space<hbm>> -> memref<8x128xf32, #tpu.memory_space<hbm>>
    %dma_wait3A_839 = arith.constant 0 : i32
    %dma_wait3A_840 = arith.constant 0 : i32
    %dma_wait3A_841 = tpu.memref_slice %arg4[%dma_wait3A_828, %dma_wait3A_829, %dma_wait3A_830, %dma_wait3A_839, %dma_wait3A_840] : memref<50x8x128x8x128xf32, #tpu.memory_space<hbm>> -> memref<1x1x1x8x128xf32, #tpu.memory_space<hbm>>
    %dma_wait3A_842 = tpu.memref_squeeze %dma_wait3A_841 : memref<1x1x1x8x128xf32, #tpu.memory_space<hbm>> -> memref<8x128xf32, #tpu.memory_space<hbm>>
    %dma_wait3A_843 = arith.constant 0 : i32
    %dma_wait3A_844 = arith.constant 0 : i32
    %dma_wait3A_845 = tpu.memref_slice %arg7[%dma_wait3A_827, %dma_wait3A_843, %dma_wait3A_844] : memref<2x64x129xf32, #tpu.memory_space<vmem>> -> memref<1x8x128xf32, #tpu.memory_space<vmem>>
    %dma_wait3A_846 = tpu.memref_squeeze %dma_wait3A_845 : memref<1x8x128xf32, #tpu.memory_space<vmem>> -> memref<8x128xf32, #tpu.memory_space<vmem>>
    tpu.wait_dma2 semaphore(%arg12 : memref<!tpu.dma_semaphore, #tpu.memory_space<semaphore_mem>>) src(%dma_wait3A_846 : memref<8x128xf32, #tpu.memory_space<vmem>>) dst(%dma_wait3A_842 : memref<8x128xf32, #tpu.memory_space<hbm>>)
    %dma_wait3A_847 = arith.constant 1 : i32
    %dma_wait3A_848 = arith.constant 0 : i32
    %dma_wait3A_849 = arith.constant 0 : i32
    %dma_wait3A_850 = arith.constant 0 : i32
    %dma_wait3A_851 = arith.constant 0 : i32
    %dma_wait3A_852 = arith.constant 0 : i32
    %dma_wait3A_853 = tpu.memref_slice %arg7[%dma_wait3A_847, %dma_wait3A_851, %dma_wait3A_852] : memref<2x64x129xf32, #tpu.memory_space<vmem>> -> memref<1x8x128xf32, #tpu.memory_space<vmem>>
    %dma_wait3A_854 = tpu.memref_squeeze %dma_wait3A_853 : memref<1x8x128xf32, #tpu.memory_space<vmem>> -> memref<8x128xf32, #tpu.memory_space<vmem>>
    %dma_wait3A_855 = arith.constant 0 : i32
    %dma_wait3A_856 = arith.constant 0 : i32
    %dma_wait3A_857 = tpu.memref_slice %arg4[%dma_wait3A_848, %dma_wait3A_849, %dma_wait3A_850, %dma_wait3A_855, %dma_wait3A_856] : memref<50x8x128x8x128xf32, #tpu.memory_space<hbm>> -> memref<1x1x1x8x128xf32, #tpu.memory_space<hbm>>
    %dma_wait3A_858 = tpu.memref_squeeze %dma_wait3A_857 : memref<1x1x1x8x128xf32, #tpu.memory_space<hbm>> -> memref<8x128xf32, #tpu.memory_space<hbm>>
    %dma_wait3A_859 = arith.constant 0 : i32
    %dma_wait3A_860 = arith.constant 0 : i32
    %dma_wait3A_861 = tpu.memref_slice %arg4[%dma_wait3A_848, %dma_wait3A_849, %dma_wait3A_850, %dma_wait3A_859, %dma_wait3A_860] : memref<50x8x128x8x128xf32, #tpu.memory_space<hbm>> -> memref<1x1x1x8x128xf32, #tpu.memory_space<hbm>>
    %dma_wait3A_862 = tpu.memref_squeeze %dma_wait3A_861 : memref<1x1x1x8x128xf32, #tpu.memory_space<hbm>> -> memref<8x128xf32, #tpu.memory_space<hbm>>
    %dma_wait3A_863 = arith.constant 0 : i32
    %dma_wait3A_864 = arith.constant 0 : i32
    %dma_wait3A_865 = tpu.memref_slice %arg7[%dma_wait3A_847, %dma_wait3A_863, %dma_wait3A_864] : memref<2x64x129xf32, #tpu.memory_space<vmem>> -> memref<1x8x128xf32, #tpu.memory_space<vmem>>
    %dma_wait3A_866 = tpu.memref_squeeze %dma_wait3A_865 : memref<1x8x128xf32, #tpu.memory_space<vmem>> -> memref<8x128xf32, #tpu.memory_space<vmem>>
    tpu.wait_dma2 semaphore(%arg12 : memref<!tpu.dma_semaphore, #tpu.memory_space<semaphore_mem>>) src(%dma_wait3A_866 : memref<8x128xf32, #tpu.memory_space<vmem>>) dst(%dma_wait3A_862 : memref<8x128xf32, #tpu.memory_space<hbm>>)
    %dma_wait3A_867 = arith.constant 1 : i32
    %dma_wait3A_868 = arith.constant 0 : i32
    %dma_wait3A_869 = arith.constant 0 : i32
    %dma_wait3A_870 = arith.constant 0 : i32
    %dma_wait3A_871 = arith.constant 0 : i32
    %dma_wait3A_872 = arith.constant 0 : i32
    %dma_wait3A_873 = tpu.memref_slice %arg7[%dma_wait3A_867, %dma_wait3A_871, %dma_wait3A_872] : memref<2x64x129xf32, #tpu.memory_space<vmem>> -> memref<1x8x128xf32, #tpu.memory_space<vmem>>
    %dma_wait3A_874 = tpu.memref_squeeze %dma_wait3A_873 : memref<1x8x128xf32, #tpu.memory_space<vmem>> -> memref<8x128xf32, #tpu.memory_space<vmem>>
    %dma_wait3A_875 = arith.constant 0 : i32
    %dma_wait3A_876 = arith.constant 0 : i32
    %dma_wait3A_877 = tpu.memref_slice %arg4[%dma_wait3A_868, %dma_wait3A_869, %dma_wait3A_870, %dma_wait3A_875, %dma_wait3A_876] : memref<50x8x128x8x128xf32, #tpu.memory_space<hbm>> -> memref<1x1x1x8x128xf32, #tpu.memory_space<hbm>>
    %dma_wait3A_878 = tpu.memref_squeeze %dma_wait3A_877 : memref<1x1x1x8x128xf32, #tpu.memory_space<hbm>> -> memref<8x128xf32, #tpu.memory_space<hbm>>
    %dma_wait3A_879 = arith.constant 0 : i32
    %dma_wait3A_880 = arith.constant 0 : i32
    %dma_wait3A_881 = tpu.memref_slice %arg4[%dma_wait3A_868, %dma_wait3A_869, %dma_wait3A_870, %dma_wait3A_879, %dma_wait3A_880] : memref<50x8x128x8x128xf32, #tpu.memory_space<hbm>> -> memref<1x1x1x8x128xf32, #tpu.memory_space<hbm>>
    %dma_wait3A_882 = tpu.memref_squeeze %dma_wait3A_881 : memref<1x1x1x8x128xf32, #tpu.memory_space<hbm>> -> memref<8x128xf32, #tpu.memory_space<hbm>>
    %dma_wait3A_883 = arith.constant 0 : i32
    %dma_wait3A_884 = arith.constant 0 : i32
    %dma_wait3A_885 = tpu.memref_slice %arg7[%dma_wait3A_867, %dma_wait3A_883, %dma_wait3A_884] : memref<2x64x129xf32, #tpu.memory_space<vmem>> -> memref<1x8x128xf32, #tpu.memory_space<vmem>>
    %dma_wait3A_886 = tpu.memref_squeeze %dma_wait3A_885 : memref<1x8x128xf32, #tpu.memory_space<vmem>> -> memref<8x128xf32, #tpu.memory_space<vmem>>
    tpu.wait_dma2 semaphore(%arg12 : memref<!tpu.dma_semaphore, #tpu.memory_space<semaphore_mem>>) src(%dma_wait3A_886 : memref<8x128xf32, #tpu.memory_space<vmem>>) dst(%dma_wait3A_882 : memref<8x128xf32, #tpu.memory_space<hbm>>)
    %dma_wait3A_887 = arith.constant 1 : i32
    %dma_wait3A_888 = arith.constant 0 : i32
    %dma_wait3A_889 = arith.constant 0 : i32
    %dma_wait3A_890 = arith.constant 0 : i32
    %dma_wait3A_891 = arith.constant 0 : i32
    %dma_wait3A_892 = arith.constant 0 : i32
    %dma_wait3A_893 = tpu.memref_slice %arg7[%dma_wait3A_887, %dma_wait3A_891, %dma_wait3A_892] : memref<2x64x129xf32, #tpu.memory_space<vmem>> -> memref<1x8x128xf32, #tpu.memory_space<vmem>>
    %dma_wait3A_894 = tpu.memref_squeeze %dma_wait3A_893 : memref<1x8x128xf32, #tpu.memory_space<vmem>> -> memref<8x128xf32, #tpu.memory_space<vmem>>
    %dma_wait3A_895 = arith.constant 0 : i32
    %dma_wait3A_896 = arith.constant 0 : i32
    %dma_wait3A_897 = tpu.memref_slice %arg4[%dma_wait3A_888, %dma_wait3A_889, %dma_wait3A_890, %dma_wait3A_895, %dma_wait3A_896] : memref<50x8x128x8x128xf32, #tpu.memory_space<hbm>> -> memref<1x1x1x8x128xf32, #tpu.memory_space<hbm>>
    %dma_wait3A_898 = tpu.memref_squeeze %dma_wait3A_897 : memref<1x1x1x8x128xf32, #tpu.memory_space<hbm>> -> memref<8x128xf32, #tpu.memory_space<hbm>>
    %dma_wait3A_899 = arith.constant 0 : i32
    %dma_wait3A_900 = arith.constant 0 : i32
    %dma_wait3A_901 = tpu.memref_slice %arg4[%dma_wait3A_888, %dma_wait3A_889, %dma_wait3A_890, %dma_wait3A_899, %dma_wait3A_900] : memref<50x8x128x8x128xf32, #tpu.memory_space<hbm>> -> memref<1x1x1x8x128xf32, #tpu.memory_space<hbm>>
    %dma_wait3A_902 = tpu.memref_squeeze %dma_wait3A_901 : memref<1x1x1x8x128xf32, #tpu.memory_space<hbm>> -> memref<8x128xf32, #tpu.memory_space<hbm>>
    %dma_wait3A_903 = arith.constant 0 : i32
    %dma_wait3A_904 = arith.constant 0 : i32
    %dma_wait3A_905 = tpu.memref_slice %arg7[%dma_wait3A_887, %dma_wait3A_903, %dma_wait3A_904] : memref<2x64x129xf32, #tpu.memory_space<vmem>> -> memref<1x8x128xf32, #tpu.memory_space<vmem>>
    %dma_wait3A_906 = tpu.memref_squeeze %dma_wait3A_905 : memref<1x8x128xf32, #tpu.memory_space<vmem>> -> memref<8x128xf32, #tpu.memory_space<vmem>>
    tpu.wait_dma2 semaphore(%arg12 : memref<!tpu.dma_semaphore, #tpu.memory_space<semaphore_mem>>) src(%dma_wait3A_906 : memref<8x128xf32, #tpu.memory_space<vmem>>) dst(%dma_wait3A_902 : memref<8x128xf32, #tpu.memory_space<hbm>>)
    %dma_wait3A_907 = arith.constant 1 : i32
    %dma_wait3A_908 = arith.constant 0 : i32
    %dma_wait3A_909 = arith.constant 0 : i32
    %dma_wait3A_910 = arith.constant 0 : i32
    %dma_wait3A_911 = arith.constant 0 : i32
    %dma_wait3A_912 = arith.constant 0 : i32
    %dma_wait3A_913 = tpu.memref_slice %arg7[%dma_wait3A_907, %dma_wait3A_911, %dma_wait3A_912] : memref<2x64x129xf32, #tpu.memory_space<vmem>> -> memref<1x8x128xf32, #tpu.memory_space<vmem>>
    %dma_wait3A_914 = tpu.memref_squeeze %dma_wait3A_913 : memref<1x8x128xf32, #tpu.memory_space<vmem>> -> memref<8x128xf32, #tpu.memory_space<vmem>>
    %dma_wait3A_915 = arith.constant 0 : i32
    %dma_wait3A_916 = arith.constant 0 : i32
    %dma_wait3A_917 = tpu.memref_slice %arg4[%dma_wait3A_908, %dma_wait3A_909, %dma_wait3A_910, %dma_wait3A_915, %dma_wait3A_916] : memref<50x8x128x8x128xf32, #tpu.memory_space<hbm>> -> memref<1x1x1x8x128xf32, #tpu.memory_space<hbm>>
    %dma_wait3A_918 = tpu.memref_squeeze %dma_wait3A_917 : memref<1x1x1x8x128xf32, #tpu.memory_space<hbm>> -> memref<8x128xf32, #tpu.memory_space<hbm>>
    %dma_wait3A_919 = arith.constant 0 : i32
    %dma_wait3A_920 = arith.constant 0 : i32
    %dma_wait3A_921 = tpu.memref_slice %arg4[%dma_wait3A_908, %dma_wait3A_909, %dma_wait3A_910, %dma_wait3A_919, %dma_wait3A_920] : memref<50x8x128x8x128xf32, #tpu.memory_space<hbm>> -> memref<1x1x1x8x128xf32, #tpu.memory_space<hbm>>
    %dma_wait3A_922 = tpu.memref_squeeze %dma_wait3A_921 : memref<1x1x1x8x128xf32, #tpu.memory_space<hbm>> -> memref<8x128xf32, #tpu.memory_space<hbm>>
    %dma_wait3A_923 = arith.constant 0 : i32
    %dma_wait3A_924 = arith.constant 0 : i32
    %dma_wait3A_925 = tpu.memref_slice %arg7[%dma_wait3A_907, %dma_wait3A_923, %dma_wait3A_924] : memref<2x64x129xf32, #tpu.memory_space<vmem>> -> memref<1x8x128xf32, #tpu.memory_space<vmem>>
    %dma_wait3A_926 = tpu.memref_squeeze %dma_wait3A_925 : memref<1x8x128xf32, #tpu.memory_space<vmem>> -> memref<8x128xf32, #tpu.memory_space<vmem>>
    tpu.wait_dma2 semaphore(%arg12 : memref<!tpu.dma_semaphore, #tpu.memory_space<semaphore_mem>>) src(%dma_wait3A_926 : memref<8x128xf32, #tpu.memory_space<vmem>>) dst(%dma_wait3A_922 : memref<8x128xf32, #tpu.memory_space<hbm>>)
    %dma_wait3A_927 = arith.constant 1 : i32
    %dma_wait3A_928 = arith.constant 0 : i32
    %dma_wait3A_929 = arith.constant 0 : i32
    %dma_wait3A_930 = arith.constant 0 : i32
    %dma_wait3A_931 = arith.constant 0 : i32
    %dma_wait3A_932 = arith.constant 0 : i32
    %dma_wait3A_933 = tpu.memref_slice %arg7[%dma_wait3A_927, %dma_wait3A_931, %dma_wait3A_932] : memref<2x64x129xf32, #tpu.memory_space<vmem>> -> memref<1x8x128xf32, #tpu.memory_space<vmem>>
    %dma_wait3A_934 = tpu.memref_squeeze %dma_wait3A_933 : memref<1x8x128xf32, #tpu.memory_space<vmem>> -> memref<8x128xf32, #tpu.memory_space<vmem>>
    %dma_wait3A_935 = arith.constant 0 : i32
    %dma_wait3A_936 = arith.constant 0 : i32
    %dma_wait3A_937 = tpu.memref_slice %arg4[%dma_wait3A_928, %dma_wait3A_929, %dma_wait3A_930, %dma_wait3A_935, %dma_wait3A_936] : memref<50x8x128x8x128xf32, #tpu.memory_space<hbm>> -> memref<1x1x1x8x128xf32, #tpu.memory_space<hbm>>
    %dma_wait3A_938 = tpu.memref_squeeze %dma_wait3A_937 : memref<1x1x1x8x128xf32, #tpu.memory_space<hbm>> -> memref<8x128xf32, #tpu.memory_space<hbm>>
    %dma_wait3A_939 = arith.constant 0 : i32
    %dma_wait3A_940 = arith.constant 0 : i32
    %dma_wait3A_941 = tpu.memref_slice %arg4[%dma_wait3A_928, %dma_wait3A_929, %dma_wait3A_930, %dma_wait3A_939, %dma_wait3A_940] : memref<50x8x128x8x128xf32, #tpu.memory_space<hbm>> -> memref<1x1x1x8x128xf32, #tpu.memory_space<hbm>>
    %dma_wait3A_942 = tpu.memref_squeeze %dma_wait3A_941 : memref<1x1x1x8x128xf32, #tpu.memory_space<hbm>> -> memref<8x128xf32, #tpu.memory_space<hbm>>
    %dma_wait3A_943 = arith.constant 0 : i32
    %dma_wait3A_944 = arith.constant 0 : i32
    %dma_wait3A_945 = tpu.memref_slice %arg7[%dma_wait3A_927, %dma_wait3A_943, %dma_wait3A_944] : memref<2x64x129xf32, #tpu.memory_space<vmem>> -> memref<1x8x128xf32, #tpu.memory_space<vmem>>
    %dma_wait3A_946 = tpu.memref_squeeze %dma_wait3A_945 : memref<1x8x128xf32, #tpu.memory_space<vmem>> -> memref<8x128xf32, #tpu.memory_space<vmem>>
    tpu.wait_dma2 semaphore(%arg12 : memref<!tpu.dma_semaphore, #tpu.memory_space<semaphore_mem>>) src(%dma_wait3A_946 : memref<8x128xf32, #tpu.memory_space<vmem>>) dst(%dma_wait3A_942 : memref<8x128xf32, #tpu.memory_space<hbm>>)
    %dma_wait3A_947 = arith.constant 1 : i32
    %dma_wait3A_948 = arith.constant 0 : i32
    %dma_wait3A_949 = arith.constant 0 : i32
    %dma_wait3A_950 = arith.constant 0 : i32
    %dma_wait3A_951 = arith.constant 0 : i32
    %dma_wait3A_952 = arith.constant 0 : i32
    %dma_wait3A_953 = tpu.memref_slice %arg7[%dma_wait3A_947, %dma_wait3A_951, %dma_wait3A_952] : memref<2x64x129xf32, #tpu.memory_space<vmem>> -> memref<1x8x128xf32, #tpu.memory_space<vmem>>
    %dma_wait3A_954 = tpu.memref_squeeze %dma_wait3A_953 : memref<1x8x128xf32, #tpu.memory_space<vmem>> -> memref<8x128xf32, #tpu.memory_space<vmem>>
    %dma_wait3A_955 = arith.constant 0 : i32
    %dma_wait3A_956 = arith.constant 0 : i32
    %dma_wait3A_957 = tpu.memref_slice %arg4[%dma_wait3A_948, %dma_wait3A_949, %dma_wait3A_950, %dma_wait3A_955, %dma_wait3A_956] : memref<50x8x128x8x128xf32, #tpu.memory_space<hbm>> -> memref<1x1x1x8x128xf32, #tpu.memory_space<hbm>>
    %dma_wait3A_958 = tpu.memref_squeeze %dma_wait3A_957 : memref<1x1x1x8x128xf32, #tpu.memory_space<hbm>> -> memref<8x128xf32, #tpu.memory_space<hbm>>
    %dma_wait3A_959 = arith.constant 0 : i32
    %dma_wait3A_960 = arith.constant 0 : i32
    %dma_wait3A_961 = tpu.memref_slice %arg4[%dma_wait3A_948, %dma_wait3A_949, %dma_wait3A_950, %dma_wait3A_959, %dma_wait3A_960] : memref<50x8x128x8x128xf32, #tpu.memory_space<hbm>> -> memref<1x1x1x8x128xf32, #tpu.memory_space<hbm>>
    %dma_wait3A_962 = tpu.memref_squeeze %dma_wait3A_961 : memref<1x1x1x8x128xf32, #tpu.memory_space<hbm>> -> memref<8x128xf32, #tpu.memory_space<hbm>>
    %dma_wait3A_963 = arith.constant 0 : i32
    %dma_wait3A_964 = arith.constant 0 : i32
    %dma_wait3A_965 = tpu.memref_slice %arg7[%dma_wait3A_947, %dma_wait3A_963, %dma_wait3A_964] : memref<2x64x129xf32, #tpu.memory_space<vmem>> -> memref<1x8x128xf32, #tpu.memory_space<vmem>>
    %dma_wait3A_966 = tpu.memref_squeeze %dma_wait3A_965 : memref<1x8x128xf32, #tpu.memory_space<vmem>> -> memref<8x128xf32, #tpu.memory_space<vmem>>
    tpu.wait_dma2 semaphore(%arg12 : memref<!tpu.dma_semaphore, #tpu.memory_space<semaphore_mem>>) src(%dma_wait3A_966 : memref<8x128xf32, #tpu.memory_space<vmem>>) dst(%dma_wait3A_962 : memref<8x128xf32, #tpu.memory_space<hbm>>)
    return
  }
}

</mosaic_0001>

<sc_bundles>
// kernel: kernel.3.cloned.1.call-start
scs
__scs_entry_jumppad:
0x0: {  	(pc) =	sbr.rel $0x88, $3  }
0x1: {  	(tag) =	ssettag $0x0;
	lr =	simm.s32 $0x1  }
0x2: {  	[smem:$0x3F9F] =	sst lr;
	_ =	strace $0xD0000000  }
0x3: {  	_ = 	snop  }
0x4: {  	_ = 	snop  }
0x5: {  	_ = 	snop  }
0x6: {  	_ = 	snop  }
0x7: {  	_ = 	snop  }
__scs_overlays_trampoline_lowered:
0x8: {  	[smem:$0x3FAE] =	sst s0  }
0x9: {  	[smem:$0x3FAF] =	sst s1  }
0xa: {  	[smem:$0x3FB0] =	sst s2  }
0xb: {  	[smem:$0x3FB1] =	sst s3  }
0xc: {  	[smem:$0x3FB2] =	sst s4  }
0xd: {  	[smem:$0x3FB3] =	sst s5  }
0xe: {  	[smem:$0x3FB4] =	sst s6  }
0xf: {  	[smem:$0x3FB5] =	sst s7  }
0x10: {  	[smem:$0x3FB6] =	sst s8  }
0x11: {  	[smem:$0x3FB7] =	sst s9;
	s0 =	simm.s32 @!p0 $0x0  }
0x12: {  	s1 =	sld [smem:$0x3F9D];
	s0 =	simm.s32 @p0 $0x1  }
0x13: {  	[smem:$0x3FB8] =	sst s0;
	s0 =	simm.s32 @!p1 $0x0  }
0x14: {  	s2 =	sld [smem:$0x3F9C];
	s0 =	simm.s32 @p1 $0x1  }
0x15: {  	[smem:$0x3FB9] =	sst s0;
	s0 =	simm.s32 @!p2 $0x0  }
0x16: {  	s3 =	sld [smem:$0x3FDB];
	s0 =	simm.s32 @p2 $0x1  }
0x17: {  	s4 =	simm.s32 $0x1BF5;
	[smem:$0x3FBB] =	sst s0  }
0x18: {  	s0 =	sld [smem:$0x3F9E];
	_ =	swait.ge [sflag:s4], $0x0  }
0x19: {  	s7 =	sld [smem:$0x3F9F]  }
0x1a: {  	s8 =	sadd.s32 $0xFFFFE003, lr  }
0x1b: {  	s9 =	sadd.s32 $0xFFFFFEF7, lr;
	s5 =	simm.s32 $0xFFFFFFFF;
	p2 =	slt.u32 s8, $0xFFFFF086  }
0x1c: {  	p1 =	slt.u32 s9, $0xF7A;
	s5 =	simm.s32 @!p2 $0x0  }
0x1d: {  	s5 =	simm.s32 @p1 $0x1;
	p0 =	seq.s32 s7, s2  }
0x1e: {  	s7 =	smul.u32 @!p0 $0xF7A, s2;
	p2 =	seq.s32 @!p0 s5, $0x0  }
0x1f: {  	s9 =	smul.u32 $0xF7A, s1;
	s8 =	simm.s32 @!p0 $0x1BF5;
	p2 =	por !p2, p0  }
0x20: {  	[sflag:s8] =	ssyncset.s32 @!p0 $0xFFFFF086;
	s6 =	sadd.s32 @!p0 s3, s7;
	s7 =	simm.s32 @!p0 $0x108  }
0x21: {  	s3 =	sadd.s32 s3, s9;
	s6 =	sadd.s32 @!p0 $0x88, s6;
	s7 =	simm.s32 @p2 $0x1082  }
0x22: {  	[simem:s7], [sflag:s8] =	dma.local @!p0 [hbm:s6], $0xF7A  }
0x23: {  	s9 =	sor.u32 $0xD0000000, s2;
	s6 =	simm.s32 $0x108;
	_ =	swait.ge @!p0 [sflag:s8], $0x0  }
0x24: {  	s3 =	sadd.s32 $0x88, s3;
	s6 =	simm.s32 @!p1 $0x1082;
	[sflag:s4] =	ssyncset.s32 $0xFFFFF086  }
0x25: {  	[simem:s6], [sflag:s4] =	dma.local [hbm:s3], $0xF7A  }
0x26: {  	[smem:$0x3F9F] =	sst s1;
	(tag) =	ssettag s2;
	_ =	strace s9  }
0x27: {  	s1 =	sld [smem:$0x3FAF]  }
0x28: {  	s2 =	sld [smem:$0x3FB0]  }
0x29: {  	s4 =	sld [smem:$0x3FB2]  }
0x2a: {  	p0 =	seq.s32 s5, $0x0;
	s5 =	sld [smem:$0x3FB3]  }
0x2b: {  	s6 =	sld [smem:$0x3FB4]  }
0x2c: {  	s7 =	sld [smem:$0x3FB5]  }
0x2d: {  	s3 =	simm.s32 $0x108;
	s8 =	sld [smem:$0x3FB6]  }
0x2e: {  	s3 =	simm.s32 @!p0 $0x1082;
	s9 =	sld [smem:$0x3FB7]  }
0x2f: {  	lr =	sadd.s32 s0, s3;
	s0 =	sld [smem:$0x3FAE]  }
0x30: {  	s3 =	sld [smem:$0x3FB1]  }
0x31: {  	[smem:$0x3FBA] =	sst s10  }
0x32: {  	s10 =	sld [smem:$0x3FB8];
	_ =	sdelay $0x3  }
0x33: {  	p0 =	seq.s32 s10, $0x1;
	s10 =	sld [smem:$0x3FBA];
	_ =	sdelay $0x3  }
0x34: {  	[smem:$0x3FBA] =	sst s10  }
0x35: {  	s10 =	sld [smem:$0x3FB9];
	_ =	sdelay $0x3  }
0x36: {  	p1 =	seq.s32 s10, $0x1;
	s10 =	sld [smem:$0x3FBA];
	_ =	sdelay $0x3  }
0x37: {  	[smem:$0x3FBA] =	sst s10  }
0x38: {  	s10 =	sld [smem:$0x3FBB]  }
0x39: {  	_ = 	snop;
	(pc) =	sbr.ind lr, $3  }
0x3a: {  	_ = 	snop  }
0x3b: {  	_ = 	snop  }
0x3c: {  	p2 =	seq.s32 s10, $0x1;
	s10 =	sld [smem:$0x3FBA]  }
0x3d: {  	_ =	shalt  }
0x3e: {  	_ =	shalt  }
0x3f: {  	_ =	shalt  }
0x40: {  	_ =	shalt  }
0x41: {  	_ =	shalt  }
0x42: {  	_ =	shalt  }
0x43: {  	_ =	shalt  }
0x44: {  	_ =	shalt  }
0x45: {  	_ =	shalt  }
0x46: {  	_ =	shalt  }
0x47: {  	_ =	shalt  }
0x48: {  	_ =	shalt  }
0x49: {  	_ =	shalt  }
0x4a: {  	_ =	shalt  }
0x4b: {  	_ =	shalt  }
0x4c: {  	_ =	shalt  }
0x4d: {  	_ =	shalt  }
0x4e: {  	_ =	shalt  }
0x4f: {  	_ =	shalt  }
0x50: {  	_ =	shalt  }
0x51: {  	_ =	shalt  }
0x52: {  	_ =	shalt  }
0x53: {  	_ =	shalt  }
0x54: {  	_ =	shalt  }
0x55: {  	_ =	shalt  }
0x56: {  	_ =	shalt  }
0x57: {  	_ =	shalt  }
0x58: {  	_ =	shalt  }
0x59: {  	_ =	shalt  }
0x5a: {  	_ =	shalt  }
0x5b: {  	_ =	shalt  }
0x5c: {  	_ =	shalt  }
0x5d: {  	_ =	shalt  }
0x5e: {  	_ =	shalt  }
0x5f: {  	_ =	shalt  }
0x60: {  	_ =	shalt  }
0x61: {  	_ =	shalt  }
0x62: {  	_ =	shalt  }
0x63: {  	_ =	shalt  }
0x64: {  	_ =	shalt  }
0x65: {  	_ =	shalt  }
0x66: {  	_ =	shalt  }
0x67: {  	_ =	shalt  }
0x68: {  	_ =	shalt  }
0x69: {  	_ =	shalt  }
0x6a: {  	_ =	shalt  }
0x6b: {  	_ =	shalt  }
0x6c: {  	_ =	shalt  }
0x6d: {  	_ =	shalt  }
0x6e: {  	_ =	shalt  }
0x6f: {  	_ =	shalt  }
0x70: {  	_ =	shalt  }
0x71: {  	_ =	shalt  }
0x72: {  	_ =	shalt  }
0x73: {  	_ =	shalt  }
0x74: {  	_ =	shalt  }
0x75: {  	_ =	shalt  }
0x76: {  	_ =	shalt  }
0x77: {  	_ =	shalt  }
0x78: {  	_ =	shalt  }
0x79: {  	_ =	shalt  }
0x7a: {  	_ =	shalt  }
0x7b: {  	_ =	shalt  }
0x7c: {  	_ =	shalt  }
0x7d: {  	_ =	shalt  }
0x7e: {  	_ =	shalt  }
0x7f: {  	_ =	shalt  }
0x80: {  	_ =	shalt  }
0x81: {  	_ =	shalt  }
0x82: {  	_ =	shalt  }
0x83: {  	_ =	shalt  }
0x84: {  	_ =	shalt  }
0x85: {  	_ =	shalt  }
0x86: {  	_ =	shalt  }
0x87: {  	_ =	shalt  }
.Lfunc_end0:
.L_simem_size_0:
called_computation_lowered:
.L_overlay_start_0:
0x88: {  	s2 =	sld [smem:$0x3FD9]  }
0x89: {  	s3 =	sld [smem:$0x3FFE];
	_ =	sdelay $0x1  }
0x8a: {  	s1 =	srdreg.scid  }
0x8b: {  	s0 =	sand.u32 $0x1, s1  }
0x8c: {  	s17 =	sshll.u32 s0, $0xA;
	s2 =	sadd.s32 s3, s2  }
0x8d: {  	s2 =	sadd.s32 s2, s17  }
0x8e: {  	[smem:$0x3FC6] =	sst s2  }
0x8f: {  	_ = 	snop  }
0x90: {  	s2 =	sld [smem:$0x3FD0];
	(tm) =	ssettm $0x1  }
0x91: {  	s18 =	sld [smem:$0x3FFB];
	_ =	sdelay $0x3  }
0x92: {  	_ =	strace s18  }
0x93: {  	s3 =	sld [smem:$0x3FFC];
	_ =	sdelay $0x3  }
0x94: {  	_ =	strace s3  }
0x95: {  	s3 =	sld [smem:$0x3FFD];
	_ =	sdelay $0x3  }
0x96: {  	_ =	strace s3  }
0x97: {  	_ =	strace $0x8FFFFFFF  }
0x98: {  	s19 =	sld [smem:$0x3FDB];
	_ =	sdelay $0x1  }
0x99: {  	s4 =	simm.s32 $_scs_section_size  }
0x9a: {  	s5 =	simm.s32 $_size__tile_overlayer_lowered;
	s6 =	simm.s32 $_tile_overlayer_lowered  }
0x9b: {  	s22 =	simm.s32 $0x1BFF;
	s21 =	sshll.u32 s6, $0x1;
	s3 =	sadd.s32 s4, s19  }
0x9c: {  	s7 =	simm.s32 $0x0;
	s20 =	sshll.u32 s5, $0x1;
	s5 =	sadd.s32 s21, s3  }
0x9d: {  	[timem:s7], [sflag:s22] =	dma.local [hbm:s5], s20  }
0x9e: {  	_ =	swait.ge [sflag:s22], s20  }
0x9f: {  	s4 =	ssub.s32 $0x0, s20;
	[sflag:s22] =	ssyncset.done $0x0  }
0xa0: {  	[sflag:s22] =	ssyncadd.s32 s4;
	_ =	sdelay $0x1  }
0xa1: {  	s23 =	simm.s32 $0x1B8B  }
0xa2: {  	_ =	swait.ge [sflag:s23], $0x1  }
0xa3: {  	[sflag:s23] =	ssyncset.done $0x0  }
0xa4: {  	s25 =	simm.s32 $0x1B8E;
	s24 =	sld [smem:$0x3FFE];
	[sflag:s23] =	ssyncadd.s32 $0xFFFFFFFF  }
0xa5: {  	s26 =	simm.s32 $execute0_lowered;
	[smem:$0x3FD2] =	sst s25  }
0xa6: {  	s5 =	sshll.u32 s26, $0x1;
	_ =	strace $0x80000046;
	[dreg:$0x1] =	wrdreg $0xFFFFFFFF  }
0xa7: {  	s28 =	simm.s32 $_size_execute0_lowered;
	s3 =	sadd.s32 s3, s5;
	[dreg:$0x0] =	wrdreg $0x0  }
0xa8: {  	s5 =	sshll.u32 s28, $0x1;
	[dreg:$0x2] =	wrdreg s3  }
0xa9: {  	[dreg:$0x3] =	wrdreg s5  }
0xaa: {  	[dreg:$0x4] =	wrdreg $0xC0  }
0xab: {  	_ =	task [dreg:s7], $0x5FFFF  }
0xac: {  	[dreg:$0x1] =	wrdreg $0xFFFFFFFF  }
0xad: {  	[dreg:$0x0] =	wrdreg $0x60  }
0xae: {  	[dreg:$0x2] =	wrdreg s24  }
0xaf: {  	[dreg:$0x3] =	wrdreg s2  }
0xb0: {  	[dreg:$0x4] =	wrdreg $0x9  }
0xb1: {  	_ =	task.clear_ibuf [dreg:s7], $0x5FFFF;
	_ =	strace $0x90000046  }
0xb2: {  	s29 =	simm.s32 $0x9;
	_ =	strace $0x80000048  }
0xb3: {  	_ =	swait.ge [sflag:s29], $0x1  }
0xb4: {  	[sflag:s29] =	ssyncadd.s32 $0xFFFFFFFF  }
0xb5: {  	_ =	strace $0x90000048  }
0xb6: {  	_ =	sfence  }
0xb7: {  	s30 =	sld [smem:$0x0];
	_ =	sdelay $0x2  }
0xb8: {  	s31 =	sshll.u32 s1, $0xD;
	s1 =	sshrl.u32 s1, $0x2  }
0xb9: {  	s3 =	sand.u32 $0x4000, s31;
	s1 =	sadd.s32 s1, s30  }
0xba: {  	s0 =	sor.u32 s3, s0;
	s1 =	sshll.u32 s1, $0x11  }
0xbb: {  	s0 =	sor.u32 s1, s0  }
0xbc: {  	s0 =	sadd.s32 $0x8F2B, s0  }
0xbd: {  	[sflag:s0] =	ssyncadd.remote.s32 $0x1  }
0xbe: {  	_ =	sfence.sel $0xFFFF  }
0xbf: {  	[dreg:$0x0] =	wrdreg $0xFFFFFFFF;
	(pc) =	sbr.abs _section_cstart, $3  }
0xc0: {  	[dreg:$0x1] =	wrdreg $0xFFFFFFFF  }
0xc1: {  	_ =	task.clear_ibuf [dreg:s7], $0x2FFFF;
	_ =	strace $0x9FFFFFFF  }
0xc2: {  	(tm) =	ssettm $0x7FFFFFFF  }
0xc3: {  	_ =	shalt  }
tec
execute0_lowered:
.L_overlay_start_1:
0x0: {  	(tag) =	ssettag $0x1  }
0x1: {  	s0 =	srdreg.scid  }
0x2: {  	s6 =	stileid.u32;
	s5 =	sand.u32 $0x1, s0  }
0x3: {  	s2 =	rddreg [dreg:$0x1];
	s1 =	sor.u32 s5, s6  }
0x4: {  	s3 =	simm.s32 $0x0;
	p0 =	seq.s32 s5, $0x1;
	p1 =	seq.s32 s1, $0x0  }
0x5: {  	s4 =	simm.s32 $0x19;
	s0 =	rddreg [dreg:$0x0];
	p1 =	por !p1, !p0  }
0x6: {  	[smem:$0x7FF] =	sst s3;
	s1 =	simm.s32 $0x1;
	p1 =	por !p1, !p1  }
0x7: {  	s5 =	ssub.s32 $0x2, s5;
	_ =	strace $0x80000047;
	s1 =	simm.s32 @!p1 $0x0  }
0x8: {  	s31 =	sadd.s32 $0xF42A00, s0;
	s4 =	simm.s32 @!p0 $0x0;
	s1 =	ssub.s32 s6, s1  }
0x9: {  	s8 =	sshrl.u32 s5, $0x1;
	s7 =	sshll.u32 s4, $0xE;
	s6 =	sshll.u32 s1, $0xA  }
0xa: {  	s5 =	ssub.s32 s5, s8;
	s1 =	sshll.u32 s1, $0xD;
	s7 =	sadd.s32 s7, s6  }
0xb: {  	s6 =	sadd.s32 $0x600, s0;
	s13 =	sshrl.u32 s7, $0x3;
	s14 =	sadd.s32 $0x4000, s7  }
0xc: {  	s9 =	sadd.s32 $0x8000, s7;
	s10 =	sadd.s32 $0xC000, s7;
	s17 =	sadd.s32 $0x10000, s7  }
0xd: {  	s18 =	sadd.s32 $0x14000, s7;
	s19 =	sadd.s32 $0x18000, s7;
	s22 =	sadd.s32 $0x1C000, s7  }
0xe: {  	s23 =	sadd.s32 $0x20000, s7;
	s24 =	sadd.s32 $0x24000, s7;
	s28 =	sadd.s32 $0x28000, s7  }
0xf: {  	s29 =	sadd.s32 $0x2C000, s7;
	s30 =	sadd.s32 $0x30000, s7;
	s11 =	sadd.s32 $0x34000, s7  }
0x10: {  	s12 =	sadd.s32 $0x38000, s7;
	s8 =	sadd.s32 s6, s13;
	s9 =	sshrl.u32 s9, $0x3  }
0x11: {  	s16 =	sshrl.u32 s10, $0x3;
	s21 =	sshrl.u32 s19, $0x3;
	s26 =	sshrl.u32 s24, $0x3  }
0x12: {  	s10 =	sshrl.u32 s30, $0x3;
	s13 =	sadd.s32 $0x3C000, s7;
	s30 =	smax.u32 s5, $0x1  }
0x13: {  	s5 =	simm.s32 $0x1;
	[dreg:$0x3] =	wrdreg s8;
	s8 =	sshrl.u32 s14, $0x3  }
0x14: {  	s15 =	sadd.s32 s6, s9;
	s9 =	sshrl.u32 s18, $0x3;
	[dreg:$0x1c] =	wrdreg s30  }
0x15: {  	s18 =	sadd.s32 $0x48000, s7;
	s8 =	sadd.s32 s6, s8;
	[dreg:$0x5] =	wrdreg s15  }
0x16: {  	s20 =	sadd.s32 s6, s9;
	s9 =	sshrl.u32 s23, $0x3;
	s15 =	sshrl.u32 s13, $0x3  }
0x17: {  	s23 =	sadd.s32 $0x54000, s7;
	[dreg:$0x4] =	wrdreg s8;
	s8 =	sadd.s32 s6, s16  }
0x18: {  	[dreg:$0x8] =	wrdreg s20;
	s25 =	sadd.s32 s6, s9;
	s9 =	sshrl.u32 s29, $0x3  }
0x19: {  	s16 =	sadd.s32 $0x40000, s7;
	s20 =	sshrl.u32 s18, $0x3;
	[dreg:$0x6] =	wrdreg s8  }
0x1a: {  	s18 =	simm.s32 $0xE448;
	s8 =	sshrl.u32 s17, $0x3;
	[dreg:$0xb] =	wrdreg s25  }
0x1b: {  	s9 =	sadd.s32 s6, s9;
	s17 =	sadd.s32 $0x44000, s7;
	s25 =	sshrl.u32 s23, $0x3  }
0x1c: {  	s23 =	simm.s32 $0xE6F0;
	s8 =	sadd.s32 s6, s8;
	[dreg:$0xe] =	wrdreg s9  }
0x1d: {  	s9 =	sshrl.u32 s12, $0x3;
	[dreg:$0x7] =	wrdreg s8;
	s8 =	sadd.s32 s6, s21  }
0x1e: {  	s14 =	sadd.s32 s6, s9;
	s9 =	sshrl.u32 s17, $0x3;
	s21 =	sadd.s32 $0x4C000, s7  }
0x1f: {  	s17 =	simm.s32 $0xE3C0;
	[dreg:$0x9] =	wrdreg s8;
	s8 =	sshrl.u32 s22, $0x3  }
0x20: {  	[dreg:$0x11] =	wrdreg s14;
	s19 =	sadd.s32 s6, s9;
	s22 =	sadd.s32 $0x50000, s7  }
0x21: {  	s14 =	simm.s32 $0xE1A0;
	s8 =	sadd.s32 s6, s8;
	[dreg:$0x14] =	wrdreg s19  }
0x22: {  	s9 =	sshrl.u32 s22, $0x3;
	[dreg:$0xa] =	wrdreg s8;
	s8 =	sadd.s32 s6, s26  }
0x23: {  	s24 =	sadd.s32 s6, s9;
	[dreg:$0xc] =	wrdreg s8;
	s8 =	sshrl.u32 s28, $0x3  }
0x24: {  	s19 =	simm.s32 $0xE4D0;
	[dreg:$0x17] =	wrdreg s24;
	s8 =	sadd.s32 s6, s8  }
0x25: {  	s22 =	simm.s32 $0xE668;
	[dreg:$0xd] =	wrdreg s8;
	s8 =	sadd.s32 s6, s10  }
0x26: {  	s26 =	sadd.s32 $0x58000, s7;
	[dreg:$0xf] =	wrdreg s8;
	s8 =	sshrl.u32 s11, $0x3  }
0x27: {  	s28 =	sadd.s32 $0x5C000, s7;
	s7 =	sadd.s32 $0x60000, s7;
	s8 =	sadd.s32 s6, s8  }
0x28: {  	s9 =	sshrl.u32 s28, $0x3;
	[dreg:$0x10] =	wrdreg s8;
	s8 =	sadd.s32 s6, s15  }
0x29: {  	s29 =	sadd.s32 s6, s9;
	[dreg:$0x12] =	wrdreg s8;
	s8 =	sshrl.u32 s16, $0x3  }
0x2a: {  	s24 =	simm.s32 $0xE778;
	[dreg:$0x1a] =	wrdreg s29;
	s8 =	sadd.s32 s6, s8  }
0x2b: {  	s7 =	sshrl.u32 s7, $0x3;
	[dreg:$0x13] =	wrdreg s8;
	s8 =	sadd.s32 s6, s20  }
0x2c: {  	s10 =	simm.s32 $0x0;
	[dreg:$0x15] =	wrdreg s8;
	s8 =	sshrl.u32 s21, $0x3  }
0x2d: {  	s15 =	simm.s32 $0xE228;
	s16 =	simm.s32 $0xE2B0;
	s8 =	sadd.s32 s6, s8  }
0x2e: {  	s20 =	simm.s32 $0xE558;
	[dreg:$0x16] =	wrdreg s8;
	s8 =	sadd.s32 s6, s25  }
0x2f: {  	v0 =	vlaneseq.u32;
	s21 =	simm.s32 $0xE5E0;
	[dreg:$0x18] =	wrdreg s8;
	s8 =	sshrl.u32 s26, $0x3  }
0x30: {  	v0 =	vmul.u32 $0x88, v0;
	s25 =	simm.s32 $0x3;
	s26 =	simm.s32 $0xC600;
	s8 =	sadd.s32 s6, s8  }
0x31: {  	s6 =	sadd.s32 s6, s7;
	s7 =	simm.s32 $0x2;
	[dreg:$0x19] =	wrdreg s8  }
0x32: {  	v1 =	vadd.s32 $0x880, v0;
	v2 =	vadd.s32 $0x1100, v0;
	v3 =	vadd.s32 $0x1980, v0;
	[dreg:$0x1b] =	wrdreg s6;
	s8 =	simm.s32 $0xA400;
	s6 =	simm.s32 $0xE338  }
.LBB2_1:
0x33: {  	[dreg:$0x1d] =	wrdreg s10  }
0x34: {  	s0 =	rddreg [dreg:$0x3]  }
0x35: {  	[tilespmem:s3], [sflag:$0x1] =	stream.linear.gather [hbm4b:s0+s3], $0x400, $0x38;
	[tilespmem:$0xE800] =	vst v63  }
0x36: {  	s30 =	rddreg [dreg:$0x4];
	s9 =	simm.s32 $0x400  }
0x37: {  	[tilespmem:s9], [sflag:$0x1] =	stream.linear.gather [hbm4b:s30+s3], $0x400, $0x38;
	[tilespmem:$0xE800] =	vst v63  }
0x38: {  	s10 =	rddreg [dreg:$0x5];
	s11 =	simm.s32 $0x800  }
0x39: {  	[tilespmem:s11], [sflag:$0x1] =	stream.linear.gather [hbm4b:s10+s3], $0x400, $0x38;
	[tilespmem:$0xE800] =	vst v63  }
0x3a: {  	s12 =	rddreg [dreg:$0x6];
	s13 =	simm.s32 $0xC00  }
0x3b: {  	[tilespmem:s13], [sflag:$0x1] =	stream.linear.gather [hbm4b:s12+s3], $0x400, $0x38;
	[tilespmem:$0xE800] =	vst v63  }
0x3c: {  	s29 =	rddreg [dreg:$0x7];
	s30 =	simm.s32 $0x1000  }
0x3d: {  	[tilespmem:s30], [sflag:$0x1] =	stream.linear.gather [hbm4b:s29+s3], $0x400, $0x38;
	[tilespmem:$0xE800] =	vst v63  }
0x3e: {  	s10 =	rddreg [dreg:$0x8];
	s11 =	simm.s32 $0x1400  }
0x3f: {  	[tilespmem:s11], [sflag:$0x1] =	stream.linear.gather [hbm4b:s10+s3], $0x400, $0x38;
	[tilespmem:$0xE800] =	vst v63  }
0x40: {  	s12 =	rddreg [dreg:$0x9];
	s13 =	simm.s32 $0x1800  }
0x41: {  	[tilespmem:s13], [sflag:$0x1] =	stream.linear.gather [hbm4b:s12+s3], $0x400, $0x38;
	[tilespmem:$0xE800] =	vst v63  }
0x42: {  	s29 =	rddreg [dreg:$0xa];
	s30 =	simm.s32 $0x1C00  }
0x43: {  	[tilespmem:s30], [sflag:$0x1] =	stream.linear.gather [hbm4b:s29+s3], $0x400, $0x38;
	[tilespmem:$0xE800] =	vst v63  }
0x44: {  	s10 =	rddreg [dreg:$0xb];
	s11 =	simm.s32 $0x2000  }
0x45: {  	[tilespmem:s11], [sflag:$0x1] =	stream.linear.gather [hbm4b:s10+s3], $0x400, $0x38;
	[tilespmem:$0xE800] =	vst v63  }
0x46: {  	s12 =	rddreg [dreg:$0xc];
	s13 =	simm.s32 $0x2400  }
0x47: {  	[tilespmem:s13], [sflag:$0x1] =	stream.linear.gather [hbm4b:s12+s3], $0x400, $0x38;
	[tilespmem:$0xE800] =	vst v63  }
0x48: {  	s29 =	rddreg [dreg:$0xd];
	s30 =	simm.s32 $0x2800  }
0x49: {  	[tilespmem:s30], [sflag:$0x1] =	stream.linear.gather [hbm4b:s29+s3], $0x400, $0x38;
	[tilespmem:$0xE800] =	vst v63  }
0x4a: {  	s10 =	rddreg [dreg:$0xe];
	s11 =	simm.s32 $0x2C00  }
0x4b: {  	[tilespmem:s11], [sflag:$0x1] =	stream.linear.gather [hbm4b:s10+s3], $0x400, $0x38;
	[tilespmem:$0xE800] =	vst v63  }
0x4c: {  	s12 =	rddreg [dreg:$0xf];
	s13 =	simm.s32 $0x3000  }
0x4d: {  	[tilespmem:s13], [sflag:$0x1] =	stream.linear.gather [hbm4b:s12+s3], $0x400, $0x38;
	[tilespmem:$0xE800] =	vst v63  }
0x4e: {  	s29 =	rddreg [dreg:$0x10];
	s30 =	simm.s32 $0x3400  }
0x4f: {  	[tilespmem:s30], [sflag:$0x1] =	stream.linear.gather [hbm4b:s29+s3], $0x400, $0x38;
	[tilespmem:$0xE800] =	vst v63  }
0x50: {  	s10 =	rddreg [dreg:$0x11];
	s11 =	simm.s32 $0x3800  }
0x51: {  	[tilespmem:s11], [sflag:$0x1] =	stream.linear.gather [hbm4b:s10+s3], $0x400, $0x38;
	[tilespmem:$0xE800] =	vst v63  }
0x52: {  	s12 =	rddreg [dreg:$0x12];
	s13 =	simm.s32 $0x3C00  }
0x53: {  	[tilespmem:s13], [sflag:$0x1] =	stream.linear.gather [hbm4b:s12+s3], $0x400, $0x38;
	[tilespmem:$0xE800] =	vst v63  }
0x54: {  	s29 =	rddreg [dreg:$0x13];
	s30 =	simm.s32 $0x4000  }
0x55: {  	[tilespmem:s30], [sflag:$0x1] =	stream.linear.gather [hbm4b:s29+s3], $0x400, $0x38;
	[tilespmem:$0xE800] =	vst v63  }
0x56: {  	s10 =	rddreg [dreg:$0x14];
	s11 =	simm.s32 $0x4400  }
0x57: {  	[tilespmem:s11], [sflag:$0x1] =	stream.linear.gather [hbm4b:s10+s3], $0x400, $0x38;
	[tilespmem:$0xE800] =	vst v63  }
0x58: {  	s12 =	rddreg [dreg:$0x15];
	s13 =	simm.s32 $0x4800  }
0x59: {  	[tilespmem:s13], [sflag:$0x1] =	stream.linear.gather [hbm4b:s12+s3], $0x400, $0x38;
	[tilespmem:$0xE800] =	vst v63  }
0x5a: {  	s29 =	rddreg [dreg:$0x16];
	s30 =	simm.s32 $0x4C00  }
0x5b: {  	[tilespmem:s30], [sflag:$0x1] =	stream.linear.gather [hbm4b:s29+s3], $0x400, $0x38;
	[tilespmem:$0xE800] =	vst v63  }
0x5c: {  	s10 =	rddreg [dreg:$0x17];
	s11 =	simm.s32 $0x5000  }
0x5d: {  	[tilespmem:s11], [sflag:$0x1] =	stream.linear.gather [hbm4b:s10+s3], $0x400, $0x38;
	[tilespmem:$0xE800] =	vst v63  }
0x5e: {  	s12 =	rddreg [dreg:$0x18];
	s13 =	simm.s32 $0x5400  }
0x5f: {  	[tilespmem:s13], [sflag:$0x1] =	stream.linear.gather [hbm4b:s12+s3], $0x400, $0x38;
	[tilespmem:$0xE800] =	vst v63  }
0x60: {  	s29 =	rddreg [dreg:$0x19];
	s30 =	simm.s32 $0x5800  }
0x61: {  	[tilespmem:s30], [sflag:$0x1] =	stream.linear.gather [hbm4b:s29+s3], $0x400, $0x38;
	[tilespmem:$0xE800] =	vst v63  }
0x62: {  	s9 =	rddreg [dreg:$0x1a];
	s10 =	simm.s32 $0x5C00  }
0x63: {  	[tilespmem:s10], [sflag:$0x1] =	stream.linear.gather [hbm4b:s9+s3], $0x400, $0x38;
	[tilespmem:$0xE800] =	vst v63  }
0x64: {  	s11 =	rddreg [dreg:$0x1b];
	s12 =	simm.s32 $0x6000  }
0x65: {  	[tilespmem:s12], [sflag:$0x1] =	stream.linear.gather [hbm4b:s11+s3], $0x400, $0x38;
	[tilespmem:$0xE800] =	vst v63  }
0x66: {  	_ =	swait.ge [sflag:s5], $0x400  }
0x67: {  	[sflag:s5] =	ssyncset.done $0x0  }
0x68: {  	[sflag:s5] =	ssyncadd.s32 $0xFFFFFC00  }
0x69: {  	_ =	swait.ge [sflag:s5], $0x400  }
0x6a: {  	[sflag:s5] =	ssyncset.done $0x0  }
0x6b: {  	[sflag:s5] =	ssyncadd.s32 $0xFFFFFC00  }
0x6c: {  	_ =	swait.ge [sflag:s5], $0x400  }
0x6d: {  	[sflag:s5] =	ssyncset.done $0x0  }
0x6e: {  	[sflag:s5] =	ssyncadd.s32 $0xFFFFFC00  }
0x6f: {  	_ =	swait.ge [sflag:s5], $0x400  }
0x70: {  	[sflag:s5] =	ssyncset.done $0x0  }
0x71: {  	[sflag:s5] =	ssyncadd.s32 $0xFFFFFC00  }
0x72: {  	_ =	swait.ge [sflag:s5], $0x400  }
0x73: {  	[sflag:s5] =	ssyncset.done $0x0  }
0x74: {  	[sflag:s5] =	ssyncadd.s32 $0xFFFFFC00  }
0x75: {  	_ =	swait.ge [sflag:s5], $0x400  }
0x76: {  	[sflag:s5] =	ssyncset.done $0x0  }
0x77: {  	[sflag:s5] =	ssyncadd.s32 $0xFFFFFC00  }
0x78: {  	_ =	swait.ge [sflag:s5], $0x400  }
0x79: {  	[sflag:s5] =	ssyncset.done $0x0  }
0x7a: {  	[sflag:s5] =	ssyncadd.s32 $0xFFFFFC00  }
0x7b: {  	_ =	swait.ge [sflag:s5], $0x400  }
0x7c: {  	[sflag:s5] =	ssyncset.done $0x0  }
0x7d: {  	[sflag:s5] =	ssyncadd.s32 $0xFFFFFC00  }
0x7e: {  	_ =	swait.ge [sflag:s5], $0x400  }
0x7f: {  	[sflag:s5] =	ssyncset.done $0x0  }
0x80: {  	[sflag:s5] =	ssyncadd.s32 $0xFFFFFC00  }
0x81: {  	_ =	swait.ge [sflag:s5], $0x400  }
0x82: {  	[sflag:s5] =	ssyncset.done $0x0  }
0x83: {  	[sflag:s5] =	ssyncadd.s32 $0xFFFFFC00  }
0x84: {  	_ =	swait.ge [sflag:s5], $0x400  }
0x85: {  	[sflag:s5] =	ssyncset.done $0x0  }
0x86: {  	[sflag:s5] =	ssyncadd.s32 $0xFFFFFC00  }
0x87: {  	_ =	swait.ge [sflag:s5], $0x400  }
0x88: {  	[sflag:s5] =	ssyncset.done $0x0  }
0x89: {  	[sflag:s5] =	ssyncadd.s32 $0xFFFFFC00  }
0x8a: {  	_ =	swait.ge [sflag:s5], $0x400  }
0x8b: {  	[sflag:s5] =	ssyncset.done $0x0  }
0x8c: {  	[sflag:s5] =	ssyncadd.s32 $0xFFFFFC00  }
0x8d: {  	_ =	swait.ge [sflag:s5], $0x400  }
0x8e: {  	[sflag:s5] =	ssyncset.done $0x0  }
0x8f: {  	[sflag:s5] =	ssyncadd.s32 $0xFFFFFC00  }
0x90: {  	_ =	swait.ge [sflag:s5], $0x400  }
0x91: {  	[sflag:s5] =	ssyncset.done $0x0  }
0x92: {  	[sflag:s5] =	ssyncadd.s32 $0xFFFFFC00  }
0x93: {  	_ =	swait.ge [sflag:s5], $0x400  }
0x94: {  	[sflag:s5] =	ssyncset.done $0x0  }
0x95: {  	[sflag:s5] =	ssyncadd.s32 $0xFFFFFC00  }
0x96: {  	_ =	swait.ge [sflag:s5], $0x400  }
0x97: {  	[sflag:s5] =	ssyncset.done $0x0  }
0x98: {  	[sflag:s5] =	ssyncadd.s32 $0xFFFFFC00  }
0x99: {  	_ =	swait.ge [sflag:s5], $0x400  }
0x9a: {  	[sflag:s5] =	ssyncset.done $0x0  }
0x9b: {  	[sflag:s5] =	ssyncadd.s32 $0xFFFFFC00  }
0x9c: {  	_ =	swait.ge [sflag:s5], $0x400  }
0x9d: {  	[sflag:s5] =	ssyncset.done $0x0  }
0x9e: {  	[sflag:s5] =	ssyncadd.s32 $0xFFFFFC00  }
0x9f: {  	_ =	swait.ge [sflag:s5], $0x400  }
0xa0: {  	[sflag:s5] =	ssyncset.done $0x0  }
0xa1: {  	[sflag:s5] =	ssyncadd.s32 $0xFFFFFC00  }
0xa2: {  	_ =	swait.ge [sflag:s5], $0x400  }
0xa3: {  	[sflag:s5] =	ssyncset.done $0x0  }
0xa4: {  	[sflag:s5] =	ssyncadd.s32 $0xFFFFFC00  }
0xa5: {  	_ =	swait.ge [sflag:s5], $0x400  }
0xa6: {  	[sflag:s5] =	ssyncset.done $0x0  }
0xa7: {  	[sflag:s5] =	ssyncadd.s32 $0xFFFFFC00  }
0xa8: {  	_ =	swait.ge [sflag:s5], $0x400  }
0xa9: {  	[sflag:s5] =	ssyncset.done $0x0  }
0xaa: {  	[sflag:s5] =	ssyncadd.s32 $0xFFFFFC00  }
0xab: {  	_ =	swait.ge [sflag:s5], $0x400  }
0xac: {  	[sflag:s5] =	ssyncset.done $0x0  }
0xad: {  	[sflag:s5] =	ssyncadd.s32 $0xFFFFFC00  }
0xae: {  	_ =	swait.ge [sflag:s5], $0x400  }
0xaf: {  	[sflag:s5] =	ssyncset.done $0x0  }
0xb0: {  	s13 =	simm.s32 $0x80;
	s29 =	simm.s32 $0x6400;
	[sflag:s5] =	ssyncadd.s32 $0xFFFFFC00  }
0xb1: {  	[tilespmem:s29], [sflag:$0x2] =	stream.indirect.gather [hbm4b:s31+s13], $0x40, s3, s13, $0xb8;
	[tilespmem:$0xE800] =	vst v63  }
0xb2: {  	s28 =	simm.s32 $0x0;
	s30 =	simm.s32 $0x8400  }
0xb3: {  	[tilespmem:s30], [sflag:$0x3] =	stream.indirect.gather [hbm4b:s31+s13], $0x40, s13, s13, $0xb8;
	[tilespmem:$0xE800] =	vst v63  }
.LBB2_2:
0xb4: {  	_ =	swait.ge [sflag:s7], $0x2000  }
0xb5: {  	p0 =	seq.s32 s28, $0x0;
	[sflag:s7] =	ssyncset.done $0x0  }
0xb6: {  	s0 =	simm.s32 @!p0 $0x4;
	[sflag:s7] =	ssyncadd.s32 $0xFFFFE000  }
0xb7: {  	_ =	swait.ge @!p0 [sflag:s0], $0x400  }
0xb8: {  	[sflag:s0] =	ssyncset.done @!p0 $0x0  }
0xb9: {  	[sflag:s0] =	ssyncadd.s32 @!p0 $0xFFFFFC00  }
0xba: {  	_ =	swait.ge @!p0 [sflag:s0], $0x400  }
0xbb: {  	[sflag:s0] =	ssyncset.done @!p0 $0x0  }
0xbc: {  	[sflag:s0] =	ssyncadd.s32 @!p0 $0xFFFFFC00  }
0xbd: {  	_ =	swait.ge @!p0 [sflag:s0], $0x400  }
0xbe: {  	[sflag:s0] =	ssyncset.done @!p0 $0x0  }
0xbf: {  	[sflag:s0] =	ssyncadd.s32 @!p0 $0xFFFFFC00  }
0xc0: {  	_ =	swait.ge @!p0 [sflag:s0], $0x400  }
0xc1: {  	[sflag:s0] =	ssyncset.done @!p0 $0x0  }
0xc2: {  	[sflag:s0] =	ssyncadd.s32 @!p0 $0xFFFFFC00  }
0xc3: {  	_ =	swait.ge @!p0 [sflag:s0], $0x400  }
0xc4: {  	[sflag:s0] =	ssyncset.done @!p0 $0x0  }
0xc5: {  	[sflag:s0] =	ssyncadd.s32 @!p0 $0xFFFFFC00  }
0xc6: {  	_ =	swait.ge @!p0 [sflag:s0], $0x400  }
0xc7: {  	[sflag:s0] =	ssyncset.done @!p0 $0x0  }
0xc8: {  	[sflag:s0] =	ssyncadd.s32 @!p0 $0xFFFFFC00  }
0xc9: {  	_ =	swait.ge @!p0 [sflag:s0], $0x400  }
0xca: {  	[sflag:s0] =	ssyncset.done @!p0 $0x0  }
0xcb: {  	[sflag:s0] =	ssyncadd.s32 @!p0 $0xFFFFFC00  }
0xcc: {  	_ =	swait.ge @!p0 [sflag:s0], $0x400  }
0xcd: {  	[sflag:s0] =	ssyncset.done @!p0 $0x0  }
0xce: {  	[sflag:s0] =	ssyncadd.s32 @!p0 $0xFFFFFC00;
	s0 =	simm.s32 $0x6480  }
0xcf: {  	v4 =	vld [tilespmem:s0+$0x40];
	_ =	sdelay $0x4  }
0xd0: {  	v5 =	vand.u32 $0x7FFFFFFF, v4  }
0xd1: {  	v5 =	vsub.f32 $0.0e+00, v5;
	_ =	sdelay $0x1  }
0xd2: {  	v5 =	vmul.f32 $1.442695020e+00, v5;
	_ =	sdelay $0x1  }
0xd3: {  	(erf) = vpow2.f32 v5;
	_ =	sdelay $0x8  }
0xd4: {  	v5 =	vld [tilespmem:s0+$0xFFFFFF80];
	v6 =	vpop (erf)  }
0xd5: {  	v8 =	vld [tilespmem:s0+$0xFFFFFFC0];
	v7 =	vmul.f32 $3.044900480e-02, v6  }
0xd6: {  	v11 =	vld [tilespmem:s0+$0x0]  }
0xd7: {  	v7 =	vadd.f32 $-1.315818280e-01, v7;
	_ =	sdelay $0x1  }
0xd8: {  	v9 =	vand.u32 $0x7FFFFFFF, v5;
	v7 =	vmul.f32 v7, v6  }
0xd9: {  	v10 =	vand.u32 $0x7FFFFFFF, v8;
	v9 =	vsub.f32 $0.0e+00, v9  }
0xda: {  	v12 =	vand.u32 $0x7FFFFFFF, v11;
	v10 =	vsub.f32 $0.0e+00, v10;
	v7 =	vadd.f32 $2.852726880e-01, v7  }
0xdb: {  	v12 =	vsub.f32 $0.0e+00, v12;
	v9 =	vmul.f32 $1.442695020e+00, v9  }
0xdc: {  	v10 =	vmul.f32 $1.442695020e+00, v10;
	v7 =	vmul.f32 v7, v6  }
0xdd: {  	v12 =	vmul.f32 $1.442695020e+00, v12;
	(erf) = vpow2.f32 v9  }
0xde: {  	(erf) = vpow2.f32 v10;
	v7 =	vadd.f32 $-4.902307090e-01, v7  }
0xdf: {  	(erf) = vpow2.f32 v12  }
0xe0: {  	v7 =	vmul.f32 v7, v6;
	_ =	sdelay $0x1  }
0xe1: {  	s9 =	simm.s32 $0x3;
	v7 =	vadd.f32 $9.992355100e-01, v7  }
0xe2: {  	v9 =	vmov s9  }
0xe3: {  	v7 =	vmul.f32 v7, v6;
	v6 =	vand.u32 $0x7F, v9  }
0xe4: {  	v13 =	vadd.s32 v0, v6  }
0xe5: {  	v10 =	vpop (erf);
	v7 =	vadd.f32 $9.975032300e-06, v7  }
0xe6: {  	v4 =	vmax.f32 v4, $0.0e+00;
	v12 =	vpop (erf);
	v9 =	vmul.f32 $3.044900480e-02, v10  }
0xe7: {  	v14 =	vmul.f32 $3.044900480e-02, v12;
	v15 =	vpop (erf);
	v4 =	vadd.f32 v7, v4  }
0xe8: {  	v16 =	vmul.f32 $3.044900480e-02, v15;
	v9 =	vadd.f32 $-1.315818280e-01, v9  }
0xe9: {  	v14 =	vadd.f32 $-1.315818280e-01, v14;
	[tilespmem:v13+s8+$0x0] =	vst.idx.msk $0xffff, v4  }
0xea: {  	v7 =	vmul.f32 v9, v10;
	v9 =	vadd.f32 $-1.315818280e-01, v16;
	v13 =	vld [tilespmem:s0+$0x50]  }
0xeb: {  	v14 =	vmul.f32 v14, v12  }
0xec: {  	v4 =	vadd.f32 $2.852726880e-01, v7;
	v7 =	vmul.f32 v9, v15  }
0xed: {  	v9 =	vadd.f32 $2.852726880e-01, v14  }
0xee: {  	v4 =	vmul.f32 v4, v10;
	v7 =	vadd.f32 $2.852726880e-01, v7  }
0xef: {  	v9 =	vmul.f32 v9, v12;
	v16 =	vand.u32 $0x7FFFFFFF, v13  }
0xf0: {  	v4 =	vadd.f32 $-4.902307090e-01, v4;
	v7 =	vmul.f32 v7, v15;
	v16 =	vsub.f32 $0.0e+00, v16  }
0xf1: {  	v9 =	vadd.f32 $-4.902307090e-01, v9  }
0xf2: {  	s30 =	simm.s32 $0x0;
	s11 =	simm.s32 $0x2;
	v4 =	vmul.f32 v4, v10;
	v17 =	vadd.f32 $-4.902307090e-01, v7;
	v16 =	vmul.f32 $1.442695020e+00, v16  }
0xf3: {  	v19 =	vmov s11;
	v14 =	vmov s30;
	v9 =	vmul.f32 v9, v12  }
0xf4: {  	s10 =	simm.s32 $0x1;
	v4 =	vadd.f32 $9.992355100e-01, v4;
	v17 =	vmul.f32 v17, v15;
	(erf) = vpow2.f32 v16  }
0xf5: {  	v7 =	vand.u32 $0x7C, v14;
	v14 =	vmov s10;
	v20 =	vadd.f32 $9.992355100e-01, v9  }
0xf6: {  	v18 =	vadd.s32 v0, v7;
	v4 =	vmul.f32 v4, v10;
	v17 =	vadd.f32 $9.992355100e-01, v17  }
0xf7: {  	v9 =	vand.u32 $0x7E, v19;
	v10 =	vand.u32 $0x7D, v14;
	v12 =	vmul.f32 v20, v12  }
0xf8: {  	v14 =	vadd.s32 v0, v10;
	v4 =	vadd.f32 $9.975032300e-06, v4;
	v15 =	vmul.f32 v17, v15  }
0xf9: {  	v5 =	vmax.f32 v5, $0.0e+00;
	v16 =	vadd.s32 v0, v9;
	v12 =	vadd.f32 $9.975032300e-06, v12  }
0xfa: {  	v8 =	vmax.f32 v8, $0.0e+00;
	v15 =	vadd.f32 $9.975032300e-06, v15;
	v4 =	vadd.f32 v4, v5  }
0xfb: {  	v5 =	vmax.f32 v11, $0.0e+00;
	v8 =	vadd.f32 v12, v8  }
0xfc: {  	v5 =	vadd.f32 v15, v5;
	[tilespmem:v18+s8+$0x0] =	vst.idx.msk $0xffff, v4  }
0xfd: {  	[tilespmem:v14+s8+$0x0] =	vst.idx.msk $0xffff, v8;
	v4 =	vld [tilespmem:s0+$0xFFFFFF90];
	v11 =	vpop (erf)  }
0xfe: {  	v8 =	vld [tilespmem:s0+$0xFFFFFFD0];
	[tilespmem:v16+s8+$0x0] =	vst.idx.msk $0xffff, v5;
	v12 =	vmul.f32 $3.044900480e-02, v11  }
0xff: {  	v5 =	vld [tilespmem:s0+$0x10]  }
0x100: {  	v12 =	vadd.f32 $-1.315818280e-01, v12;
	_ =	sdelay $0x1  }
0x101: {  	v14 =	vand.u32 $0x7FFFFFFF, v4;
	v12 =	vmul.f32 v12, v11  }
0x102: {  	v15 =	vand.u32 $0x7FFFFFFF, v8;
	v14 =	vsub.f32 $0.0e+00, v14  }
0x103: {  	v15 =	vsub.f32 $0.0e+00, v15;
	v16 =	vand.u32 $0x7FFFFFFF, v5;
	v12 =	vadd.f32 $2.852726880e-01, v12  }
0x104: {  	v16 =	vsub.f32 $0.0e+00, v16;
	v14 =	vmul.f32 $1.442695020e+00, v14  }
0x105: {  	v15 =	vmul.f32 $1.442695020e+00, v15;
	v12 =	vmul.f32 v12, v11  }
0x106: {  	v16 =	vmul.f32 $1.442695020e+00, v16;
	(erf) = vpow2.f32 v14  }
0x107: {  	(erf) = vpow2.f32 v15;
	v12 =	vadd.f32 $-4.902307090e-01, v12  }
0x108: {  	(erf) = vpow2.f32 v16  }
0x109: {  	v12 =	vmul.f32 v12, v11;
	_ =	sdelay $0x1  }
0x10a: {  	v12 =	vadd.f32 $9.992355100e-01, v12;
	_ =	sdelay $0x2  }
0x10b: {  	v11 =	vmul.f32 v12, v11  }
0x10c: {  	v14 =	vadd.s32 v1, v6;
	v12 =	vpop (erf)  }
0x10d: {  	v11 =	vadd.f32 $9.975032300e-06, v11;
	v15 =	vmul.f32 $3.044900480e-02, v12;
	v16 =	vpop (erf)  }
0x10e: {  	v13 =	vmax.f32 v13, $0.0e+00;
	v17 =	vpop (erf);
	v18 =	vmul.f32 $3.044900480e-02, v16  }
0x10f: {  	v11 =	vadd.f32 v11, v13;
	v15 =	vadd.f32 $-1.315818280e-01, v15;
	v19 =	vmul.f32 $3.044900480e-02, v17  }
0x110: {  	v13 =	vadd.f32 $-1.315818280e-01, v18  }
0x111: {  	[tilespmem:v14+s8+$0x0] =	vst.idx.msk $0xffff, v11;
	v15 =	vmul.f32 v15, v12;
	v18 =	vadd.f32 $-1.315818280e-01, v19  }
0x112: {  	v11 =	vmul.f32 v13, v16;
	v13 =	vld [tilespmem:s0+$0x60]  }
0x113: {  	v14 =	vmul.f32 v18, v17;
	v15 =	vadd.f32 $2.852726880e-01, v15  }
0x114: {  	v11 =	vadd.f32 $2.852726880e-01, v11  }
0x115: {  	v14 =	vadd.f32 $2.852726880e-01, v14;
	v15 =	vmul.f32 v15, v12  }
0x116: {  	s9 =	simm.s32 $0x6580;
	v11 =	vmul.f32 v11, v16  }
0x117: {  	v19 =	vld [tilespmem:s9+$0x40];
	v14 =	vmul.f32 v14, v17;
	v15 =	vadd.f32 $-4.902307090e-01, v15;
	v18 =	vand.u32 $0x7FFFFFFF, v13  }
0x118: {  	v11 =	vadd.f32 $-4.902307090e-01, v11;
	v18 =	vsub.f32 $0.0e+00, v18  }
0x119: {  	v14 =	vadd.f32 $-4.902307090e-01, v14;
	v15 =	vmul.f32 v15, v12  }
0x11a: {  	v11 =	vmul.f32 v11, v16;
	v18 =	vmul.f32 $1.442695020e+00, v18  }
0x11b: {  	v14 =	vmul.f32 v14, v17;
	v22 =	vadd.f32 $9.992355100e-01, v15;
	v15 =	vld [tilespmem:s9+$0xFFFFFF80]  }
0x11c: {  	v11 =	vadd.f32 $9.992355100e-01, v11;
	(erf) = vpow2.f32 v18;
	v18 =	vand.u32 $0x7FFFFFFF, v19  }
0x11d: {  	v23 =	vld [tilespmem:s9+$0xFFFFFFC0];
	v20 =	vadd.s32 v1, v7;
	v14 =	vadd.f32 $9.992355100e-01, v14;
	v18 =	vsub.f32 $0.0e+00, v18  }
0x11e: {  	v21 =	vadd.s32 v1, v10;
	v12 =	vmul.f32 v22, v12;
	v11 =	vmul.f32 v11, v16;
	v16 =	vld [tilespmem:s9+$0x0]  }
0x11f: {  	v4 =	vmax.f32 v4, $0.0e+00;
	v14 =	vmul.f32 v14, v17;
	v17 =	vmul.f32 $1.442695020e+00, v18  }
0x120: {  	v12 =	vadd.f32 $9.975032300e-06, v12;
	v11 =	vadd.f32 $9.975032300e-06, v11;
	v18 =	vand.u32 $0x7FFFFFFF, v15  }
0x121: {  	v8 =	vmax.f32 v8, $0.0e+00;
	v18 =	vsub.f32 $0.0e+00, v18;
	(erf) = vpow2.f32 v17  }
0x122: {  	v4 =	vadd.f32 v12, v4;
	v8 =	vadd.f32 v11, v8;
	v11 =	vand.u32 $0x7FFFFFFF, v23  }
0x123: {  	v11 =	vsub.f32 $0.0e+00, v11;
	v12 =	vand.u32 $0x7FFFFFFF, v16  }
0x124: {  	v17 =	vmul.f32 $1.442695020e+00, v18;
	[tilespmem:v20+s8+$0x0] =	vst.idx.msk $0xffff, v4;
	v4 =	vsub.f32 $0.0e+00, v12  }
0x125: {  	v22 =	vadd.s32 v1, v9;
	[tilespmem:v21+s8+$0x0] =	vst.idx.msk $0xffff, v8;
	v8 =	vmul.f32 $1.442695020e+00, v11  }
0x126: {  	v14 =	vadd.f32 $9.975032300e-06, v14;
	v18 =	vld [tilespmem:s0+$0xFFFFFFA0];
	(erf) = vpow2.f32 v17;
	v12 =	vpop (erf);
	v4 =	vmul.f32 $1.442695020e+00, v4  }
0x127: {  	v5 =	vmax.f32 v5, $0.0e+00;
	v11 =	vmul.f32 $3.044900480e-02, v12;
	(erf) = vpow2.f32 v8  }
0x128: {  	v5 =	vadd.f32 v14, v5;
	v17 =	vld [tilespmem:s0+$0xFFFFFFE0];
	(erf) = vpow2.f32 v4  }
0x129: {  	v4 =	vadd.f32 $-1.315818280e-01, v11  }
0x12a: {  	[tilespmem:v22+s8+$0x0] =	vst.idx.msk $0xffff, v5;
	v14 =	vpop (erf)  }
0x12b: {  	s12 =	simm.s32 $0x5;
	s10 =	simm.s32 $0x4;
	v20 =	vld [tilespmem:s0+$0x20];
	v8 =	vand.u32 $0x7FFFFFFF, v18;
	v4 =	vmul.f32 v4, v12;
	v22 =	vmul.f32 $3.044900480e-02, v14  }
0x12c: {  	v25 =	vmov s12;
	v5 =	vmov s10;
	v8 =	vsub.f32 $0.0e+00, v8  }
0x12d: {  	v21 =	vand.u32 $0x7FFFFFFF, v17;
	v4 =	vadd.f32 $2.852726880e-01, v4;
	v22 =	vadd.f32 $-1.315818280e-01, v22  }
0x12e: {  	s13 =	simm.s32 $0x7;
	v11 =	vand.u32 $0x7C, v5;
	v5 =	vsub.f32 $0.0e+00, v21;
	v8 =	vmul.f32 $1.442695020e+00, v8  }
0x12f: {  	v31 =	vmov s13;
	v24 =	vpop (erf);
	v4 =	vmul.f32 v4, v12;
	v22 =	vmul.f32 v22, v14  }
0x130: {  	v21 =	vand.u32 $0x7FFFFFFF, v20;
	v5 =	vmul.f32 $1.442695020e+00, v5;
	v26 =	vmul.f32 $3.044900480e-02, v24;
	v27 =	vpop (erf)  }
0x131: {  	v4 =	vadd.f32 $-4.902307090e-01, v4;
	v28 =	vmul.f32 $3.044900480e-02, v27;
	v29 =	vpop (erf);
	v22 =	vadd.f32 $2.852726880e-01, v22  }
0x132: {  	(erf) = vpow2.f32 v8;
	v26 =	vadd.f32 $-1.315818280e-01, v26;
	v30 =	vmul.f32 $3.044900480e-02, v29  }
0x133: {  	v4 =	vmul.f32 v4, v12;
	v28 =	vadd.f32 $-1.315818280e-01, v28;
	v22 =	vmul.f32 v22, v14  }
0x134: {  	(erf) = vpow2.f32 v5;
	v26 =	vmul.f32 v26, v24;
	v5 =	vadd.f32 $-1.315818280e-01, v30  }
0x135: {  	v4 =	vadd.f32 $9.992355100e-01, v4;
	v28 =	vmul.f32 v28, v27;
	v22 =	vadd.f32 $-4.902307090e-01, v22  }
0x136: {  	v21 =	vsub.f32 $0.0e+00, v21;
	v26 =	vadd.f32 $2.852726880e-01, v26;
	v5 =	vmul.f32 v5, v29  }
0x137: {  	v4 =	vmul.f32 v4, v12;
	v12 =	vadd.f32 $2.852726880e-01, v28;
	v22 =	vmul.f32 v22, v14  }
0x138: {  	v13 =	vmax.f32 v13, $0.0e+00;
	v21 =	vmul.f32 $1.442695020e+00, v21;
	v26 =	vmul.f32 v26, v24  }
0x139: {  	v5 =	vadd.f32 $2.852726880e-01, v5;
	v12 =	vmul.f32 v12, v27;
	v22 =	vadd.f32 $9.992355100e-01, v22  }
0x13a: {  	v28 =	vadd.s32 v2, v6;
	v4 =	vadd.f32 $9.975032300e-06, v4;
	v26 =	vadd.f32 $-4.902307090e-01, v26  }
0x13b: {  	v5 =	vmul.f32 v5, v29;
	v32 =	vadd.f32 $-4.902307090e-01, v12;
	v14 =	vmul.f32 v22, v14  }
0x13c: {  	v12 =	vand.u32 $0x7F, v31;
	v22 =	vmul.f32 v26, v24;
	v4 =	vadd.f32 v4, v13  }
0x13d: {  	v5 =	vadd.f32 $-4.902307090e-01, v5;
	v26 =	vadd.s32 v0, v12;
	v13 =	vmul.f32 v32, v27  }
0x13e: {  	v19 =	vmax.f32 v19, $0.0e+00;
	v14 =	vadd.f32 $9.975032300e-06, v14;
	v22 =	vadd.f32 $9.992355100e-01, v22  }
0x13f: {  	s30 =	simm.s32 $0x6;
	(erf) = vpow2.f32 v21;
	v5 =	vmul.f32 v5, v29;
	v13 =	vadd.f32 $9.992355100e-01, v13  }
0x140: {  	[tilespmem:v28+s8+$0x0] =	vst.idx.msk $0xffff, v4;
	v4 =	vmov s30;
	v19 =	vadd.f32 v14, v19;
	v21 =	vmul.f32 v22, v24  }
0x141: {  	v22 =	vadd.f32 $9.992355100e-01, v5;
	v5 =	vand.u32 $0x7D, v25;
	v24 =	vmul.f32 v13, v27  }
0x142: {  	v30 =	vadd.s32 v0, v11;
	v4 =	vand.u32 $0x7E, v4;
	[tilespmem:v26+s8+$0x0] =	vst.idx.msk $0xffff, v19;
	v19 =	vadd.s32 v0, v5  }
0x143: {  	v14 =	vld [tilespmem:s0+$0x70];
	v21 =	vadd.f32 $9.975032300e-06, v21;
	v22 =	vmul.f32 v22, v29;
	v24 =	vadd.f32 $9.975032300e-06, v24  }
0x144: {  	v15 =	vmax.f32 v15, $0.0e+00;
	v23 =	vmax.f32 v23, $0.0e+00;
	v25 =	vadd.s32 v0, v4;
	v13 =	vld [tilespmem:s9+$0x50]  }
0x145: {  	v16 =	vmax.f32 v16, $0.0e+00;
	v21 =	vadd.f32 v21, v15;
	v22 =	vadd.f32 $9.975032300e-06, v22  }
0x146: {  	v18 =	vmax.f32 v18, $0.0e+00;
	v17 =	vmax.f32 v17, $0.0e+00;
	v23 =	vadd.f32 v24, v23  }
0x147: {  	v20 =	vmax.f32 v20, $0.0e+00;
	v8 =	vadd.s32 v2, v7;
	[tilespmem:v30+s8+$0x0] =	vst.idx.msk $0xffff, v21;
	v16 =	vadd.f32 v22, v16;
	v24 =	vpop (erf)  }
0x148: {  	v63 =	vadd.s32 v2, v12;
	v26 =	vand.u32 $0x7FFFFFFF, v14;
	v27 =	vld [tilespmem:s9+$0xFFFFFF90];
	[tilespmem:v19+s8+$0x0] =	vst.idx.msk $0xffff, v23;
	v22 =	vmul.f32 $3.044900480e-02, v24  }
0x149: {  	v15 =	vadd.s32 v1, v11;
	v26 =	vsub.f32 $0.0e+00, v26;
	v19 =	vand.u32 $0x7FFFFFFF, v13;
	v21 =	vpop (erf);
	v28 =	vld [tilespmem:s9+$0xFFFFFFD0];
	[tilespmem:v25+s8+$0x0] =	vst.idx.msk $0xffff, v16  }
0x14a: {  	v16 =	vsub.f32 $0.0e+00, v19;
	v23 =	vpop (erf);
	v19 =	vmul.f32 $3.044900480e-02, v21;
	v29 =	vld [tilespmem:s9+$0x10];
	v22 =	vadd.f32 $-1.315818280e-01, v22  }
0x14b: {  	v14 =	vmax.f32 v14, $0.0e+00;
	v26 =	vmul.f32 $1.442695020e+00, v26;
	v25 =	vmul.f32 $3.044900480e-02, v23  }
0x14c: {  	v16 =	vmul.f32 $1.442695020e+00, v16;
	v19 =	vadd.f32 $-1.315818280e-01, v19;
	v22 =	vmul.f32 v22, v24  }
0x14d: {  	(erf) = vpow2.f32 v26;
	v30 =	vand.u32 $0x7FFFFFFF, v27;
	v25 =	vadd.f32 $-1.315818280e-01, v25  }
0x14e: {  	(erf) = vpow2.f32 v16;
	v19 =	vmul.f32 v19, v21;
	v16 =	vadd.f32 $2.852726880e-01, v22  }
0x14f: {  	v22 =	vsub.f32 $0.0e+00, v30;
	v30 =	vand.u32 $0x7FFFFFFF, v28;
	v31 =	vand.u32 $0x7FFFFFFF, v29  }
0x150: {  	v25 =	vmul.f32 v25, v23;
	v30 =	vsub.f32 $0.0e+00, v30;
	v31 =	vsub.f32 $0.0e+00, v31  }
0x151: {  	v19 =	vadd.f32 $2.852726880e-01, v19;
	v22 =	vmul.f32 $1.442695020e+00, v22;
	v16 =	vmul.f32 v16, v24  }
0x152: {  	v25 =	vadd.f32 $2.852726880e-01, v25;
	v30 =	vmul.f32 $1.442695020e+00, v30;
	v31 =	vmul.f32 $1.442695020e+00, v31  }
0x153: {  	v13 =	vmax.f32 v13, $0.0e+00;
	v19 =	vmul.f32 v19, v21;
	(erf) = vpow2.f32 v22  }
0x154: {  	v16 =	vadd.f32 $-4.902307090e-01, v16;
	v25 =	vmul.f32 v25, v23;
	(erf) = vpow2.f32 v30  }
0x155: {  	v26 =	vadd.s32 v2, v10;
	v19 =	vadd.f32 $-4.902307090e-01, v19;
	(erf) = vpow2.f32 v31  }
0x156: {  	v27 =	vmax.f32 v27, $0.0e+00;
	v25 =	vadd.f32 $-4.902307090e-01, v25;
	v16 =	vmul.f32 v16, v24;
	v30 =	vpop (erf)  }
0x157: {  	v28 =	vmax.f32 v28, $0.0e+00;
	v19 =	vmul.f32 v19, v21;
	v48 =	vmul.f32 $3.044900480e-02, v30;
	v33 =	vpop (erf)  }
0x158: {  	v29 =	vmax.f32 v29, $0.0e+00;
	v25 =	vmul.f32 v25, v23;
	v34 =	vmul.f32 $3.044900480e-02, v33  }
0x159: {  	v22 =	vadd.s32 v2, v9;
	v16 =	vadd.f32 $9.992355100e-01, v16;
	v19 =	vadd.f32 $9.992355100e-01, v19  }
0x15a: {  	v9 =	vadd.s32 v3, v9;
	v32 =	vadd.f32 $-1.315818280e-01, v48;
	v34 =	vadd.f32 $-1.315818280e-01, v34  }
0x15b: {  	v16 =	vmul.f32 v16, v24;
	v24 =	vadd.f32 $9.992355100e-01, v25;
	v19 =	vmul.f32 v19, v21  }
0x15c: {  	v31 =	vadd.s32 v1, v5;
	v32 =	vmul.f32 v32, v30;
	v25 =	vpop (erf);
	v49 =	vmul.f32 v34, v33  }
0x15d: {  	v16 =	vadd.f32 $9.975032300e-06, v16;
	v23 =	vmul.f32 v24, v23;
	v24 =	vmul.f32 $3.044900480e-02, v25;
	v50 =	vpop (erf)  }
0x15e: {  	v21 =	vadd.f32 $2.852726880e-01, v32;
	v35 =	vpop (erf);
	v36 =	vmul.f32 $3.044900480e-02, v50;
	v32 =	vadd.f32 $2.852726880e-01, v49  }
0x15f: {  	v19 =	vadd.f32 $9.975032300e-06, v19;
	v24 =	vadd.f32 $-1.315818280e-01, v24;
	v37 =	vmul.f32 $3.044900480e-02, v35  }
0x160: {  	v16 =	vadd.f32 v16, v18;
	v18 =	vadd.f32 $-1.315818280e-01, v36;
	v32 =	vmul.f32 v32, v33  }
0x161: {  	v23 =	vadd.f32 $9.975032300e-06, v23;
	v24 =	vmul.f32 v24, v25;
	v51 =	vadd.f32 $-1.315818280e-01, v37  }
0x162: {  	v17 =	vadd.f32 v19, v17;
	v18 =	vmul.f32 v18, v50;
	v32 =	vadd.f32 $-4.902307090e-01, v32  }
0x163: {  	v21 =	vmul.f32 v21, v30;
	v19 =	vmul.f32 v51, v35;
	v24 =	vadd.f32 $2.852726880e-01, v24  }
0x164: {  	v20 =	vadd.f32 v23, v20;
	v18 =	vadd.f32 $2.852726880e-01, v18;
	v32 =	vmul.f32 v32, v33  }
0x165: {  	[tilespmem:v8+s8+$0x0] =	vst.idx.msk $0xffff, v16;
	v21 =	vadd.f32 $-4.902307090e-01, v21;
	v19 =	vadd.f32 $2.852726880e-01, v19;
	v23 =	vmul.f32 v24, v25  }
0x166: {  	[tilespmem:v22+s8+$0x0] =	vst.idx.msk $0xffff, v20;
	v22 =	vadd.s32 v1, v12;
	v16 =	vmul.f32 v18, v50;
	v18 =	vadd.f32 $9.992355100e-01, v32  }
0x167: {  	[tilespmem:v26+s8+$0x0] =	vst.idx.msk $0xffff, v17;
	v21 =	vmul.f32 v21, v30;
	v24 =	vld [tilespmem:s0+$0xFFFFFFB0];
	v17 =	vmul.f32 v19, v35;
	v19 =	vadd.f32 $-4.902307090e-01, v23  }
0x168: {  	v12 =	vadd.s32 v3, v12;
	v20 =	vld [tilespmem:s0+$0x30];
	v16 =	vadd.f32 $-4.902307090e-01, v16;
	v18 =	vmul.f32 v18, v33  }
0x169: {  	v8 =	vadd.f32 $9.992355100e-01, v21;
	v23 =	vld [tilespmem:s0+$0xFFFFFFF0];
	v17 =	vadd.f32 $-4.902307090e-01, v17;
	v19 =	vmul.f32 v19, v25  }
0x16a: {  	v21 =	vadd.s32 v1, v4;
	v16 =	vmul.f32 v16, v50;
	v18 =	vadd.f32 $9.975032300e-06, v18  }
0x16b: {  	v8 =	vmul.f32 v8, v30;
	v17 =	vmul.f32 v17, v35;
	v19 =	vadd.f32 $9.992355100e-01, v19  }
0x16c: {  	v26 =	vand.u32 $0x7FFFFFFF, v24;
	v16 =	vadd.f32 $9.992355100e-01, v16;
	v13 =	vadd.f32 v18, v13  }
0x16d: {  	v26 =	vsub.f32 $0.0e+00, v26;
	v17 =	vadd.f32 $9.992355100e-01, v17;
	v19 =	vmul.f32 v19, v25  }
0x16e: {  	v18 =	vand.u32 $0x7FFFFFFF, v23;
	v25 =	vand.u32 $0x7FFFFFFF, v20;
	v16 =	vmul.f32 v16, v50;
	[tilespmem:v22+s8+$0x0] =	vst.idx.msk $0xffff, v13  }
0x16f: {  	v18 =	vsub.f32 $0.0e+00, v18;
	v17 =	vmul.f32 v17, v35;
	v19 =	vadd.f32 $9.975032300e-06, v19;
	v32 =	vld [tilespmem:s9+$0x60]  }
0x170: {  	s0 =	simm.s32 $0x6680;
	v13 =	vadd.s32 v3, v6;
	v6 =	vsub.f32 $0.0e+00, v25;
	v16 =	vadd.f32 $9.975032300e-06, v16  }
0x171: {  	v30 =	vld [tilespmem:s0+$0xFFFFFFC0];
	v22 =	vmul.f32 $1.442695020e+00, v26;
	v17 =	vadd.f32 $9.975032300e-06, v17;
	v19 =	vadd.f32 v19, v27  }
0x172: {  	v8 =	vadd.f32 $9.975032300e-06, v8;
	v18 =	vmul.f32 $1.442695020e+00, v18;
	v16 =	vadd.f32 v16, v28  }
0x173: {  	v33 =	vld [tilespmem:s0+$0x40];
	v6 =	vmul.f32 $1.442695020e+00, v6;
	(erf) = vpow2.f32 v22;
	v17 =	vadd.f32 v17, v29;
	[tilespmem:v15+s8+$0x0] =	vst.idx.msk $0xffff, v19  }
0x174: {  	s10 =	simm.s32 $0x8;
	v14 =	vadd.f32 v8, v14;
	(erf) = vpow2.f32 v18;
	v8 =	vld [tilespmem:s9+$0xFFFFFFA0];
	[tilespmem:v31+s8+$0x0] =	vst.idx.msk $0xffff, v16;
	v15 =	vand.u32 $0x7FFFFFFF, v32  }
0x175: {  	(erf) = vpow2.f32 v6;
	v6 =	vmov s10;
	v22 =	vld [tilespmem:s9+$0xFFFFFFE0];
	[tilespmem:v21+s8+$0x0] =	vst.idx.msk $0xffff, v17;
	v18 =	vsub.f32 $0.0e+00, v15  }
0x176: {  	v40 =	vmax.f32 v30, $0.0e+00;
	v6 =	vand.u32 $0x7C, v6;
	v15 =	vmax.f32 v20, $0.0e+00;
	v20 =	vld [tilespmem:s9+$0x20]  }
0x177: {  	s12 =	simm.s32 $0xA;
	v16 =	vmax.f32 v24, $0.0e+00;
	v24 =	vmul.f32 $1.442695020e+00, v18;
	v18 =	vadd.s32 v3, v7;
	v7 =	vld [tilespmem:s0+$0xFFFFFF80]  }
0x178: {  	v29 =	vmov s12;
	v31 =	vadd.s32 v0, v6;
	v19 =	vadd.s32 v1, v6  }
0x179: {  	(erf) = vpow2.f32 v24;
	v24 =	vand.u32 $0x7FFFFFFF, v8;
	v27 =	vmax.f32 v8, $0.0e+00  }
0x17a: {  	v8 =	vld [tilespmem:s0+$0x0];
	v25 =	vand.u32 $0x7FFFFFFF, v22;
	v28 =	vsub.f32 $0.0e+00, v24;
	v24 =	vmax.f32 v22, $0.0e+00  }
0x17b: {  	v22 =	vand.u32 $0x7FFFFFFF, v20;
	v26 =	vmax.f32 v20, $0.0e+00;
	v20 =	vand.u32 $0x7FFFFFFF, v33  }
0x17c: {  	v52 =	vsub.f32 $0.0e+00, v25;
	v25 =	vand.u32 $0x7FFFFFFF, v7;
	v20 =	vsub.f32 $0.0e+00, v20  }
0x17d: {  	v54 =	vsub.f32 $0.0e+00, v22;
	v22 =	vsub.f32 $0.0e+00, v25;
	v25 =	vand.u32 $0x7FFFFFFF, v30  }
0x17e: {  	s11 =	simm.s32 $0x9;
	v32 =	vmax.f32 v32, $0.0e+00;
	v17 =	vmax.f32 v23, $0.0e+00;
	v20 =	vmul.f32 $1.442695020e+00, v20  }
0x17f: {  	v21 =	vmov s11;
	v53 =	vmul.f32 $1.442695020e+00, v28;
	v28 =	vpop (erf);
	v38 =	vand.u32 $0x7FFFFFFF, v8  }
0x180: {  	v55 =	vsub.f32 $0.0e+00, v25;
	v38 =	vsub.f32 $0.0e+00, v38;
	v25 =	vpop (erf);
	(erf) = vpow2.f32 v20  }
0x181: {  	v23 =	vadd.s32 v2, v11;
	v39 =	vmax.f32 v7, $0.0e+00;
	v7 =	vmul.f32 $1.442695020e+00, v22;
	v22 =	vpop (erf)  }
0x182: {  	v11 =	vadd.s32 v3, v11;
	v30 =	vmul.f32 $1.442695020e+00, v55;
	v38 =	vmul.f32 $1.442695020e+00, v38;
	v41 =	vpop (erf)  }
0x183: {  	(erf) = vpow2.f32 v7;
	v7 =	vand.u32 $0x7D, v21;
	v21 =	vmul.f32 $3.044900480e-02, v41  }
0x184: {  	v33 =	vmax.f32 v33, $0.0e+00;
	v20 =	vadd.s32 v3, v10;
	(erf) = vpow2.f32 v30  }
0x185: {  	v10 =	vmul.f32 $1.442695020e+00, v52;
	(erf) = vpow2.f32 v38;
	v21 =	vadd.f32 $-1.315818280e-01, v21  }
0x186: {  	v37 =	vmax.f32 v8, $0.0e+00;
	v56 =	vmul.f32 $1.442695020e+00, v54;
	(erf) = vpow2.f32 v53  }
0x187: {  	v8 =	vand.u32 $0x7E, v29;
	(erf) = vpow2.f32 v10;
	v10 =	vmul.f32 v21, v41  }
0x188: {  	v29 =	vadd.s32 v2, v4;
	v57 =	vmul.f32 $3.044900480e-02, v28;
	v59 =	vmul.f32 $3.044900480e-02, v25  }
0x189: {  	v45 =	vadd.s32 v0, v8;
	v60 =	vmul.f32 $3.044900480e-02, v22;
	v10 =	vadd.f32 $2.852726880e-01, v10;
	v42 =	vpop (erf)  }
0x18a: {  	v58 =	vadd.f32 $-1.315818280e-01, v57;
	v35 =	vadd.f32 $-1.315818280e-01, v59;
	v43 =	vmul.f32 $3.044900480e-02, v42  }
0x18b: {  	v30 =	vadd.s32 v2, v5;
	v36 =	vadd.f32 $-1.315818280e-01, v60;
	v10 =	vmul.f32 v10, v41  }
0x18c: {  	v34 =	vmul.f32 v58, v28;
	v35 =	vmul.f32 v35, v25;
	v43 =	vadd.f32 $-1.315818280e-01, v43  }
0x18d: {  	(erf) = vpow2.f32 v56;
	v36 =	vmul.f32 v36, v22;
	v44 =	vpop (erf);
	v10 =	vadd.f32 $-4.902307090e-01, v10  }
0x18e: {  	v34 =	vadd.f32 $2.852726880e-01, v34;
	v46 =	vmul.f32 $3.044900480e-02, v44;
	v47 =	vpop (erf);
	v43 =	vmul.f32 v43, v42  }
0x18f: {  	v35 =	vadd.f32 $2.852726880e-01, v35;
	v48 =	vmul.f32 $3.044900480e-02, v47;
	v49 =	vpop (erf);
	v10 =	vmul.f32 v10, v41  }
0x190: {  	v46 =	vadd.f32 $-1.315818280e-01, v46;
	v50 =	vmul.f32 $3.044900480e-02, v49;
	v43 =	vadd.f32 $2.852726880e-01, v43  }
0x191: {  	v34 =	vmul.f32 v34, v28;
	v48 =	vadd.f32 $-1.315818280e-01, v48;
	v10 =	vadd.f32 $9.992355100e-01, v10  }
0x192: {  	v46 =	vmul.f32 v46, v44;
	v50 =	vadd.f32 $-1.315818280e-01, v50;
	v43 =	vmul.f32 v43, v42  }
0x193: {  	v36 =	vadd.f32 $2.852726880e-01, v36;
	v48 =	vmul.f32 v48, v47;
	v10 =	vmul.f32 v10, v41  }
0x194: {  	v46 =	vadd.f32 $2.852726880e-01, v46;
	v50 =	vmul.f32 v50, v49;
	v43 =	vadd.f32 $-4.902307090e-01, v43  }
0x195: {  	v35 =	vmul.f32 v35, v25;
	v48 =	vadd.f32 $2.852726880e-01, v48;
	v10 =	vadd.f32 $9.975032300e-06, v10  }
0x196: {  	v34 =	vadd.f32 $-4.902307090e-01, v34;
	v62 =	vadd.f32 $2.852726880e-01, v50;
	v43 =	vmul.f32 v43, v42  }
0x197: {  	v61 =	vmul.f32 v46, v44;
	v48 =	vmul.f32 v48, v47;
	v10 =	vadd.f32 v10, v32  }
0x198: {  	s13 =	simm.s32 $0xB;
	v36 =	vmul.f32 v36, v22;
	v46 =	vmul.f32 v62, v49;
	v43 =	vadd.f32 $9.992355100e-01, v43  }
0x199: {  	v41 =	vadd.f32 $-4.902307090e-01, v61;
	v48 =	vadd.f32 $-4.902307090e-01, v48;
	[tilespmem:v63+s8+$0x0] =	vst.idx.msk $0xffff, v10;
	v10 =	vmov s13  }
0x19a: {  	v56 =	vadd.f32 $-4.902307090e-01, v46;
	v42 =	vmul.f32 v43, v42;
	v10 =	vand.u32 $0x7F, v10  }
0x19b: {  	v55 =	vmul.f32 v41, v44;
	v48 =	vmul.f32 v48, v47;
	v60 =	vadd.s32 v0, v10  }
0x19c: {  	v35 =	vadd.f32 $-4.902307090e-01, v35;
	v41 =	vmul.f32 v56, v49;
	v42 =	vadd.f32 $9.975032300e-06, v42  }
0x19d: {  	v34 =	vmul.f32 v34, v28;
	v51 =	vpop (erf);
	v58 =	vadd.f32 $9.992355100e-01, v55;
	v32 =	vld [tilespmem:s9+$0x70];
	v48 =	vadd.f32 $9.992355100e-01, v48  }
0x19e: {  	v52 =	vpop (erf);
	v53 =	vmul.f32 $3.044900480e-02, v51;
	v41 =	vadd.f32 $9.992355100e-01, v41;
	v33 =	vadd.f32 v42, v33  }
0x19f: {  	v36 =	vadd.f32 $-4.902307090e-01, v36;
	v57 =	vmul.f32 $3.044900480e-02, v52;
	v44 =	vmul.f32 v58, v44  }
0x1a0: {  	v34 =	vadd.f32 $9.992355100e-01, v34;
	v47 =	vmul.f32 v48, v47;
	v41 =	vmul.f32 v41, v49;
	[tilespmem:v60+s8+$0x0] =	vst.idx.msk $0xffff, v33  }
0x1a1: {  	v38 =	vadd.s32 v0, v7;
	v59 =	vadd.f32 $-1.315818280e-01, v53;
	v44 =	vadd.f32 $9.975032300e-06, v44;
	v33 =	vld [tilespmem:s0+$0x50]  }
0x1a2: {  	v47 =	vadd.f32 $9.975032300e-06, v47;
	v61 =	vand.u32 $0x7FFFFFFF, v32;
	v41 =	vadd.f32 $9.975032300e-06, v41  }
0x1a3: {  	v35 =	vmul.f32 v35, v25;
	v48 =	vpop (erf);
	v39 =	vadd.f32 v44, v39;
	v42 =	vsub.f32 $0.0e+00, v61  }
0x1a4: {  	v46 =	vadd.f32 $-1.315818280e-01, v57;
	v62 =	vmul.f32 $3.044900480e-02, v48;
	v40 =	vadd.f32 v47, v40  }
0x1a5: {  	v43 =	vmul.f32 v59, v51;
	v37 =	vadd.f32 v41, v37;
	[tilespmem:v31+s8+$0x0] =	vst.idx.msk $0xffff, v39;
	v42 =	vmul.f32 $1.442695020e+00, v42  }
0x1a6: {  	v46 =	vmul.f32 v46, v52;
	v63 =	vadd.f32 $-1.315818280e-01, v62;
	v47 =	vld [tilespmem:s0+$0xFFFFFF90];
	[tilespmem:v38+s8+$0x0] =	vst.idx.msk $0xffff, v40;
	v53 =	vand.u32 $0x7FFFFFFF, v33  }
0x1a7: {  	v31 =	vadd.f32 $2.852726880e-01, v43;
	v40 =	vld [tilespmem:s0+$0xFFFFFFD0];
	[tilespmem:v45+s8+$0x0] =	vst.idx.msk $0xffff, v37;
	(erf) = vpow2.f32 v42;
	v42 =	vsub.f32 $0.0e+00, v53  }
0x1a8: {  	v36 =	vmul.f32 v36, v22;
	v50 =	vadd.f32 $2.852726880e-01, v46;
	v49 =	vmul.f32 v63, v48;
	v39 =	vld [tilespmem:s0+$0x10]  }
0x1a9: {  	v21 =	vadd.s32 v1, v7;
	v31 =	vmul.f32 v31, v51;
	v42 =	vmul.f32 $1.442695020e+00, v42  }
0x1aa: {  	v28 =	vmul.f32 v34, v28;
	v37 =	vmul.f32 v50, v52;
	v38 =	vadd.f32 $2.852726880e-01, v49  }
0x1ab: {  	v31 =	vadd.f32 $-4.902307090e-01, v31;
	v54 =	vand.u32 $0x7FFFFFFF, v47;
	(erf) = vpow2.f32 v42  }
0x1ac: {  	v37 =	vadd.f32 $-4.902307090e-01, v37;
	v55 =	vand.u32 $0x7FFFFFFF, v40;
	v43 =	vsub.f32 $0.0e+00, v54  }
0x1ad: {  	v38 =	vmul.f32 v38, v48;
	v44 =	vsub.f32 $0.0e+00, v55;
	v56 =	vand.u32 $0x7FFFFFFF, v39  }
0x1ae: {  	v31 =	vmul.f32 v31, v51;
	v45 =	vsub.f32 $0.0e+00, v56;
	v57 =	vmul.f32 $1.442695020e+00, v43  }
0x1af: {  	v37 =	vmul.f32 v37, v52;
	v38 =	vadd.f32 $-4.902307090e-01, v38;
	v58 =	vmul.f32 $1.442695020e+00, v44  }
0x1b0: {  	v31 =	vadd.f32 $9.992355100e-01, v31;
	v45 =	vmul.f32 $1.442695020e+00, v45;
	(erf) = vpow2.f32 v57  }
0x1b1: {  	v34 =	vadd.s32 v1, v8;
	v38 =	vmul.f32 v38, v48;
	(erf) = vpow2.f32 v58  }
0x1b2: {  	v35 =	vadd.f32 $9.992355100e-01, v35;
	v31 =	vmul.f32 v31, v51;
	v59 =	vpop (erf);
	(erf) = vpow2.f32 v45  }
0x1b3: {  	v28 =	vadd.f32 $9.975032300e-06, v28;
	v38 =	vadd.f32 $9.992355100e-01, v38;
	v60 =	vmul.f32 $3.044900480e-02, v59  }
0x1b4: {  	v25 =	vmul.f32 v35, v25;
	v37 =	vadd.f32 $9.992355100e-01, v37;
	v31 =	vadd.f32 $9.975032300e-06, v31;
	v62 =	vpop (erf)  }
0x1b5: {  	v38 =	vmul.f32 v38, v48;
	v61 =	vadd.f32 $-1.315818280e-01, v60;
	v63 =	vmul.f32 $3.044900480e-02, v62  }
0x1b6: {  	v25 =	vadd.f32 $9.975032300e-06, v25;
	v37 =	vmul.f32 v37, v52;
	v27 =	vadd.f32 v31, v27  }
0x1b7: {  	v31 =	vadd.f32 $9.975032300e-06, v38;
	v42 =	vmul.f32 v61, v59;
	v48 =	vadd.f32 $-1.315818280e-01, v63  }
0x1b8: {  	v32 =	vmax.f32 v32, $0.0e+00;
	v33 =	vmax.f32 v33, $0.0e+00;
	v37 =	vadd.f32 $9.975032300e-06, v37  }
0x1b9: {  	v26 =	vadd.f32 v31, v26;
	v42 =	vadd.f32 $2.852726880e-01, v42;
	v49 =	vpop (erf);
	v31 =	vmul.f32 v48, v62  }
0x1ba: {  	v41 =	vmax.f32 v47, $0.0e+00;
	v24 =	vadd.f32 v37, v24;
	[tilespmem:v23+s8+$0x0] =	vst.idx.msk $0xffff, v27;
	v50 =	vmul.f32 $3.044900480e-02, v49;
	v51 =	vpop (erf)  }
0x1bb: {  	v55 =	vld [tilespmem:s9+$0xFFFFFFB0];
	v42 =	vmul.f32 v42, v59;
	v52 =	vpop (erf);
	v27 =	vmul.f32 $3.044900480e-02, v51;
	v31 =	vadd.f32 $2.852726880e-01, v31  }
0x1bc: {  	v40 =	vmax.f32 v40, $0.0e+00;
	v23 =	vadd.f32 $-1.315818280e-01, v50;
	v54 =	vmul.f32 $3.044900480e-02, v52  }
0x1bd: {  	[tilespmem:v30+s8+$0x0] =	vst.idx.msk $0xffff, v24;
	v42 =	vadd.f32 $-4.902307090e-01, v42;
	v27 =	vadd.f32 $-1.315818280e-01, v27;
	v24 =	vmul.f32 v31, v62  }
0x1be: {  	[tilespmem:v29+s8+$0x0] =	vst.idx.msk $0xffff, v26;
	v26 =	vadd.f32 $9.992355100e-01, v36;
	v23 =	vmul.f32 v23, v49;
	v56 =	vadd.f32 $-1.315818280e-01, v54  }
0x1bf: {  	v53 =	vmul.f32 v42, v59;
	v27 =	vmul.f32 v27, v51;
	v24 =	vadd.f32 $-4.902307090e-01, v24  }
0x1c0: {  	v58 =	vand.u32 $0x7FFFFFFF, v55;
	v29 =	vmul.f32 v56, v52;
	v23 =	vadd.f32 $2.852726880e-01, v23  }
0x1c1: {  	v38 =	vadd.f32 $9.992355100e-01, v53;
	v27 =	vadd.f32 $2.852726880e-01, v27;
	v24 =	vmul.f32 v24, v62  }
0x1c2: {  	v57 =	vld [tilespmem:s9+$0x30];
	v22 =	vmul.f32 v26, v22;
	v29 =	vadd.f32 $2.852726880e-01, v29;
	v23 =	vmul.f32 v23, v49  }
0x1c3: {  	v30 =	vmul.f32 v38, v59;
	v27 =	vmul.f32 v27, v51;
	v24 =	vadd.f32 $9.992355100e-01, v24  }
0x1c4: {  	v36 =	vsub.f32 $0.0e+00, v58;
	v31 =	vld [tilespmem:s9+$0xFFFFFFF0];
	v29 =	vmul.f32 v29, v52;
	v23 =	vadd.f32 $-4.902307090e-01, v23  }
0x1c5: {  	v30 =	vadd.f32 $9.975032300e-06, v30;
	v27 =	vadd.f32 $-4.902307090e-01, v27;
	v24 =	vmul.f32 v24, v62  }
0x1c6: {  	v26 =	vadd.f32 $-4.902307090e-01, v29;
	v23 =	vmul.f32 v23, v49;
	v29 =	vadd.s32 v1, v10  }
0x1c7: {  	v60 =	vand.u32 $0x7FFFFFFF, v57;
	v27 =	vmul.f32 v27, v51;
	v24 =	vadd.f32 $9.975032300e-06, v24  }
0x1c8: {  	v30 =	vadd.f32 v30, v32;
	v26 =	vmul.f32 v26, v52;
	v23 =	vadd.f32 $9.992355100e-01, v23  }
0x1c9: {  	v59 =	vand.u32 $0x7FFFFFFF, v31;
	v27 =	vadd.f32 $9.992355100e-01, v27;
	v24 =	vadd.f32 v24, v33  }
0x1ca: {  	v32 =	vsub.f32 $0.0e+00, v59;
	v26 =	vadd.f32 $9.992355100e-01, v26;
	v23 =	vmul.f32 v23, v49  }
0x1cb: {  	v61 =	vmul.f32 $1.442695020e+00, v36;
	v62 =	vsub.f32 $0.0e+00, v60;
	v27 =	vmul.f32 v27, v51;
	[tilespmem:v29+s8+$0x0] =	vst.idx.msk $0xffff, v24  }
0x1cc: {  	v26 =	vmul.f32 v26, v52;
	v23 =	vadd.f32 $9.975032300e-06, v23;
	v29 =	vmul.f32 $1.442695020e+00, v32;
	v24 =	vld [tilespmem:s0+$0x60]  }
0x1cd: {  	(erf) = vpow2.f32 v61;
	v63 =	vmul.f32 $1.442695020e+00, v62;
	v27 =	vadd.f32 $9.975032300e-06, v27  }
0x1ce: {  	[tilespmem:v13+s8+$0x0] =	vst.idx.msk $0xffff, v14;
	v26 =	vadd.f32 $9.975032300e-06, v26;
	v13 =	vadd.f32 v23, v41;
	(erf) = vpow2.f32 v29  }
0x1cf: {  	v39 =	vmax.f32 v39, $0.0e+00;
	[tilespmem:v12+s8+$0x0] =	vst.idx.msk $0xffff, v30;
	v23 =	vadd.f32 v27, v40;
	(erf) = vpow2.f32 v63  }
0x1d0: {  	v14 =	vmax.f32 v55, $0.0e+00;
	v22 =	vadd.f32 $9.975032300e-06, v22;
	v27 =	vadd.f32 v26, v39;
	[tilespmem:v19+s8+$0x0] =	vst.idx.msk $0xffff, v13  }
0x1d1: {  	v12 =	vmax.f32 v57, $0.0e+00;
	v26 =	vld [tilespmem:s0+$0xFFFFFFA0];
	[tilespmem:v21+s8+$0x0] =	vst.idx.msk $0xffff, v23;
	v21 =	vadd.f32 v28, v16;
	v19 =	vand.u32 $0x7FFFFFFF, v24  }
0x1d2: {  	s30 =	simm.s32 $0xD;
	s10 =	simm.s32 $0xC;
	v13 =	vmax.f32 v31, $0.0e+00;
	v23 =	vadd.f32 v25, v17;
	v29 =	vld [tilespmem:s0+$0xFFFFFFE0];
	[tilespmem:v34+s8+$0x0] =	vst.idx.msk $0xffff, v27;
	v19 =	vsub.f32 $0.0e+00, v19  }
0x1d3: {  	s29 =	simm.s32 $0x6780;
	v31 =	vmov s30;
	v17 =	vmov s10;
	v16 =	vadd.f32 v22, v15;
	v28 =	vld [tilespmem:s0+$0x20];
	[tilespmem:v18+s8+$0x0] =	vst.idx.msk $0xffff, v21  }
0x1d4: {  	s12 =	simm.s32 $0xE;
	s11 =	simm.s32 $0x10;
	s9 =	sshll.u32 s28, $0xB;
	v25 =	vld [tilespmem:s29+$0x40];
	v15 =	vand.u32 $0x7C, v17;
	v17 =	vadd.s32 v2, v6;
	[tilespmem:v20+s8+$0x0] =	vst.idx.msk $0xffff, v23;
	v21 =	vmul.f32 $1.442695020e+00, v19  }
.LBB2_3:
0x1d5: {  	p1 =	slt.u32 s11, $0x7C;
	v20 =	vld [tilespmem:s29+$0xFFFFFF80];
	v30 =	vadd.s32 v0, v15;
	v19 =	vadd.s32 v1, v15;
	v32 =	vmov s12;
	[tilespmem:v9+s8+$0x0] =	vst.idx.msk $0xffff, v16;
	v18 =	vmovc v6  }
0x1d6: {  	v9 =	vld [tilespmem:s29+$0xFFFFFFC0];
	v6 =	vand.u32 $0x7FFFFFFF, v26;
	v26 =	vmax.f32 v26, $0.0e+00;
	(erf) = vpow2.f32 v21;
	v27 =	vpop (erf)  }
0x1d7: {  	v33 =	vld [tilespmem:s29+$0x0];
	v37 =	vsub.f32 $0.0e+00, v6;
	v35 =	vand.u32 $0x7FFFFFFF, v29;
	v22 =	vmax.f32 v29, $0.0e+00;
	v21 =	vpop (erf)  }
0x1d8: {  	v29 =	vsub.f32 $0.0e+00, v35;
	v34 =	vand.u32 $0x7FFFFFFF, v28;
	v23 =	vmax.f32 v28, $0.0e+00;
	v16 =	vpop (erf)  }
0x1d9: {  	v28 =	vand.u32 $0x7FFFFFFF, v25;
	v36 =	vmul.f32 $1.442695020e+00, v37;
	v34 =	vsub.f32 $0.0e+00, v34;
	v6 =	vmovc v15  }
0x1da: {  	v15 =	vand.u32 $0x7FFFFFFF, v20;
	v35 =	vmax.f32 v20, $0.0e+00;
	v20 =	vsub.f32 $0.0e+00, v28  }
0x1db: {  	v15 =	vsub.f32 $0.0e+00, v15;
	v28 =	vand.u32 $0x7FFFFFFF, v9;
	v37 =	vmax.f32 v9, $0.0e+00  }
0x1dc: {  	v9 =	vsub.f32 $0.0e+00, v28;
	v28 =	vand.u32 $0x7FFFFFFF, v33;
	v20 =	vmul.f32 $1.442695020e+00, v20  }
0x1dd: {  	v38 =	vmax.f32 v33, $0.0e+00;
	v15 =	vmul.f32 $1.442695020e+00, v15;
	v28 =	vsub.f32 $0.0e+00, v28  }
0x1de: {  	v31 =	vand.u32 $0x7D, v31;
	v9 =	vmul.f32 $1.442695020e+00, v9;
	(erf) = vpow2.f32 v20  }
0x1df: {  	v32 =	vand.u32 $0x7E, v32;
	v28 =	vmul.f32 $1.442695020e+00, v28;
	(erf) = vpow2.f32 v15;
	v39 =	vpop (erf)  }
0x1e0: {  	v20 =	vadd.s32 v3, v5;
	v5 =	vmovc v7;
	v7 =	vmovc v31;
	(erf) = vpow2.f32 v9;
	v15 =	vmul.f32 $3.044900480e-02, v39  }
0x1e1: {  	v29 =	vmul.f32 $1.442695020e+00, v29;
	v9 =	vadd.s32 v3, v4;
	v4 =	vmovc v8;
	v8 =	vmovc v32;
	(erf) = vpow2.f32 v28  }
0x1e2: {  	v31 =	vmul.f32 $1.442695020e+00, v34;
	v15 =	vadd.f32 $-1.315818280e-01, v15;
	(erf) = vpow2.f32 v36  }
0x1e3: {  	v32 =	vmul.f32 $3.044900480e-02, v27;
	v28 =	vadd.s32 v2, v5;
	(erf) = vpow2.f32 v29  }
0x1e4: {  	v29 =	vadd.s32 v2, v4;
	v33 =	vmul.f32 v15, v39;
	(erf) = vpow2.f32 v31  }
0x1e5: {  	v34 =	vmul.f32 $3.044900480e-02, v16;
	v31 =	vadd.f32 $-1.315818280e-01, v32;
	v32 =	vmul.f32 $3.044900480e-02, v21  }
0x1e6: {  	v40 =	vadd.s32 v0, v7;
	v15 =	vadd.s32 v1, v7;
	v33 =	vadd.f32 $2.852726880e-01, v33  }
0x1e7: {  	v34 =	vadd.f32 $-1.315818280e-01, v34;
	v31 =	vmul.f32 v31, v27;
	v32 =	vadd.f32 $-1.315818280e-01, v32;
	v41 =	vpop (erf)  }
0x1e8: {  	v42 =	vadd.s32 v0, v8;
	v36 =	vmul.f32 $3.044900480e-02, v41;
	v43 =	vpop (erf);
	v50 =	vmul.f32 v33, v39  }
0x1e9: {  	v46 =	vadd.f32 $2.852726880e-01, v31;
	v47 =	vmul.f32 v32, v21;
	v44 =	vmul.f32 $3.044900480e-02, v43;
	v45 =	vpop (erf)  }
0x1ea: {  	v31 =	vmul.f32 $3.044900480e-02, v45;
	v32 =	vadd.f32 $-1.315818280e-01, v36;
	v48 =	vpop (erf);
	v52 =	vadd.f32 $-4.902307090e-01, v50  }
0x1eb: {  	v50 =	vmul.f32 v34, v16;
	v44 =	vadd.f32 $-1.315818280e-01, v44;
	v49 =	vmul.f32 $3.044900480e-02, v48;
	v33 =	vpop (erf)  }
0x1ec: {  	v31 =	vadd.f32 $-1.315818280e-01, v31;
	v32 =	vmul.f32 v32, v41;
	v51 =	vmul.f32 v52, v39;
	v36 =	vpop (erf)  }
0x1ed: {  	v52 =	vmul.f32 $3.044900480e-02, v33;
	v44 =	vmul.f32 v44, v43;
	v49 =	vadd.f32 $-1.315818280e-01, v49;
	v34 =	vpop (erf)  }
0x1ee: {  	v31 =	vmul.f32 v31, v45;
	v32 =	vadd.f32 $2.852726880e-01, v32;
	v51 =	vadd.f32 $9.992355100e-01, v51  }
0x1ef: {  	v53 =	vmul.f32 $3.044900480e-02, v36;
	v44 =	vadd.f32 $2.852726880e-01, v44;
	v49 =	vmul.f32 v49, v48  }
0x1f0: {  	v31 =	vadd.f32 $2.852726880e-01, v31;
	v32 =	vmul.f32 v32, v41;
	v39 =	vmul.f32 v51, v39  }
0x1f1: {  	v51 =	vadd.s32 v2, v10;
	v44 =	vmul.f32 v44, v43;
	v49 =	vadd.f32 $2.852726880e-01, v49  }
0x1f2: {  	v31 =	vmul.f32 v31, v45;
	v32 =	vadd.f32 $-4.902307090e-01, v32;
	v39 =	vadd.f32 $9.975032300e-06, v39  }
0x1f3: {  	v24 =	vmax.f32 v24, $0.0e+00;
	v44 =	vadd.f32 $-4.902307090e-01, v44;
	v49 =	vmul.f32 v49, v48  }
0x1f4: {  	v31 =	vadd.f32 $-4.902307090e-01, v31;
	v32 =	vmul.f32 v32, v41;
	v24 =	vadd.f32 v39, v24  }
0x1f5: {  	v39 =	vmul.f32 v44, v43;
	v44 =	vadd.f32 $-4.902307090e-01, v49;
	v49 =	vmul.f32 $3.044900480e-02, v34  }
0x1f6: {  	s12 =	sadd.s32 $0x3, s10;
	s10 =	smov.u32 s11;
	v52 =	vadd.f32 $-1.315818280e-01, v52;
	v54 =	vmul.f32 v31, v45;
	v32 =	vadd.f32 $9.992355100e-01, v32;
	[tilespmem:v51+s8+$0x0] =	vst.idx.msk $0xffff, v24  }
0x1f7: {  	v24 =	vadd.f32 $9.992355100e-01, v39;
	v39 =	vmul.f32 v44, v48;
	v44 =	vmov s12;
	v31 =	vld [tilespmem:s0+$0x70]  }
0x1f8: {  	v51 =	vadd.f32 $9.992355100e-01, v54;
	v41 =	vmul.f32 v32, v41;
	v32 =	vand.u32 $0x7F, v44  }
0x1f9: {  	v24 =	vmul.f32 v24, v43;
	v39 =	vadd.f32 $9.992355100e-01, v39;
	v43 =	vadd.s32 v0, v32  }
0x1fa: {  	v44 =	vmul.f32 v51, v45;
	v41 =	vadd.f32 $9.975032300e-06, v41;
	v45 =	vadd.f32 $-1.315818280e-01, v53  }
0x1fb: {  	v25 =	vmax.f32 v25, $0.0e+00;
	v24 =	vadd.f32 $9.975032300e-06, v24;
	v39 =	vmul.f32 v39, v48  }
0x1fc: {  	v44 =	vadd.f32 $9.975032300e-06, v44;
	v25 =	vadd.f32 v41, v25;
	v41 =	vand.u32 $0x7FFFFFFF, v31  }
0x1fd: {  	v48 =	vmul.f32 v52, v33;
	v39 =	vadd.f32 $9.975032300e-06, v39;
	v41 =	vsub.f32 $0.0e+00, v41  }
0x1fe: {  	v35 =	vadd.f32 v24, v35;
	v37 =	vadd.f32 v44, v37;
	[tilespmem:v43+s8+$0x0] =	vst.idx.msk $0xffff, v25  }
0x1ff: {  	v25 =	vadd.f32 v39, v38;
	v24 =	vld [tilespmem:s29+$0x50];
	v38 =	vadd.f32 $-1.315818280e-01, v49;
	v39 =	vmul.f32 $1.442695020e+00, v41  }
0x200: {  	v41 =	vadd.f32 $2.852726880e-01, v47;
	[tilespmem:v30+s8+$0x0] =	vst.idx.msk $0xffff, v35;
	v30 =	vadd.f32 $2.852726880e-01, v48;
	v35 =	vmul.f32 v45, v36  }
0x201: {  	v43 =	vld [tilespmem:s29+$0xFFFFFF90];
	[tilespmem:v40+s8+$0x0] =	vst.idx.msk $0xffff, v37;
	v37 =	vmul.f32 v38, v34;
	(erf) = vpow2.f32 v39;
	v38 =	vadd.f32 $2.852726880e-01, v50  }
0x202: {  	v39 =	vld [tilespmem:s29+$0xFFFFFFD0];
	[tilespmem:v42+s8+$0x0] =	vst.idx.msk $0xffff, v25;
	v25 =	vmul.f32 v30, v33;
	v30 =	vadd.f32 $2.852726880e-01, v35;
	v35 =	vmul.f32 v46, v27  }
0x203: {  	v41 =	vmul.f32 v41, v21;
	v40 =	vld [tilespmem:s29+$0x10];
	v37 =	vadd.f32 $2.852726880e-01, v37;
	v38 =	vmul.f32 v38, v16  }
0x204: {  	v42 =	vand.u32 $0x7FFFFFFF, v24;
	v44 =	vadd.f32 $-4.902307090e-01, v25;
	v30 =	vmul.f32 v30, v36  }
0x205: {  	v45 =	vadd.f32 $-4.902307090e-01, v35;
	v42 =	vsub.f32 $0.0e+00, v42;
	v37 =	vmul.f32 v37, v34  }
0x206: {  	v35 =	vand.u32 $0x7FFFFFFF, v43;
	v25 =	vmax.f32 v43, $0.0e+00;
	v43 =	vadd.f32 $-4.902307090e-01, v30  }
0x207: {  	v35 =	vsub.f32 $0.0e+00, v35;
	v30 =	vand.u32 $0x7FFFFFFF, v39;
	v42 =	vmul.f32 $1.442695020e+00, v42  }
0x208: {  	v46 =	vsub.f32 $0.0e+00, v30;
	v30 =	vmax.f32 v39, $0.0e+00;
	v39 =	vand.u32 $0x7FFFFFFF, v40  }
0x209: {  	v47 =	vmul.f32 $1.442695020e+00, v35;
	v39 =	vsub.f32 $0.0e+00, v39;
	(erf) = vpow2.f32 v42  }
0x20a: {  	v37 =	vadd.f32 $-4.902307090e-01, v37;
	v35 =	vmax.f32 v40, $0.0e+00;
	v42 =	vmul.f32 $1.442695020e+00, v46;
	v40 =	vpop (erf)  }
0x20b: {  	v41 =	vadd.f32 $-4.902307090e-01, v41;
	v39 =	vmul.f32 $1.442695020e+00, v39;
	v46 =	vmul.f32 $3.044900480e-02, v40  }
0x20c: {  	v38 =	vadd.f32 $-4.902307090e-01, v38;
	v44 =	vmul.f32 v44, v33;
	(erf) = vpow2.f32 v47  }
0x20d: {  	(erf) = vpow2.f32 v42;
	v42 =	vmul.f32 v43, v36;
	v43 =	vadd.f32 $-1.315818280e-01, v46  }
0x20e: {  	v37 =	vmul.f32 v37, v34;
	(erf) = vpow2.f32 v39;
	v39 =	vadd.f32 $9.992355100e-01, v44  }
0x20f: {  	v44 =	vmul.f32 v45, v27;
	v46 =	vadd.f32 $9.992355100e-01, v42;
	v43 =	vmul.f32 v43, v40  }
0x210: {  	v37 =	vadd.f32 $9.992355100e-01, v37;
	v33 =	vmul.f32 v39, v33;
	v39 =	vmul.f32 v41, v21  }
0x211: {  	v38 =	vmul.f32 v38, v16;
	v36 =	vmul.f32 v46, v36;
	v41 =	vadd.f32 $2.852726880e-01, v43  }
0x212: {  	v34 =	vmul.f32 v37, v34;
	v37 =	vadd.f32 $9.992355100e-01, v44;
	v42 =	vpop (erf);
	v33 =	vadd.f32 $9.975032300e-06, v33  }
0x213: {  	v44 =	vmul.f32 $3.044900480e-02, v42;
	v36 =	vadd.f32 $9.975032300e-06, v36;
	v41 =	vmul.f32 v41, v40  }
0x214: {  	v27 =	vmul.f32 v37, v27;
	v46 =	vadd.f32 v33, v26;
	v33 =	vadd.f32 $9.975032300e-06, v34  }
0x215: {  	v34 =	vadd.s32 v1, v8;
	v37 =	vadd.f32 $-1.315818280e-01, v44;
	v43 =	vpop (erf);
	v41 =	vadd.f32 $-4.902307090e-01, v41  }
0x216: {  	v44 =	vmul.f32 $3.044900480e-02, v43;
	v45 =	vpop (erf);
	[tilespmem:v17+s8+$0x0] =	vst.idx.msk $0xffff, v46;
	v17 =	vadd.f32 v36, v22;
	v22 =	vadd.f32 v33, v23  }
0x217: {  	v23 =	vmul.f32 v37, v42;
	v26 =	vpop (erf);
	v33 =	vld [tilespmem:s0+$0xFFFFFFB0];
	v36 =	vmul.f32 v41, v40;
	v37 =	vadd.f32 $9.992355100e-01, v39  }
0x218: {  	v41 =	vmul.f32 $3.044900480e-02, v45;
	v39 =	vadd.f32 $-1.315818280e-01, v44;
	v44 =	vmul.f32 $3.044900480e-02, v26;
	[tilespmem:v28+s8+$0x0] =	vst.idx.msk $0xffff, v17  }
0x219: {  	v17 =	vadd.f32 $2.852726880e-01, v23;
	v23 =	vld [tilespmem:s0+$0xFFFFFFF0];
	[tilespmem:v29+s8+$0x0] =	vst.idx.msk $0xffff, v22;
	v22 =	vadd.f32 $9.992355100e-01, v36;
	v21 =	vmul.f32 v37, v21  }
0x21a: {  	v29 =	vadd.f32 $-1.315818280e-01, v41;
	v28 =	vmul.f32 v39, v43;
	v36 =	vadd.f32 $-1.315818280e-01, v44;
	v37 =	vld [tilespmem:s0+$0x30];
	s0 =	smov.u32 s29  }
0x21b: {  	v38 =	vadd.f32 $9.992355100e-01, v38;
	v17 =	vmul.f32 v17, v42;
	v22 =	vmul.f32 v22, v40  }
0x21c: {  	v39 =	vadd.s32 v3, v10;
	v10 =	vmovc v32;
	v29 =	vmul.f32 v29, v45;
	v36 =	vmul.f32 v36, v26  }
0x21d: {  	v32 =	vand.u32 $0x7FFFFFFF, v33;
	v17 =	vadd.f32 $-4.902307090e-01, v17;
	v22 =	vadd.f32 $9.975032300e-06, v22  }
0x21e: {  	v31 =	vmax.f32 v31, $0.0e+00;
	v28 =	vadd.f32 $2.852726880e-01, v28;
	v29 =	vadd.f32 $2.852726880e-01, v29  }
0x21f: {  	v36 =	vadd.f32 $2.852726880e-01, v36;
	v17 =	vmul.f32 v17, v42;
	v22 =	vadd.f32 v22, v31  }
0x220: {  	v28 =	vmul.f32 v28, v43;
	v29 =	vmul.f32 v29, v45;
	v31 =	vand.u32 $0x7FFFFFFF, v23  }
0x221: {  	v40 =	vand.u32 $0x7FFFFFFF, v37;
	v36 =	vmul.f32 v36, v26;
	v17 =	vadd.f32 $9.992355100e-01, v17;
	[tilespmem:v39+s8+$0x0] =	vst.idx.msk $0xffff, v22  }
0x222: {  	v16 =	vmul.f32 v38, v16;
	v22 =	vadd.f32 $-4.902307090e-01, v28;
	v28 =	vadd.f32 $-4.902307090e-01, v29  }
0x223: {  	v32 =	vsub.f32 $0.0e+00, v32;
	v29 =	vadd.f32 $-4.902307090e-01, v36;
	v17 =	vmul.f32 v17, v42  }
0x224: {  	v36 =	vadd.s32 v1, v10;
	v22 =	vmul.f32 v22, v43;
	v28 =	vmul.f32 v28, v45  }
0x225: {  	v31 =	vsub.f32 $0.0e+00, v31;
	v29 =	vmul.f32 v29, v26;
	v17 =	vadd.f32 $9.975032300e-06, v17  }
0x226: {  	v24 =	vmax.f32 v24, $0.0e+00;
	v22 =	vadd.f32 $9.992355100e-01, v22;
	v28 =	vadd.f32 $9.992355100e-01, v28  }
0x227: {  	v32 =	vmul.f32 $1.442695020e+00, v32;
	v29 =	vadd.f32 $9.992355100e-01, v29;
	v17 =	vadd.f32 v17, v24  }
0x228: {  	v22 =	vmul.f32 v22, v43;
	v24 =	vmul.f32 v28, v45;
	v28 =	vsub.f32 $0.0e+00, v40  }
0x229: {  	v27 =	vadd.f32 $9.975032300e-06, v27;
	v26 =	vmul.f32 v29, v26;
	[tilespmem:v36+s8+$0x0] =	vst.idx.msk $0xffff, v17;
	v17 =	vmul.f32 $1.442695020e+00, v31  }
0x22a: {  	v22 =	vadd.f32 $9.975032300e-06, v22;
	v29 =	vadd.f32 $9.975032300e-06, v24;
	v28 =	vmul.f32 $1.442695020e+00, v28;
	v24 =	vld [tilespmem:s29+$0x60]  }
0x22b: {  	v21 =	vadd.f32 $9.975032300e-06, v21;
	v26 =	vadd.f32 $9.975032300e-06, v26;
	(erf) = vpow2.f32 v32  }
0x22c: {  	v22 =	vadd.f32 v22, v25;
	v25 =	vadd.f32 v29, v30;
	(erf) = vpow2.f32 v17  }
0x22d: {  	v16 =	vadd.f32 $9.975032300e-06, v16;
	v17 =	vadd.f32 v26, v35;
	(erf) = vpow2.f32 v28  }
.Ltmp0:
0x22e: {  	[tilespmem:v19+s8+$0x0] =	vst.idx.msk $0xffff, v22;
	v19 =	vmax.f32 v33, $0.0e+00;
	v22 =	vmax.f32 v23, $0.0e+00;
	v23 =	vmax.f32 v37, $0.0e+00;
	(pc) =	sbr.rel @p1 .LBB2_3-.Ltmp0, $4  }
0x22f: {  	v26 =	vld [tilespmem:s29+$0xFFFFFFA0];
	[tilespmem:v15+s8+$0x0] =	vst.idx.msk $0xffff, v25;
	v15 =	vand.u32 $0x7FFFFFFF, v24;
	v25 =	vadd.f32 v27, v14;
	v27 =	vadd.f32 v21, v13  }
0x230: {  	s12 =	sadd.s32 $0x1, s11;
	v16 =	vadd.f32 v16, v12;
	v21 =	vmov s11;
	v14 =	vmovc v19;
	v13 =	vmovc v22;
	v29 =	vld [tilespmem:s29+$0xFFFFFFE0];
	[tilespmem:v34+s8+$0x0] =	vst.idx.msk $0xffff, v17;
	v30 =	vsub.f32 $0.0e+00, v15  }
0x231: {  	v31 =	vmov s12;
	v12 =	vmov v23;
	v15 =	vand.u32 $0x7C, v21;
	s29 =	sadd.s32 $0x100, s29;
	v28 =	vld [tilespmem:s0+$0x20];
	[tilespmem:v11+s8+$0x0] =	vst.idx.msk $0xffff, v25  }
0x232: {  	s12 =	sadd.s32 $0x2, s10;
	s11 =	sadd.s32 $0x4, s11;
	v17 =	vadd.s32 v2, v6;
	v11 =	vadd.s32 v3, v18;
	v25 =	vld [tilespmem:s29+$0x40];
	v21 =	vmul.f32 $1.442695020e+00, v30;
	[tilespmem:v20+s8+$0x0] =	vst.idx.msk $0xffff, v27  }
0x233: {  	_ =	sdelay $0x3  }
0x234: {  	v19 =	vld [tilespmem:s29+$0xFFFFFF80];
	v18 =	vand.u32 $0x7FFFFFFF, v25  }
0x235: {  	v18 =	vsub.f32 $0.0e+00, v18  }
0x236: {  	v27 =	vld [tilespmem:s29+$0xFFFFFFC0]  }
0x237: {  	v30 =	vld [tilespmem:s29+$0x0];
	(erf) = vpow2.f32 v21;
	v18 =	vmul.f32 $1.442695020e+00, v18;
	_ =	sdelay $0x1  }
0x238: {  	(erf) = vpow2.f32 v18;
	v18 =	vand.u32 $0x7FFFFFFF, v19  }
0x239: {  	v18 =	vsub.f32 $0.0e+00, v18  }
0x23a: {  	v20 =	vand.u32 $0x7FFFFFFF, v27  }
0x23b: {  	v21 =	vand.u32 $0x7FFFFFFF, v30;
	v20 =	vsub.f32 $0.0e+00, v20;
	v18 =	vmul.f32 $1.442695020e+00, v18  }
0x23c: {  	v22 =	vpop (erf)  }
0x23d: {  	v23 =	vpop (erf);
	v32 =	vsub.f32 $0.0e+00, v21;
	v20 =	vmul.f32 $1.442695020e+00, v20  }
0x23e: {  	v21 =	vpop (erf);
	(erf) = vpow2.f32 v18  }
0x23f: {  	v32 =	vmul.f32 $1.442695020e+00, v32;
	(erf) = vpow2.f32 v20;
	v18 =	vpop (erf)  }
0x240: {  	v20 =	vmul.f32 $3.044900480e-02, v18  }
0x241: {  	(erf) = vpow2.f32 v32;
	v60 =	vpop (erf)  }
0x242: {  	v20 =	vadd.f32 $-1.315818280e-01, v20;
	v33 =	vmul.f32 $3.044900480e-02, v60;
	_ =	sdelay $0x1  }
0x243: {  	v34 =	vadd.s32 v0, v15;
	v20 =	vmul.f32 v20, v18;
	v33 =	vadd.f32 $-1.315818280e-01, v33  }
0x244: {  	v35 =	vmov s12;
	v62 =	vadd.s32 v2, v10;
	v24 =	vmax.f32 v24, $0.0e+00  }
0x245: {  	s10 =	sadd.s32 $0x3, s10;
	v36 =	vand.u32 $0x7FFFFFFF, v26;
	v20 =	vadd.f32 $2.852726880e-01, v20;
	v33 =	vmul.f32 v33, v60  }
0x246: {  	v63 =	vmov s10;
	v36 =	vsub.f32 $0.0e+00, v36;
	v37 =	vand.u32 $0x7FFFFFFF, v29;
	v38 =	vpop (erf)  }
0x247: {  	v39 =	vmul.f32 $3.044900480e-02, v38;
	v40 =	vpop (erf);
	v20 =	vmul.f32 v20, v18;
	v33 =	vadd.f32 $2.852726880e-01, v33  }
0x248: {  	v37 =	vsub.f32 $0.0e+00, v37;
	v41 =	vand.u32 $0x7FFFFFFF, v28;
	v42 =	vmul.f32 $3.044900480e-02, v40  }
0x249: {  	v43 =	vpop (erf);
	v39 =	vadd.f32 $-1.315818280e-01, v39;
	v20 =	vadd.f32 $-4.902307090e-01, v20;
	v33 =	vmul.f32 v33, v60  }
0x24a: {  	v36 =	vmul.f32 $1.442695020e+00, v36;
	v44 =	vmul.f32 $3.044900480e-02, v43;
	v42 =	vadd.f32 $-1.315818280e-01, v42  }
0x24b: {  	v39 =	vmul.f32 v39, v38;
	v20 =	vmul.f32 v20, v18;
	v33 =	vadd.f32 $-4.902307090e-01, v33  }
0x24c: {  	v41 =	vsub.f32 $0.0e+00, v41;
	v44 =	vadd.f32 $-1.315818280e-01, v44;
	v42 =	vmul.f32 v42, v40  }
0x24d: {  	v39 =	vadd.f32 $2.852726880e-01, v39;
	v20 =	vadd.f32 $9.992355100e-01, v20;
	v33 =	vmul.f32 v33, v60  }
0x24e: {  	v45 =	vmax.f32 v19, $0.0e+00;
	v44 =	vmul.f32 v44, v43;
	v19 =	vadd.f32 $2.852726880e-01, v42  }
0x24f: {  	v39 =	vmul.f32 v39, v38;
	v18 =	vmul.f32 v20, v18;
	v20 =	vadd.f32 $9.992355100e-01, v33  }
0x250: {  	v25 =	vmax.f32 v25, $0.0e+00;
	v61 =	vadd.f32 $2.852726880e-01, v44;
	v19 =	vmul.f32 v19, v40  }
0x251: {  	v39 =	vadd.f32 $-4.902307090e-01, v39;
	v32 =	vmul.f32 v20, v60;
	v20 =	vand.u32 $0x7F, v63  }
0x252: {  	v42 =	vmul.f32 v61, v43;
	v18 =	vadd.f32 $9.975032300e-06, v18;
	v44 =	vadd.s32 v0, v20  }
0x253: {  	v37 =	vmul.f32 $1.442695020e+00, v37;
	v19 =	vadd.f32 $-4.902307090e-01, v19;
	v32 =	vadd.f32 $9.975032300e-06, v32  }
0x254: {  	v39 =	vmul.f32 v39, v38;
	v18 =	vadd.f32 v18, v24;
	v24 =	vadd.f32 $-4.902307090e-01, v42  }
0x255: {  	v27 =	vmax.f32 v27, $0.0e+00;
	v19 =	vmul.f32 v19, v40;
	v25 =	vadd.f32 v32, v25  }
0x256: {  	(erf) = vpow2.f32 v36;
	v48 =	vadd.f32 $9.992355100e-01, v39;
	[tilespmem:v62+s8+$0x0] =	vst.idx.msk $0xffff, v18;
	v18 =	vmul.f32 v24, v43  }
0x257: {  	v30 =	vmax.f32 v30, $0.0e+00;
	(erf) = vpow2.f32 v37;
	v24 =	vld [tilespmem:s0+$0x70];
	[tilespmem:v44+s8+$0x0] =	vst.idx.msk $0xffff, v25;
	v25 =	vadd.f32 $9.992355100e-01, v19  }
0x258: {  	v49 =	vadd.f32 $9.992355100e-01, v18;
	v19 =	vand.u32 $0x7D, v31;
	v31 =	vmul.f32 v48, v38;
	v37 =	vld [tilespmem:s29+$0x50]  }
0x259: {  	v47 =	vmul.f32 $1.442695020e+00, v41;
	v18 =	vand.u32 $0x7E, v35;
	v25 =	vmul.f32 v25, v40  }
0x25a: {  	v51 =	vadd.s32 v0, v19;
	v50 =	vmul.f32 v49, v43;
	v31 =	vadd.f32 $9.975032300e-06, v31  }
0x25b: {  	(erf) = vpow2.f32 v47;
	v35 =	vadd.s32 v0, v18;
	v25 =	vadd.f32 $9.975032300e-06, v25  }
0x25c: {  	v52 =	vand.u32 $0x7FFFFFFF, v24;
	v32 =	vadd.f32 $9.975032300e-06, v50;
	v31 =	vadd.f32 v31, v45  }
0x25d: {  	v36 =	vsub.f32 $0.0e+00, v52;
	v53 =	vand.u32 $0x7FFFFFFF, v37;
	v25 =	vadd.f32 v25, v27  }
0x25e: {  	v30 =	vadd.f32 v32, v30;
	[tilespmem:v34+s8+$0x0] =	vst.idx.msk $0xffff, v31;
	v27 =	vsub.f32 $0.0e+00, v53  }
0x25f: {  	v54 =	vmul.f32 $1.442695020e+00, v36;
	v31 =	vld [tilespmem:s29+$0xFFFFFF90];
	[tilespmem:v51+s8+$0x0] =	vst.idx.msk $0xffff, v25  }
0x260: {  	[tilespmem:v35+s8+$0x0] =	vst.idx.msk $0xffff, v30;
	v25 =	vmul.f32 $1.442695020e+00, v27;
	v32 =	vld [tilespmem:s29+$0xFFFFFFD0]  }
0x261: {  	(erf) = vpow2.f32 v54;
	v34 =	vld [tilespmem:s29+$0x10]  }
0x262: {  	v27 =	vpop (erf);
	(erf) = vpow2.f32 v25  }
0x263: {  	v30 =	vpop (erf);
	v55 =	vmul.f32 $3.044900480e-02, v27  }
0x264: {  	v58 =	vand.u32 $0x7FFFFFFF, v31;
	v25 =	vmul.f32 $3.044900480e-02, v30;
	v56 =	vpop (erf)  }
0x265: {  	v38 =	vsub.f32 $0.0e+00, v58;
	v33 =	vadd.f32 $-1.315818280e-01, v55;
	v57 =	vmul.f32 $3.044900480e-02, v56  }
0x266: {  	v59 =	vand.u32 $0x7FFFFFFF, v32;
	v60 =	vand.u32 $0x7FFFFFFF, v34;
	v25 =	vadd.f32 $-1.315818280e-01, v25  }
0x267: {  	v39 =	vsub.f32 $0.0e+00, v59;
	v38 =	vmul.f32 $1.442695020e+00, v38;
	v33 =	vmul.f32 v33, v27  }
0x268: {  	v40 =	vsub.f32 $0.0e+00, v60;
	v36 =	vadd.f32 $-1.315818280e-01, v57;
	v61 =	vmul.f32 v25, v30  }
0x269: {  	v39 =	vmul.f32 $1.442695020e+00, v39;
	(erf) = vpow2.f32 v38;
	v33 =	vadd.f32 $2.852726880e-01, v33  }
0x26a: {  	v40 =	vmul.f32 $1.442695020e+00, v40;
	v36 =	vmul.f32 v36, v56;
	v25 =	vpop (erf)  }
0x26b: {  	v62 =	vadd.f32 $2.852726880e-01, v61;
	(erf) = vpow2.f32 v39;
	v33 =	vmul.f32 v33, v27;
	v63 =	vpop (erf)  }
0x26c: {  	v36 =	vadd.f32 $2.852726880e-01, v36;
	(erf) = vpow2.f32 v40;
	v48 =	vmul.f32 $3.044900480e-02, v63  }
0x26d: {  	v38 =	vmul.f32 v62, v30  }
0x26e: {  	v33 =	vadd.f32 $-4.902307090e-01, v33;
	v36 =	vmul.f32 v36, v56;
	v40 =	vadd.f32 $-1.315818280e-01, v48  }
0x26f: {  	v26 =	vmax.f32 v26, $0.0e+00;
	v38 =	vadd.f32 $-4.902307090e-01, v38  }
0x270: {  	v33 =	vmul.f32 v33, v27;
	v36 =	vadd.f32 $-4.902307090e-01, v36;
	v40 =	vmul.f32 v40, v63  }
0x271: {  	v29 =	vmax.f32 v29, $0.0e+00;
	v49 =	vadd.s32 v2, v7;
	v38 =	vmul.f32 v38, v30  }
0x272: {  	v33 =	vadd.f32 $9.992355100e-01, v33;
	v36 =	vmul.f32 v36, v56;
	v51 =	vpop (erf);
	v40 =	vadd.f32 $2.852726880e-01, v40  }
0x273: {  	v50 =	vadd.s32 v2, v8;
	v38 =	vadd.f32 $9.992355100e-01, v38;
	v52 =	vmul.f32 $3.044900480e-02, v51  }
0x274: {  	v27 =	vmul.f32 v33, v27;
	v36 =	vadd.f32 $9.992355100e-01, v36;
	v53 =	vpop (erf);
	v40 =	vmul.f32 v40, v63  }
0x275: {  	v30 =	vmul.f32 v38, v30;
	v54 =	vpop (erf);
	v46 =	vmul.f32 $3.044900480e-02, v53;
	v44 =	vadd.f32 $-1.315818280e-01, v52  }
0x276: {  	v27 =	vadd.f32 $9.975032300e-06, v27;
	v47 =	vmul.f32 $3.044900480e-02, v54;
	v40 =	vadd.f32 $-4.902307090e-01, v40  }
0x277: {  	v35 =	vmul.f32 v36, v56;
	v30 =	vadd.f32 $9.975032300e-06, v30;
	v55 =	vadd.f32 $-1.315818280e-01, v46  }
0x278: {  	v44 =	vmul.f32 v44, v51;
	v56 =	vadd.f32 $-1.315818280e-01, v47;
	v26 =	vadd.f32 v27, v26  }
0x279: {  	v27 =	vadd.f32 $9.975032300e-06, v35;
	v40 =	vmul.f32 v40, v63;
	v57 =	vmul.f32 v55, v53  }
0x27a: {  	v44 =	vadd.f32 $2.852726880e-01, v44;
	v29 =	vadd.f32 v30, v29;
	v58 =	vmul.f32 v56, v54  }
0x27b: {  	v40 =	vadd.f32 $9.992355100e-01, v40;
	v30 =	vadd.f32 $2.852726880e-01, v57  }
0x27c: {  	v28 =	vmax.f32 v28, $0.0e+00;
	[tilespmem:v17+s8+$0x0] =	vst.idx.msk $0xffff, v26;
	v59 =	vmul.f32 v44, v51;
	v17 =	vadd.f32 $2.852726880e-01, v58  }
0x27d: {  	v27 =	vadd.f32 v27, v28;
	v60 =	vmul.f32 v40, v63;
	v28 =	vmul.f32 v30, v53  }
0x27e: {  	v26 =	vld [tilespmem:s0+$0xFFFFFFB0];
	[tilespmem:v49+s8+$0x0] =	vst.idx.msk $0xffff, v29;
	v30 =	vadd.s32 v1, v20;
	v35 =	vadd.f32 $-4.902307090e-01, v59;
	v17 =	vmul.f32 v17, v54  }
0x27f: {  	v41 =	vadd.s32 v1, v15;
	v29 =	vld [tilespmem:s0+$0xFFFFFFF0];
	[tilespmem:v50+s8+$0x0] =	vst.idx.msk $0xffff, v27;
	v36 =	vadd.f32 $9.975032300e-06, v60;
	v28 =	vadd.f32 $-4.902307090e-01, v28  }
0x280: {  	v37 =	vmax.f32 v37, $0.0e+00;
	v27 =	vld [tilespmem:s0+$0x30];
	v35 =	vmul.f32 v35, v51;
	v17 =	vadd.f32 $-4.902307090e-01, v17  }
0x281: {  	v31 =	vmax.f32 v31, $0.0e+00;
	v36 =	vadd.f32 v36, v37;
	v28 =	vmul.f32 v28, v53  }
0x282: {  	v32 =	vmax.f32 v32, $0.0e+00;
	v35 =	vadd.f32 $9.992355100e-01, v35;
	v17 =	vmul.f32 v17, v54  }
0x283: {  	v61 =	vadd.s32 v1, v19;
	v62 =	vand.u32 $0x7FFFFFFF, v26;
	[tilespmem:v30+s8+$0x0] =	vst.idx.msk $0xffff, v36;
	v28 =	vadd.f32 $9.992355100e-01, v28  }
0x284: {  	v63 =	vand.u32 $0x7FFFFFFF, v29;
	v33 =	vmul.f32 v35, v51;
	v37 =	vld [tilespmem:s29+$0x60];
	v17 =	vadd.f32 $9.992355100e-01, v17  }
0x285: {  	v44 =	vand.u32 $0x7FFFFFFF, v27;
	v40 =	vsub.f32 $0.0e+00, v63;
	v28 =	vmul.f32 v28, v53  }
0x286: {  	v36 =	vsub.f32 $0.0e+00, v62;
	v33 =	vadd.f32 $9.975032300e-06, v33;
	v17 =	vmul.f32 v17, v54  }
0x287: {  	v30 =	vadd.s32 v1, v18;
	v35 =	vsub.f32 $0.0e+00, v44;
	v28 =	vadd.f32 $9.975032300e-06, v28  }
0x288: {  	v34 =	vmax.f32 v34, $0.0e+00;
	v31 =	vadd.f32 v33, v31;
	v17 =	vadd.f32 $9.975032300e-06, v17  }
0x289: {  	v36 =	vmul.f32 $1.442695020e+00, v36;
	v46 =	vand.u32 $0x7FFFFFFF, v37;
	v28 =	vadd.f32 v28, v32  }
0x28a: {  	v47 =	vmul.f32 $1.442695020e+00, v40;
	[tilespmem:v41+s8+$0x0] =	vst.idx.msk $0xffff, v31;
	v48 =	vsub.f32 $0.0e+00, v46;
	v17 =	vadd.f32 v17, v34  }
0x28b: {  	v49 =	vmul.f32 $1.442695020e+00, v35;
	(erf) = vpow2.f32 v36;
	v31 =	vld [tilespmem:s29+$0xFFFFFFA0];
	[tilespmem:v61+s8+$0x0] =	vst.idx.msk $0xffff, v28  }
0x28c: {  	(erf) = vpow2.f32 v47;
	v28 =	vmul.f32 $1.442695020e+00, v48;
	v32 =	vld [tilespmem:s29+$0xFFFFFFE0];
	[tilespmem:v30+s8+$0x0] =	vst.idx.msk $0xffff, v17  }
0x28d: {  	(erf) = vpow2.f32 v49;
	v33 =	vld [tilespmem:s29+$0x20]  }
0x28e: {  	(erf) = vpow2.f32 v28;
	_ =	sdelay $0x2  }
0x28f: {  	v17 =	vand.u32 $0x7FFFFFFF, v31;
	v28 =	vand.u32 $0x7FFFFFFF, v32  }
0x290: {  	v17 =	vsub.f32 $0.0e+00, v17;
	v50 =	vsub.f32 $0.0e+00, v28;
	v28 =	vand.u32 $0x7FFFFFFF, v33;
	_ =	sdelay $0x1  }
0x291: {  	v30 =	vpop (erf);
	v51 =	vmul.f32 $1.442695020e+00, v17;
	v52 =	vsub.f32 $0.0e+00, v28  }
0x292: {  	v34 =	vmul.f32 $1.442695020e+00, v50;
	v28 =	vpop (erf)  }
0x293: {  	v36 =	vmul.f32 $1.442695020e+00, v52;
	(erf) = vpow2.f32 v51;
	v17 =	vpop (erf)  }
0x294: {  	v56 =	vmul.f32 $3.044900480e-02, v23;
	(erf) = vpow2.f32 v34;
	v53 =	vpop (erf)  }
0x295: {  	(erf) = vpow2.f32 v36;
	v54 =	vmul.f32 $3.044900480e-02, v53  }
0x296: {  	v57 =	vmul.f32 $3.044900480e-02, v21;
	v38 =	vadd.f32 $-1.315818280e-01, v56  }
0x297: {  	v34 =	vadd.f32 $-1.315818280e-01, v54  }
0x298: {  	v39 =	vadd.f32 $-1.315818280e-01, v57;
	v38 =	vmul.f32 v38, v23  }
0x299: {  	v34 =	vmul.f32 v34, v53  }
0x29a: {  	v39 =	vmul.f32 v39, v21;
	v38 =	vadd.f32 $2.852726880e-01, v38  }
0x29b: {  	v55 =	vmul.f32 $3.044900480e-02, v22;
	v34 =	vadd.f32 $2.852726880e-01, v34  }
0x29c: {  	v39 =	vadd.f32 $2.852726880e-01, v39;
	v63 =	vmul.f32 $3.044900480e-02, v25;
	v38 =	vmul.f32 v38, v23;
	v58 =	vpop (erf)  }
0x29d: {  	v41 =	vpop (erf);
	v59 =	vmul.f32 $3.044900480e-02, v58;
	v34 =	vmul.f32 v34, v53  }
0x29e: {  	v39 =	vmul.f32 v39, v21;
	v60 =	vpop (erf);
	v61 =	vmul.f32 $3.044900480e-02, v41  }
0x29f: {  	v62 =	vmul.f32 $3.044900480e-02, v60;
	v42 =	vadd.f32 $-1.315818280e-01, v59;
	v34 =	vadd.f32 $-4.902307090e-01, v34  }
0x2a0: {  	v57 =	vadd.f32 $-4.902307090e-01, v39;
	v37 =	vmax.f32 v37, $0.0e+00;
	v44 =	vadd.f32 $-1.315818280e-01, v61  }
0x2a1: {  	v42 =	vmul.f32 v42, v58;
	v45 =	vadd.f32 $-1.315818280e-01, v62;
	v34 =	vmul.f32 v34, v53  }
0x2a2: {  	v46 =	vadd.f32 $-1.315818280e-01, v63;
	v36 =	vadd.f32 $-1.315818280e-01, v55;
	v44 =	vmul.f32 v44, v41  }
0x2a3: {  	v42 =	vadd.f32 $2.852726880e-01, v42;
	v45 =	vmul.f32 v45, v60;
	v34 =	vadd.f32 $9.992355100e-01, v34  }
0x2a4: {  	v46 =	vmul.f32 v46, v25;
	v36 =	vmul.f32 v36, v22;
	v44 =	vadd.f32 $2.852726880e-01, v44  }
0x2a5: {  	v48 =	vmul.f32 v42, v58;
	v49 =	vadd.f32 $2.852726880e-01, v45;
	v34 =	vmul.f32 v34, v53  }
0x2a6: {  	v51 =	vadd.s32 v2, v20;
	v36 =	vadd.f32 $2.852726880e-01, v36;
	v44 =	vmul.f32 v44, v41  }
0x2a7: {  	v35 =	vadd.f32 $-4.902307090e-01, v48;
	v42 =	vmul.f32 v49, v60;
	v34 =	vadd.f32 $9.975032300e-06, v34  }
0x2a8: {  	v31 =	vmax.f32 v31, $0.0e+00;
	v36 =	vmul.f32 v36, v22;
	v44 =	vadd.f32 $-4.902307090e-01, v44  }
0x2a9: {  	v52 =	vadd.f32 $-4.902307090e-01, v42;
	v35 =	vmul.f32 v35, v58;
	v34 =	vadd.f32 v34, v37  }
0x2aa: {  	v32 =	vmax.f32 v32, $0.0e+00;
	v50 =	vadd.f32 $2.852726880e-01, v46;
	v53 =	vmul.f32 v44, v41  }
0x2ab: {  	v36 =	vadd.f32 $-4.902307090e-01, v36;
	v55 =	vadd.f32 $9.992355100e-01, v35;
	v56 =	vmul.f32 v52, v60;
	[tilespmem:v51+s8+$0x0] =	vst.idx.msk $0xffff, v34  }
0x2ac: {  	v59 =	vadd.s32 v2, v19;
	v45 =	vmul.f32 v50, v25;
	v42 =	vadd.f32 $9.992355100e-01, v53;
	v39 =	vld [tilespmem:s29+$0x70]  }
0x2ad: {  	v36 =	vmul.f32 v36, v22;
	v34 =	vmul.f32 v55, v58;
	v35 =	vadd.f32 $9.992355100e-01, v56  }
0x2ae: {  	v54 =	vadd.f32 $-4.902307090e-01, v45;
	v58 =	vadd.s32 v2, v15;
	v41 =	vmul.f32 v42, v41  }
0x2af: {  	v36 =	vadd.f32 $9.992355100e-01, v36;
	v34 =	vadd.f32 $9.975032300e-06, v34;
	v35 =	vmul.f32 v35, v60  }
0x2b0: {  	v44 =	vmul.f32 v54, v25;
	v60 =	vadd.s32 v2, v18;
	v41 =	vadd.f32 $9.975032300e-06, v41  }
0x2b1: {  	v31 =	vadd.f32 v34, v31;
	v62 =	vadd.f32 $9.975032300e-06, v35;
	v61 =	vand.u32 $0x7FFFFFFF, v39  }
0x2b2: {  	v33 =	vmax.f32 v33, $0.0e+00;
	v32 =	vadd.f32 v41, v32;
	v63 =	vsub.f32 $0.0e+00, v61  }
0x2b3: {  	v5 =	vadd.s32 v3, v5;
	v44 =	vadd.f32 $9.992355100e-01, v44;
	[tilespmem:v58+s8+$0x0] =	vst.idx.msk $0xffff, v31;
	v31 =	vadd.f32 v62, v33  }
0x2b4: {  	v4 =	vadd.s32 v3, v4;
	v38 =	vadd.f32 $-4.902307090e-01, v38;
	v47 =	vld [tilespmem:s29+$0xFFFFFFB0];
	[tilespmem:v59+s8+$0x0] =	vst.idx.msk $0xffff, v32;
	v46 =	vmul.f32 $1.442695020e+00, v63  }
0x2b5: {  	v22 =	vmul.f32 v36, v22;
	v25 =	vmul.f32 v44, v25;
	v49 =	vld [tilespmem:s29+$0xFFFFFFF0];
	[tilespmem:v60+s8+$0x0] =	vst.idx.msk $0xffff, v31  }
0x2b6: {  	v10 =	vadd.s32 v3, v10;
	v45 =	vmul.f32 v38, v23;
	v50 =	vld [tilespmem:s29+$0x30];
	(erf) = vpow2.f32 v46  }
0x2b7: {  	v24 =	vmax.f32 v24, $0.0e+00;
	v48 =	vmul.f32 v57, v21;
	v25 =	vadd.f32 $9.975032300e-06, v25  }
0x2b8: {  	v22 =	vadd.f32 $9.975032300e-06, v22;
	v52 =	vmul.f32 $3.044900480e-02, v30;
	v31 =	vadd.f32 $9.992355100e-01, v45  }
0x2b9: {  	v24 =	vadd.f32 v25, v24;
	v32 =	vadd.f32 $9.992355100e-01, v48;
	v25 =	vand.u32 $0x7FFFFFFF, v47  }
0x2ba: {  	v23 =	vmul.f32 v31, v23;
	v31 =	vand.u32 $0x7FFFFFFF, v49;
	v25 =	vsub.f32 $0.0e+00, v25  }
0x2bb: {  	v53 =	vmul.f32 $3.044900480e-02, v28;
	v51 =	vand.u32 $0x7FFFFFFF, v50;
	v31 =	vsub.f32 $0.0e+00, v31  }
0x2bc: {  	v21 =	vmul.f32 v32, v21;
	v25 =	vmul.f32 $1.442695020e+00, v25;
	v32 =	vsub.f32 $0.0e+00, v51  }
0x2bd: {  	v56 =	vadd.f32 $-1.315818280e-01, v53;
	v23 =	vadd.f32 $9.975032300e-06, v23;
	v31 =	vmul.f32 $1.442695020e+00, v31  }
0x2be: {  	v14 =	vadd.f32 v22, v14;
	v32 =	vmul.f32 $1.442695020e+00, v32;
	(erf) = vpow2.f32 v25  }
0x2bf: {  	v13 =	vadd.f32 v23, v13;
	v23 =	vmul.f32 v56, v28;
	(erf) = vpow2.f32 v31;
	v54 =	vpop (erf)  }
0x2c0: {  	v31 =	vadd.f32 $-1.315818280e-01, v52;
	(erf) = vpow2.f32 v32;
	v55 =	vmul.f32 $3.044900480e-02, v54  }
0x2c1: {  	v21 =	vadd.f32 $9.975032300e-06, v21;
	v23 =	vadd.f32 $2.852726880e-01, v23;
	v25 =	vmax.f32 v29, $0.0e+00  }
0x2c2: {  	v29 =	vmul.f32 $3.044900480e-02, v17;
	v22 =	vmul.f32 v31, v30;
	v31 =	vadd.f32 $-1.315818280e-01, v55  }
0x2c3: {  	v6 =	vadd.s32 v3, v6;
	v12 =	vadd.f32 v21, v12;
	v23 =	vmul.f32 v23, v28  }
0x2c4: {  	v29 =	vadd.f32 $-1.315818280e-01, v29;
	v21 =	vadd.f32 $2.852726880e-01, v22;
	v22 =	vmul.f32 v31, v54  }
0x2c5: {  	v7 =	vadd.s32 v3, v7;
	v8 =	vadd.s32 v3, v8;
	v23 =	vadd.f32 $-4.902307090e-01, v23  }
0x2c6: {  	v26 =	vmax.f32 v26, $0.0e+00;
	v29 =	vmul.f32 v29, v17;
	v22 =	vadd.f32 $2.852726880e-01, v22  }
0x2c7: {  	v20 =	vadd.s32 v3, v20;
	v23 =	vmul.f32 v23, v28;
	v21 =	vmul.f32 v21, v30;
	v31 =	vpop (erf)  }
0x2c8: {  	v29 =	vadd.f32 $2.852726880e-01, v29;
	v57 =	vpop (erf);
	v58 =	vmul.f32 $3.044900480e-02, v31;
	v22 =	vmul.f32 v22, v54  }
0x2c9: {  	v23 =	vadd.f32 $9.992355100e-01, v23;
	v21 =	vadd.f32 $-4.902307090e-01, v21;
	v59 =	vpop (erf);
	v60 =	vmul.f32 $3.044900480e-02, v57  }
0x2ca: {  	v34 =	vadd.f32 $-1.315818280e-01, v58;
	v61 =	vmul.f32 $3.044900480e-02, v59;
	v22 =	vadd.f32 $-4.902307090e-01, v22  }
0x2cb: {  	v29 =	vmul.f32 v29, v17;
	v21 =	vmul.f32 v21, v30;
	v40 =	vadd.f32 $-1.315818280e-01, v60  }
0x2cc: {  	v34 =	vmul.f32 v34, v31;
	v41 =	vadd.f32 $-1.315818280e-01, v61;
	v22 =	vmul.f32 v22, v54  }
0x2cd: {  	v29 =	vadd.f32 $-4.902307090e-01, v29;
	v21 =	vadd.f32 $9.992355100e-01, v21;
	v40 =	vmul.f32 v40, v57  }
0x2ce: {  	v34 =	vadd.f32 $2.852726880e-01, v34;
	v41 =	vmul.f32 v41, v59;
	v22 =	vadd.f32 $9.992355100e-01, v22  }
0x2cf: {  	v29 =	vmul.f32 v29, v17;
	v21 =	vmul.f32 v21, v30;
	v30 =	vadd.f32 $2.852726880e-01, v40  }
0x2d0: {  	v62 =	vadd.f32 $2.852726880e-01, v41;
	v34 =	vmul.f32 v34, v31;
	v22 =	vmul.f32 v22, v54  }
0x2d1: {  	v23 =	vmul.f32 v23, v28;
	v28 =	vadd.f32 $9.992355100e-01, v29;
	v29 =	vmul.f32 v30, v57  }
0x2d2: {  	v30 =	vmul.f32 v62, v59;
	v34 =	vadd.f32 $-4.902307090e-01, v34;
	v22 =	vadd.f32 $9.975032300e-06, v22  }
0x2d3: {  	[tilespmem:v11+s8+$0x0] =	vst.idx.msk $0xffff, v14;
	v63 =	vmax.f32 v39, $0.0e+00;
	v11 =	vadd.f32 $9.975032300e-06, v23;
	v29 =	vadd.f32 $-4.902307090e-01, v29  }
0x2d4: {  	[tilespmem:v9+s8+$0x0] =	vst.idx.msk $0xffff, v16;
	v16 =	vadd.f32 $-4.902307090e-01, v30;
	v9 =	vadd.f32 v22, v63;
	v22 =	vmul.f32 v34, v31  }
0x2d5: {  	[tilespmem:v10+s8+$0x0] =	vst.idx.msk $0xffff, v24;
	v10 =	vmul.f32 v28, v17;
	v17 =	vadd.f32 $9.975032300e-06, v21;
	v21 =	vmul.f32 v29, v57  }
0x2d6: {  	v27 =	vmax.f32 v27, $0.0e+00;
	v14 =	vmul.f32 v16, v59;
	v16 =	vadd.f32 $9.992355100e-01, v22  }
0x2d7: {  	v15 =	vadd.s32 v3, v15;
	[tilespmem:v5+s8+$0x0] =	vst.idx.msk $0xffff, v13;
	v11 =	vadd.f32 v11, v25;
	v13 =	vadd.f32 $9.992355100e-01, v21  }
0x2d8: {  	[tilespmem:v4+s8+$0x0] =	vst.idx.msk $0xffff, v12;
	v5 =	vadd.f32 $9.975032300e-06, v10;
	v14 =	vadd.f32 $9.992355100e-01, v14;
	v12 =	vmul.f32 v16, v31  }
0x2d9: {  	v10 =	vmax.f32 v47, $0.0e+00;
	v4 =	vadd.f32 v17, v26;
	v13 =	vmul.f32 v13, v57  }
0x2da: {  	[tilespmem:v20+s8+$0x0] =	vst.idx.msk $0xffff, v9;
	v9 =	vadd.s32 v3, v19;
	v14 =	vmul.f32 v14, v59;
	v12 =	vadd.f32 $9.975032300e-06, v12  }
0x2db: {  	v5 =	vadd.f32 v5, v27;
	[tilespmem:v6+s8+$0x0] =	vst.idx.msk $0xffff, v4;
	v4 =	vadd.s32 v3, v18;
	v6 =	vadd.f32 $9.975032300e-06, v13  }
0x2dc: {  	[tilespmem:v7+s8+$0x0] =	vst.idx.msk $0xffff, v11;
	v13 =	vmax.f32 v49, $0.0e+00;
	v7 =	vadd.f32 $9.975032300e-06, v14;
	v10 =	vadd.f32 v12, v10  }
0x2dd: {  	p1 =	seq.s32 s28, $0x63;
	v11 =	vmax.f32 v50, $0.0e+00;
	[tilespmem:v8+s8+$0x0] =	vst.idx.msk $0xffff, v5;
	v5 =	vadd.f32 v6, v13  }
0x2de: {  	s0 =	sshll.u32 @!p1 s28, $0x8;
	v6 =	vadd.f32 v7, v11;
	[tilespmem:v15+s8+$0x0] =	vst.idx.msk $0xffff, v10  }
0x2df: {  	s29 =	sand.u32 @!p1 $0x3FFFFF00, s0;
	[tilespmem:v9+s8+$0x0] =	vst.idx.msk $0xffff, v5  }
0x2e0: {  	s10 =	simm.s32 @!p1 $0x80;
	s11 =	simm.s32 @!p1 $0x6400;
	s0 =	sadd.s32 @!p1 $0x100, s29;
	[tilespmem:v4+s8+$0x0] =	vst.idx.msk $0xffff, v6  }
0x2e1: {  	[tilespmem:s11], [sflag:$0x2] =	stream.indirect.gather @!p1 [hbm4b:s31+s10], $0x40, s0, s10, $0xb8;
	[tilespmem:$0xE800] =	vst v63  }
0x2e2: {  	s10 =	sshrl.u32 s28, $0x2  }
0x2e3: {  	s9 =	sand.u32 $0x1800, s9;
	s0 =	sadd.s32 s4, s10  }
0x2e4: {  	s30 =	sor.u32 s1, s9;
	s0 =	sshll.u32 s0, $0x14  }
0x2e5: {  	s9 =	sadd.s32 s0, s30  }
0x2e6: {  	s11 =	sshrl.u32 s9, $0x3  }
0x2e7: {  	s10 =	sadd.s32 s2, s11  }
0x2e8: {  	[hbm4b:s10+s3] =	stream.linear.scatter [tilespmem:s8], [sflag:$0x4], $0x80, $0x38;
	[tilespmem:$0xE800] =	vst v63  }
0x2e9: {  	s13 =	simm.s32 $0xA488;
	s12 =	sadd.s32 $0x10, s10  }
0x2ea: {  	[hbm4b:s12+s3] =	stream.linear.scatter [tilespmem:s13], [sflag:$0x4], $0x80, $0x38;
	[tilespmem:$0xE800] =	vst v63  }
0x2eb: {  	s12 =	sadd.s32 $0x20, s10;
	s13 =	simm.s32 $0xA510  }
0x2ec: {  	[hbm4b:s12+s3] =	stream.linear.scatter [tilespmem:s13], [sflag:$0x4], $0x80, $0x38;
	[tilespmem:$0xE800] =	vst v63  }
0x2ed: {  	s12 =	sadd.s32 $0x30, s10;
	s13 =	simm.s32 $0xA598  }
0x2ee: {  	[hbm4b:s12+s3] =	stream.linear.scatter [tilespmem:s13], [sflag:$0x4], $0x80, $0x38;
	[tilespmem:$0xE800] =	vst v63  }
0x2ef: {  	s12 =	sadd.s32 $0x40, s10;
	s13 =	simm.s32 $0xA620  }
0x2f0: {  	[hbm4b:s12+s3] =	stream.linear.scatter [tilespmem:s13], [sflag:$0x4], $0x80, $0x38;
	[tilespmem:$0xE800] =	vst v63  }
0x2f1: {  	s12 =	sadd.s32 $0x50, s10;
	s13 =	simm.s32 $0xA6A8  }
0x2f2: {  	[hbm4b:s12+s3] =	stream.linear.scatter [tilespmem:s13], [sflag:$0x4], $0x80, $0x38;
	[tilespmem:$0xE800] =	vst v63  }
0x2f3: {  	s12 =	sadd.s32 $0x60, s10;
	s13 =	simm.s32 $0xA730  }
0x2f4: {  	[hbm4b:s12+s3] =	stream.linear.scatter [tilespmem:s13], [sflag:$0x4], $0x80, $0x38;
	[tilespmem:$0xE800] =	vst v63  }
0x2f5: {  	s10 =	sadd.s32 $0x70, s10;
	s13 =	simm.s32 $0xA7B8;
	s12 =	sadd.s32 $0x20000, s9  }
0x2f6: {  	[hbm4b:s10+s3] =	stream.linear.scatter [tilespmem:s13], [sflag:$0x4], $0x80, $0x38;
	[tilespmem:$0xE800] =	vst v63  }
0x2f7: {  	s10 =	sshrl.u32 s12, $0x3  }
0x2f8: {  	s13 =	simm.s32 $0xA840;
	s10 =	sadd.s32 s2, s10  }
0x2f9: {  	[hbm4b:s10+s3] =	stream.linear.scatter [tilespmem:s13], [sflag:$0x4], $0x80, $0x38;
	[tilespmem:$0xE800] =	vst v63  }
0x2fa: {  	s12 =	sadd.s32 $0x10, s10;
	s13 =	simm.s32 $0xA8C8  }
0x2fb: {  	[hbm4b:s12+s3] =	stream.linear.scatter [tilespmem:s13], [sflag:$0x4], $0x80, $0x38;
	[tilespmem:$0xE800] =	vst v63  }
0x2fc: {  	s12 =	sadd.s32 $0x20, s10;
	s13 =	simm.s32 $0xA950  }
0x2fd: {  	[hbm4b:s12+s3] =	stream.linear.scatter [tilespmem:s13], [sflag:$0x4], $0x80, $0x38;
	[tilespmem:$0xE800] =	vst v63  }
0x2fe: {  	s12 =	sadd.s32 $0x30, s10;
	s13 =	simm.s32 $0xA9D8  }
0x2ff: {  	[hbm4b:s12+s3] =	stream.linear.scatter [tilespmem:s13], [sflag:$0x4], $0x80, $0x38;
	[tilespmem:$0xE800] =	vst v63  }
0x300: {  	s12 =	sadd.s32 $0x40, s10;
	s13 =	simm.s32 $0xAA60  }
0x301: {  	[hbm4b:s12+s3] =	stream.linear.scatter [tilespmem:s13], [sflag:$0x4], $0x80, $0x38;
	[tilespmem:$0xE800] =	vst v63  }
0x302: {  	s12 =	sadd.s32 $0x50, s10;
	s13 =	simm.s32 $0xAAE8  }
0x303: {  	[hbm4b:s12+s3] =	stream.linear.scatter [tilespmem:s13], [sflag:$0x4], $0x80, $0x38;
	[tilespmem:$0xE800] =	vst v63  }
0x304: {  	s12 =	sadd.s32 $0x60, s10;
	s13 =	simm.s32 $0xAB70  }
0x305: {  	[hbm4b:s12+s3] =	stream.linear.scatter [tilespmem:s13], [sflag:$0x4], $0x80, $0x38;
	[tilespmem:$0xE800] =	vst v63  }
0x306: {  	s10 =	sadd.s32 $0x70, s10;
	s13 =	simm.s32 $0xABF8;
	s12 =	sadd.s32 $0x40000, s9  }
0x307: {  	[hbm4b:s10+s3] =	stream.linear.scatter [tilespmem:s13], [sflag:$0x4], $0x80, $0x38;
	[tilespmem:$0xE800] =	vst v63  }
0x308: {  	s10 =	sshrl.u32 s12, $0x3  }
0x309: {  	s13 =	simm.s32 $0xAC80;
	s10 =	sadd.s32 s2, s10  }
0x30a: {  	[hbm4b:s10+s3] =	stream.linear.scatter [tilespmem:s13], [sflag:$0x4], $0x80, $0x38;
	[tilespmem:$0xE800] =	vst v63  }
0x30b: {  	s12 =	sadd.s32 $0x10, s10;
	s13 =	simm.s32 $0xAD08  }
0x30c: {  	[hbm4b:s12+s3] =	stream.linear.scatter [tilespmem:s13], [sflag:$0x4], $0x80, $0x38;
	[tilespmem:$0xE800] =	vst v63  }
0x30d: {  	s12 =	sadd.s32 $0x20, s10;
	s13 =	simm.s32 $0xAD90  }
0x30e: {  	[hbm4b:s12+s3] =	stream.linear.scatter [tilespmem:s13], [sflag:$0x4], $0x80, $0x38;
	[tilespmem:$0xE800] =	vst v63  }
0x30f: {  	s12 =	sadd.s32 $0x30, s10;
	s13 =	simm.s32 $0xAE18  }
0x310: {  	[hbm4b:s12+s3] =	stream.linear.scatter [tilespmem:s13], [sflag:$0x4], $0x80, $0x38;
	[tilespmem:$0xE800] =	vst v63  }
0x311: {  	s12 =	sadd.s32 $0x40, s10;
	s13 =	simm.s32 $0xAEA0  }
0x312: {  	[hbm4b:s12+s3] =	stream.linear.scatter [tilespmem:s13], [sflag:$0x4], $0x80, $0x38;
	[tilespmem:$0xE800] =	vst v63  }
0x313: {  	s12 =	sadd.s32 $0x50, s10;
	s13 =	simm.s32 $0xAF28  }
0x314: {  	[hbm4b:s12+s3] =	stream.linear.scatter [tilespmem:s13], [sflag:$0x4], $0x80, $0x38;
	[tilespmem:$0xE800] =	vst v63  }
0x315: {  	s12 =	sadd.s32 $0x60, s10;
	s13 =	simm.s32 $0xAFB0  }
0x316: {  	[hbm4b:s12+s3] =	stream.linear.scatter [tilespmem:s13], [sflag:$0x4], $0x80, $0x38;
	[tilespmem:$0xE800] =	vst v63  }
0x317: {  	s10 =	sadd.s32 $0x70, s10;
	s13 =	simm.s32 $0xB038;
	s12 =	sadd.s32 $0x60000, s9  }
0x318: {  	[hbm4b:s10+s3] =	stream.linear.scatter [tilespmem:s13], [sflag:$0x4], $0x80, $0x38;
	[tilespmem:$0xE800] =	vst v63  }
0x319: {  	s10 =	sshrl.u32 s12, $0x3  }
0x31a: {  	s13 =	simm.s32 $0xB0C0;
	s10 =	sadd.s32 s2, s10  }
0x31b: {  	[hbm4b:s10+s3] =	stream.linear.scatter [tilespmem:s13], [sflag:$0x4], $0x80, $0x38;
	[tilespmem:$0xE800] =	vst v63  }
0x31c: {  	s12 =	sadd.s32 $0x10, s10;
	s13 =	simm.s32 $0xB148  }
0x31d: {  	[hbm4b:s12+s3] =	stream.linear.scatter [tilespmem:s13], [sflag:$0x4], $0x80, $0x38;
	[tilespmem:$0xE800] =	vst v63  }
0x31e: {  	s12 =	sadd.s32 $0x20, s10;
	s13 =	simm.s32 $0xB1D0  }
0x31f: {  	[hbm4b:s12+s3] =	stream.linear.scatter [tilespmem:s13], [sflag:$0x4], $0x80, $0x38;
	[tilespmem:$0xE800] =	vst v63  }
0x320: {  	s12 =	sadd.s32 $0x30, s10;
	s13 =	simm.s32 $0xB258  }
0x321: {  	[hbm4b:s12+s3] =	stream.linear.scatter [tilespmem:s13], [sflag:$0x4], $0x80, $0x38;
	[tilespmem:$0xE800] =	vst v63  }
0x322: {  	s12 =	sadd.s32 $0x40, s10;
	s13 =	simm.s32 $0xB2E0  }
0x323: {  	[hbm4b:s12+s3] =	stream.linear.scatter [tilespmem:s13], [sflag:$0x4], $0x80, $0x38;
	[tilespmem:$0xE800] =	vst v63  }
0x324: {  	s12 =	sadd.s32 $0x50, s10;
	s13 =	simm.s32 $0xB368  }
0x325: {  	[hbm4b:s12+s3] =	stream.linear.scatter [tilespmem:s13], [sflag:$0x4], $0x80, $0x38;
	[tilespmem:$0xE800] =	vst v63  }
0x326: {  	s12 =	sadd.s32 $0x60, s10;
	s13 =	simm.s32 $0xB3F0  }
0x327: {  	[hbm4b:s12+s3] =	stream.linear.scatter [tilespmem:s13], [sflag:$0x4], $0x80, $0x38;
	[tilespmem:$0xE800] =	vst v63  }
0x328: {  	s10 =	sadd.s32 $0x70, s10;
	s13 =	simm.s32 $0xB478;
	s12 =	sadd.s32 $0x80000, s9  }
0x329: {  	[hbm4b:s10+s3] =	stream.linear.scatter [tilespmem:s13], [sflag:$0x4], $0x80, $0x38;
	[tilespmem:$0xE800] =	vst v63  }
0x32a: {  	s10 =	sshrl.u32 s12, $0x3  }
0x32b: {  	s13 =	simm.s32 $0xB500;
	s10 =	sadd.s32 s2, s10  }
0x32c: {  	[hbm4b:s10+s3] =	stream.linear.scatter [tilespmem:s13], [sflag:$0x4], $0x80, $0x38;
	[tilespmem:$0xE800] =	vst v63  }
0x32d: {  	s12 =	sadd.s32 $0x10, s10;
	s13 =	simm.s32 $0xB588  }
0x32e: {  	[hbm4b:s12+s3] =	stream.linear.scatter [tilespmem:s13], [sflag:$0x4], $0x80, $0x38;
	[tilespmem:$0xE800] =	vst v63  }
0x32f: {  	s12 =	sadd.s32 $0x20, s10;
	s13 =	simm.s32 $0xB610  }
0x330: {  	[hbm4b:s12+s3] =	stream.linear.scatter [tilespmem:s13], [sflag:$0x4], $0x80, $0x38;
	[tilespmem:$0xE800] =	vst v63  }
0x331: {  	s12 =	sadd.s32 $0x30, s10;
	s13 =	simm.s32 $0xB698  }
0x332: {  	[hbm4b:s12+s3] =	stream.linear.scatter [tilespmem:s13], [sflag:$0x4], $0x80, $0x38;
	[tilespmem:$0xE800] =	vst v63  }
0x333: {  	s12 =	sadd.s32 $0x40, s10;
	s13 =	simm.s32 $0xB720  }
0x334: {  	[hbm4b:s12+s3] =	stream.linear.scatter [tilespmem:s13], [sflag:$0x4], $0x80, $0x38;
	[tilespmem:$0xE800] =	vst v63  }
0x335: {  	s12 =	sadd.s32 $0x50, s10;
	s13 =	simm.s32 $0xB7A8  }
0x336: {  	[hbm4b:s12+s3] =	stream.linear.scatter [tilespmem:s13], [sflag:$0x4], $0x80, $0x38;
	[tilespmem:$0xE800] =	vst v63  }
0x337: {  	s12 =	sadd.s32 $0x60, s10;
	s13 =	simm.s32 $0xB830  }
0x338: {  	[hbm4b:s12+s3] =	stream.linear.scatter [tilespmem:s13], [sflag:$0x4], $0x80, $0x38;
	[tilespmem:$0xE800] =	vst v63  }
0x339: {  	s10 =	sadd.s32 $0x70, s10;
	s13 =	simm.s32 $0xB8B8;
	s12 =	sadd.s32 $0xA0000, s9  }
0x33a: {  	[hbm4b:s10+s3] =	stream.linear.scatter [tilespmem:s13], [sflag:$0x4], $0x80, $0x38;
	[tilespmem:$0xE800] =	vst v63  }
0x33b: {  	s10 =	sshrl.u32 s12, $0x3  }
0x33c: {  	s13 =	simm.s32 $0xB940;
	s10 =	sadd.s32 s2, s10  }
0x33d: {  	[hbm4b:s10+s3] =	stream.linear.scatter [tilespmem:s13], [sflag:$0x4], $0x80, $0x38;
	[tilespmem:$0xE800] =	vst v63  }
0x33e: {  	s12 =	sadd.s32 $0x10, s10;
	s13 =	simm.s32 $0xB9C8  }
0x33f: {  	[hbm4b:s12+s3] =	stream.linear.scatter [tilespmem:s13], [sflag:$0x4], $0x80, $0x38;
	[tilespmem:$0xE800] =	vst v63  }
0x340: {  	s12 =	sadd.s32 $0x20, s10;
	s13 =	simm.s32 $0xBA50  }
0x341: {  	[hbm4b:s12+s3] =	stream.linear.scatter [tilespmem:s13], [sflag:$0x4], $0x80, $0x38;
	[tilespmem:$0xE800] =	vst v63  }
0x342: {  	s12 =	sadd.s32 $0x30, s10;
	s13 =	simm.s32 $0xBAD8  }
0x343: {  	[hbm4b:s12+s3] =	stream.linear.scatter [tilespmem:s13], [sflag:$0x4], $0x80, $0x38;
	[tilespmem:$0xE800] =	vst v63  }
0x344: {  	s12 =	sadd.s32 $0x40, s10;
	s13 =	simm.s32 $0xBB60  }
0x345: {  	[hbm4b:s12+s3] =	stream.linear.scatter [tilespmem:s13], [sflag:$0x4], $0x80, $0x38;
	[tilespmem:$0xE800] =	vst v63  }
0x346: {  	s12 =	sadd.s32 $0x50, s10;
	s13 =	simm.s32 $0xBBE8  }
0x347: {  	[hbm4b:s12+s3] =	stream.linear.scatter [tilespmem:s13], [sflag:$0x4], $0x80, $0x38;
	[tilespmem:$0xE800] =	vst v63  }
0x348: {  	s12 =	sadd.s32 $0x60, s10;
	s13 =	simm.s32 $0xBC70  }
0x349: {  	[hbm4b:s12+s3] =	stream.linear.scatter [tilespmem:s13], [sflag:$0x4], $0x80, $0x38;
	[tilespmem:$0xE800] =	vst v63  }
0x34a: {  	s10 =	sadd.s32 $0x70, s10;
	s13 =	simm.s32 $0xBCF8;
	s12 =	sadd.s32 $0xC0000, s9  }
0x34b: {  	[hbm4b:s10+s3] =	stream.linear.scatter [tilespmem:s13], [sflag:$0x4], $0x80, $0x38;
	[tilespmem:$0xE800] =	vst v63  }
0x34c: {  	s10 =	sshrl.u32 s12, $0x3  }
0x34d: {  	s13 =	simm.s32 $0xBD80;
	s10 =	sadd.s32 s2, s10  }
0x34e: {  	[hbm4b:s10+s3] =	stream.linear.scatter [tilespmem:s13], [sflag:$0x4], $0x80, $0x38;
	[tilespmem:$0xE800] =	vst v63  }
0x34f: {  	s12 =	sadd.s32 $0x10, s10;
	s13 =	simm.s32 $0xBE08  }
0x350: {  	[hbm4b:s12+s3] =	stream.linear.scatter [tilespmem:s13], [sflag:$0x4], $0x80, $0x38;
	[tilespmem:$0xE800] =	vst v63  }
0x351: {  	s12 =	sadd.s32 $0x20, s10;
	s13 =	simm.s32 $0xBE90  }
0x352: {  	[hbm4b:s12+s3] =	stream.linear.scatter [tilespmem:s13], [sflag:$0x4], $0x80, $0x38;
	[tilespmem:$0xE800] =	vst v63  }
0x353: {  	s12 =	sadd.s32 $0x30, s10;
	s13 =	simm.s32 $0xBF18  }
0x354: {  	[hbm4b:s12+s3] =	stream.linear.scatter [tilespmem:s13], [sflag:$0x4], $0x80, $0x38;
	[tilespmem:$0xE800] =	vst v63  }
0x355: {  	s12 =	sadd.s32 $0x40, s10;
	s13 =	simm.s32 $0xBFA0  }
0x356: {  	[hbm4b:s12+s3] =	stream.linear.scatter [tilespmem:s13], [sflag:$0x4], $0x80, $0x38;
	[tilespmem:$0xE800] =	vst v63  }
0x357: {  	s12 =	sadd.s32 $0x50, s10;
	s13 =	simm.s32 $0xC028  }
0x358: {  	[hbm4b:s12+s3] =	stream.linear.scatter [tilespmem:s13], [sflag:$0x4], $0x80, $0x38;
	[tilespmem:$0xE800] =	vst v63  }
0x359: {  	s9 =	sadd.s32 $0xE0000, s9;
	s12 =	sadd.s32 $0x60, s10;
	s13 =	simm.s32 $0xC0B0  }
0x35a: {  	[hbm4b:s12+s3] =	stream.linear.scatter [tilespmem:s13], [sflag:$0x4], $0x80, $0x38;
	[tilespmem:$0xE800] =	vst v63  }
0x35b: {  	s9 =	sshrl.u32 s9, $0x3;
	s10 =	sadd.s32 $0x70, s10;
	s13 =	simm.s32 $0xC138  }
0x35c: {  	[hbm4b:s10+s3] =	stream.linear.scatter [tilespmem:s13], [sflag:$0x4], $0x80, $0x38;
	[tilespmem:$0xE800] =	vst v63  }
0x35d: {  	s11 =	simm.s32 $0xC1C0;
	s9 =	sadd.s32 s2, s9  }
0x35e: {  	[hbm4b:s9+s3] =	stream.linear.scatter [tilespmem:s11], [sflag:$0x4], $0x80, $0x38;
	[tilespmem:$0xE800] =	vst v63  }
0x35f: {  	s12 =	sadd.s32 $0x10, s9;
	s13 =	simm.s32 $0xC248  }
0x360: {  	[hbm4b:s12+s3] =	stream.linear.scatter [tilespmem:s13], [sflag:$0x4], $0x80, $0x38;
	[tilespmem:$0xE800] =	vst v63  }
0x361: {  	s12 =	sadd.s32 $0x20, s9;
	s13 =	simm.s32 $0xC2D0  }
0x362: {  	[hbm4b:s12+s3] =	stream.linear.scatter [tilespmem:s13], [sflag:$0x4], $0x80, $0x38;
	[tilespmem:$0xE800] =	vst v63  }
0x363: {  	s12 =	sadd.s32 $0x30, s9;
	s13 =	simm.s32 $0xC358  }
0x364: {  	[hbm4b:s12+s3] =	stream.linear.scatter [tilespmem:s13], [sflag:$0x4], $0x80, $0x38;
	[tilespmem:$0xE800] =	vst v63  }
0x365: {  	s12 =	sadd.s32 $0x40, s9;
	s13 =	simm.s32 $0xC3E0  }
0x366: {  	[hbm4b:s12+s3] =	stream.linear.scatter [tilespmem:s13], [sflag:$0x4], $0x80, $0x38;
	[tilespmem:$0xE800] =	vst v63  }
0x367: {  	s12 =	sadd.s32 $0x50, s9;
	s13 =	simm.s32 $0xC468  }
0x368: {  	[hbm4b:s12+s3] =	stream.linear.scatter [tilespmem:s13], [sflag:$0x4], $0x80, $0x38;
	[tilespmem:$0xE800] =	vst v63  }
0x369: {  	s11 =	sadd.s32 $0x60, s9;
	s12 =	simm.s32 $0xC4F0  }
0x36a: {  	[hbm4b:s11+s3] =	stream.linear.scatter [tilespmem:s12], [sflag:$0x4], $0x80, $0x38;
	[tilespmem:$0xE800] =	vst v63  }
0x36b: {  	s9 =	sadd.s32 $0x70, s9;
	s13 =	simm.s32 $0xC578  }
0x36c: {  	[hbm4b:s9+s3] =	stream.linear.scatter [tilespmem:s13], [sflag:$0x4], $0x80, $0x38;
	[tilespmem:$0xE800] =	vst v63  }
0x36d: {  	_ =	swait.ge [sflag:s25], $0x2000  }
0x36e: {  	[sflag:s25] =	ssyncset.done $0x0  }
0x36f: {  	s9 =	simm.s32 @!p0 $0x5;
	[sflag:s25] =	ssyncadd.s32 $0xFFFFE000  }
0x370: {  	_ =	swait.ge @!p0 [sflag:s9], $0x400  }
0x371: {  	[sflag:s9] =	ssyncset.done @!p0 $0x0  }
0x372: {  	[sflag:s9] =	ssyncadd.s32 @!p0 $0xFFFFFC00  }
0x373: {  	_ =	swait.ge @!p0 [sflag:s9], $0x400  }
0x374: {  	[sflag:s9] =	ssyncset.done @!p0 $0x0  }
0x375: {  	[sflag:s9] =	ssyncadd.s32 @!p0 $0xFFFFFC00  }
0x376: {  	_ =	swait.ge @!p0 [sflag:s9], $0x400  }
0x377: {  	[sflag:s9] =	ssyncset.done @!p0 $0x0  }
0x378: {  	[sflag:s9] =	ssyncadd.s32 @!p0 $0xFFFFFC00  }
0x379: {  	_ =	swait.ge @!p0 [sflag:s9], $0x400  }
0x37a: {  	[sflag:s9] =	ssyncset.done @!p0 $0x0  }
0x37b: {  	[sflag:s9] =	ssyncadd.s32 @!p0 $0xFFFFFC00  }
0x37c: {  	_ =	swait.ge @!p0 [sflag:s9], $0x400  }
0x37d: {  	[sflag:s9] =	ssyncset.done @!p0 $0x0  }
0x37e: {  	[sflag:s9] =	ssyncadd.s32 @!p0 $0xFFFFFC00  }
0x37f: {  	_ =	swait.ge @!p0 [sflag:s9], $0x400  }
0x380: {  	[sflag:s9] =	ssyncset.done @!p0 $0x0  }
0x381: {  	[sflag:s9] =	ssyncadd.s32 @!p0 $0xFFFFFC00  }
0x382: {  	_ =	swait.ge @!p0 [sflag:s9], $0x400  }
0x383: {  	[sflag:s9] =	ssyncset.done @!p0 $0x0  }
0x384: {  	[sflag:s9] =	ssyncadd.s32 @!p0 $0xFFFFFC00  }
0x385: {  	_ =	swait.ge @!p0 [sflag:s9], $0x400  }
0x386: {  	[sflag:s9] =	ssyncset.done @!p0 $0x0  }
0x387: {  	[sflag:s9] =	ssyncadd.s32 @!p0 $0xFFFFFC00;
	s9 =	simm.s32 $0x84F0  }
0x388: {  	v4 =	vld [tilespmem:s9+$0xFFFFFFD0];
	_ =	sdelay $0x4  }
0x389: {  	v5 =	vand.u32 $0x7FFFFFFF, v4  }
0x38a: {  	v5 =	vsub.f32 $0.0e+00, v5;
	_ =	sdelay $0x1  }
0x38b: {  	v5 =	vmul.f32 $1.442695020e+00, v5;
	_ =	sdelay $0x1  }
0x38c: {  	(erf) = vpow2.f32 v5;
	_ =	sdelay $0x8  }
0x38d: {  	v5 =	vld [tilespmem:s9+$0xFFFFFF10];
	v6 =	vpop (erf)  }
0x38e: {  	v8 =	vld [tilespmem:s9+$0xFFFFFF50];
	v7 =	vmul.f32 $3.044900480e-02, v6  }
0x38f: {  	v11 =	vld [tilespmem:s9+$0xFFFFFF90]  }
0x390: {  	v7 =	vadd.f32 $-1.315818280e-01, v7;
	_ =	sdelay $0x1  }
0x391: {  	v9 =	vand.u32 $0x7FFFFFFF, v5;
	v7 =	vmul.f32 v7, v6  }
0x392: {  	v10 =	vand.u32 $0x7FFFFFFF, v8;
	v9 =	vsub.f32 $0.0e+00, v9  }
0x393: {  	v12 =	vand.u32 $0x7FFFFFFF, v11;
	v10 =	vsub.f32 $0.0e+00, v10;
	v7 =	vadd.f32 $2.852726880e-01, v7  }
0x394: {  	v12 =	vsub.f32 $0.0e+00, v12;
	v9 =	vmul.f32 $1.442695020e+00, v9  }
0x395: {  	v10 =	vmul.f32 $1.442695020e+00, v10;
	v7 =	vmul.f32 v7, v6  }
0x396: {  	v12 =	vmul.f32 $1.442695020e+00, v12;
	(erf) = vpow2.f32 v9  }
0x397: {  	(erf) = vpow2.f32 v10;
	v7 =	vadd.f32 $-4.902307090e-01, v7  }
0x398: {  	(erf) = vpow2.f32 v12  }
0x399: {  	v7 =	vmul.f32 v7, v6;
	_ =	sdelay $0x1  }
0x39a: {  	s11 =	simm.s32 $0x3;
	v7 =	vadd.f32 $9.992355100e-01, v7  }
0x39b: {  	v9 =	vmov s11  }
0x39c: {  	v7 =	vmul.f32 v7, v6;
	v6 =	vand.u32 $0x7F, v9  }
0x39d: {  	v13 =	vadd.s32 v0, v6  }
0x39e: {  	v10 =	vpop (erf);
	v7 =	vadd.f32 $9.975032300e-06, v7  }
0x39f: {  	v4 =	vmax.f32 v4, $0.0e+00;
	v12 =	vpop (erf);
	v9 =	vmul.f32 $3.044900480e-02, v10  }
0x3a0: {  	v14 =	vmul.f32 $3.044900480e-02, v12;
	v15 =	vpop (erf);
	v4 =	vadd.f32 v7, v4  }
0x3a1: {  	v16 =	vmul.f32 $3.044900480e-02, v15;
	v9 =	vadd.f32 $-1.315818280e-01, v9  }
0x3a2: {  	v14 =	vadd.f32 $-1.315818280e-01, v14;
	[tilespmem:v13+s26+$0x0] =	vst.idx.msk $0xffff, v4  }
0x3a3: {  	v7 =	vmul.f32 v9, v10;
	v9 =	vadd.f32 $-1.315818280e-01, v16;
	v13 =	vld [tilespmem:s9+$0xFFFFFFE0]  }
0x3a4: {  	v14 =	vmul.f32 v14, v12  }
0x3a5: {  	v4 =	vadd.f32 $2.852726880e-01, v7;
	v7 =	vmul.f32 v9, v15  }
0x3a6: {  	v9 =	vadd.f32 $2.852726880e-01, v14  }
0x3a7: {  	v4 =	vmul.f32 v4, v10;
	v7 =	vadd.f32 $2.852726880e-01, v7  }
0x3a8: {  	v9 =	vmul.f32 v9, v12;
	v16 =	vand.u32 $0x7FFFFFFF, v13  }
0x3a9: {  	v4 =	vadd.f32 $-4.902307090e-01, v4;
	v7 =	vmul.f32 v7, v15;
	v16 =	vsub.f32 $0.0e+00, v16  }
0x3aa: {  	v9 =	vadd.f32 $-4.902307090e-01, v9  }
0x3ab: {  	s12 =	simm.s32 $0x0;
	s11 =	simm.s32 $0x2;
	v4 =	vmul.f32 v4, v10;
	v17 =	vadd.f32 $-4.902307090e-01, v7;
	v16 =	vmul.f32 $1.442695020e+00, v16  }
0x3ac: {  	v19 =	vmov s11;
	v14 =	vmov s12;
	v9 =	vmul.f32 v9, v12  }
0x3ad: {  	s13 =	simm.s32 $0x1;
	v4 =	vadd.f32 $9.992355100e-01, v4;
	v17 =	vmul.f32 v17, v15;
	(erf) = vpow2.f32 v16  }
0x3ae: {  	v7 =	vand.u32 $0x7C, v14;
	v14 =	vmov s13;
	v20 =	vadd.f32 $9.992355100e-01, v9  }
0x3af: {  	v18 =	vadd.s32 v0, v7;
	v4 =	vmul.f32 v4, v10;
	v17 =	vadd.f32 $9.992355100e-01, v17  }
0x3b0: {  	v9 =	vand.u32 $0x7E, v19;
	v10 =	vand.u32 $0x7D, v14;
	v12 =	vmul.f32 v20, v12  }
0x3b1: {  	v14 =	vadd.s32 v0, v10;
	v4 =	vadd.f32 $9.975032300e-06, v4;
	v15 =	vmul.f32 v17, v15  }
0x3b2: {  	v5 =	vmax.f32 v5, $0.0e+00;
	v16 =	vadd.s32 v0, v9;
	v12 =	vadd.f32 $9.975032300e-06, v12  }
0x3b3: {  	v8 =	vmax.f32 v8, $0.0e+00;
	v15 =	vadd.f32 $9.975032300e-06, v15;
	v4 =	vadd.f32 v4, v5  }
0x3b4: {  	v5 =	vmax.f32 v11, $0.0e+00;
	v8 =	vadd.f32 v12, v8  }
0x3b5: {  	v5 =	vadd.f32 v15, v5;
	[tilespmem:v18+s26+$0x0] =	vst.idx.msk $0xffff, v4  }
0x3b6: {  	[tilespmem:v14+s26+$0x0] =	vst.idx.msk $0xffff, v8;
	v4 =	vld [tilespmem:s9+$0xFFFFFF20];
	v11 =	vpop (erf)  }
0x3b7: {  	v8 =	vld [tilespmem:s9+$0xFFFFFF60];
	[tilespmem:v16+s26+$0x0] =	vst.idx.msk $0xffff, v5;
	v12 =	vmul.f32 $3.044900480e-02, v11  }
0x3b8: {  	v5 =	vld [tilespmem:s9+$0xFFFFFFA0]  }
0x3b9: {  	v12 =	vadd.f32 $-1.315818280e-01, v12;
	_ =	sdelay $0x1  }
0x3ba: {  	v14 =	vand.u32 $0x7FFFFFFF, v4;
	v12 =	vmul.f32 v12, v11  }
0x3bb: {  	v15 =	vand.u32 $0x7FFFFFFF, v8;
	v14 =	vsub.f32 $0.0e+00, v14  }
0x3bc: {  	v15 =	vsub.f32 $0.0e+00, v15;
	v16 =	vand.u32 $0x7FFFFFFF, v5;
	v12 =	vadd.f32 $2.852726880e-01, v12  }
0x3bd: {  	v16 =	vsub.f32 $0.0e+00, v16;
	v14 =	vmul.f32 $1.442695020e+00, v14  }
0x3be: {  	v15 =	vmul.f32 $1.442695020e+00, v15;
	v12 =	vmul.f32 v12, v11  }
0x3bf: {  	v16 =	vmul.f32 $1.442695020e+00, v16;
	(erf) = vpow2.f32 v14  }
0x3c0: {  	(erf) = vpow2.f32 v15;
	v12 =	vadd.f32 $-4.902307090e-01, v12  }
0x3c1: {  	(erf) = vpow2.f32 v16  }
0x3c2: {  	v12 =	vmul.f32 v12, v11;
	_ =	sdelay $0x1  }
0x3c3: {  	v12 =	vadd.f32 $9.992355100e-01, v12;
	_ =	sdelay $0x2  }
0x3c4: {  	v11 =	vmul.f32 v12, v11  }
0x3c5: {  	v14 =	vadd.s32 v1, v6;
	v12 =	vpop (erf)  }
0x3c6: {  	v11 =	vadd.f32 $9.975032300e-06, v11;
	v15 =	vmul.f32 $3.044900480e-02, v12;
	v16 =	vpop (erf)  }
0x3c7: {  	v13 =	vmax.f32 v13, $0.0e+00;
	v17 =	vpop (erf);
	v18 =	vmul.f32 $3.044900480e-02, v16  }
0x3c8: {  	v11 =	vadd.f32 v11, v13;
	v15 =	vadd.f32 $-1.315818280e-01, v15;
	v19 =	vmul.f32 $3.044900480e-02, v17  }
0x3c9: {  	v13 =	vadd.f32 $-1.315818280e-01, v18  }
0x3ca: {  	[tilespmem:v14+s26+$0x0] =	vst.idx.msk $0xffff, v11;
	v15 =	vmul.f32 v15, v12;
	v18 =	vadd.f32 $-1.315818280e-01, v19  }
0x3cb: {  	v11 =	vmul.f32 v13, v16;
	v13 =	vld [tilespmem:s9+$0xFFFFFFF0]  }
0x3cc: {  	v14 =	vmul.f32 v18, v17;
	v15 =	vadd.f32 $2.852726880e-01, v15  }
0x3cd: {  	v11 =	vadd.f32 $2.852726880e-01, v11  }
0x3ce: {  	v14 =	vadd.f32 $2.852726880e-01, v14;
	v15 =	vmul.f32 v15, v12  }
0x3cf: {  	s10 =	simm.s32 $0x85F0;
	v11 =	vmul.f32 v11, v16  }
0x3d0: {  	v19 =	vld [tilespmem:s10+$0xFFFFFFD0];
	v14 =	vmul.f32 v14, v17;
	v15 =	vadd.f32 $-4.902307090e-01, v15;
	v18 =	vand.u32 $0x7FFFFFFF, v13  }
0x3d1: {  	v11 =	vadd.f32 $-4.902307090e-01, v11;
	v18 =	vsub.f32 $0.0e+00, v18  }
0x3d2: {  	v14 =	vadd.f32 $-4.902307090e-01, v14;
	v15 =	vmul.f32 v15, v12  }
0x3d3: {  	v11 =	vmul.f32 v11, v16;
	v18 =	vmul.f32 $1.442695020e+00, v18  }
0x3d4: {  	v14 =	vmul.f32 v14, v17;
	v22 =	vadd.f32 $9.992355100e-01, v15;
	v15 =	vld [tilespmem:s10+$0xFFFFFF10]  }
0x3d5: {  	v11 =	vadd.f32 $9.992355100e-01, v11;
	(erf) = vpow2.f32 v18;
	v18 =	vand.u32 $0x7FFFFFFF, v19  }
0x3d6: {  	v23 =	vld [tilespmem:s10+$0xFFFFFF50];
	v20 =	vadd.s32 v1, v7;
	v14 =	vadd.f32 $9.992355100e-01, v14;
	v18 =	vsub.f32 $0.0e+00, v18  }
0x3d7: {  	v21 =	vadd.s32 v1, v10;
	v12 =	vmul.f32 v22, v12;
	v11 =	vmul.f32 v11, v16;
	v16 =	vld [tilespmem:s10+$0xFFFFFF90]  }
0x3d8: {  	v4 =	vmax.f32 v4, $0.0e+00;
	v14 =	vmul.f32 v14, v17;
	v17 =	vmul.f32 $1.442695020e+00, v18  }
0x3d9: {  	v12 =	vadd.f32 $9.975032300e-06, v12;
	v11 =	vadd.f32 $9.975032300e-06, v11;
	v18 =	vand.u32 $0x7FFFFFFF, v15  }
0x3da: {  	v8 =	vmax.f32 v8, $0.0e+00;
	v18 =	vsub.f32 $0.0e+00, v18;
	(erf) = vpow2.f32 v17  }
0x3db: {  	v4 =	vadd.f32 v12, v4;
	v8 =	vadd.f32 v11, v8;
	v11 =	vand.u32 $0x7FFFFFFF, v23  }
0x3dc: {  	v11 =	vsub.f32 $0.0e+00, v11;
	v12 =	vand.u32 $0x7FFFFFFF, v16  }
0x3dd: {  	v17 =	vmul.f32 $1.442695020e+00, v18;
	[tilespmem:v20+s26+$0x0] =	vst.idx.msk $0xffff, v4;
	v4 =	vsub.f32 $0.0e+00, v12  }
0x3de: {  	v22 =	vadd.s32 v1, v9;
	[tilespmem:v21+s26+$0x0] =	vst.idx.msk $0xffff, v8;
	v8 =	vmul.f32 $1.442695020e+00, v11  }
0x3df: {  	v14 =	vadd.f32 $9.975032300e-06, v14;
	v18 =	vld [tilespmem:s9+$0xFFFFFF30];
	(erf) = vpow2.f32 v17;
	v12 =	vpop (erf);
	v4 =	vmul.f32 $1.442695020e+00, v4  }
0x3e0: {  	v5 =	vmax.f32 v5, $0.0e+00;
	v11 =	vmul.f32 $3.044900480e-02, v12;
	(erf) = vpow2.f32 v8  }
0x3e1: {  	v5 =	vadd.f32 v14, v5;
	v17 =	vld [tilespmem:s9+$0xFFFFFF70];
	(erf) = vpow2.f32 v4  }
0x3e2: {  	v4 =	vadd.f32 $-1.315818280e-01, v11  }
0x3e3: {  	[tilespmem:v22+s26+$0x0] =	vst.idx.msk $0xffff, v5;
	v14 =	vpop (erf)  }
0x3e4: {  	s12 =	simm.s32 $0x4;
	s13 =	simm.s32 $0x5;
	v20 =	vld [tilespmem:s9+$0xFFFFFFB0];
	v8 =	vand.u32 $0x7FFFFFFF, v18;
	v4 =	vmul.f32 v4, v12;
	v22 =	vmul.f32 $3.044900480e-02, v14  }
0x3e5: {  	v25 =	vmov s13;
	v5 =	vmov s12;
	v8 =	vsub.f32 $0.0e+00, v8  }
0x3e6: {  	v21 =	vand.u32 $0x7FFFFFFF, v17;
	v4 =	vadd.f32 $2.852726880e-01, v4;
	v22 =	vadd.f32 $-1.315818280e-01, v22  }
0x3e7: {  	v11 =	vand.u32 $0x7C, v5;
	v5 =	vsub.f32 $0.0e+00, v21;
	v8 =	vmul.f32 $1.442695020e+00, v8  }
0x3e8: {  	v13 =	vmax.f32 v13, $0.0e+00;
	v24 =	vpop (erf);
	v4 =	vmul.f32 v4, v12;
	v22 =	vmul.f32 v22, v14  }
0x3e9: {  	v21 =	vand.u32 $0x7FFFFFFF, v20;
	v5 =	vmul.f32 $1.442695020e+00, v5;
	v26 =	vmul.f32 $3.044900480e-02, v24;
	v27 =	vpop (erf)  }
0x3ea: {  	v4 =	vadd.f32 $-4.902307090e-01, v4;
	v28 =	vmul.f32 $3.044900480e-02, v27;
	v29 =	vpop (erf);
	v22 =	vadd.f32 $2.852726880e-01, v22  }
0x3eb: {  	(erf) = vpow2.f32 v8;
	v26 =	vadd.f32 $-1.315818280e-01, v26;
	v30 =	vmul.f32 $3.044900480e-02, v29  }
0x3ec: {  	v4 =	vmul.f32 v4, v12;
	v28 =	vadd.f32 $-1.315818280e-01, v28;
	v22 =	vmul.f32 v22, v14  }
0x3ed: {  	(erf) = vpow2.f32 v5;
	v26 =	vmul.f32 v26, v24;
	v5 =	vadd.f32 $-1.315818280e-01, v30  }
0x3ee: {  	v4 =	vadd.f32 $9.992355100e-01, v4;
	v28 =	vmul.f32 v28, v27;
	v22 =	vadd.f32 $-4.902307090e-01, v22  }
0x3ef: {  	v21 =	vsub.f32 $0.0e+00, v21;
	v26 =	vadd.f32 $2.852726880e-01, v26;
	v5 =	vmul.f32 v5, v29  }
0x3f0: {  	s12 =	simm.s32 $0x7;
	v4 =	vmul.f32 v4, v12;
	v12 =	vadd.f32 $2.852726880e-01, v28;
	v22 =	vmul.f32 v22, v14  }
0x3f1: {  	v31 =	vmov s12;
	v21 =	vmul.f32 $1.442695020e+00, v21;
	v26 =	vmul.f32 v26, v24  }
0x3f2: {  	v5 =	vadd.f32 $2.852726880e-01, v5;
	v12 =	vmul.f32 v12, v27;
	v22 =	vadd.f32 $9.992355100e-01, v22  }
0x3f3: {  	v28 =	vadd.s32 v2, v6;
	v4 =	vadd.f32 $9.975032300e-06, v4;
	v26 =	vadd.f32 $-4.902307090e-01, v26  }
0x3f4: {  	v5 =	vmul.f32 v5, v29;
	v38 =	vadd.f32 $-4.902307090e-01, v12;
	v14 =	vmul.f32 v22, v14  }
0x3f5: {  	v12 =	vand.u32 $0x7F, v31;
	v22 =	vmul.f32 v26, v24;
	v4 =	vadd.f32 v4, v13  }
0x3f6: {  	v5 =	vadd.f32 $-4.902307090e-01, v5;
	v26 =	vadd.s32 v0, v12;
	v13 =	vmul.f32 v38, v27  }
0x3f7: {  	v19 =	vmax.f32 v19, $0.0e+00;
	v14 =	vadd.f32 $9.975032300e-06, v14;
	v22 =	vadd.f32 $9.992355100e-01, v22  }
0x3f8: {  	s13 =	simm.s32 $0x6;
	(erf) = vpow2.f32 v21;
	v5 =	vmul.f32 v5, v29;
	v13 =	vadd.f32 $9.992355100e-01, v13  }
0x3f9: {  	[tilespmem:v28+s26+$0x0] =	vst.idx.msk $0xffff, v4;
	v4 =	vmov s13;
	v19 =	vadd.f32 v14, v19;
	v21 =	vmul.f32 v22, v24  }
0x3fa: {  	v22 =	vadd.f32 $9.992355100e-01, v5;
	v5 =	vand.u32 $0x7D, v25;
	v24 =	vmul.f32 v13, v27  }
0x3fb: {  	v30 =	vadd.s32 v0, v11;
	v4 =	vand.u32 $0x7E, v4;
	[tilespmem:v26+s26+$0x0] =	vst.idx.msk $0xffff, v19;
	v19 =	vadd.s32 v0, v5  }
0x3fc: {  	v14 =	vld [tilespmem:s9+$0x0];
	v21 =	vadd.f32 $9.975032300e-06, v21;
	v22 =	vmul.f32 v22, v29;
	v24 =	vadd.f32 $9.975032300e-06, v24  }
0x3fd: {  	v15 =	vmax.f32 v15, $0.0e+00;
	v23 =	vmax.f32 v23, $0.0e+00;
	v25 =	vadd.s32 v0, v4;
	v13 =	vld [tilespmem:s10+$0xFFFFFFE0]  }
0x3fe: {  	v16 =	vmax.f32 v16, $0.0e+00;
	v21 =	vadd.f32 v21, v15;
	v22 =	vadd.f32 $9.975032300e-06, v22  }
0x3ff: {  	v18 =	vmax.f32 v18, $0.0e+00;
	v17 =	vmax.f32 v17, $0.0e+00;
	v23 =	vadd.f32 v24, v23  }
0x400: {  	v20 =	vmax.f32 v20, $0.0e+00;
	v8 =	vadd.s32 v2, v7;
	[tilespmem:v30+s26+$0x0] =	vst.idx.msk $0xffff, v21;
	v16 =	vadd.f32 v22, v16;
	v24 =	vpop (erf)  }
0x401: {  	v63 =	vadd.s32 v2, v12;
	v26 =	vand.u32 $0x7FFFFFFF, v14;
	v27 =	vld [tilespmem:s10+$0xFFFFFF20];
	[tilespmem:v19+s26+$0x0] =	vst.idx.msk $0xffff, v23;
	v22 =	vmul.f32 $3.044900480e-02, v24  }
0x402: {  	v15 =	vadd.s32 v1, v11;
	v26 =	vsub.f32 $0.0e+00, v26;
	v19 =	vand.u32 $0x7FFFFFFF, v13;
	v21 =	vpop (erf);
	v28 =	vld [tilespmem:s10+$0xFFFFFF60];
	[tilespmem:v25+s26+$0x0] =	vst.idx.msk $0xffff, v16  }
0x403: {  	v16 =	vsub.f32 $0.0e+00, v19;
	v23 =	vpop (erf);
	v19 =	vmul.f32 $3.044900480e-02, v21;
	v29 =	vld [tilespmem:s10+$0xFFFFFFA0];
	v22 =	vadd.f32 $-1.315818280e-01, v22  }
0x404: {  	v14 =	vmax.f32 v14, $0.0e+00;
	v26 =	vmul.f32 $1.442695020e+00, v26;
	v25 =	vmul.f32 $3.044900480e-02, v23  }
0x405: {  	v16 =	vmul.f32 $1.442695020e+00, v16;
	v19 =	vadd.f32 $-1.315818280e-01, v19;
	v22 =	vmul.f32 v22, v24  }
0x406: {  	(erf) = vpow2.f32 v26;
	v30 =	vand.u32 $0x7FFFFFFF, v27;
	v25 =	vadd.f32 $-1.315818280e-01, v25  }
0x407: {  	(erf) = vpow2.f32 v16;
	v19 =	vmul.f32 v19, v21;
	v16 =	vadd.f32 $2.852726880e-01, v22  }
0x408: {  	v22 =	vsub.f32 $0.0e+00, v30;
	v30 =	vand.u32 $0x7FFFFFFF, v28;
	v31 =	vand.u32 $0x7FFFFFFF, v29  }
0x409: {  	v25 =	vmul.f32 v25, v23;
	v30 =	vsub.f32 $0.0e+00, v30;
	v31 =	vsub.f32 $0.0e+00, v31  }
0x40a: {  	v19 =	vadd.f32 $2.852726880e-01, v19;
	v22 =	vmul.f32 $1.442695020e+00, v22;
	v16 =	vmul.f32 v16, v24  }
0x40b: {  	v25 =	vadd.f32 $2.852726880e-01, v25;
	v30 =	vmul.f32 $1.442695020e+00, v30;
	v31 =	vmul.f32 $1.442695020e+00, v31  }
0x40c: {  	v13 =	vmax.f32 v13, $0.0e+00;
	v19 =	vmul.f32 v19, v21;
	(erf) = vpow2.f32 v22  }
0x40d: {  	v16 =	vadd.f32 $-4.902307090e-01, v16;
	v25 =	vmul.f32 v25, v23;
	(erf) = vpow2.f32 v30  }
0x40e: {  	v26 =	vadd.s32 v2, v10;
	v19 =	vadd.f32 $-4.902307090e-01, v19;
	(erf) = vpow2.f32 v31  }
0x40f: {  	v27 =	vmax.f32 v27, $0.0e+00;
	v25 =	vadd.f32 $-4.902307090e-01, v25;
	v16 =	vmul.f32 v16, v24;
	v30 =	vpop (erf)  }
0x410: {  	v28 =	vmax.f32 v28, $0.0e+00;
	v19 =	vmul.f32 v19, v21;
	v39 =	vmul.f32 $3.044900480e-02, v30;
	v40 =	vpop (erf)  }
0x411: {  	v29 =	vmax.f32 v29, $0.0e+00;
	v25 =	vmul.f32 v25, v23;
	v41 =	vmul.f32 $3.044900480e-02, v40  }
0x412: {  	v22 =	vadd.s32 v2, v9;
	v16 =	vadd.f32 $9.992355100e-01, v16;
	v19 =	vadd.f32 $9.992355100e-01, v19  }
0x413: {  	v9 =	vadd.s32 v3, v9;
	v32 =	vadd.f32 $-1.315818280e-01, v39;
	v34 =	vadd.f32 $-1.315818280e-01, v41  }
0x414: {  	v16 =	vmul.f32 v16, v24;
	v24 =	vadd.f32 $9.992355100e-01, v25;
	v19 =	vmul.f32 v19, v21  }
0x415: {  	v31 =	vadd.s32 v1, v5;
	v32 =	vmul.f32 v32, v30;
	v25 =	vpop (erf);
	v42 =	vmul.f32 v34, v40  }
0x416: {  	v16 =	vadd.f32 $9.975032300e-06, v16;
	v23 =	vmul.f32 v24, v23;
	v24 =	vmul.f32 $3.044900480e-02, v25;
	v43 =	vpop (erf)  }
0x417: {  	v21 =	vadd.f32 $2.852726880e-01, v32;
	v44 =	vpop (erf);
	v45 =	vmul.f32 $3.044900480e-02, v43;
	v32 =	vadd.f32 $2.852726880e-01, v42  }
0x418: {  	v19 =	vadd.f32 $9.975032300e-06, v19;
	v24 =	vadd.f32 $-1.315818280e-01, v24;
	v46 =	vmul.f32 $3.044900480e-02, v44  }
0x419: {  	v16 =	vadd.f32 v16, v18;
	v18 =	vadd.f32 $-1.315818280e-01, v45;
	v32 =	vmul.f32 v32, v40  }
0x41a: {  	v23 =	vadd.f32 $9.975032300e-06, v23;
	v24 =	vmul.f32 v24, v25;
	v47 =	vadd.f32 $-1.315818280e-01, v46  }
0x41b: {  	v17 =	vadd.f32 v19, v17;
	v18 =	vmul.f32 v18, v43;
	v32 =	vadd.f32 $-4.902307090e-01, v32  }
0x41c: {  	v21 =	vmul.f32 v21, v30;
	v19 =	vmul.f32 v47, v44;
	v24 =	vadd.f32 $2.852726880e-01, v24  }
0x41d: {  	v20 =	vadd.f32 v23, v20;
	v18 =	vadd.f32 $2.852726880e-01, v18;
	v32 =	vmul.f32 v32, v40  }
0x41e: {  	[tilespmem:v8+s26+$0x0] =	vst.idx.msk $0xffff, v16;
	v21 =	vadd.f32 $-4.902307090e-01, v21;
	v19 =	vadd.f32 $2.852726880e-01, v19;
	v23 =	vmul.f32 v24, v25  }
0x41f: {  	[tilespmem:v22+s26+$0x0] =	vst.idx.msk $0xffff, v20;
	v22 =	vadd.s32 v1, v12;
	v16 =	vmul.f32 v18, v43;
	v18 =	vadd.f32 $9.992355100e-01, v32  }
0x420: {  	[tilespmem:v26+s26+$0x0] =	vst.idx.msk $0xffff, v17;
	v21 =	vmul.f32 v21, v30;
	v24 =	vld [tilespmem:s9+$0xFFFFFF40];
	v17 =	vmul.f32 v19, v44;
	v19 =	vadd.f32 $-4.902307090e-01, v23  }
0x421: {  	v12 =	vadd.s32 v3, v12;
	v20 =	vld [tilespmem:s9+$0xFFFFFFC0];
	v16 =	vadd.f32 $-4.902307090e-01, v16;
	v18 =	vmul.f32 v18, v40  }
0x422: {  	v8 =	vadd.f32 $9.992355100e-01, v21;
	v23 =	vld [tilespmem:s9+$0xFFFFFF80];
	v17 =	vadd.f32 $-4.902307090e-01, v17;
	v19 =	vmul.f32 v19, v25  }
0x423: {  	v21 =	vadd.s32 v1, v4;
	v16 =	vmul.f32 v16, v43;
	v18 =	vadd.f32 $9.975032300e-06, v18  }
0x424: {  	v8 =	vmul.f32 v8, v30;
	v17 =	vmul.f32 v17, v44;
	v19 =	vadd.f32 $9.992355100e-01, v19  }
0x425: {  	v26 =	vand.u32 $0x7FFFFFFF, v24;
	v16 =	vadd.f32 $9.992355100e-01, v16;
	v13 =	vadd.f32 v18, v13  }
0x426: {  	v26 =	vsub.f32 $0.0e+00, v26;
	v17 =	vadd.f32 $9.992355100e-01, v17;
	v19 =	vmul.f32 v19, v25  }
0x427: {  	v18 =	vand.u32 $0x7FFFFFFF, v23;
	v25 =	vand.u32 $0x7FFFFFFF, v20;
	v16 =	vmul.f32 v16, v43;
	[tilespmem:v22+s26+$0x0] =	vst.idx.msk $0xffff, v13  }
0x428: {  	v18 =	vsub.f32 $0.0e+00, v18;
	v17 =	vmul.f32 v17, v44;
	v19 =	vadd.f32 $9.975032300e-06, v19;
	v32 =	vld [tilespmem:s10+$0xFFFFFFF0]  }
0x429: {  	s9 =	simm.s32 $0x86F0;
	v13 =	vadd.s32 v3, v6;
	v6 =	vsub.f32 $0.0e+00, v25;
	v16 =	vadd.f32 $9.975032300e-06, v16  }
0x42a: {  	v30 =	vld [tilespmem:s9+$0xFFFFFF50];
	v22 =	vmul.f32 $1.442695020e+00, v26;
	v17 =	vadd.f32 $9.975032300e-06, v17;
	v19 =	vadd.f32 v19, v27  }
0x42b: {  	v8 =	vadd.f32 $9.975032300e-06, v8;
	v18 =	vmul.f32 $1.442695020e+00, v18;
	v16 =	vadd.f32 v16, v28  }
0x42c: {  	v33 =	vld [tilespmem:s9+$0xFFFFFFD0];
	v6 =	vmul.f32 $1.442695020e+00, v6;
	(erf) = vpow2.f32 v22;
	v17 =	vadd.f32 v17, v29;
	[tilespmem:v15+s26+$0x0] =	vst.idx.msk $0xffff, v19  }
0x42d: {  	s11 =	simm.s32 $0x8;
	v14 =	vadd.f32 v8, v14;
	(erf) = vpow2.f32 v18;
	v8 =	vld [tilespmem:s10+$0xFFFFFF30];
	[tilespmem:v31+s26+$0x0] =	vst.idx.msk $0xffff, v16;
	v15 =	vand.u32 $0x7FFFFFFF, v32  }
0x42e: {  	(erf) = vpow2.f32 v6;
	v6 =	vmov s11;
	v22 =	vld [tilespmem:s10+$0xFFFFFF70];
	[tilespmem:v21+s26+$0x0] =	vst.idx.msk $0xffff, v17;
	v18 =	vsub.f32 $0.0e+00, v15  }
0x42f: {  	v40 =	vmax.f32 v30, $0.0e+00;
	v6 =	vand.u32 $0x7C, v6;
	v15 =	vmax.f32 v20, $0.0e+00;
	v20 =	vld [tilespmem:s10+$0xFFFFFFB0]  }
0x430: {  	s13 =	simm.s32 $0xA;
	v16 =	vmax.f32 v24, $0.0e+00;
	v24 =	vmul.f32 $1.442695020e+00, v18;
	v18 =	vadd.s32 v3, v7;
	v7 =	vld [tilespmem:s9+$0xFFFFFF10]  }
0x431: {  	v29 =	vmov s13;
	v31 =	vadd.s32 v0, v6;
	v19 =	vadd.s32 v1, v6  }
0x432: {  	(erf) = vpow2.f32 v24;
	v24 =	vand.u32 $0x7FFFFFFF, v8;
	v27 =	vmax.f32 v8, $0.0e+00  }
0x433: {  	v8 =	vld [tilespmem:s9+$0xFFFFFF90];
	v25 =	vand.u32 $0x7FFFFFFF, v22;
	v28 =	vsub.f32 $0.0e+00, v24;
	v24 =	vmax.f32 v22, $0.0e+00  }
0x434: {  	v22 =	vand.u32 $0x7FFFFFFF, v20;
	v26 =	vmax.f32 v20, $0.0e+00;
	v20 =	vand.u32 $0x7FFFFFFF, v33  }
0x435: {  	v48 =	vsub.f32 $0.0e+00, v25;
	v25 =	vand.u32 $0x7FFFFFFF, v7;
	v20 =	vsub.f32 $0.0e+00, v20  }
0x436: {  	v50 =	vsub.f32 $0.0e+00, v22;
	v22 =	vsub.f32 $0.0e+00, v25;
	v25 =	vand.u32 $0x7FFFFFFF, v30  }
0x437: {  	s12 =	simm.s32 $0x9;
	v32 =	vmax.f32 v32, $0.0e+00;
	v17 =	vmax.f32 v23, $0.0e+00;
	v20 =	vmul.f32 $1.442695020e+00, v20  }
0x438: {  	v21 =	vmov s12;
	v49 =	vmul.f32 $1.442695020e+00, v28;
	v28 =	vpop (erf);
	v52 =	vand.u32 $0x7FFFFFFF, v8  }
0x439: {  	v51 =	vsub.f32 $0.0e+00, v25;
	v38 =	vsub.f32 $0.0e+00, v52;
	v25 =	vpop (erf);
	(erf) = vpow2.f32 v20  }
0x43a: {  	v23 =	vadd.s32 v2, v11;
	v39 =	vmax.f32 v7, $0.0e+00;
	v7 =	vmul.f32 $1.442695020e+00, v22;
	v22 =	vpop (erf)  }
0x43b: {  	v11 =	vadd.s32 v3, v11;
	v30 =	vmul.f32 $1.442695020e+00, v51;
	v38 =	vmul.f32 $1.442695020e+00, v38;
	v53 =	vpop (erf)  }
0x43c: {  	(erf) = vpow2.f32 v7;
	v7 =	vand.u32 $0x7D, v21;
	v21 =	vmul.f32 $3.044900480e-02, v53  }
0x43d: {  	v33 =	vmax.f32 v33, $0.0e+00;
	v20 =	vadd.s32 v3, v10;
	(erf) = vpow2.f32 v30  }
0x43e: {  	v10 =	vmul.f32 $1.442695020e+00, v48;
	(erf) = vpow2.f32 v38;
	v21 =	vadd.f32 $-1.315818280e-01, v21  }
0x43f: {  	v37 =	vmax.f32 v8, $0.0e+00;
	v54 =	vmul.f32 $1.442695020e+00, v50;
	(erf) = vpow2.f32 v49  }
0x440: {  	v8 =	vand.u32 $0x7E, v29;
	(erf) = vpow2.f32 v10;
	v10 =	vmul.f32 v21, v53  }
0x441: {  	v29 =	vadd.s32 v2, v4;
	v55 =	vmul.f32 $3.044900480e-02, v28;
	v57 =	vmul.f32 $3.044900480e-02, v25  }
0x442: {  	v45 =	vadd.s32 v0, v8;
	v58 =	vmul.f32 $3.044900480e-02, v22;
	v10 =	vadd.f32 $2.852726880e-01, v10;
	v42 =	vpop (erf)  }
0x443: {  	v56 =	vadd.f32 $-1.315818280e-01, v55;
	v35 =	vadd.f32 $-1.315818280e-01, v57;
	v59 =	vmul.f32 $3.044900480e-02, v42  }
0x444: {  	v30 =	vadd.s32 v2, v5;
	v36 =	vadd.f32 $-1.315818280e-01, v58;
	v10 =	vmul.f32 v10, v53  }
0x445: {  	v34 =	vmul.f32 v56, v28;
	v35 =	vmul.f32 v35, v25;
	v43 =	vadd.f32 $-1.315818280e-01, v59  }
0x446: {  	(erf) = vpow2.f32 v54;
	v36 =	vmul.f32 v36, v22;
	v44 =	vpop (erf);
	v10 =	vadd.f32 $-4.902307090e-01, v10  }
0x447: {  	v34 =	vadd.f32 $2.852726880e-01, v34;
	v60 =	vmul.f32 $3.044900480e-02, v44;
	v47 =	vpop (erf);
	v43 =	vmul.f32 v43, v42  }
0x448: {  	v35 =	vadd.f32 $2.852726880e-01, v35;
	v48 =	vmul.f32 $3.044900480e-02, v47;
	v49 =	vpop (erf);
	v10 =	vmul.f32 v10, v53  }
0x449: {  	v46 =	vadd.f32 $-1.315818280e-01, v60;
	v50 =	vmul.f32 $3.044900480e-02, v49;
	v43 =	vadd.f32 $2.852726880e-01, v43  }
0x44a: {  	v34 =	vmul.f32 v34, v28;
	v48 =	vadd.f32 $-1.315818280e-01, v48;
	v10 =	vadd.f32 $9.992355100e-01, v10  }
0x44b: {  	v46 =	vmul.f32 v46, v44;
	v50 =	vadd.f32 $-1.315818280e-01, v50;
	v43 =	vmul.f32 v43, v42  }
0x44c: {  	v36 =	vadd.f32 $2.852726880e-01, v36;
	v48 =	vmul.f32 v48, v47;
	v10 =	vmul.f32 v10, v53  }
0x44d: {  	v46 =	vadd.f32 $2.852726880e-01, v46;
	v50 =	vmul.f32 v50, v49;
	v43 =	vadd.f32 $-4.902307090e-01, v43  }
0x44e: {  	v35 =	vmul.f32 v35, v25;
	v48 =	vadd.f32 $2.852726880e-01, v48;
	v10 =	vadd.f32 $9.975032300e-06, v10  }
0x44f: {  	v34 =	vadd.f32 $-4.902307090e-01, v34;
	v62 =	vadd.f32 $2.852726880e-01, v50;
	v43 =	vmul.f32 v43, v42  }
0x450: {  	v61 =	vmul.f32 v46, v44;
	v48 =	vmul.f32 v48, v47;
	v10 =	vadd.f32 v10, v32  }
0x451: {  	s12 =	simm.s32 $0xB;
	v36 =	vmul.f32 v36, v22;
	v46 =	vmul.f32 v62, v49;
	v43 =	vadd.f32 $9.992355100e-01, v43  }
0x452: {  	v41 =	vadd.f32 $-4.902307090e-01, v61;
	v48 =	vadd.f32 $-4.902307090e-01, v48;
	[tilespmem:v63+s26+$0x0] =	vst.idx.msk $0xffff, v10;
	v10 =	vmov s12  }
0x453: {  	v56 =	vadd.f32 $-4.902307090e-01, v46;
	v42 =	vmul.f32 v43, v42;
	v10 =	vand.u32 $0x7F, v10  }
0x454: {  	v55 =	vmul.f32 v41, v44;
	v48 =	vmul.f32 v48, v47;
	v60 =	vadd.s32 v0, v10  }
0x455: {  	v35 =	vadd.f32 $-4.902307090e-01, v35;
	v51 =	vpop (erf);
	v41 =	vmul.f32 v56, v49;
	v42 =	vadd.f32 $9.975032300e-06, v42  }
0x456: {  	v34 =	vmul.f32 v34, v28;
	v52 =	vpop (erf);
	v58 =	vadd.f32 $9.992355100e-01, v55;
	v32 =	vld [tilespmem:s10+$0x0];
	v48 =	vadd.f32 $9.992355100e-01, v48  }
0x457: {  	v57 =	vmul.f32 $3.044900480e-02, v52;
	v41 =	vadd.f32 $9.992355100e-01, v41;
	v33 =	vadd.f32 v42, v33  }
0x458: {  	v36 =	vadd.f32 $-4.902307090e-01, v36;
	v53 =	vmul.f32 $3.044900480e-02, v51;
	v44 =	vmul.f32 v58, v44  }
0x459: {  	v34 =	vadd.f32 $9.992355100e-01, v34;
	v47 =	vmul.f32 v48, v47;
	v41 =	vmul.f32 v41, v49;
	[tilespmem:v60+s26+$0x0] =	vst.idx.msk $0xffff, v33  }
0x45a: {  	v38 =	vadd.s32 v0, v7;
	v59 =	vadd.f32 $-1.315818280e-01, v53;
	v44 =	vadd.f32 $9.975032300e-06, v44;
	v33 =	vld [tilespmem:s9+$0xFFFFFFE0]  }
0x45b: {  	v47 =	vadd.f32 $9.975032300e-06, v47;
	v61 =	vand.u32 $0x7FFFFFFF, v32;
	v41 =	vadd.f32 $9.975032300e-06, v41  }
0x45c: {  	v35 =	vmul.f32 v35, v25;
	v48 =	vpop (erf);
	v39 =	vadd.f32 v44, v39;
	v42 =	vsub.f32 $0.0e+00, v61  }
0x45d: {  	v46 =	vadd.f32 $-1.315818280e-01, v57;
	v62 =	vmul.f32 $3.044900480e-02, v48;
	v40 =	vadd.f32 v47, v40  }
0x45e: {  	v43 =	vmul.f32 v59, v51;
	v37 =	vadd.f32 v41, v37;
	[tilespmem:v31+s26+$0x0] =	vst.idx.msk $0xffff, v39;
	v42 =	vmul.f32 $1.442695020e+00, v42  }
0x45f: {  	v46 =	vmul.f32 v46, v52;
	v63 =	vadd.f32 $-1.315818280e-01, v62;
	v47 =	vld [tilespmem:s9+$0xFFFFFF20];
	[tilespmem:v38+s26+$0x0] =	vst.idx.msk $0xffff, v40;
	v53 =	vand.u32 $0x7FFFFFFF, v33  }
0x460: {  	v31 =	vadd.f32 $2.852726880e-01, v43;
	v40 =	vld [tilespmem:s9+$0xFFFFFF60];
	[tilespmem:v45+s26+$0x0] =	vst.idx.msk $0xffff, v37;
	(erf) = vpow2.f32 v42;
	v42 =	vsub.f32 $0.0e+00, v53  }
0x461: {  	v36 =	vmul.f32 v36, v22;
	v50 =	vadd.f32 $2.852726880e-01, v46;
	v49 =	vmul.f32 v63, v48;
	v39 =	vld [tilespmem:s9+$0xFFFFFFA0]  }
0x462: {  	v21 =	vadd.s32 v1, v7;
	v31 =	vmul.f32 v31, v51;
	v42 =	vmul.f32 $1.442695020e+00, v42  }
0x463: {  	v28 =	vmul.f32 v34, v28;
	v37 =	vmul.f32 v50, v52;
	v38 =	vadd.f32 $2.852726880e-01, v49  }
0x464: {  	v31 =	vadd.f32 $-4.902307090e-01, v31;
	v54 =	vand.u32 $0x7FFFFFFF, v47;
	(erf) = vpow2.f32 v42  }
0x465: {  	v37 =	vadd.f32 $-4.902307090e-01, v37;
	v55 =	vand.u32 $0x7FFFFFFF, v40;
	v43 =	vsub.f32 $0.0e+00, v54  }
0x466: {  	v38 =	vmul.f32 v38, v48;
	v44 =	vsub.f32 $0.0e+00, v55;
	v56 =	vand.u32 $0x7FFFFFFF, v39  }
0x467: {  	v31 =	vmul.f32 v31, v51;
	v45 =	vsub.f32 $0.0e+00, v56;
	v57 =	vmul.f32 $1.442695020e+00, v43  }
0x468: {  	v37 =	vmul.f32 v37, v52;
	v38 =	vadd.f32 $-4.902307090e-01, v38;
	v58 =	vmul.f32 $1.442695020e+00, v44  }
0x469: {  	v31 =	vadd.f32 $9.992355100e-01, v31;
	v45 =	vmul.f32 $1.442695020e+00, v45;
	(erf) = vpow2.f32 v57  }
0x46a: {  	v34 =	vadd.s32 v1, v8;
	v38 =	vmul.f32 v38, v48;
	(erf) = vpow2.f32 v58  }
0x46b: {  	v35 =	vadd.f32 $9.992355100e-01, v35;
	v31 =	vmul.f32 v31, v51;
	v59 =	vpop (erf);
	(erf) = vpow2.f32 v45  }
0x46c: {  	v28 =	vadd.f32 $9.975032300e-06, v28;
	v38 =	vadd.f32 $9.992355100e-01, v38;
	v60 =	vmul.f32 $3.044900480e-02, v59  }
0x46d: {  	v25 =	vmul.f32 v35, v25;
	v37 =	vadd.f32 $9.992355100e-01, v37;
	v31 =	vadd.f32 $9.975032300e-06, v31;
	v62 =	vpop (erf)  }
0x46e: {  	v38 =	vmul.f32 v38, v48;
	v61 =	vadd.f32 $-1.315818280e-01, v60;
	v63 =	vmul.f32 $3.044900480e-02, v62  }
0x46f: {  	v25 =	vadd.f32 $9.975032300e-06, v25;
	v37 =	vmul.f32 v37, v52;
	v27 =	vadd.f32 v31, v27  }
0x470: {  	v31 =	vadd.f32 $9.975032300e-06, v38;
	v42 =	vmul.f32 v61, v59;
	v48 =	vadd.f32 $-1.315818280e-01, v63  }
0x471: {  	v32 =	vmax.f32 v32, $0.0e+00;
	v33 =	vmax.f32 v33, $0.0e+00;
	v37 =	vadd.f32 $9.975032300e-06, v37  }
0x472: {  	v26 =	vadd.f32 v31, v26;
	v42 =	vadd.f32 $2.852726880e-01, v42;
	v49 =	vpop (erf);
	v31 =	vmul.f32 v48, v62  }
0x473: {  	v41 =	vmax.f32 v47, $0.0e+00;
	v24 =	vadd.f32 v37, v24;
	[tilespmem:v23+s26+$0x0] =	vst.idx.msk $0xffff, v27;
	v50 =	vmul.f32 $3.044900480e-02, v49;
	v51 =	vpop (erf)  }
0x474: {  	v55 =	vld [tilespmem:s10+$0xFFFFFF40];
	v42 =	vmul.f32 v42, v59;
	v52 =	vpop (erf);
	v27 =	vmul.f32 $3.044900480e-02, v51;
	v31 =	vadd.f32 $2.852726880e-01, v31  }
0x475: {  	v40 =	vmax.f32 v40, $0.0e+00;
	v23 =	vadd.f32 $-1.315818280e-01, v50;
	v54 =	vmul.f32 $3.044900480e-02, v52  }
0x476: {  	[tilespmem:v30+s26+$0x0] =	vst.idx.msk $0xffff, v24;
	v42 =	vadd.f32 $-4.902307090e-01, v42;
	v27 =	vadd.f32 $-1.315818280e-01, v27;
	v24 =	vmul.f32 v31, v62  }
0x477: {  	[tilespmem:v29+s26+$0x0] =	vst.idx.msk $0xffff, v26;
	v26 =	vadd.f32 $9.992355100e-01, v36;
	v23 =	vmul.f32 v23, v49;
	v56 =	vadd.f32 $-1.315818280e-01, v54  }
0x478: {  	v53 =	vmul.f32 v42, v59;
	v27 =	vmul.f32 v27, v51;
	v24 =	vadd.f32 $-4.902307090e-01, v24  }
0x479: {  	v58 =	vand.u32 $0x7FFFFFFF, v55;
	v29 =	vmul.f32 v56, v52;
	v23 =	vadd.f32 $2.852726880e-01, v23  }
0x47a: {  	v38 =	vadd.f32 $9.992355100e-01, v53;
	v27 =	vadd.f32 $2.852726880e-01, v27;
	v24 =	vmul.f32 v24, v62  }
0x47b: {  	v57 =	vld [tilespmem:s10+$0xFFFFFFC0];
	v22 =	vmul.f32 v26, v22;
	v29 =	vadd.f32 $2.852726880e-01, v29;
	v23 =	vmul.f32 v23, v49  }
0x47c: {  	v30 =	vmul.f32 v38, v59;
	v27 =	vmul.f32 v27, v51;
	v24 =	vadd.f32 $9.992355100e-01, v24  }
0x47d: {  	v36 =	vsub.f32 $0.0e+00, v58;
	v31 =	vld [tilespmem:s10+$0xFFFFFF80];
	v29 =	vmul.f32 v29, v52;
	v23 =	vadd.f32 $-4.902307090e-01, v23  }
0x47e: {  	v30 =	vadd.f32 $9.975032300e-06, v30;
	v27 =	vadd.f32 $-4.902307090e-01, v27;
	v24 =	vmul.f32 v24, v62  }
0x47f: {  	v26 =	vadd.f32 $-4.902307090e-01, v29;
	v23 =	vmul.f32 v23, v49;
	v29 =	vadd.s32 v1, v10  }
0x480: {  	v60 =	vand.u32 $0x7FFFFFFF, v57;
	v27 =	vmul.f32 v27, v51;
	v24 =	vadd.f32 $9.975032300e-06, v24  }
0x481: {  	v30 =	vadd.f32 v30, v32;
	v26 =	vmul.f32 v26, v52;
	v23 =	vadd.f32 $9.992355100e-01, v23  }
0x482: {  	v59 =	vand.u32 $0x7FFFFFFF, v31;
	v27 =	vadd.f32 $9.992355100e-01, v27;
	v24 =	vadd.f32 v24, v33  }
0x483: {  	v32 =	vsub.f32 $0.0e+00, v59;
	v26 =	vadd.f32 $9.992355100e-01, v26;
	v23 =	vmul.f32 v23, v49  }
0x484: {  	v61 =	vmul.f32 $1.442695020e+00, v36;
	v62 =	vsub.f32 $0.0e+00, v60;
	v27 =	vmul.f32 v27, v51;
	[tilespmem:v29+s26+$0x0] =	vst.idx.msk $0xffff, v24  }
0x485: {  	v26 =	vmul.f32 v26, v52;
	v23 =	vadd.f32 $9.975032300e-06, v23;
	v29 =	vmul.f32 $1.442695020e+00, v32;
	v24 =	vld [tilespmem:s9+$0xFFFFFFF0]  }
0x486: {  	(erf) = vpow2.f32 v61;
	v63 =	vmul.f32 $1.442695020e+00, v62;
	v27 =	vadd.f32 $9.975032300e-06, v27  }
0x487: {  	[tilespmem:v13+s26+$0x0] =	vst.idx.msk $0xffff, v14;
	v26 =	vadd.f32 $9.975032300e-06, v26;
	v13 =	vadd.f32 v23, v41;
	(erf) = vpow2.f32 v29  }
0x488: {  	v39 =	vmax.f32 v39, $0.0e+00;
	[tilespmem:v12+s26+$0x0] =	vst.idx.msk $0xffff, v30;
	v23 =	vadd.f32 v27, v40;
	(erf) = vpow2.f32 v63  }
0x489: {  	v14 =	vmax.f32 v55, $0.0e+00;
	v22 =	vadd.f32 $9.975032300e-06, v22;
	v27 =	vadd.f32 v26, v39;
	[tilespmem:v19+s26+$0x0] =	vst.idx.msk $0xffff, v13  }
0x48a: {  	v12 =	vmax.f32 v57, $0.0e+00;
	v26 =	vld [tilespmem:s9+$0xFFFFFF30];
	[tilespmem:v21+s26+$0x0] =	vst.idx.msk $0xffff, v23;
	v21 =	vadd.f32 v28, v16;
	v19 =	vand.u32 $0x7FFFFFFF, v24  }
0x48b: {  	s11 =	simm.s32 $0xC;
	s13 =	simm.s32 $0xD;
	v13 =	vmax.f32 v31, $0.0e+00;
	v23 =	vadd.f32 v25, v17;
	v29 =	vld [tilespmem:s9+$0xFFFFFF70];
	[tilespmem:v34+s26+$0x0] =	vst.idx.msk $0xffff, v27;
	v19 =	vsub.f32 $0.0e+00, v19  }
0x48c: {  	s10 =	simm.s32 $0x87F0;
	v31 =	vmov s13;
	v17 =	vmov s11;
	v16 =	vadd.f32 v22, v15;
	v28 =	vld [tilespmem:s9+$0xFFFFFFB0];
	[tilespmem:v18+s26+$0x0] =	vst.idx.msk $0xffff, v21  }
0x48d: {  	s12 =	simm.s32 $0x10;
	s13 =	simm.s32 $0xE;
	v25 =	vld [tilespmem:s10+$0xFFFFFFD0];
	v15 =	vand.u32 $0x7C, v17;
	v17 =	vadd.s32 v2, v6;
	[tilespmem:v20+s26+$0x0] =	vst.idx.msk $0xffff, v23;
	v21 =	vmul.f32 $1.442695020e+00, v19  }
.LBB2_5:
0x48e: {  	p0 =	slt.u32 s12, $0x7C;
	v20 =	vld [tilespmem:s10+$0xFFFFFF10];
	v30 =	vadd.s32 v0, v15;
	v19 =	vadd.s32 v1, v15;
	v32 =	vmov s13;
	[tilespmem:v9+s26+$0x0] =	vst.idx.msk $0xffff, v16;
	v18 =	vmovc v6  }
0x48f: {  	v9 =	vld [tilespmem:s10+$0xFFFFFF50];
	v6 =	vand.u32 $0x7FFFFFFF, v26;
	v26 =	vmax.f32 v26, $0.0e+00;
	(erf) = vpow2.f32 v21;
	v27 =	vpop (erf)  }
0x490: {  	v33 =	vld [tilespmem:s10+$0xFFFFFF90];
	v37 =	vsub.f32 $0.0e+00, v6;
	v35 =	vand.u32 $0x7FFFFFFF, v29;
	v22 =	vmax.f32 v29, $0.0e+00;
	v21 =	vpop (erf)  }
0x491: {  	v29 =	vsub.f32 $0.0e+00, v35;
	v34 =	vand.u32 $0x7FFFFFFF, v28;
	v23 =	vmax.f32 v28, $0.0e+00;
	v16 =	vpop (erf)  }
0x492: {  	v28 =	vand.u32 $0x7FFFFFFF, v25;
	v36 =	vmul.f32 $1.442695020e+00, v37;
	v34 =	vsub.f32 $0.0e+00, v34;
	v6 =	vmovc v15  }
0x493: {  	v15 =	vand.u32 $0x7FFFFFFF, v20;
	v35 =	vmax.f32 v20, $0.0e+00;
	v20 =	vsub.f32 $0.0e+00, v28  }
0x494: {  	v15 =	vsub.f32 $0.0e+00, v15;
	v28 =	vand.u32 $0x7FFFFFFF, v9;
	v37 =	vmax.f32 v9, $0.0e+00  }
0x495: {  	v9 =	vsub.f32 $0.0e+00, v28;
	v28 =	vand.u32 $0x7FFFFFFF, v33;
	v20 =	vmul.f32 $1.442695020e+00, v20  }
0x496: {  	v38 =	vmax.f32 v33, $0.0e+00;
	v15 =	vmul.f32 $1.442695020e+00, v15;
	v28 =	vsub.f32 $0.0e+00, v28  }
0x497: {  	v31 =	vand.u32 $0x7D, v31;
	v9 =	vmul.f32 $1.442695020e+00, v9;
	(erf) = vpow2.f32 v20  }
0x498: {  	v32 =	vand.u32 $0x7E, v32;
	v28 =	vmul.f32 $1.442695020e+00, v28;
	(erf) = vpow2.f32 v15;
	v39 =	vpop (erf)  }
0x499: {  	v20 =	vadd.s32 v3, v5;
	v5 =	vmovc v7;
	v7 =	vmovc v31;
	(erf) = vpow2.f32 v9;
	v15 =	vmul.f32 $3.044900480e-02, v39  }
0x49a: {  	v29 =	vmul.f32 $1.442695020e+00, v29;
	v9 =	vadd.s32 v3, v4;
	v4 =	vmovc v8;
	v8 =	vmovc v32;
	(erf) = vpow2.f32 v28  }
0x49b: {  	v31 =	vmul.f32 $1.442695020e+00, v34;
	v15 =	vadd.f32 $-1.315818280e-01, v15;
	(erf) = vpow2.f32 v36  }
0x49c: {  	v32 =	vmul.f32 $3.044900480e-02, v27;
	v28 =	vadd.s32 v2, v5;
	(erf) = vpow2.f32 v29  }
0x49d: {  	v29 =	vadd.s32 v2, v4;
	v33 =	vmul.f32 v15, v39;
	(erf) = vpow2.f32 v31  }
0x49e: {  	v34 =	vmul.f32 $3.044900480e-02, v16;
	v31 =	vadd.f32 $-1.315818280e-01, v32;
	v32 =	vmul.f32 $3.044900480e-02, v21  }
0x49f: {  	v40 =	vadd.s32 v0, v7;
	v15 =	vadd.s32 v1, v7;
	v33 =	vadd.f32 $2.852726880e-01, v33  }
0x4a0: {  	v34 =	vadd.f32 $-1.315818280e-01, v34;
	v31 =	vmul.f32 v31, v27;
	v32 =	vadd.f32 $-1.315818280e-01, v32;
	v41 =	vpop (erf)  }
0x4a1: {  	v42 =	vadd.s32 v0, v8;
	v36 =	vmul.f32 $3.044900480e-02, v41;
	v43 =	vpop (erf);
	v50 =	vmul.f32 v33, v39  }
0x4a2: {  	v46 =	vadd.f32 $2.852726880e-01, v31;
	v47 =	vmul.f32 v32, v21;
	v44 =	vmul.f32 $3.044900480e-02, v43;
	v45 =	vpop (erf)  }
0x4a3: {  	v31 =	vmul.f32 $3.044900480e-02, v45;
	v32 =	vadd.f32 $-1.315818280e-01, v36;
	v48 =	vpop (erf);
	v52 =	vadd.f32 $-4.902307090e-01, v50  }
0x4a4: {  	v50 =	vmul.f32 v34, v16;
	v44 =	vadd.f32 $-1.315818280e-01, v44;
	v49 =	vmul.f32 $3.044900480e-02, v48;
	v33 =	vpop (erf)  }
0x4a5: {  	v31 =	vadd.f32 $-1.315818280e-01, v31;
	v32 =	vmul.f32 v32, v41;
	v51 =	vmul.f32 v52, v39;
	v36 =	vpop (erf)  }
0x4a6: {  	v52 =	vmul.f32 $3.044900480e-02, v33;
	v44 =	vmul.f32 v44, v43;
	v49 =	vadd.f32 $-1.315818280e-01, v49;
	v34 =	vpop (erf)  }
0x4a7: {  	v31 =	vmul.f32 v31, v45;
	v32 =	vadd.f32 $2.852726880e-01, v32;
	v51 =	vadd.f32 $9.992355100e-01, v51  }
0x4a8: {  	v53 =	vmul.f32 $3.044900480e-02, v36;
	v44 =	vadd.f32 $2.852726880e-01, v44;
	v49 =	vmul.f32 v49, v48  }
0x4a9: {  	v31 =	vadd.f32 $2.852726880e-01, v31;
	v32 =	vmul.f32 v32, v41;
	v39 =	vmul.f32 v51, v39  }
0x4aa: {  	v51 =	vadd.s32 v2, v10;
	v44 =	vmul.f32 v44, v43;
	v49 =	vadd.f32 $2.852726880e-01, v49  }
0x4ab: {  	v31 =	vmul.f32 v31, v45;
	v32 =	vadd.f32 $-4.902307090e-01, v32;
	v39 =	vadd.f32 $9.975032300e-06, v39  }
0x4ac: {  	v24 =	vmax.f32 v24, $0.0e+00;
	v44 =	vadd.f32 $-4.902307090e-01, v44;
	v49 =	vmul.f32 v49, v48  }
0x4ad: {  	v31 =	vadd.f32 $-4.902307090e-01, v31;
	v32 =	vmul.f32 v32, v41;
	v24 =	vadd.f32 v39, v24  }
0x4ae: {  	v39 =	vmul.f32 v44, v43;
	v44 =	vadd.f32 $-4.902307090e-01, v49;
	v49 =	vmul.f32 $3.044900480e-02, v34  }
0x4af: {  	s13 =	sadd.s32 $0x3, s11;
	s11 =	smov.u32 s12;
	v52 =	vadd.f32 $-1.315818280e-01, v52;
	v54 =	vmul.f32 v31, v45;
	v32 =	vadd.f32 $9.992355100e-01, v32;
	[tilespmem:v51+s26+$0x0] =	vst.idx.msk $0xffff, v24  }
0x4b0: {  	v24 =	vadd.f32 $9.992355100e-01, v39;
	v39 =	vmul.f32 v44, v48;
	v44 =	vmov s13;
	v31 =	vld [tilespmem:s9+$0x0]  }
0x4b1: {  	v51 =	vadd.f32 $9.992355100e-01, v54;
	v41 =	vmul.f32 v32, v41;
	v32 =	vand.u32 $0x7F, v44  }
0x4b2: {  	v24 =	vmul.f32 v24, v43;
	v39 =	vadd.f32 $9.992355100e-01, v39;
	v43 =	vadd.s32 v0, v32  }
0x4b3: {  	v44 =	vmul.f32 v51, v45;
	v41 =	vadd.f32 $9.975032300e-06, v41;
	v45 =	vadd.f32 $-1.315818280e-01, v53  }
0x4b4: {  	v25 =	vmax.f32 v25, $0.0e+00;
	v24 =	vadd.f32 $9.975032300e-06, v24;
	v39 =	vmul.f32 v39, v48  }
0x4b5: {  	v44 =	vadd.f32 $9.975032300e-06, v44;
	v25 =	vadd.f32 v41, v25;
	v41 =	vand.u32 $0x7FFFFFFF, v31  }
0x4b6: {  	v48 =	vmul.f32 v52, v33;
	v39 =	vadd.f32 $9.975032300e-06, v39;
	v41 =	vsub.f32 $0.0e+00, v41  }
0x4b7: {  	v35 =	vadd.f32 v24, v35;
	v37 =	vadd.f32 v44, v37;
	[tilespmem:v43+s26+$0x0] =	vst.idx.msk $0xffff, v25  }
0x4b8: {  	v25 =	vadd.f32 v39, v38;
	v24 =	vld [tilespmem:s10+$0xFFFFFFE0];
	v38 =	vadd.f32 $-1.315818280e-01, v49;
	v39 =	vmul.f32 $1.442695020e+00, v41  }
0x4b9: {  	v41 =	vadd.f32 $2.852726880e-01, v47;
	[tilespmem:v30+s26+$0x0] =	vst.idx.msk $0xffff, v35;
	v30 =	vadd.f32 $2.852726880e-01, v48;
	v35 =	vmul.f32 v45, v36  }
0x4ba: {  	v43 =	vld [tilespmem:s10+$0xFFFFFF20];
	[tilespmem:v40+s26+$0x0] =	vst.idx.msk $0xffff, v37;
	v37 =	vmul.f32 v38, v34;
	(erf) = vpow2.f32 v39;
	v38 =	vadd.f32 $2.852726880e-01, v50  }
0x4bb: {  	v39 =	vld [tilespmem:s10+$0xFFFFFF60];
	[tilespmem:v42+s26+$0x0] =	vst.idx.msk $0xffff, v25;
	v25 =	vmul.f32 v30, v33;
	v30 =	vadd.f32 $2.852726880e-01, v35;
	v35 =	vmul.f32 v46, v27  }
0x4bc: {  	v41 =	vmul.f32 v41, v21;
	v40 =	vld [tilespmem:s10+$0xFFFFFFA0];
	v37 =	vadd.f32 $2.852726880e-01, v37;
	v38 =	vmul.f32 v38, v16  }
0x4bd: {  	v42 =	vand.u32 $0x7FFFFFFF, v24;
	v44 =	vadd.f32 $-4.902307090e-01, v25;
	v30 =	vmul.f32 v30, v36  }
0x4be: {  	v45 =	vadd.f32 $-4.902307090e-01, v35;
	v42 =	vsub.f32 $0.0e+00, v42;
	v37 =	vmul.f32 v37, v34  }
0x4bf: {  	v35 =	vand.u32 $0x7FFFFFFF, v43;
	v25 =	vmax.f32 v43, $0.0e+00;
	v43 =	vadd.f32 $-4.902307090e-01, v30  }
0x4c0: {  	v35 =	vsub.f32 $0.0e+00, v35;
	v30 =	vand.u32 $0x7FFFFFFF, v39;
	v42 =	vmul.f32 $1.442695020e+00, v42  }
0x4c1: {  	v46 =	vsub.f32 $0.0e+00, v30;
	v30 =	vmax.f32 v39, $0.0e+00;
	v39 =	vand.u32 $0x7FFFFFFF, v40  }
0x4c2: {  	v47 =	vmul.f32 $1.442695020e+00, v35;
	v39 =	vsub.f32 $0.0e+00, v39;
	(erf) = vpow2.f32 v42  }
0x4c3: {  	v37 =	vadd.f32 $-4.902307090e-01, v37;
	v35 =	vmax.f32 v40, $0.0e+00;
	v42 =	vmul.f32 $1.442695020e+00, v46;
	v40 =	vpop (erf)  }
0x4c4: {  	v41 =	vadd.f32 $-4.902307090e-01, v41;
	v39 =	vmul.f32 $1.442695020e+00, v39;
	v46 =	vmul.f32 $3.044900480e-02, v40  }
0x4c5: {  	v38 =	vadd.f32 $-4.902307090e-01, v38;
	v44 =	vmul.f32 v44, v33;
	(erf) = vpow2.f32 v47  }
0x4c6: {  	(erf) = vpow2.f32 v42;
	v42 =	vmul.f32 v43, v36;
	v43 =	vadd.f32 $-1.315818280e-01, v46  }
0x4c7: {  	v37 =	vmul.f32 v37, v34;
	(erf) = vpow2.f32 v39;
	v39 =	vadd.f32 $9.992355100e-01, v44  }
0x4c8: {  	v44 =	vmul.f32 v45, v27;
	v46 =	vadd.f32 $9.992355100e-01, v42;
	v43 =	vmul.f32 v43, v40  }
0x4c9: {  	v37 =	vadd.f32 $9.992355100e-01, v37;
	v33 =	vmul.f32 v39, v33;
	v39 =	vmul.f32 v41, v21  }
0x4ca: {  	v38 =	vmul.f32 v38, v16;
	v36 =	vmul.f32 v46, v36;
	v41 =	vadd.f32 $2.852726880e-01, v43  }
0x4cb: {  	v34 =	vmul.f32 v37, v34;
	v37 =	vadd.f32 $9.992355100e-01, v44;
	v42 =	vpop (erf);
	v33 =	vadd.f32 $9.975032300e-06, v33  }
0x4cc: {  	v44 =	vmul.f32 $3.044900480e-02, v42;
	v36 =	vadd.f32 $9.975032300e-06, v36;
	v41 =	vmul.f32 v41, v40  }
0x4cd: {  	v27 =	vmul.f32 v37, v27;
	v46 =	vadd.f32 v33, v26;
	v33 =	vadd.f32 $9.975032300e-06, v34  }
0x4ce: {  	v34 =	vadd.s32 v1, v8;
	v37 =	vadd.f32 $-1.315818280e-01, v44;
	v43 =	vpop (erf);
	v41 =	vadd.f32 $-4.902307090e-01, v41  }
0x4cf: {  	v44 =	vmul.f32 $3.044900480e-02, v43;
	v45 =	vpop (erf);
	[tilespmem:v17+s26+$0x0] =	vst.idx.msk $0xffff, v46;
	v17 =	vadd.f32 v36, v22;
	v22 =	vadd.f32 v33, v23  }
0x4d0: {  	v23 =	vmul.f32 v37, v42;
	v26 =	vpop (erf);
	v33 =	vld [tilespmem:s9+$0xFFFFFF40];
	v36 =	vmul.f32 v41, v40;
	v37 =	vadd.f32 $9.992355100e-01, v39  }
0x4d1: {  	v41 =	vmul.f32 $3.044900480e-02, v45;
	v39 =	vadd.f32 $-1.315818280e-01, v44;
	v44 =	vmul.f32 $3.044900480e-02, v26;
	[tilespmem:v28+s26+$0x0] =	vst.idx.msk $0xffff, v17  }
0x4d2: {  	v17 =	vadd.f32 $2.852726880e-01, v23;
	v23 =	vld [tilespmem:s9+$0xFFFFFF80];
	[tilespmem:v29+s26+$0x0] =	vst.idx.msk $0xffff, v22;
	v22 =	vadd.f32 $9.992355100e-01, v36;
	v21 =	vmul.f32 v37, v21  }
0x4d3: {  	v29 =	vadd.f32 $-1.315818280e-01, v41;
	v28 =	vmul.f32 v39, v43;
	v36 =	vadd.f32 $-1.315818280e-01, v44;
	v37 =	vld [tilespmem:s9+$0xFFFFFFC0];
	s9 =	smov.u32 s10  }
0x4d4: {  	v38 =	vadd.f32 $9.992355100e-01, v38;
	v17 =	vmul.f32 v17, v42;
	v22 =	vmul.f32 v22, v40  }
0x4d5: {  	v39 =	vadd.s32 v3, v10;
	v10 =	vmovc v32;
	v29 =	vmul.f32 v29, v45;
	v36 =	vmul.f32 v36, v26  }
0x4d6: {  	v32 =	vand.u32 $0x7FFFFFFF, v33;
	v17 =	vadd.f32 $-4.902307090e-01, v17;
	v22 =	vadd.f32 $9.975032300e-06, v22  }
0x4d7: {  	v31 =	vmax.f32 v31, $0.0e+00;
	v28 =	vadd.f32 $2.852726880e-01, v28;
	v29 =	vadd.f32 $2.852726880e-01, v29  }
0x4d8: {  	v36 =	vadd.f32 $2.852726880e-01, v36;
	v17 =	vmul.f32 v17, v42;
	v22 =	vadd.f32 v22, v31  }
0x4d9: {  	v28 =	vmul.f32 v28, v43;
	v29 =	vmul.f32 v29, v45;
	v31 =	vand.u32 $0x7FFFFFFF, v23  }
0x4da: {  	v40 =	vand.u32 $0x7FFFFFFF, v37;
	v36 =	vmul.f32 v36, v26;
	v17 =	vadd.f32 $9.992355100e-01, v17;
	[tilespmem:v39+s26+$0x0] =	vst.idx.msk $0xffff, v22  }
0x4db: {  	v16 =	vmul.f32 v38, v16;
	v22 =	vadd.f32 $-4.902307090e-01, v28;
	v28 =	vadd.f32 $-4.902307090e-01, v29  }
0x4dc: {  	v32 =	vsub.f32 $0.0e+00, v32;
	v29 =	vadd.f32 $-4.902307090e-01, v36;
	v17 =	vmul.f32 v17, v42  }
0x4dd: {  	v36 =	vadd.s32 v1, v10;
	v22 =	vmul.f32 v22, v43;
	v28 =	vmul.f32 v28, v45  }
0x4de: {  	v31 =	vsub.f32 $0.0e+00, v31;
	v29 =	vmul.f32 v29, v26;
	v17 =	vadd.f32 $9.975032300e-06, v17  }
0x4df: {  	v24 =	vmax.f32 v24, $0.0e+00;
	v22 =	vadd.f32 $9.992355100e-01, v22;
	v28 =	vadd.f32 $9.992355100e-01, v28  }
0x4e0: {  	v32 =	vmul.f32 $1.442695020e+00, v32;
	v29 =	vadd.f32 $9.992355100e-01, v29;
	v17 =	vadd.f32 v17, v24  }
0x4e1: {  	v22 =	vmul.f32 v22, v43;
	v24 =	vmul.f32 v28, v45;
	v28 =	vsub.f32 $0.0e+00, v40  }
0x4e2: {  	v27 =	vadd.f32 $9.975032300e-06, v27;
	v26 =	vmul.f32 v29, v26;
	[tilespmem:v36+s26+$0x0] =	vst.idx.msk $0xffff, v17;
	v17 =	vmul.f32 $1.442695020e+00, v31  }
0x4e3: {  	v22 =	vadd.f32 $9.975032300e-06, v22;
	v29 =	vadd.f32 $9.975032300e-06, v24;
	v28 =	vmul.f32 $1.442695020e+00, v28;
	v24 =	vld [tilespmem:s10+$0xFFFFFFF0]  }
0x4e4: {  	v21 =	vadd.f32 $9.975032300e-06, v21;
	v26 =	vadd.f32 $9.975032300e-06, v26;
	(erf) = vpow2.f32 v32  }
0x4e5: {  	v22 =	vadd.f32 v22, v25;
	v25 =	vadd.f32 v29, v30;
	(erf) = vpow2.f32 v17  }
0x4e6: {  	v16 =	vadd.f32 $9.975032300e-06, v16;
	v17 =	vadd.f32 v26, v35;
	(erf) = vpow2.f32 v28  }
.Ltmp1:
0x4e7: {  	[tilespmem:v19+s26+$0x0] =	vst.idx.msk $0xffff, v22;
	v19 =	vmax.f32 v33, $0.0e+00;
	v22 =	vmax.f32 v23, $0.0e+00;
	v23 =	vmax.f32 v37, $0.0e+00;
	(pc) =	sbr.rel @p0 .LBB2_5-.Ltmp1, $4  }
0x4e8: {  	v26 =	vld [tilespmem:s10+$0xFFFFFF30];
	[tilespmem:v15+s26+$0x0] =	vst.idx.msk $0xffff, v25;
	v15 =	vand.u32 $0x7FFFFFFF, v24;
	v25 =	vadd.f32 v27, v14;
	v27 =	vadd.f32 v21, v13  }
0x4e9: {  	s13 =	sadd.s32 $0x1, s12;
	v16 =	vadd.f32 v16, v12;
	v21 =	vmov s12;
	v14 =	vmovc v19;
	v13 =	vmovc v22;
	v29 =	vld [tilespmem:s10+$0xFFFFFF70];
	[tilespmem:v34+s26+$0x0] =	vst.idx.msk $0xffff, v17;
	v30 =	vsub.f32 $0.0e+00, v15  }
0x4ea: {  	v31 =	vmov s13;
	v12 =	vmov v23;
	v15 =	vand.u32 $0x7C, v21;
	s10 =	sadd.s32 $0x100, s10;
	v28 =	vld [tilespmem:s9+$0xFFFFFFB0];
	[tilespmem:v11+s26+$0x0] =	vst.idx.msk $0xffff, v25  }
0x4eb: {  	s13 =	sadd.s32 $0x2, s11;
	s12 =	sadd.s32 $0x4, s12;
	v17 =	vadd.s32 v2, v6;
	v11 =	vadd.s32 v3, v18;
	v25 =	vld [tilespmem:s10+$0xFFFFFFD0];
	v21 =	vmul.f32 $1.442695020e+00, v30;
	[tilespmem:v20+s26+$0x0] =	vst.idx.msk $0xffff, v27  }
0x4ec: {  	_ =	sdelay $0x3  }
0x4ed: {  	v18 =	vand.u32 $0x7FFFFFFF, v25  }
0x4ee: {  	v19 =	vld [tilespmem:s10+$0xFFFFFF10];
	(erf) = vpow2.f32 v21;
	v18 =	vsub.f32 $0.0e+00, v18  }
0x4ef: {  	v27 =	vld [tilespmem:s10+$0xFFFFFF50]  }
0x4f0: {  	v18 =	vmul.f32 $1.442695020e+00, v18  }
0x4f1: {  	v30 =	vld [tilespmem:s10+$0xFFFFFF90]  }
0x4f2: {  	(erf) = vpow2.f32 v18  }
0x4f3: {  	v53 =	vand.u32 $0x7FFFFFFF, v19  }
0x4f4: {  	v22 =	vpop (erf);
	v20 =	vand.u32 $0x7FFFFFFF, v27;
	v18 =	vsub.f32 $0.0e+00, v53  }
0x4f5: {  	v23 =	vpop (erf);
	v20 =	vsub.f32 $0.0e+00, v20  }
0x4f6: {  	v21 =	vpop (erf);
	v54 =	vand.u32 $0x7FFFFFFF, v30;
	v18 =	vmul.f32 $1.442695020e+00, v18  }
0x4f7: {  	v32 =	vsub.f32 $0.0e+00, v54;
	v20 =	vmul.f32 $1.442695020e+00, v20;
	v56 =	vpop (erf)  }
0x4f8: {  	v57 =	vmul.f32 $3.044900480e-02, v56;
	(erf) = vpow2.f32 v18  }
0x4f9: {  	v55 =	vmul.f32 $1.442695020e+00, v32;
	(erf) = vpow2.f32 v20  }
0x4fa: {  	v20 =	vadd.f32 $-1.315818280e-01, v57  }
0x4fb: {  	(erf) = vpow2.f32 v55;
	v58 =	vpop (erf)  }
0x4fc: {  	v20 =	vmul.f32 v20, v56;
	v33 =	vmul.f32 $3.044900480e-02, v58  }
0x4fd: {  	v34 =	vmov s13  }
0x4fe: {  	s11 =	sadd.s32 $0x3, s11;
	v61 =	vadd.s32 v2, v10;
	v20 =	vadd.f32 $2.852726880e-01, v20;
	v33 =	vadd.f32 $-1.315818280e-01, v33  }
0x4ff: {  	v24 =	vmax.f32 v24, $0.0e+00;
	v35 =	vmov s11;
	v36 =	vand.u32 $0x7FFFFFFF, v26  }
0x500: {  	v38 =	vand.u32 $0x7FFFFFFF, v29;
	v20 =	vmul.f32 v20, v56;
	v33 =	vmul.f32 v33, v58  }
0x501: {  	v36 =	vsub.f32 $0.0e+00, v36;
	v38 =	vsub.f32 $0.0e+00, v38;
	v42 =	vand.u32 $0x7FFFFFFF, v28;
	v39 =	vpop (erf)  }
0x502: {  	v20 =	vadd.f32 $-4.902307090e-01, v20;
	v40 =	vmul.f32 $3.044900480e-02, v39;
	v41 =	vpop (erf);
	v33 =	vadd.f32 $2.852726880e-01, v33  }
0x503: {  	v36 =	vmul.f32 $1.442695020e+00, v36;
	v42 =	vsub.f32 $0.0e+00, v42;
	v43 =	vmul.f32 $3.044900480e-02, v41  }
0x504: {  	v44 =	vpop (erf);
	v20 =	vmul.f32 v20, v56;
	v40 =	vadd.f32 $-1.315818280e-01, v40;
	v33 =	vmul.f32 v33, v58  }
0x505: {  	v46 =	vmax.f32 v19, $0.0e+00;
	v45 =	vmul.f32 $3.044900480e-02, v44;
	v43 =	vadd.f32 $-1.315818280e-01, v43  }
0x506: {  	v20 =	vadd.f32 $9.992355100e-01, v20;
	v40 =	vmul.f32 v40, v39;
	v33 =	vadd.f32 $-4.902307090e-01, v33  }
0x507: {  	v38 =	vmul.f32 $1.442695020e+00, v38;
	v45 =	vadd.f32 $-1.315818280e-01, v45;
	v43 =	vmul.f32 v43, v41  }
0x508: {  	v20 =	vmul.f32 v20, v56;
	v40 =	vadd.f32 $2.852726880e-01, v40;
	v33 =	vmul.f32 v33, v58  }
0x509: {  	v47 =	vmax.f32 v27, $0.0e+00;
	v59 =	vmul.f32 v45, v44;
	v43 =	vadd.f32 $2.852726880e-01, v43  }
0x50a: {  	v62 =	vadd.f32 $9.975032300e-06, v20;
	v60 =	vmul.f32 v40, v39;
	v33 =	vadd.f32 $9.992355100e-01, v33  }
0x50b: {  	v20 =	vand.u32 $0x7F, v35;
	v19 =	vadd.f32 $2.852726880e-01, v59;
	v43 =	vmul.f32 v43, v41  }
0x50c: {  	v24 =	vadd.f32 v62, v24;
	v32 =	vadd.f32 $-4.902307090e-01, v60;
	v18 =	vmul.f32 v33, v58  }
0x50d: {  	v63 =	vadd.s32 v0, v20;
	v19 =	vmul.f32 v19, v44;
	v43 =	vadd.f32 $-4.902307090e-01, v43  }
0x50e: {  	(erf) = vpow2.f32 v36;
	[tilespmem:v61+s26+$0x0] =	vst.idx.msk $0xffff, v24;
	v32 =	vmul.f32 v32, v39;
	v18 =	vadd.f32 $9.975032300e-06, v18  }
0x50f: {  	v45 =	vmax.f32 v25, $0.0e+00;
	v19 =	vadd.f32 $-4.902307090e-01, v19;
	v24 =	vld [tilespmem:s9+$0x0];
	v48 =	vmul.f32 v43, v41  }
0x510: {  	v49 =	vmul.f32 $1.442695020e+00, v42;
	v32 =	vadd.f32 $9.992355100e-01, v32;
	v18 =	vadd.f32 v18, v45  }
0x511: {  	(erf) = vpow2.f32 v38;
	v19 =	vmul.f32 v19, v44;
	v27 =	vadd.f32 $9.992355100e-01, v48  }
0x512: {  	v37 =	vadd.s32 v0, v15;
	(erf) = vpow2.f32 v49;
	v51 =	vmul.f32 v32, v39;
	[tilespmem:v63+s26+$0x0] =	vst.idx.msk $0xffff, v18  }
0x513: {  	v50 =	vadd.f32 $9.992355100e-01, v19;
	v19 =	vand.u32 $0x7D, v31;
	v27 =	vmul.f32 v27, v41;
	v36 =	vld [tilespmem:s10+$0xFFFFFFE0]  }
0x514: {  	v53 =	vadd.s32 v0, v19;
	v54 =	vand.u32 $0x7FFFFFFF, v24;
	v31 =	vadd.f32 $9.975032300e-06, v51  }
0x515: {  	v18 =	vand.u32 $0x7E, v34;
	v52 =	vmul.f32 v50, v44;
	v27 =	vadd.f32 $9.975032300e-06, v27  }
0x516: {  	v35 =	vsub.f32 $0.0e+00, v54;
	v34 =	vadd.s32 v0, v18;
	v31 =	vadd.f32 v31, v46  }
0x517: {  	v59 =	vpop (erf);
	v32 =	vadd.f32 $9.975032300e-06, v52;
	v25 =	vadd.f32 v27, v47  }
0x518: {  	v30 =	vmax.f32 v30, $0.0e+00;
	v61 =	vmul.f32 $3.044900480e-02, v59;
	[tilespmem:v37+s26+$0x0] =	vst.idx.msk $0xffff, v31;
	v55 =	vand.u32 $0x7FFFFFFF, v36  }
0x519: {  	v57 =	vmul.f32 $1.442695020e+00, v35;
	v30 =	vadd.f32 v32, v30;
	v31 =	vld [tilespmem:s10+$0xFFFFFF20];
	[tilespmem:v53+s26+$0x0] =	vst.idx.msk $0xffff, v25;
	v56 =	vsub.f32 $0.0e+00, v55  }
0x51a: {  	v33 =	vadd.f32 $-1.315818280e-01, v61;
	v32 =	vld [tilespmem:s10+$0xFFFFFF60]  }
0x51b: {  	(erf) = vpow2.f32 v57;
	[tilespmem:v34+s26+$0x0] =	vst.idx.msk $0xffff, v30;
	v58 =	vmul.f32 $1.442695020e+00, v56  }
0x51c: {  	v60 =	vpop (erf);
	v33 =	vmul.f32 v33, v59;
	v34 =	vld [tilespmem:s10+$0xFFFFFFA0]  }
0x51d: {  	v62 =	vmul.f32 $3.044900480e-02, v60;
	v63 =	vpop (erf);
	(erf) = vpow2.f32 v58  }
0x51e: {  	v33 =	vadd.f32 $2.852726880e-01, v33;
	v47 =	vmul.f32 $3.044900480e-02, v63  }
0x51f: {  	v25 =	vadd.f32 $-1.315818280e-01, v62;
	v48 =	vand.u32 $0x7FFFFFFF, v31;
	v49 =	vand.u32 $0x7FFFFFFF, v32  }
0x520: {  	v33 =	vmul.f32 v33, v59;
	v38 =	vsub.f32 $0.0e+00, v48;
	v39 =	vsub.f32 $0.0e+00, v49  }
0x521: {  	v37 =	vadd.f32 $-1.315818280e-01, v47;
	v51 =	vmul.f32 v25, v60;
	v50 =	vand.u32 $0x7FFFFFFF, v34  }
0x522: {  	v38 =	vmul.f32 $1.442695020e+00, v38;
	v40 =	vsub.f32 $0.0e+00, v50;
	v39 =	vmul.f32 $1.442695020e+00, v39  }
0x523: {  	v37 =	vmul.f32 v37, v63;
	v52 =	vadd.f32 $2.852726880e-01, v51  }
0x524: {  	v33 =	vadd.f32 $-4.902307090e-01, v33;
	v25 =	vpop (erf);
	v40 =	vmul.f32 $1.442695020e+00, v40;
	(erf) = vpow2.f32 v38  }
0x525: {  	v38 =	vmul.f32 v52, v60;
	(erf) = vpow2.f32 v39  }
0x526: {  	v33 =	vmul.f32 v33, v59;
	v39 =	vpop (erf);
	(erf) = vpow2.f32 v40  }
0x527: {  	v37 =	vadd.f32 $2.852726880e-01, v37;
	v38 =	vadd.f32 $-4.902307090e-01, v38;
	v53 =	vmul.f32 $3.044900480e-02, v39  }
0x528: {  	v33 =	vadd.f32 $9.992355100e-01, v33  }
0x529: {  	v37 =	vmul.f32 v37, v63;
	v38 =	vmul.f32 v38, v60;
	v40 =	vadd.f32 $-1.315818280e-01, v53;
	_ =	sdelay $0x1  }
0x52a: {  	v37 =	vadd.f32 $-4.902307090e-01, v37;
	v38 =	vadd.f32 $9.992355100e-01, v38;
	v40 =	vmul.f32 v40, v39  }
0x52b: {  	v54 =	vmax.f32 v26, $0.0e+00;
	v57 =	vadd.s32 v2, v8;
	v55 =	vmax.f32 v29, $0.0e+00  }
0x52c: {  	v27 =	vmul.f32 v33, v59;
	v37 =	vmul.f32 v37, v63;
	v33 =	vpop (erf);
	v40 =	vadd.f32 $2.852726880e-01, v40  }
0x52d: {  	v56 =	vadd.s32 v2, v7;
	v30 =	vmul.f32 v38, v60;
	v58 =	vmul.f32 $3.044900480e-02, v33;
	v45 =	vpop (erf)  }
0x52e: {  	v37 =	vadd.f32 $9.992355100e-01, v37;
	v59 =	vmul.f32 $3.044900480e-02, v45;
	v40 =	vmul.f32 v40, v39;
	v38 =	vpop (erf)  }
0x52f: {  	v27 =	vadd.f32 $9.975032300e-06, v27;
	v44 =	vadd.f32 $-1.315818280e-01, v58;
	v47 =	vmul.f32 $3.044900480e-02, v38  }
0x530: {  	v35 =	vmul.f32 v37, v63;
	v60 =	vadd.f32 $-1.315818280e-01, v59;
	v40 =	vadd.f32 $-4.902307090e-01, v40  }
0x531: {  	v26 =	vadd.f32 v27, v54;
	v44 =	vmul.f32 v44, v33;
	v61 =	vadd.f32 $-1.315818280e-01, v47  }
0x532: {  	v62 =	vadd.f32 $9.975032300e-06, v35;
	v63 =	vmul.f32 v60, v45;
	v40 =	vmul.f32 v40, v39  }
0x533: {  	v30 =	vadd.f32 $9.975032300e-06, v30;
	v44 =	vadd.f32 $2.852726880e-01, v44;
	v48 =	vmul.f32 v61, v38  }
0x534: {  	v49 =	vmax.f32 v28, $0.0e+00;
	v50 =	vadd.f32 $2.852726880e-01, v63;
	v40 =	vadd.f32 $9.992355100e-01, v40  }
0x535: {  	[tilespmem:v17+s26+$0x0] =	vst.idx.msk $0xffff, v26;
	v29 =	vadd.f32 v30, v55;
	v52 =	vmul.f32 v44, v33;
	v51 =	vadd.f32 $2.852726880e-01, v48  }
0x536: {  	v27 =	vadd.f32 v62, v49;
	v54 =	vmul.f32 v50, v45;
	v53 =	vmul.f32 v40, v39  }
0x537: {  	v26 =	vld [tilespmem:s9+$0xFFFFFF40];
	v55 =	vadd.s32 v1, v20;
	[tilespmem:v56+s26+$0x0] =	vst.idx.msk $0xffff, v29;
	v35 =	vadd.f32 $-4.902307090e-01, v52;
	v17 =	vmul.f32 v51, v38  }
0x538: {  	v41 =	vadd.s32 v1, v15;
	[tilespmem:v57+s26+$0x0] =	vst.idx.msk $0xffff, v27;
	v29 =	vld [tilespmem:s9+$0xFFFFFF80];
	v28 =	vadd.f32 $-4.902307090e-01, v54;
	v37 =	vadd.f32 $9.975032300e-06, v53  }
0x539: {  	v36 =	vmax.f32 v36, $0.0e+00;
	v27 =	vld [tilespmem:s9+$0xFFFFFFC0];
	v35 =	vmul.f32 v35, v33;
	v17 =	vadd.f32 $-4.902307090e-01, v17  }
0x53a: {  	v31 =	vmax.f32 v31, $0.0e+00;
	v28 =	vmul.f32 v28, v45;
	v36 =	vadd.f32 v37, v36  }
0x53b: {  	v32 =	vmax.f32 v32, $0.0e+00;
	v35 =	vadd.f32 $9.992355100e-01, v35;
	v17 =	vmul.f32 v17, v38  }
0x53c: {  	v58 =	vand.u32 $0x7FFFFFFF, v26;
	v56 =	vadd.s32 v1, v19;
	v28 =	vadd.f32 $9.992355100e-01, v28;
	[tilespmem:v55+s26+$0x0] =	vst.idx.msk $0xffff, v36  }
0x53d: {  	v59 =	vand.u32 $0x7FFFFFFF, v29;
	v33 =	vmul.f32 v35, v33;
	v37 =	vld [tilespmem:s10+$0xFFFFFFF0];
	v17 =	vadd.f32 $9.992355100e-01, v17  }
0x53e: {  	v60 =	vand.u32 $0x7FFFFFFF, v27;
	v40 =	vsub.f32 $0.0e+00, v59;
	v28 =	vmul.f32 v28, v45  }
0x53f: {  	v35 =	vsub.f32 $0.0e+00, v60;
	v33 =	vadd.f32 $9.975032300e-06, v33;
	v17 =	vmul.f32 v17, v38  }
0x540: {  	v57 =	vadd.s32 v1, v18;
	v36 =	vsub.f32 $0.0e+00, v58;
	v28 =	vadd.f32 $9.975032300e-06, v28  }
0x541: {  	v34 =	vmax.f32 v34, $0.0e+00;
	v31 =	vadd.f32 v33, v31;
	v17 =	vadd.f32 $9.975032300e-06, v17  }
0x542: {  	v36 =	vmul.f32 $1.442695020e+00, v36;
	v28 =	vadd.f32 v28, v32;
	v61 =	vand.u32 $0x7FFFFFFF, v37  }
0x543: {  	v62 =	vmul.f32 $1.442695020e+00, v40;
	[tilespmem:v41+s26+$0x0] =	vst.idx.msk $0xffff, v31;
	v63 =	vsub.f32 $0.0e+00, v61;
	v17 =	vadd.f32 v17, v34  }
0x544: {  	v40 =	vmul.f32 $1.442695020e+00, v35;
	(erf) = vpow2.f32 v36;
	v31 =	vld [tilespmem:s10+$0xFFFFFF30];
	[tilespmem:v56+s26+$0x0] =	vst.idx.msk $0xffff, v28  }
0x545: {  	(erf) = vpow2.f32 v62;
	v32 =	vld [tilespmem:s10+$0xFFFFFF70];
	v42 =	vmul.f32 $1.442695020e+00, v63;
	[tilespmem:v57+s26+$0x0] =	vst.idx.msk $0xffff, v17  }
0x546: {  	(erf) = vpow2.f32 v40;
	v33 =	vld [tilespmem:s10+$0xFFFFFFB0]  }
0x547: {  	(erf) = vpow2.f32 v42;
	_ =	sdelay $0x1  }
0x548: {  	v43 =	vand.u32 $0x7FFFFFFF, v31  }
0x549: {  	v17 =	vsub.f32 $0.0e+00, v43;
	v44 =	vand.u32 $0x7FFFFFFF, v32  }
0x54a: {  	v45 =	vsub.f32 $0.0e+00, v44;
	v46 =	vand.u32 $0x7FFFFFFF, v33  }
0x54b: {  	v47 =	vmul.f32 $1.442695020e+00, v17;
	v48 =	vsub.f32 $0.0e+00, v46  }
0x54c: {  	v30 =	vpop (erf);
	v34 =	vmul.f32 $1.442695020e+00, v45  }
0x54d: {  	v28 =	vpop (erf);
	(erf) = vpow2.f32 v47;
	v36 =	vmul.f32 $1.442695020e+00, v48  }
0x54e: {  	v17 =	vpop (erf);
	(erf) = vpow2.f32 v34  }
0x54f: {  	v49 =	vpop (erf);
	(erf) = vpow2.f32 v36  }
0x550: {  	v50 =	vmul.f32 $3.044900480e-02, v49;
	_ =	sdelay $0x1  }
0x551: {  	v53 =	vmul.f32 $3.044900480e-02, v21;
	v34 =	vadd.f32 $-1.315818280e-01, v50;
	_ =	sdelay $0x1  }
0x552: {  	v5 =	vadd.s32 v3, v5;
	v39 =	vadd.f32 $-1.315818280e-01, v53;
	v34 =	vmul.f32 v34, v49  }
0x553: {  	v4 =	vadd.s32 v3, v4;
	v10 =	vadd.s32 v3, v10;
	v52 =	vmul.f32 $3.044900480e-02, v23  }
0x554: {  	v59 =	vmul.f32 $3.044900480e-02, v25;
	v39 =	vmul.f32 v39, v21;
	v54 =	vpop (erf);
	v34 =	vadd.f32 $2.852726880e-01, v34  }
0x555: {  	v6 =	vadd.s32 v3, v6;
	v51 =	vmul.f32 $3.044900480e-02, v22;
	v41 =	vpop (erf);
	v55 =	vmul.f32 $3.044900480e-02, v54  }
0x556: {  	v39 =	vadd.f32 $2.852726880e-01, v39;
	v57 =	vmul.f32 $3.044900480e-02, v41;
	v34 =	vmul.f32 v34, v49;
	v56 =	vpop (erf)  }
0x557: {  	v38 =	vadd.f32 $-1.315818280e-01, v52;
	v42 =	vadd.f32 $-1.315818280e-01, v55;
	v58 =	vmul.f32 $3.044900480e-02, v56  }
0x558: {  	v39 =	vmul.f32 v39, v21;
	v44 =	vadd.f32 $-1.315818280e-01, v57;
	v34 =	vadd.f32 $-4.902307090e-01, v34  }
0x559: {  	v38 =	vmul.f32 v38, v23;
	v42 =	vmul.f32 v42, v54;
	v45 =	vadd.f32 $-1.315818280e-01, v58  }
0x55a: {  	v24 =	vmax.f32 v24, $0.0e+00;
	v44 =	vmul.f32 v44, v41;
	v34 =	vmul.f32 v34, v49  }
0x55b: {  	v53 =	vadd.f32 $-4.902307090e-01, v39;
	v42 =	vadd.f32 $2.852726880e-01, v42;
	v45 =	vmul.f32 v45, v56  }
0x55c: {  	v37 =	vmax.f32 v37, $0.0e+00;
	v44 =	vadd.f32 $2.852726880e-01, v44;
	v34 =	vadd.f32 $9.992355100e-01, v34  }
0x55d: {  	v38 =	vadd.f32 $2.852726880e-01, v38;
	v60 =	vmul.f32 v42, v54;
	v61 =	vadd.f32 $2.852726880e-01, v45  }
0x55e: {  	v63 =	vadd.s32 v2, v20;
	v44 =	vmul.f32 v44, v41;
	v34 =	vmul.f32 v34, v49  }
0x55f: {  	v46 =	vadd.f32 $-1.315818280e-01, v59;
	v35 =	vadd.f32 $-4.902307090e-01, v60;
	v42 =	vmul.f32 v61, v56  }
0x560: {  	v31 =	vmax.f32 v31, $0.0e+00;
	v44 =	vadd.f32 $-4.902307090e-01, v44;
	v34 =	vadd.f32 $9.975032300e-06, v34  }
0x561: {  	v36 =	vadd.f32 $-1.315818280e-01, v51;
	v35 =	vmul.f32 v35, v54;
	v48 =	vadd.f32 $-4.902307090e-01, v42  }
0x562: {  	v46 =	vmul.f32 v46, v25;
	v49 =	vmul.f32 v44, v41;
	v34 =	vadd.f32 v34, v37  }
0x563: {  	v36 =	vmul.f32 v36, v22;
	v51 =	vadd.f32 $9.992355100e-01, v35;
	v52 =	vmul.f32 v48, v56  }
0x564: {  	v32 =	vmax.f32 v32, $0.0e+00;
	v62 =	vadd.f32 $2.852726880e-01, v46;
	v42 =	vadd.f32 $9.992355100e-01, v49;
	[tilespmem:v63+s26+$0x0] =	vst.idx.msk $0xffff, v34  }
0x565: {  	v36 =	vadd.f32 $2.852726880e-01, v36;
	v34 =	vmul.f32 v51, v54;
	v39 =	vld [tilespmem:s10+$0x0];
	v35 =	vadd.f32 $9.992355100e-01, v52  }
0x566: {  	v45 =	vmul.f32 v62, v25;
	v41 =	vmul.f32 v42, v41;
	v54 =	vadd.s32 v2, v15  }
0x567: {  	v55 =	vadd.s32 v2, v19;
	v34 =	vadd.f32 $9.975032300e-06, v34;
	v35 =	vmul.f32 v35, v56  }
0x568: {  	v50 =	vadd.f32 $-4.902307090e-01, v45;
	v41 =	vadd.f32 $9.975032300e-06, v41;
	v56 =	vadd.s32 v2, v18  }
0x569: {  	v33 =	vmax.f32 v33, $0.0e+00;
	v31 =	vadd.f32 v34, v31;
	v58 =	vadd.f32 $9.975032300e-06, v35  }
0x56a: {  	v44 =	vmul.f32 v50, v25;
	v32 =	vadd.f32 v41, v32;
	v57 =	vand.u32 $0x7FFFFFFF, v39  }
0x56b: {  	v40 =	vmul.f32 v53, v21;
	[tilespmem:v54+s26+$0x0] =	vst.idx.msk $0xffff, v31;
	v59 =	vsub.f32 $0.0e+00, v57;
	v61 =	vadd.f32 v58, v33  }
0x56c: {  	v38 =	vmul.f32 v38, v23;
	v36 =	vmul.f32 v36, v22;
	v60 =	vadd.f32 $9.992355100e-01, v44;
	[tilespmem:v55+s26+$0x0] =	vst.idx.msk $0xffff, v32;
	v35 =	vld [tilespmem:s10+$0xFFFFFF40]  }
0x56d: {  	v8 =	vadd.s32 v3, v8;
	v45 =	vmul.f32 $3.044900480e-02, v30;
	v37 =	vld [tilespmem:s10+$0xFFFFFF80];
	v63 =	vmul.f32 $1.442695020e+00, v59;
	[tilespmem:v56+s26+$0x0] =	vst.idx.msk $0xffff, v61  }
0x56e: {  	v38 =	vadd.f32 $-4.902307090e-01, v38;
	v36 =	vadd.f32 $-4.902307090e-01, v36;
	v25 =	vmul.f32 v60, v25;
	v33 =	vld [tilespmem:s10+$0xFFFFFFC0]  }
0x56f: {  	v46 =	vmul.f32 $3.044900480e-02, v28;
	v49 =	vadd.f32 $-1.315818280e-01, v45;
	(erf) = vpow2.f32 v63  }
0x570: {  	v36 =	vmul.f32 v36, v22;
	v62 =	vmul.f32 v38, v23;
	v25 =	vadd.f32 $9.975032300e-06, v25  }
0x571: {  	v52 =	vmul.f32 v49, v30;
	v32 =	vadd.f32 $9.992355100e-01, v40;
	v42 =	vand.u32 $0x7FFFFFFF, v35  }
0x572: {  	v24 =	vadd.f32 v25, v24;
	v43 =	vand.u32 $0x7FFFFFFF, v37;
	v25 =	vsub.f32 $0.0e+00, v42  }
0x573: {  	v41 =	vadd.f32 $9.992355100e-01, v62;
	v31 =	vsub.f32 $0.0e+00, v43;
	v44 =	vand.u32 $0x7FFFFFFF, v33  }
0x574: {  	v21 =	vmul.f32 v32, v21;
	v25 =	vmul.f32 $1.442695020e+00, v25;
	v32 =	vsub.f32 $0.0e+00, v44  }
0x575: {  	v51 =	vadd.f32 $-1.315818280e-01, v46;
	v23 =	vmul.f32 v41, v23;
	v31 =	vmul.f32 $1.442695020e+00, v31  }
0x576: {  	v36 =	vadd.f32 $9.992355100e-01, v36;
	(erf) = vpow2.f32 v25;
	v32 =	vmul.f32 $1.442695020e+00, v32  }
0x577: {  	v54 =	vmul.f32 v51, v28;
	v23 =	vadd.f32 $9.975032300e-06, v23;
	(erf) = vpow2.f32 v31  }
0x578: {  	v55 =	vadd.f32 $2.852726880e-01, v52;
	v21 =	vadd.f32 $9.975032300e-06, v21;
	v48 =	vpop (erf);
	(erf) = vpow2.f32 v32  }
0x579: {  	v7 =	vadd.s32 v3, v7;
	v13 =	vadd.f32 v23, v13;
	v23 =	vadd.f32 $2.852726880e-01, v54  }
0x57a: {  	v22 =	vmul.f32 v36, v22;
	v12 =	vadd.f32 v21, v12;
	v21 =	vmul.f32 v55, v30  }
0x57b: {  	v26 =	vmax.f32 v26, $0.0e+00;
	v27 =	vmax.f32 v27, $0.0e+00;
	v23 =	vmul.f32 v23, v28  }
0x57c: {  	v22 =	vadd.f32 $9.975032300e-06, v22;
	v21 =	vadd.f32 $-4.902307090e-01, v21;
	v50 =	vmul.f32 $3.044900480e-02, v48  }
0x57d: {  	v20 =	vadd.s32 v3, v20;
	v47 =	vmul.f32 $3.044900480e-02, v17;
	v23 =	vadd.f32 $-4.902307090e-01, v23  }
0x57e: {  	v14 =	vadd.f32 v22, v14;
	v21 =	vmul.f32 v21, v30;
	v53 =	vadd.f32 $-1.315818280e-01, v50  }
0x57f: {  	v23 =	vmul.f32 v23, v28;
	v25 =	vmax.f32 v29, $0.0e+00;
	v29 =	vadd.f32 $-1.315818280e-01, v47;
	v57 =	vpop (erf)  }
0x580: {  	v21 =	vadd.f32 $9.992355100e-01, v21;
	v56 =	vmul.f32 v53, v48;
	v58 =	vpop (erf);
	v59 =	vmul.f32 $3.044900480e-02, v57  }
0x581: {  	v23 =	vadd.f32 $9.992355100e-01, v23;
	v29 =	vmul.f32 v29, v17;
	v61 =	vmul.f32 $3.044900480e-02, v58;
	v60 =	vpop (erf)  }
0x582: {  	v22 =	vadd.f32 $2.852726880e-01, v56;
	v34 =	vadd.f32 $-1.315818280e-01, v59;
	v62 =	vmul.f32 $3.044900480e-02, v60  }
0x583: {  	v21 =	vmul.f32 v21, v30;
	v29 =	vadd.f32 $2.852726880e-01, v29;
	v40 =	vadd.f32 $-1.315818280e-01, v61  }
0x584: {  	v22 =	vmul.f32 v22, v48;
	v34 =	vmul.f32 v34, v57;
	v41 =	vadd.f32 $-1.315818280e-01, v62  }
0x585: {  	v49 =	vadd.f32 $9.975032300e-06, v21;
	v29 =	vmul.f32 v29, v17;
	v40 =	vmul.f32 v40, v58  }
0x586: {  	v22 =	vadd.f32 $-4.902307090e-01, v22;
	v34 =	vadd.f32 $2.852726880e-01, v34;
	v41 =	vmul.f32 v41, v60  }
0x587: {  	v23 =	vmul.f32 v23, v28;
	v29 =	vadd.f32 $-4.902307090e-01, v29;
	v63 =	vadd.f32 $2.852726880e-01, v40  }
0x588: {  	v22 =	vmul.f32 v22, v48;
	v34 =	vmul.f32 v34, v57;
	v40 =	vadd.f32 $2.852726880e-01, v41  }
0x589: {  	v51 =	vadd.f32 $9.975032300e-06, v23;
	v29 =	vmul.f32 v29, v17;
	v42 =	vmul.f32 v63, v58  }
0x58a: {  	v22 =	vadd.f32 $9.992355100e-01, v22;
	v34 =	vadd.f32 $-4.902307090e-01, v34;
	v43 =	vmul.f32 v40, v60  }
0x58b: {  	[tilespmem:v11+s26+$0x0] =	vst.idx.msk $0xffff, v14;
	v54 =	vmax.f32 v35, $0.0e+00;
	v41 =	vadd.f32 $9.992355100e-01, v29;
	v29 =	vadd.f32 $-4.902307090e-01, v42  }
0x58c: {  	[tilespmem:v4+s26+$0x0] =	vst.idx.msk $0xffff, v12;
	v4 =	vadd.f32 v49, v26;
	v47 =	vmul.f32 v34, v57;
	v46 =	vadd.f32 $-4.902307090e-01, v43  }
0x58d: {  	v11 =	vadd.f32 v51, v25;
	v22 =	vmul.f32 v22, v48;
	v50 =	vmul.f32 v29, v58  }
0x58e: {  	[tilespmem:v9+s26+$0x0] =	vst.idx.msk $0xffff, v16;
	v48 =	vmul.f32 v41, v17;
	v53 =	vadd.f32 $9.992355100e-01, v47;
	v52 =	vmul.f32 v46, v60  }
0x58f: {  	[tilespmem:v10+s26+$0x0] =	vst.idx.msk $0xffff, v24;
	v44 =	vmax.f32 v39, $0.0e+00;
	v22 =	vadd.f32 $9.975032300e-06, v22;
	v55 =	vadd.f32 $9.992355100e-01, v50  }
0x590: {  	[tilespmem:v5+s26+$0x0] =	vst.idx.msk $0xffff, v13;
	v5 =	vadd.f32 $9.975032300e-06, v48;
	v56 =	vmul.f32 v53, v57;
	v14 =	vadd.f32 $9.992355100e-01, v52  }
0x591: {  	v45 =	vadd.f32 v22, v44;
	v57 =	vadd.s32 v3, v15;
	v13 =	vmul.f32 v55, v58  }
0x592: {  	[tilespmem:v6+s26+$0x0] =	vst.idx.msk $0xffff, v4;
	v58 =	vadd.s32 v3, v19;
	v12 =	vadd.f32 $9.975032300e-06, v56;
	v14 =	vmul.f32 v14, v60  }
0x593: {  	v4 =	vadd.s32 v3, v18;
	[tilespmem:v7+s26+$0x0] =	vst.idx.msk $0xffff, v11;
	v5 =	vadd.f32 v5, v27;
	v59 =	vadd.f32 $9.975032300e-06, v13  }
0x594: {  	[tilespmem:v20+s26+$0x0] =	vst.idx.msk $0xffff, v45;
	v60 =	vmax.f32 v37, $0.0e+00;
	v10 =	vadd.f32 v12, v54;
	v61 =	vadd.f32 $9.975032300e-06, v14  }
0x595: {  	v62 =	vmax.f32 v33, $0.0e+00;
	[tilespmem:v8+s26+$0x0] =	vst.idx.msk $0xffff, v5;
	v5 =	vadd.f32 v59, v60  }
0x596: {  	[tilespmem:v57+s26+$0x0] =	vst.idx.msk $0xffff, v10;
	v63 =	vadd.f32 v61, v62  }
0x597: {  	s0 =	sadd.s32 s30, s0;
	[tilespmem:v58+s26+$0x0] =	vst.idx.msk $0xffff, v5  }
0x598: {  	s11 =	simm.s32 @!p1 $0x8400;
	s9 =	sadd.s32 @!p1 $0x180, s29;
	s10 =	simm.s32 @!p1 $0x80;
	[tilespmem:v4+s26+$0x0] =	vst.idx.msk $0xffff, v63  }
0x599: {  	[tilespmem:s11], [sflag:$0x3] =	stream.indirect.gather @!p1 [hbm4b:s31+s10], $0x40, s9, s10, $0xb8;
	[tilespmem:$0xE800] =	vst v63  }
0x59a: {  	s11 =	sadd.s32 $0x400, s0  }
0x59b: {  	s9 =	sshrl.u32 s11, $0x3  }
0x59c: {  	s9 =	sadd.s32 s2, s9  }
0x59d: {  	[hbm4b:s9+s3] =	stream.linear.scatter [tilespmem:s26], [sflag:$0x5], $0x80, $0x38;
	[tilespmem:$0xE800] =	vst v63  }
0x59e: {  	s13 =	simm.s32 $0xC688;
	s12 =	sadd.s32 $0x10, s9  }
0x59f: {  	[hbm4b:s12+s3] =	stream.linear.scatter [tilespmem:s13], [sflag:$0x5], $0x80, $0x38;
	[tilespmem:$0xE800] =	vst v63  }
0x5a0: {  	s30 =	simm.s32 $0xC710;
	s29 =	sadd.s32 $0x20, s9  }
0x5a1: {  	[hbm4b:s29+s3] =	stream.linear.scatter [tilespmem:s30], [sflag:$0x5], $0x80, $0x38;
	[tilespmem:$0xE800] =	vst v63  }
0x5a2: {  	s12 =	sadd.s32 $0x30, s9;
	s13 =	simm.s32 $0xC798  }
0x5a3: {  	[hbm4b:s12+s3] =	stream.linear.scatter [tilespmem:s13], [sflag:$0x5], $0x80, $0x38;
	[tilespmem:$0xE800] =	vst v63  }
0x5a4: {  	s29 =	sadd.s32 $0x40, s9;
	s30 =	simm.s32 $0xC820  }
0x5a5: {  	[hbm4b:s29+s3] =	stream.linear.scatter [tilespmem:s30], [sflag:$0x5], $0x80, $0x38;
	[tilespmem:$0xE800] =	vst v63  }
0x5a6: {  	s11 =	sadd.s32 $0x50, s9;
	s12 =	simm.s32 $0xC8A8  }
0x5a7: {  	[hbm4b:s11+s3] =	stream.linear.scatter [tilespmem:s12], [sflag:$0x5], $0x80, $0x38;
	[tilespmem:$0xE800] =	vst v63  }
0x5a8: {  	s13 =	sadd.s32 $0x60, s9;
	s29 =	simm.s32 $0xC930  }
0x5a9: {  	[hbm4b:s13+s3] =	stream.linear.scatter [tilespmem:s29], [sflag:$0x5], $0x80, $0x38;
	[tilespmem:$0xE800] =	vst v63  }
0x5aa: {  	s10 =	sadd.s32 $0x20400, s0;
	s9 =	sadd.s32 $0x70, s9;
	s30 =	simm.s32 $0xC9B8  }
0x5ab: {  	[hbm4b:s9+s3] =	stream.linear.scatter [tilespmem:s30], [sflag:$0x5], $0x80, $0x38;
	[tilespmem:$0xE800] =	vst v63  }
0x5ac: {  	s9 =	sshrl.u32 s10, $0x3  }
0x5ad: {  	s11 =	simm.s32 $0xCA40;
	s9 =	sadd.s32 s2, s9  }
0x5ae: {  	[hbm4b:s9+s3] =	stream.linear.scatter [tilespmem:s11], [sflag:$0x5], $0x80, $0x38;
	[tilespmem:$0xE800] =	vst v63  }
0x5af: {  	s13 =	simm.s32 $0xCAC8;
	s12 =	sadd.s32 $0x10, s9  }
0x5b0: {  	[hbm4b:s12+s3] =	stream.linear.scatter [tilespmem:s13], [sflag:$0x5], $0x80, $0x38;
	[tilespmem:$0xE800] =	vst v63  }
0x5b1: {  	s30 =	simm.s32 $0xCB50;
	s29 =	sadd.s32 $0x20, s9  }
0x5b2: {  	[hbm4b:s29+s3] =	stream.linear.scatter [tilespmem:s30], [sflag:$0x5], $0x80, $0x38;
	[tilespmem:$0xE800] =	vst v63  }
0x5b3: {  	s12 =	sadd.s32 $0x30, s9;
	s13 =	simm.s32 $0xCBD8  }
0x5b4: {  	[hbm4b:s12+s3] =	stream.linear.scatter [tilespmem:s13], [sflag:$0x5], $0x80, $0x38;
	[tilespmem:$0xE800] =	vst v63  }
0x5b5: {  	s29 =	sadd.s32 $0x40, s9;
	s30 =	simm.s32 $0xCC60  }
0x5b6: {  	[hbm4b:s29+s3] =	stream.linear.scatter [tilespmem:s30], [sflag:$0x5], $0x80, $0x38;
	[tilespmem:$0xE800] =	vst v63  }
0x5b7: {  	s11 =	sadd.s32 $0x50, s9;
	s12 =	simm.s32 $0xCCE8  }
0x5b8: {  	[hbm4b:s11+s3] =	stream.linear.scatter [tilespmem:s12], [sflag:$0x5], $0x80, $0x38;
	[tilespmem:$0xE800] =	vst v63  }
0x5b9: {  	s13 =	sadd.s32 $0x60, s9;
	s29 =	simm.s32 $0xCD70  }
0x5ba: {  	[hbm4b:s13+s3] =	stream.linear.scatter [tilespmem:s29], [sflag:$0x5], $0x80, $0x38;
	[tilespmem:$0xE800] =	vst v63  }
0x5bb: {  	s10 =	sadd.s32 $0x40400, s0;
	s9 =	sadd.s32 $0x70, s9;
	s30 =	simm.s32 $0xCDF8  }
0x5bc: {  	[hbm4b:s9+s3] =	stream.linear.scatter [tilespmem:s30], [sflag:$0x5], $0x80, $0x38;
	[tilespmem:$0xE800] =	vst v63  }
0x5bd: {  	s9 =	sshrl.u32 s10, $0x3  }
0x5be: {  	s11 =	simm.s32 $0xCE80;
	s9 =	sadd.s32 s2, s9  }
0x5bf: {  	[hbm4b:s9+s3] =	stream.linear.scatter [tilespmem:s11], [sflag:$0x5], $0x80, $0x38;
	[tilespmem:$0xE800] =	vst v63  }
0x5c0: {  	s13 =	simm.s32 $0xCF08;
	s12 =	sadd.s32 $0x10, s9  }
0x5c1: {  	[hbm4b:s12+s3] =	stream.linear.scatter [tilespmem:s13], [sflag:$0x5], $0x80, $0x38;
	[tilespmem:$0xE800] =	vst v63  }
0x5c2: {  	s30 =	simm.s32 $0xCF90;
	s29 =	sadd.s32 $0x20, s9  }
0x5c3: {  	[hbm4b:s29+s3] =	stream.linear.scatter [tilespmem:s30], [sflag:$0x5], $0x80, $0x38;
	[tilespmem:$0xE800] =	vst v63  }
0x5c4: {  	s12 =	sadd.s32 $0x30, s9;
	s13 =	simm.s32 $0xD018  }
0x5c5: {  	[hbm4b:s12+s3] =	stream.linear.scatter [tilespmem:s13], [sflag:$0x5], $0x80, $0x38;
	[tilespmem:$0xE800] =	vst v63  }
0x5c6: {  	s29 =	sadd.s32 $0x40, s9;
	s30 =	simm.s32 $0xD0A0  }
0x5c7: {  	[hbm4b:s29+s3] =	stream.linear.scatter [tilespmem:s30], [sflag:$0x5], $0x80, $0x38;
	[tilespmem:$0xE800] =	vst v63  }
0x5c8: {  	s11 =	sadd.s32 $0x50, s9;
	s12 =	simm.s32 $0xD128  }
0x5c9: {  	[hbm4b:s11+s3] =	stream.linear.scatter [tilespmem:s12], [sflag:$0x5], $0x80, $0x38;
	[tilespmem:$0xE800] =	vst v63  }
0x5ca: {  	s13 =	sadd.s32 $0x60, s9;
	s29 =	simm.s32 $0xD1B0  }
0x5cb: {  	[hbm4b:s13+s3] =	stream.linear.scatter [tilespmem:s29], [sflag:$0x5], $0x80, $0x38;
	[tilespmem:$0xE800] =	vst v63  }
0x5cc: {  	s10 =	sadd.s32 $0x60400, s0;
	s9 =	sadd.s32 $0x70, s9;
	s30 =	simm.s32 $0xD238  }
0x5cd: {  	[hbm4b:s9+s3] =	stream.linear.scatter [tilespmem:s30], [sflag:$0x5], $0x80, $0x38;
	[tilespmem:$0xE800] =	vst v63  }
0x5ce: {  	s9 =	sshrl.u32 s10, $0x3  }
0x5cf: {  	s11 =	simm.s32 $0xD2C0;
	s9 =	sadd.s32 s2, s9  }
0x5d0: {  	[hbm4b:s9+s3] =	stream.linear.scatter [tilespmem:s11], [sflag:$0x5], $0x80, $0x38;
	[tilespmem:$0xE800] =	vst v63  }
0x5d1: {  	s13 =	simm.s32 $0xD348;
	s12 =	sadd.s32 $0x10, s9  }
0x5d2: {  	[hbm4b:s12+s3] =	stream.linear.scatter [tilespmem:s13], [sflag:$0x5], $0x80, $0x38;
	[tilespmem:$0xE800] =	vst v63  }
0x5d3: {  	s30 =	simm.s32 $0xD3D0;
	s29 =	sadd.s32 $0x20, s9  }
0x5d4: {  	[hbm4b:s29+s3] =	stream.linear.scatter [tilespmem:s30], [sflag:$0x5], $0x80, $0x38;
	[tilespmem:$0xE800] =	vst v63  }
0x5d5: {  	s12 =	sadd.s32 $0x30, s9;
	s13 =	simm.s32 $0xD458  }
0x5d6: {  	[hbm4b:s12+s3] =	stream.linear.scatter [tilespmem:s13], [sflag:$0x5], $0x80, $0x38;
	[tilespmem:$0xE800] =	vst v63  }
0x5d7: {  	s29 =	sadd.s32 $0x40, s9;
	s30 =	simm.s32 $0xD4E0  }
0x5d8: {  	[hbm4b:s29+s3] =	stream.linear.scatter [tilespmem:s30], [sflag:$0x5], $0x80, $0x38;
	[tilespmem:$0xE800] =	vst v63  }
0x5d9: {  	s11 =	sadd.s32 $0x50, s9;
	s12 =	simm.s32 $0xD568  }
0x5da: {  	[hbm4b:s11+s3] =	stream.linear.scatter [tilespmem:s12], [sflag:$0x5], $0x80, $0x38;
	[tilespmem:$0xE800] =	vst v63  }
0x5db: {  	s13 =	sadd.s32 $0x60, s9;
	s29 =	simm.s32 $0xD5F0  }
0x5dc: {  	[hbm4b:s13+s3] =	stream.linear.scatter [tilespmem:s29], [sflag:$0x5], $0x80, $0x38;
	[tilespmem:$0xE800] =	vst v63  }
0x5dd: {  	s10 =	sadd.s32 $0x80400, s0;
	s9 =	sadd.s32 $0x70, s9;
	s30 =	simm.s32 $0xD678  }
0x5de: {  	[hbm4b:s9+s3] =	stream.linear.scatter [tilespmem:s30], [sflag:$0x5], $0x80, $0x38;
	[tilespmem:$0xE800] =	vst v63  }
0x5df: {  	s9 =	sshrl.u32 s10, $0x3  }
0x5e0: {  	s11 =	simm.s32 $0xD700;
	s9 =	sadd.s32 s2, s9  }
0x5e1: {  	[hbm4b:s9+s3] =	stream.linear.scatter [tilespmem:s11], [sflag:$0x5], $0x80, $0x38;
	[tilespmem:$0xE800] =	vst v63  }
0x5e2: {  	s13 =	simm.s32 $0xD788;
	s12 =	sadd.s32 $0x10, s9  }
0x5e3: {  	[hbm4b:s12+s3] =	stream.linear.scatter [tilespmem:s13], [sflag:$0x5], $0x80, $0x38;
	[tilespmem:$0xE800] =	vst v63  }
0x5e4: {  	s30 =	simm.s32 $0xD810;
	s29 =	sadd.s32 $0x20, s9  }
0x5e5: {  	[hbm4b:s29+s3] =	stream.linear.scatter [tilespmem:s30], [sflag:$0x5], $0x80, $0x38;
	[tilespmem:$0xE800] =	vst v63  }
0x5e6: {  	s12 =	sadd.s32 $0x30, s9;
	s13 =	simm.s32 $0xD898  }
0x5e7: {  	[hbm4b:s12+s3] =	stream.linear.scatter [tilespmem:s13], [sflag:$0x5], $0x80, $0x38;
	[tilespmem:$0xE800] =	vst v63  }
0x5e8: {  	s29 =	sadd.s32 $0x40, s9;
	s30 =	simm.s32 $0xD920  }
0x5e9: {  	[hbm4b:s29+s3] =	stream.linear.scatter [tilespmem:s30], [sflag:$0x5], $0x80, $0x38;
	[tilespmem:$0xE800] =	vst v63  }
0x5ea: {  	s11 =	sadd.s32 $0x50, s9;
	s12 =	simm.s32 $0xD9A8  }
0x5eb: {  	[hbm4b:s11+s3] =	stream.linear.scatter [tilespmem:s12], [sflag:$0x5], $0x80, $0x38;
	[tilespmem:$0xE800] =	vst v63  }
0x5ec: {  	s13 =	sadd.s32 $0x60, s9;
	s29 =	simm.s32 $0xDA30  }
0x5ed: {  	[hbm4b:s13+s3] =	stream.linear.scatter [tilespmem:s29], [sflag:$0x5], $0x80, $0x38;
	[tilespmem:$0xE800] =	vst v63  }
0x5ee: {  	s10 =	sadd.s32 $0xA0400, s0;
	s9 =	sadd.s32 $0x70, s9;
	s30 =	simm.s32 $0xDAB8  }
0x5ef: {  	[hbm4b:s9+s3] =	stream.linear.scatter [tilespmem:s30], [sflag:$0x5], $0x80, $0x38;
	[tilespmem:$0xE800] =	vst v63  }
0x5f0: {  	s9 =	sshrl.u32 s10, $0x3  }
0x5f1: {  	s11 =	simm.s32 $0xDB40;
	s9 =	sadd.s32 s2, s9  }
0x5f2: {  	[hbm4b:s9+s3] =	stream.linear.scatter [tilespmem:s11], [sflag:$0x5], $0x80, $0x38;
	[tilespmem:$0xE800] =	vst v63  }
0x5f3: {  	s13 =	simm.s32 $0xDBC8;
	s12 =	sadd.s32 $0x10, s9  }
0x5f4: {  	[hbm4b:s12+s3] =	stream.linear.scatter [tilespmem:s13], [sflag:$0x5], $0x80, $0x38;
	[tilespmem:$0xE800] =	vst v63  }
0x5f5: {  	s30 =	simm.s32 $0xDC50;
	s29 =	sadd.s32 $0x20, s9  }
0x5f6: {  	[hbm4b:s29+s3] =	stream.linear.scatter [tilespmem:s30], [sflag:$0x5], $0x80, $0x38;
	[tilespmem:$0xE800] =	vst v63  }
0x5f7: {  	s12 =	sadd.s32 $0x30, s9;
	s13 =	simm.s32 $0xDCD8  }
0x5f8: {  	[hbm4b:s12+s3] =	stream.linear.scatter [tilespmem:s13], [sflag:$0x5], $0x80, $0x38;
	[tilespmem:$0xE800] =	vst v63  }
0x5f9: {  	s29 =	sadd.s32 $0x40, s9;
	s30 =	simm.s32 $0xDD60  }
0x5fa: {  	[hbm4b:s29+s3] =	stream.linear.scatter [tilespmem:s30], [sflag:$0x5], $0x80, $0x38;
	[tilespmem:$0xE800] =	vst v63  }
0x5fb: {  	s11 =	sadd.s32 $0x50, s9;
	s12 =	simm.s32 $0xDDE8  }
0x5fc: {  	[hbm4b:s11+s3] =	stream.linear.scatter [tilespmem:s12], [sflag:$0x5], $0x80, $0x38;
	[tilespmem:$0xE800] =	vst v63  }
0x5fd: {  	s13 =	sadd.s32 $0x60, s9;
	s29 =	simm.s32 $0xDE70  }
0x5fe: {  	[hbm4b:s13+s3] =	stream.linear.scatter [tilespmem:s29], [sflag:$0x5], $0x80, $0x38;
	[tilespmem:$0xE800] =	vst v63  }
0x5ff: {  	s10 =	sadd.s32 $0xC0400, s0;
	s9 =	sadd.s32 $0x70, s9;
	s30 =	simm.s32 $0xDEF8  }
0x600: {  	[hbm4b:s9+s3] =	stream.linear.scatter [tilespmem:s30], [sflag:$0x5], $0x80, $0x38;
	[tilespmem:$0xE800] =	vst v63  }
0x601: {  	s9 =	sshrl.u32 s10, $0x3  }
0x602: {  	s11 =	simm.s32 $0xDF80;
	s9 =	sadd.s32 s2, s9  }
0x603: {  	[hbm4b:s9+s3] =	stream.linear.scatter [tilespmem:s11], [sflag:$0x5], $0x80, $0x38;
	[tilespmem:$0xE800] =	vst v63  }
0x604: {  	s13 =	simm.s32 $0xE008;
	s12 =	sadd.s32 $0x10, s9  }
0x605: {  	[hbm4b:s12+s3] =	stream.linear.scatter [tilespmem:s13], [sflag:$0x5], $0x80, $0x38;
	[tilespmem:$0xE800] =	vst v63  }
0x606: {  	s30 =	simm.s32 $0xE090;
	s29 =	sadd.s32 $0x20, s9  }
0x607: {  	[hbm4b:s29+s3] =	stream.linear.scatter [tilespmem:s30], [sflag:$0x5], $0x80, $0x38;
	[tilespmem:$0xE800] =	vst v63  }
0x608: {  	s11 =	sadd.s32 $0x30, s9;
	s12 =	simm.s32 $0xE118  }
0x609: {  	[hbm4b:s11+s3] =	stream.linear.scatter [tilespmem:s12], [sflag:$0x5], $0x80, $0x38;
	[tilespmem:$0xE800] =	vst v63  }
0x60a: {  	s13 =	sadd.s32 $0x40, s9  }
0x60b: {  	[hbm4b:s13+s3] =	stream.linear.scatter [tilespmem:s14], [sflag:$0x5], $0x80, $0x38;
	[tilespmem:$0xE800] =	vst v63  }
0x60c: {  	s29 =	sadd.s32 $0x50, s9  }
0x60d: {  	[hbm4b:s29+s3] =	stream.linear.scatter [tilespmem:s15], [sflag:$0x5], $0x80, $0x38;
	[tilespmem:$0xE800] =	vst v63  }
0x60e: {  	s0 =	sadd.s32 $0xE0400, s0;
	s30 =	sadd.s32 $0x60, s9  }
0x60f: {  	[hbm4b:s30+s3] =	stream.linear.scatter [tilespmem:s16], [sflag:$0x5], $0x80, $0x38;
	[tilespmem:$0xE800] =	vst v63  }
0x610: {  	s0 =	sshrl.u32 s0, $0x3;
	s9 =	sadd.s32 $0x70, s9  }
0x611: {  	[hbm4b:s9+s3] =	stream.linear.scatter [tilespmem:s6], [sflag:$0x5], $0x80, $0x38;
	[tilespmem:$0xE800] =	vst v63  }
0x612: {  	s0 =	sadd.s32 s2, s0  }
0x613: {  	[hbm4b:s0+s3] =	stream.linear.scatter [tilespmem:s17], [sflag:$0x5], $0x80, $0x38;
	[tilespmem:$0xE800] =	vst v63  }
0x614: {  	s10 =	sadd.s32 $0x10, s0  }
0x615: {  	[hbm4b:s10+s3] =	stream.linear.scatter [tilespmem:s18], [sflag:$0x5], $0x80, $0x38;
	[tilespmem:$0xE800] =	vst v63  }
0x616: {  	s11 =	sadd.s32 $0x20, s0  }
0x617: {  	[hbm4b:s11+s3] =	stream.linear.scatter [tilespmem:s19], [sflag:$0x5], $0x80, $0x38;
	[tilespmem:$0xE800] =	vst v63  }
0x618: {  	s12 =	sadd.s32 $0x30, s0  }
0x619: {  	[hbm4b:s12+s3] =	stream.linear.scatter [tilespmem:s20], [sflag:$0x5], $0x80, $0x38;
	[tilespmem:$0xE800] =	vst v63  }
0x61a: {  	s28 =	sadd.s32 $0x1, s28;
	s13 =	sadd.s32 $0x40, s0  }
0x61b: {  	[hbm4b:s13+s3] =	stream.linear.scatter [tilespmem:s21], [sflag:$0x5], $0x80, $0x38;
	[tilespmem:$0xE800] =	vst v63  }
0x61c: {  	p0 =	sne.s32 s28, $0x64;
	s29 =	sadd.s32 $0x50, s0  }
0x61d: {  	[hbm4b:s29+s3] =	stream.linear.scatter [tilespmem:s22], [sflag:$0x5], $0x80, $0x38;
	[tilespmem:$0xE800] =	vst v63  }
.Ltmp2:
0x61e: {  	_ = 	snop;
	(pc) =	sbr.rel @p0 .LBB2_2-.Ltmp2, $4  }
0x61f: {  	s30 =	sadd.s32 $0x60, s0  }
0x620: {  	[hbm4b:s30+s3] =	stream.linear.scatter [tilespmem:s23], [sflag:$0x5], $0x80, $0x38;
	[tilespmem:$0xE800] =	vst v63  }
0x621: {  	s0 =	sadd.s32 $0x70, s0  }
0x622: {  	[hbm4b:s0+s3] =	stream.linear.scatter [tilespmem:s24], [sflag:$0x5], $0x80, $0x38;
	[tilespmem:$0xE800] =	vst v63  }
0x623: {  	s0 =	simm.s32 $0x4  }
0x624: {  	_ =	swait.ge [sflag:s0], $0x400  }
0x625: {  	[sflag:s0] =	ssyncset.done $0x0  }
0x626: {  	[sflag:s0] =	ssyncadd.s32 $0xFFFFFC00  }
0x627: {  	_ =	swait.ge [sflag:s0], $0x400  }
0x628: {  	[sflag:s0] =	ssyncset.done $0x0  }
0x629: {  	[sflag:s0] =	ssyncadd.s32 $0xFFFFFC00  }
0x62a: {  	_ =	swait.ge [sflag:s0], $0x400  }
0x62b: {  	[sflag:s0] =	ssyncset.done $0x0  }
0x62c: {  	[sflag:s0] =	ssyncadd.s32 $0xFFFFFC00  }
0x62d: {  	_ =	swait.ge [sflag:s0], $0x400  }
0x62e: {  	[sflag:s0] =	ssyncset.done $0x0  }
0x62f: {  	[sflag:s0] =	ssyncadd.s32 $0xFFFFFC00  }
0x630: {  	_ =	swait.ge [sflag:s0], $0x400  }
0x631: {  	[sflag:s0] =	ssyncset.done $0x0  }
0x632: {  	[sflag:s0] =	ssyncadd.s32 $0xFFFFFC00  }
0x633: {  	_ =	swait.ge [sflag:s0], $0x400  }
0x634: {  	[sflag:s0] =	ssyncset.done $0x0  }
0x635: {  	[sflag:s0] =	ssyncadd.s32 $0xFFFFFC00  }
0x636: {  	_ =	swait.ge [sflag:s0], $0x400  }
0x637: {  	[sflag:s0] =	ssyncset.done $0x0  }
0x638: {  	[sflag:s0] =	ssyncadd.s32 $0xFFFFFC00  }
0x639: {  	_ =	swait.ge [sflag:s0], $0x400  }
0x63a: {  	[sflag:s0] =	ssyncset.done $0x0  }
0x63b: {  	s9 =	simm.s32 $0x5;
	[sflag:s0] =	ssyncadd.s32 $0xFFFFFC00  }
0x63c: {  	_ =	swait.ge [sflag:s9], $0x400  }
0x63d: {  	[sflag:s9] =	ssyncset.done $0x0  }
0x63e: {  	[sflag:s9] =	ssyncadd.s32 $0xFFFFFC00  }
0x63f: {  	_ =	swait.ge [sflag:s9], $0x400  }
0x640: {  	[sflag:s9] =	ssyncset.done $0x0  }
0x641: {  	[sflag:s9] =	ssyncadd.s32 $0xFFFFFC00  }
0x642: {  	_ =	swait.ge [sflag:s9], $0x400  }
0x643: {  	[sflag:s9] =	ssyncset.done $0x0  }
0x644: {  	[sflag:s9] =	ssyncadd.s32 $0xFFFFFC00  }
0x645: {  	_ =	swait.ge [sflag:s9], $0x400  }
0x646: {  	[sflag:s9] =	ssyncset.done $0x0  }
0x647: {  	[sflag:s9] =	ssyncadd.s32 $0xFFFFFC00  }
0x648: {  	_ =	swait.ge [sflag:s9], $0x400  }
0x649: {  	[sflag:s9] =	ssyncset.done $0x0  }
0x64a: {  	[sflag:s9] =	ssyncadd.s32 $0xFFFFFC00  }
0x64b: {  	_ =	swait.ge [sflag:s9], $0x400  }
0x64c: {  	[sflag:s9] =	ssyncset.done $0x0  }
0x64d: {  	[sflag:s9] =	ssyncadd.s32 $0xFFFFFC00  }
0x64e: {  	_ =	swait.ge [sflag:s9], $0x400  }
0x64f: {  	[sflag:s9] =	ssyncset.done $0x0  }
0x650: {  	[sflag:s9] =	ssyncadd.s32 $0xFFFFFC00  }
0x651: {  	_ =	swait.ge [sflag:s9], $0x400  }
0x652: {  	s10 =	rddreg [dreg:$0x1d]  }
0x653: {  	s30 =	rddreg [dreg:$0x1c];
	s10 =	sadd.s32 $0x1, s10  }
0x654: {  	p0 =	sne.s32 s10, s30  }
.Ltmp3:
0x655: {  	_ = 	snop;
	(pc) =	sbr.rel @p0 .LBB2_1-.Ltmp3, $3  }
0x656: {  	_ =	sdelay $0x1  }
0x657: {  	[sflag:s9] =	ssyncset.done $0x0  }
0x658: {  	[sflag:s9] =	ssyncadd.s32 $0xFFFFFC00  }
0x659: {  	_ =	sfence.sel $0x180000  }
0x65a: {  	[bflag:$0x0] =	sbarrier.arrive $0xFFFF  }
0x65b: {  	_ =	strace $0x90000047  }
0x65c: {  	s0 =	stileid.u32;
	[bflag:$0x2] =	sbarrier.arrive $0xFFFF  }
0x65d: {  	p0 =	sne.s32 s0, $0x0;
	s0 =	rddreg [dreg:$0x2]  }
0x65e: {  	s0 =	sadd.s32 @!p0 $0x100000, s0  }
0x65f: {  	[sflag:s0] =	ssyncadd.tile.s32 @!p0 $0x1;
	_ =	shalt  }
.Lfunc_end2:
_tile_overlayer_lowered:
.L_overlay_start_2:
0x660: {  	(tag) =	ssettag $0x2  }
0x661: {  	s0 =	rddreg [dreg:$0x0];
	s2 =	stileid.u32  }
0x662: {  	s1 =	rddreg [dreg:$0x1];
	p0 =	sne.s32 s2, $0x0  }
0x663: {  	s3 =	rddreg [dreg:$0x2];
	[bflag:$0x3] =	sbarrier.arrive $0xFFFF;
	s2 =	simm.s32 @!p0 $0x1C06  }
0x664: {  	[timem:s3], [sflag:s2] =	dma.local @!p0 [hbm:s0], s1  }
0x665: {  	s0 =	simm.s32 @!p0 $0x6  }
0x666: {  	_ =	swait.ge @!p0 [sflag:s0], s1  }
0x667: {  	s1 =	ssub.s32 @!p0 $0x0, s1;
	[sflag:s0] =	ssyncset.done @!p0 $0x0  }
0x668: {  	[sflag:s0] =	ssyncadd.s32 @!p0 s1  }
0x669: {  	[bflag:$0x3] =	sbarrier.arrive $0xFFFF  }
0x66a: {  	_ =	shalt  }

</sc_bundles>
